<compile_context>
chip_gen: v7x
topology: tpu7x:2x2x1
jax: 0.10.2.dev20260603
libtpu: 0.0.44.dev20260713+nightly
codegen_flags: <defaults>
</compile_context>

<pallas_src>
import functools
import math

import jax
import jax.numpy as jnp
import numpy as np
from jax import lax
from jax.experimental import pallas as pl
from jax.experimental.pallas import tpu as pltpu
from jax.experimental.pallas import tpu_sc as plsc

N = 10000
E = 320000
D = 128
ED = 16
H = 4
C = 32
HC = H * C
HW = HC // 2

_B = 64
_NCHUNK = E // _B
_NTILE = 16
_RING = _NCHUNK // _NTILE - _NCHUNK // _NTILE % 2
_NTAIL = _NCHUNK - _RING * _NTILE
_CHW = 128
_ZC = N // _B





def _proj_body(x_ref, wq_ref, bq_ref, wk_ref, bk_ref, wv_ref, bv_ref,
               ea_ref, we_ref, q2_ref, kv2_ref, ee2_ref):
    xb = x_ref[...]
    q = (jnp.dot(xb, wq_ref[...], preferred_element_type=jnp.float32)
         + bq_ref[...]) * (1.0 / math.sqrt(C))
    k = jnp.dot(xb, wk_ref[...], preferred_element_type=jnp.float32) \
        + bk_ref[...]
    v = jnp.dot(xb, wv_ref[...], preferred_element_type=jnp.float32) \
        + bv_ref[...]
    q2_ref[...] = q
    kv2_ref[0] = jnp.concatenate([k[:, :HW], v[:, :HW]], axis=1)
    kv2_ref[1] = jnp.concatenate([k[:, HW:], v[:, HW:]], axis=1)
    ee = jnp.dot(ea_ref[...], we_ref[...],
                 preferred_element_type=jnp.float32)
    ee2_ref[0] = ee[:, :HW]
    ee2_ref[1] = ee[:, HW:]


def _final_body(u_ref, x_ref, ws_ref, bs_ref, o_ref):
    u0 = u_ref[0]
    u1 = u_ref[1]
    msg = jnp.concatenate([u0[:, :HW], u1[:, :HW]], axis=1)
    s = jnp.concatenate([u0[:, HW:HW + 2], u1[:, HW:HW + 2]], axis=1)
    col = lax.broadcasted_iota(jnp.int32, (H, HC), 1) // C
    row = lax.broadcasted_iota(jnp.int32, (H, HC), 0)
    expand = (col == row).astype(jnp.float32)
    sb = jnp.dot(s, expand, preferred_element_type=jnp.float32)
    skip = jnp.dot(x_ref[...], ws_ref[...],
                   preferred_element_type=jnp.float32) + bs_ref[...]
    o_ref[...] = msg / (sb + 1e-16) + skip



def _sc_body(q_hbm, kv2_hbm, ee2_hbm, src_hbm, dst_hbm, u_out,
             acc, dv0, dv1, sv0, sv1, qv0, qv1, kv0, kv1, eev, msgv,
             dsc0, dsc1, si0, si1, sq0, sq1, skv0, skv1, see, ss0, ss1):
    c = lax.axis_index("c")
    s = lax.axis_index("s")
    lane = lax.iota(jnp.int32, 16)
    bufs = ((dv0, sv0, qv0, kv0, si0, sq0, skv0),
            (dv1, sv1, qv1, kv1, si1, sq1, skv1))

    def zero_row(i, carry):
        for j in range(_CHW // 16):
            msgv[i, pl.ds(j * 16, 16)] = jnp.zeros((16,), jnp.float32)
        return carry

    lax.fori_loop(0, _B, zero_row, 0)

    for j in range((_ZC + _NTILE - 1) // _NTILE):
        rc = s + _NTILE * j

        @pl.when(rc < _ZC)
        def _():
            pltpu.sync_copy(msgv, acc.at[pl.ds(rc * _B, _B)])

    @pl.when(s == _ZC % _NTILE)
    def _():
        pltpu.sync_copy(msgv.at[pl.ds(0, N - _ZC * _B)],
                        acc.at[pl.ds(_ZC * _B, N - _ZC * _B)])

    plsc.subcore_barrier()

    perms = [(lane ^ sh)[:, None] for sh in (1, 2, 4, 8)]
    gdn = lax.GatherDimensionNumbers(
        offset_dims=(), collapsed_slice_dims=(0,), start_index_map=(0,))

    def vsum(v):
        for pm in perms:
            v = v + lax.gather(v, pm, gdn, (1,),
                               mode=lax.GatherScatterMode.PROMISE_IN_BOUNDS)
        return v

    qbase = c * HW


    def idx_issue(ci, b):
        dv, sv = bufs[b][0], bufs[b][1]
        si = bufs[b][4]
        base = ci * _B
        pltpu.async_copy(dst_hbm.at[pl.ds(base, _B)], dv, si)
        pltpu.async_copy(src_hbm.at[pl.ds(base, _B)], sv, si)

    def ee_issue(ci):
        pltpu.async_copy(ee2_hbm.at[pl.ds(c * E + ci * _B, _B)], eev, see)

    def gather_issue(ci, b):
        dv, sv, qb, kb, si, sq, skv = bufs[b]
        base = ci * _B
        pltpu.make_async_copy(dst_hbm.at[pl.ds(base, _B)], dv, si).wait()
        pltpu.make_async_copy(src_hbm.at[pl.ds(base, _B)], sv, si).wait()
        for g in range(_B // 16):
            sv[pl.ds(g * 16, 16)] = sv[pl.ds(g * 16, 16)] + c * N
        pltpu.async_copy(q_hbm.at[dv], qb, sq)
        pltpu.async_copy(kv2_hbm.at[sv], kb, skv)

    _HB = _B // 2

    def drain_scatters():
        pltpu.make_async_copy(u_out.at[0, pl.ds(0, _HB)],
                              msgv.at[pl.ds(0, _HB)], ss0).wait()
        pltpu.make_async_copy(u_out.at[0, pl.ds(0, _HB)],
                              msgv.at[pl.ds(_HB, _HB)], ss1).wait()

    def compute_scatter(ci, b, nee, first):
        dv, sv, qb, kb, si, sq, skv = bufs[b]
        base = ci * _B
        pltpu.make_async_copy(q_hbm.at[dv], qb, sq).wait()
        pltpu.make_async_copy(kv2_hbm.at[sv], kb, skv).wait()
        pltpu.make_async_copy(ee2_hbm.at[pl.ds(c * E + base, _B)], eev,
                              see).wait()

        @pl.when(jnp.logical_not(first))
        def _():
            drain_scatters()

        for g in range(_HB // 16):
            dsc0[pl.ds(g * 16, 16)] = dv[pl.ds(g * 16, 16)]
            dsc1[pl.ds(g * 16, 16)] = dv[pl.ds(_HB + g * 16, 16)]

        def edge(e):
            nv = HW // 16
            ees = [eev[e, pl.ds(j * 16, 16)] for j in range(nv)]
            qs = [qb[e, pl.ds(qbase + j * 16, 16)] for j in range(nv)]
            ks = [kb[e, pl.ds(j * 16, 16)] for j in range(nv)]
            vs = [kb[e, pl.ds(HW + j * 16, 16)] for j in range(nv)]
            t = [qs[j] * (ks[j] + ees[j]) for j in range(nv)]
            p0 = jnp.exp(vsum(t[0] + t[1]))
            p1 = jnp.exp(vsum(t[2] + t[3]))
            ps = (p0, p0, p1, p1)
            for j in range(nv):
                msgv[e, pl.ds(j * 16, 16)] = (vs[j] + ees[j]) * ps[j]
            msgv[e, pl.ds(HW, 16)] = jnp.where(
                lane == 0, p0, jnp.where(lane == 1, p1, 0.0))

        plsc.parallel_loop(0, _HB, unroll=4)(edge)
        pltpu.async_copy(msgv.at[pl.ds(0, _HB)], acc.at[dsc0], ss0,
                         add=True)
        plsc.parallel_loop(_HB, _B, unroll=4)(edge)
        pltpu.async_copy(msgv.at[pl.ds(_HB, _HB)], acc.at[dsc1], ss1,
                         add=True)

        @pl.when(nee >= 0)
        def _():
            ee_issue(nee)

    lo = s * _RING
    idx_issue(lo, 0)
    ee_issue(lo)
    gather_issue(lo, 0)
    idx_issue(lo + 1, 1)

    def pair(j, carry):
        for sub in range(2):
            b = sub
            i = lo + 2 * j + sub
            off = 2 * j + sub

            @pl.when(off + 1 < _RING)
            def _():
                gather_issue(i + 1, 1 - b)

            compute_scatter(i, b, jnp.where(off + 1 < _RING, i + 1, -1),
                            off == 0)

            @pl.when(off + 2 < _RING)
            def _():
                idx_issue(i + 2, b)
        return carry

    lax.fori_loop(0, _RING // 2, pair, 0)
    drain_scatters()

    @pl.when(s < _NTAIL)
    def _():
        ct = _NTILE * _RING + s
        idx_issue(ct, 0)
        ee_issue(ct)
        gather_issue(ct, 0)
        compute_scatter(ct, 0, jnp.int32(-1), True)
        drain_scatters()

    plsc.subcore_barrier()
    for j in range((_ZC + _NTILE - 1) // _NTILE):
        rc = s + _NTILE * j

        @pl.when(rc < _ZC)
        def _():
            pltpu.sync_copy(acc.at[pl.ds(rc * _B, _B)],
                            u_out.at[c, pl.ds(rc * _B, _B)])

    @pl.when(s == _ZC % _NTILE)
    def _():
        pltpu.sync_copy(acc.at[pl.ds(_ZC * _B, N - _ZC * _B)],
                        u_out.at[c, pl.ds(_ZC * _B, N - _ZC * _B)])


def _sc_edge_pass(q, kv2, ee2, src, dst):
    mesh = plsc.VectorSubcoreMesh(core_axis_name="c", subcore_axis_name="s")
    kern = pl.kernel(
        _sc_body,
        mesh=mesh,
        out_type=jax.ShapeDtypeStruct((2, N, _CHW), jnp.float32),
        scratch_types=(
            [pltpu.VMEM_SHARED((N, _CHW), jnp.float32)]
            + [pltpu.VMEM((_B,), jnp.int32)] * 4
            + [pltpu.VMEM((_B, HC), jnp.float32)] * 2
            + [pltpu.VMEM((_B, 2 * HW), jnp.float32)] * 2
            + [pltpu.VMEM((_B, HW), jnp.float32)]
            + [pltpu.VMEM((_B, _CHW), jnp.float32)]
            + [pltpu.VMEM((_B // 2,), jnp.int32)] * 2
            + [pltpu.SemaphoreType.DMA] * 9
        ),
    )
    return kern(q, kv2, ee2, src, dst)



def kernel(x, edge_index, edge_attr, Wq, bq, Wk, bk, Wv, bv, We, Ws, bs):
    src = edge_index[0].astype(jnp.int32)
    dst = edge_index[1].astype(jnp.int32)

    BE = 6400
    BX = N // (E // BE)
    q2, kv2, ee2 = pl.pallas_call(
        _proj_body,
        grid=(E // BE,),
        in_specs=[
            pl.BlockSpec((BX, D), lambda i: (i, 0)),
            pl.BlockSpec((D, HC), lambda i: (0, 0)),
            pl.BlockSpec((1, HC), lambda i: (0, 0)),
            pl.BlockSpec((D, HC), lambda i: (0, 0)),
            pl.BlockSpec((1, HC), lambda i: (0, 0)),
            pl.BlockSpec((D, HC), lambda i: (0, 0)),
            pl.BlockSpec((1, HC), lambda i: (0, 0)),
            pl.BlockSpec((BE, ED), lambda i: (i, 0)),
            pl.BlockSpec((ED, HC), lambda i: (0, 0)),
        ],
        out_specs=[
            pl.BlockSpec((BX, HC), lambda i: (i, 0)),
            pl.BlockSpec((2, BX, 2 * HW), lambda i: (0, i, 0)),
            pl.BlockSpec((2, BE, HW), lambda i: (0, i, 0)),
        ],
        out_shape=[
            jax.ShapeDtypeStruct((N, HC), jnp.float32),
            jax.ShapeDtypeStruct((2, N, 2 * HW), jnp.float32),
            jax.ShapeDtypeStruct((2, E, HW), jnp.float32),
        ],
    )(x, Wq.T, bq.reshape(1, HC), Wk.T, bk.reshape(1, HC),
      Wv.T, bv.reshape(1, HC), edge_attr, We.T)

    u = _sc_edge_pass(q2, kv2.reshape(2 * N, 2 * HW),
                      ee2.reshape(2 * E, HW), src, dst)

    BN = 2000
    out = pl.pallas_call(
        _final_body,
        grid=(N // BN,),
        in_specs=[
            pl.BlockSpec((2, BN, _CHW), lambda i: (0, i, 0)),
            pl.BlockSpec((BN, D), lambda i: (i, 0)),
            pl.BlockSpec((D, HC), lambda i: (0, 0)),
            pl.BlockSpec((1, HC), lambda i: (0, 0)),
        ],
        out_specs=pl.BlockSpec((BN, HC), lambda i: (i, 0)),
        out_shape=jax.ShapeDtypeStruct((N, HC), jnp.float32),
    )(u, x, Ws.T, bs.reshape(1, HC))
    return out

# --- scband reference (transcript-rebuilt; emitter-appended) ---
"""Pipeline reference for scband-transformer-conv-6339371729524 (READ-ONLY COPY).

The authoritative reference and input builder live on the scoring server;
editing this copy changes nothing except your own understanding.
"""

import jax, jax.numpy as jnp
import numpy as np
import math

N = 10000
E = 320000
D = 128
ED = 16
H = 4
C = 32

def setup_inputs(seed: int = 0) -> dict:
    key = jax.random.key(seed)
    ks = jax.random.split(key, 12)
    x = jax.random.normal(ks[0], (N, D), dtype=jnp.float32)
    edge_index = jax.random.randint(ks[1], (2, E), 0, N, dtype=jnp.int64)
    edge_attr = jax.random.normal(ks[2], (E, ED), dtype=jnp.float32)
    s_in = 1.0 / math.sqrt(D)
    s_ed = 1.0 / math.sqrt(ED)
    Wq = jax.random.uniform(ks[3], (H * C, D), dtype=jnp.float32, minval=-s_in, maxval=s_in)
    bq = jax.random.uniform(ks[4], (H * C,), dtype=jnp.float32, minval=-s_in, maxval=s_in)
    Wk = jax.random.uniform(ks[5], (H * C, D), dtype=jnp.float32, minval=-s_in, maxval=s_in)
    bk = jax.random.uniform(ks[6], (H * C,), dtype=jnp.float32, minval=-s_in, maxval=s_in)
    Wv = jax.random.uniform(ks[7], (H * C, D), dtype=jnp.float32, minval=-s_in, maxval=s_in)
    bv = jax.random.uniform(ks[8], (H * C,), dtype=jnp.float32, minval=-s_in, maxval=s_in)
    We = jax.random.uniform(ks[9], (H * C, ED), dtype=jnp.float32, minval=-s_ed, maxval=s_ed)
    Ws = jax.random.uniform(ks[10], (H * C, D), dtype=jnp.float32, minval=-s_in, maxval=s_in)
    bs = jax.random.uniform(ks[11], (H * C,), dtype=jnp.float32, minval=-s_in, maxval=s_in)
    return {"x": x, "edge_index": edge_index, "edge_attr": edge_attr,
            "Wq": Wq, "bq": bq, "Wk": Wk, "bk": bk, "Wv": Wv, "bv": bv,
            "We": We, "Ws": Ws, "bs": bs}

def reference(x, edge_index, edge_attr, Wq, bq, Wk, bk, Wv, bv, We, Ws, bs):
    src = edge_index[0]
    dst = edge_index[1]
    x_i = jnp.take(x, dst, axis=0)
    x_j = jnp.take(x, src, axis=0)
    edge_e = (edge_attr @ We.T).reshape(-1, H, C)
    query = (x_i @ Wq.T + bq).reshape(-1, H, C)
    key_ = (x_j @ Wk.T + bk).reshape(-1, H, C) + edge_e
    alpha = (query * key_).sum(axis=-1) / math.sqrt(C)
    # softmax over incoming edges per dst node (global max subtraction, as in reference)
    max_values = jnp.max(alpha, axis=0)
    exp_values = jnp.exp(alpha - max_values)
    sum_exp = jax.ops.segment_sum(exp_values, dst, num_segments=N)
    alpha = exp_values / (jnp.take(sum_exp, dst, axis=0) + 1e-16)
    # dropout p=0.0 -> identity
    out = (x_j @ Wv.T + bv).reshape(-1, H, C) + edge_e
    out = out * alpha[:, :, None]
    agg = jax.ops.segment_sum(out, dst, num_segments=N)
    agg = agg.reshape(-1, H * C)
    return agg + (x @ Ws.T + bs)

if __name__ == "__main__":
    import jax
    _d = setup_inputs()
    print(jax.jit(kernel)(*tuple(_d.values())))

</pallas_src>

<mosaic_0001>
#map = affine_map<(d0, d1) -> (0, 0)>
#map1 = affine_map<(d0, d1) -> (0)>
#map2 = affine_map<(d0, d1) -> (0, 0, 0)>
module attributes {stable_mosaic.version = 14 : i64} {
  func.func @_sc_body(%arg0: i32, %arg1: i32, %arg2: memref<10000x128xf32, #tpu.memory_space<hbm>>, %arg3: memref<20000x128xf32, #tpu.memory_space<hbm>>, %arg4: memref<640000x64xf32, #tpu.memory_space<hbm>>, %arg5: memref<320000xi32, #tpu.memory_space<hbm>>, %arg6: memref<320000xi32, #tpu.memory_space<hbm>>, %arg7: memref<2x10000x128xf32, #tpu.memory_space<hbm>>, %arg8: memref<10000x128xf32, #tpu.memory_space<vmem_shared>>, %arg9: memref<64xi32, #tpu.memory_space<vmem>>, %arg10: memref<64xi32, #tpu.memory_space<vmem>>, %arg11: memref<64xi32, #tpu.memory_space<vmem>>, %arg12: memref<64xi32, #tpu.memory_space<vmem>>, %arg13: memref<64x128xf32, #tpu.memory_space<vmem>>, %arg14: memref<64x128xf32, #tpu.memory_space<vmem>>, %arg15: memref<64x128xf32, #tpu.memory_space<vmem>>, %arg16: memref<64x128xf32, #tpu.memory_space<vmem>>, %arg17: memref<64x64xf32, #tpu.memory_space<vmem>>, %arg18: memref<64x128xf32, #tpu.memory_space<vmem>>, %arg19: memref<32xi32, #tpu.memory_space<vmem>>, %arg20: memref<32xi32, #tpu.memory_space<vmem>>, %arg21: memref<!tpu.dma_semaphore, #tpu.memory_space<semaphore_mem>>, %arg22: memref<!tpu.dma_semaphore, #tpu.memory_space<semaphore_mem>>, %arg23: memref<!tpu.dma_semaphore, #tpu.memory_space<semaphore_mem>>, %arg24: memref<!tpu.dma_semaphore, #tpu.memory_space<semaphore_mem>>, %arg25: memref<!tpu.dma_semaphore, #tpu.memory_space<semaphore_mem>>, %arg26: memref<!tpu.dma_semaphore, #tpu.memory_space<semaphore_mem>>, %arg27: memref<!tpu.dma_semaphore, #tpu.memory_space<semaphore_mem>>, %arg28: memref<!tpu.dma_semaphore, #tpu.memory_space<semaphore_mem>>, %arg29: memref<!tpu.dma_semaphore, #tpu.memory_space<semaphore_mem>>) attributes {dimension_semantics = [#tpu.dimension_semantics<core_parallel>, #tpu.dimension_semantics<subcore_parallel>], iteration_bounds = array<i64: 2, 16>, scalar_prefetch = 0 : i64, scratch_operands = 22 : i64, tpu.core_type = #tpu.core_type<sc_vector_subcore>, window_params = [{transform_indices = #map}, {transform_indices = #map}, {transform_indices = #map}, {transform_indices = #map1}, {transform_indices = #map1}, {transform_indices = #map2}]} {
    %iota3A = tpu.iota {dimensions = array<i32: 0>} : vector<16xi32>
    %scan3A = arith.constant 0 : i32
    %scan3A_0 = arith.constant 0 : i32
    %scan3A_1 = arith.constant 64 : i32
    %scan3A_2 = arith.addi %scan3A_0, %scan3A_1 : i32
    %scan3A_3 = arith.constant 1 : i32
    scf.for %scan3A_284 = %scan3A_0 to %scan3A_2 step %scan3A_3  : i32 {
      %broadcast_in_dim3A_285 = arith.constant 0.000000e+00 : f32
      %broadcast_in_dim3A_286 = vector.broadcast %broadcast_in_dim3A_285 : f32 to vector<16xf32>
      %swap3A_287 = arith.index_cast %scan3A_284 : i32 to index
      %swap3A_288 = arith.constant 0 : index
      %swap3A_289 = tpu.vector_load %arg18[%swap3A_287, %swap3A_288] {strides = array<i32>} : memref<64x128xf32, #tpu.memory_space<vmem>>, vector<1x16xf32>,
      %swap3A_290 = vector.shape_cast %swap3A_289 : vector<1x16xf32> to vector<16xf32>
      %swap3A_291 = vector.shape_cast %broadcast_in_dim3A_286 : vector<16xf32> to vector<1x16xf32>
      tpu.vector_store %arg18[%swap3A_287, %swap3A_288], %swap3A_291 {strides = array<i32>} : memref<64x128xf32, #tpu.memory_space<vmem>>, vector<1x16xf32>,
      %broadcast_in_dim3A_292 = arith.constant 0.000000e+00 : f32
      %broadcast_in_dim3A_293 = vector.broadcast %broadcast_in_dim3A_292 : f32 to vector<16xf32>
      %swap3A_294 = arith.index_cast %scan3A_284 : i32 to index
      %swap3A_295 = arith.constant 16 : index
      %swap3A_296 = tpu.vector_load %arg18[%swap3A_294, %swap3A_295] {strides = array<i32>} : memref<64x128xf32, #tpu.memory_space<vmem>>, vector<1x16xf32>,
      %swap3A_297 = vector.shape_cast %swap3A_296 : vector<1x16xf32> to vector<16xf32>
      %swap3A_298 = vector.shape_cast %broadcast_in_dim3A_293 : vector<16xf32> to vector<1x16xf32>
      tpu.vector_store %arg18[%swap3A_294, %swap3A_295], %swap3A_298 {strides = array<i32>} : memref<64x128xf32, #tpu.memory_space<vmem>>, vector<1x16xf32>,
      %broadcast_in_dim3A_299 = arith.constant 0.000000e+00 : f32
      %broadcast_in_dim3A_300 = vector.broadcast %broadcast_in_dim3A_299 : f32 to vector<16xf32>
      %swap3A_301 = arith.index_cast %scan3A_284 : i32 to index
      %swap3A_302 = arith.constant 32 : index
      %swap3A_303 = tpu.vector_load %arg18[%swap3A_301, %swap3A_302] {strides = array<i32>} : memref<64x128xf32, #tpu.memory_space<vmem>>, vector<1x16xf32>,
      %swap3A_304 = vector.shape_cast %swap3A_303 : vector<1x16xf32> to vector<16xf32>
      %swap3A_305 = vector.shape_cast %broadcast_in_dim3A_300 : vector<16xf32> to vector<1x16xf32>
      tpu.vector_store %arg18[%swap3A_301, %swap3A_302], %swap3A_305 {strides = array<i32>} : memref<64x128xf32, #tpu.memory_space<vmem>>, vector<1x16xf32>,
      %broadcast_in_dim3A_306 = arith.constant 0.000000e+00 : f32
      %broadcast_in_dim3A_307 = vector.broadcast %broadcast_in_dim3A_306 : f32 to vector<16xf32>
      %swap3A_308 = arith.index_cast %scan3A_284 : i32 to index
      %swap3A_309 = arith.constant 48 : index
      %swap3A_310 = tpu.vector_load %arg18[%swap3A_308, %swap3A_309] {strides = array<i32>} : memref<64x128xf32, #tpu.memory_space<vmem>>, vector<1x16xf32>,
      %swap3A_311 = vector.shape_cast %swap3A_310 : vector<1x16xf32> to vector<16xf32>
      %swap3A_312 = vector.shape_cast %broadcast_in_dim3A_307 : vector<16xf32> to vector<1x16xf32>
      tpu.vector_store %arg18[%swap3A_308, %swap3A_309], %swap3A_312 {strides = array<i32>} : memref<64x128xf32, #tpu.memory_space<vmem>>, vector<1x16xf32>,
      %broadcast_in_dim3A_313 = arith.constant 0.000000e+00 : f32
      %broadcast_in_dim3A_314 = vector.broadcast %broadcast_in_dim3A_313 : f32 to vector<16xf32>
      %swap3A_315 = arith.index_cast %scan3A_284 : i32 to index
      %swap3A_316 = arith.constant 64 : index
      %swap3A_317 = tpu.vector_load %arg18[%swap3A_315, %swap3A_316] {strides = array<i32>} : memref<64x128xf32, #tpu.memory_space<vmem>>, vector<1x16xf32>,
      %swap3A_318 = vector.shape_cast %swap3A_317 : vector<1x16xf32> to vector<16xf32>
      %swap3A_319 = vector.shape_cast %broadcast_in_dim3A_314 : vector<16xf32> to vector<1x16xf32>
      tpu.vector_store %arg18[%swap3A_315, %swap3A_316], %swap3A_319 {strides = array<i32>} : memref<64x128xf32, #tpu.memory_space<vmem>>, vector<1x16xf32>,
      %broadcast_in_dim3A_320 = arith.constant 0.000000e+00 : f32
      %broadcast_in_dim3A_321 = vector.broadcast %broadcast_in_dim3A_320 : f32 to vector<16xf32>
      %swap3A_322 = arith.index_cast %scan3A_284 : i32 to index
      %swap3A_323 = arith.constant 80 : index
      %swap3A_324 = tpu.vector_load %arg18[%swap3A_322, %swap3A_323] {strides = array<i32>} : memref<64x128xf32, #tpu.memory_space<vmem>>, vector<1x16xf32>,
      %swap3A_325 = vector.shape_cast %swap3A_324 : vector<1x16xf32> to vector<16xf32>
      %swap3A_326 = vector.shape_cast %broadcast_in_dim3A_321 : vector<16xf32> to vector<1x16xf32>
      tpu.vector_store %arg18[%swap3A_322, %swap3A_323], %swap3A_326 {strides = array<i32>} : memref<64x128xf32, #tpu.memory_space<vmem>>, vector<1x16xf32>,
      %broadcast_in_dim3A_327 = arith.constant 0.000000e+00 : f32
      %broadcast_in_dim3A_328 = vector.broadcast %broadcast_in_dim3A_327 : f32 to vector<16xf32>
      %swap3A_329 = arith.index_cast %scan3A_284 : i32 to index
      %swap3A_330 = arith.constant 96 : index
      %swap3A_331 = tpu.vector_load %arg18[%swap3A_329, %swap3A_330] {strides = array<i32>} : memref<64x128xf32, #tpu.memory_space<vmem>>, vector<1x16xf32>,
      %swap3A_332 = vector.shape_cast %swap3A_331 : vector<1x16xf32> to vector<16xf32>
      %swap3A_333 = vector.shape_cast %broadcast_in_dim3A_328 : vector<16xf32> to vector<1x16xf32>
      tpu.vector_store %arg18[%swap3A_329, %swap3A_330], %swap3A_333 {strides = array<i32>} : memref<64x128xf32, #tpu.memory_space<vmem>>, vector<1x16xf32>,
      %broadcast_in_dim3A_334 = arith.constant 0.000000e+00 : f32
      %broadcast_in_dim3A_335 = vector.broadcast %broadcast_in_dim3A_334 : f32 to vector<16xf32>
      %swap3A_336 = arith.index_cast %scan3A_284 : i32 to index
      %swap3A_337 = arith.constant 112 : index
      %swap3A_338 = tpu.vector_load %arg18[%swap3A_336, %swap3A_337] {strides = array<i32>} : memref<64x128xf32, #tpu.memory_space<vmem>>, vector<1x16xf32>,
      %swap3A_339 = vector.shape_cast %swap3A_338 : vector<1x16xf32> to vector<16xf32>
      %swap3A_340 = vector.shape_cast %broadcast_in_dim3A_335 : vector<16xf32> to vector<1x16xf32>
      tpu.vector_store %arg18[%swap3A_336, %swap3A_337], %swap3A_340 {strides = array<i32>} : memref<64x128xf32, #tpu.memory_space<vmem>>, vector<1x16xf32>,
    }
    %scan3A_4 = arith.constant 64 : i32
    %add3A = arith.constant 0 : i32
    %add3A_5 = arith.addi %arg1, %add3A : i32
    %lt3A = arith.constant 156 : i32
    %lt3A_6 = arith.cmpi slt, %add3A_5, %lt3A : i32
    %convert_element_type3A = arith.extui %lt3A_6 : i1 to i32
    %cond3A = arith.constant 0 : i32
    %cond3A_7 = arith.cmpi ne, %convert_element_type3A, %cond3A : i32
    scf.if %cond3A_7 {
      %mul3A_284 = arith.constant 64 : i32
      %mul3A_285 = arith.muli %add3A_5, %mul3A_284 : i32
      "tpu.region"() ({
        %run_scoped3A = tpu.sem_alloc : memref<!tpu.dma_semaphore, #tpu.memory_space<semaphore_mem>>
        %dma_start3A_286 = arith.constant 0 : i32
        %dma_start3A_287 = tpu.memref_slice %arg8[%mul3A_285, %dma_start3A_286] : memref<10000x128xf32, #tpu.memory_space<vmem_shared>> -> memref<64x128xf32, #tpu.memory_space<vmem_shared>>
        %dma_start3A_288 = arith.constant 0 : i32
        %dma_start3A_289 = tpu.memref_slice %arg8[%mul3A_285, %dma_start3A_288] : memref<10000x128xf32, #tpu.memory_space<vmem_shared>> -> memref<64x128xf32, #tpu.memory_space<vmem_shared>>
        tpu.enqueue_dma source(%arg18 : memref<64x128xf32, #tpu.memory_space<vmem>>) target(%dma_start3A_289 : memref<64x128xf32, #tpu.memory_space<vmem_shared>>) target_semaphore(%run_scoped3A : memref<!tpu.dma_semaphore, #tpu.memory_space<semaphore_mem>>)
        %dma_wait3A_290 = arith.constant 0 : i32
        %dma_wait3A_291 = tpu.memref_slice %arg8[%mul3A_285, %dma_wait3A_290] : memref<10000x128xf32, #tpu.memory_space<vmem_shared>> -> memref<64x128xf32, #tpu.memory_space<vmem_shared>>
        %dma_wait3A_292 = arith.constant 0 : i32
        %dma_wait3A_293 = tpu.memref_slice %arg8[%mul3A_285, %dma_wait3A_292] : memref<10000x128xf32, #tpu.memory_space<vmem_shared>> -> memref<64x128xf32, #tpu.memory_space<vmem_shared>>
        tpu.wait_dma2 semaphore(%run_scoped3A : memref<!tpu.dma_semaphore, #tpu.memory_space<semaphore_mem>>) src(%arg18 : memref<64x128xf32, #tpu.memory_space<vmem>>) dst(%dma_wait3A_293 : memref<64x128xf32, #tpu.memory_space<vmem_shared>>)
        tpu.yield
      }) : () -> ()
    } else {
    }
    %add3A_8 = arith.constant 16 : i32
    %add3A_9 = arith.addi %arg1, %add3A_8 : i32
    %lt3A_10 = arith.constant 156 : i32
    %lt3A_11 = arith.cmpi slt, %add3A_9, %lt3A_10 : i32
    %convert_element_type3A_12 = arith.extui %lt3A_11 : i1 to i32
    %cond3A_13 = arith.constant 0 : i32
    %cond3A_14 = arith.cmpi ne, %convert_element_type3A_12, %cond3A_13 : i32
    scf.if %cond3A_14 {
      %mul3A_284 = arith.constant 64 : i32
      %mul3A_285 = arith.muli %add3A_9, %mul3A_284 : i32
      "tpu.region"() ({
        %run_scoped3A = tpu.sem_alloc : memref<!tpu.dma_semaphore, #tpu.memory_space<semaphore_mem>>
        %dma_start3A_286 = arith.constant 0 : i32
        %dma_start3A_287 = tpu.memref_slice %arg8[%mul3A_285, %dma_start3A_286] : memref<10000x128xf32, #tpu.memory_space<vmem_shared>> -> memref<64x128xf32, #tpu.memory_space<vmem_shared>>
        %dma_start3A_288 = arith.constant 0 : i32
        %dma_start3A_289 = tpu.memref_slice %arg8[%mul3A_285, %dma_start3A_288] : memref<10000x128xf32, #tpu.memory_space<vmem_shared>> -> memref<64x128xf32, #tpu.memory_space<vmem_shared>>
        tpu.enqueue_dma source(%arg18 : memref<64x128xf32, #tpu.memory_space<vmem>>) target(%dma_start3A_289 : memref<64x128xf32, #tpu.memory_space<vmem_shared>>) target_semaphore(%run_scoped3A : memref<!tpu.dma_semaphore, #tpu.memory_space<semaphore_mem>>)
        %dma_wait3A_290 = arith.constant 0 : i32
        %dma_wait3A_291 = tpu.memref_slice %arg8[%mul3A_285, %dma_wait3A_290] : memref<10000x128xf32, #tpu.memory_space<vmem_shared>> -> memref<64x128xf32, #tpu.memory_space<vmem_shared>>
        %dma_wait3A_292 = arith.constant 0 : i32
        %dma_wait3A_293 = tpu.memref_slice %arg8[%mul3A_285, %dma_wait3A_292] : memref<10000x128xf32, #tpu.memory_space<vmem_shared>> -> memref<64x128xf32, #tpu.memory_space<vmem_shared>>
        tpu.wait_dma2 semaphore(%run_scoped3A : memref<!tpu.dma_semaphore, #tpu.memory_space<semaphore_mem>>) src(%arg18 : memref<64x128xf32, #tpu.memory_space<vmem>>) dst(%dma_wait3A_293 : memref<64x128xf32, #tpu.memory_space<vmem_shared>>)
        tpu.yield
      }) : () -> ()
    } else {
    }
    %add3A_15 = arith.constant 32 : i32
    %add3A_16 = arith.addi %arg1, %add3A_15 : i32
    %lt3A_17 = arith.constant 156 : i32
    %lt3A_18 = arith.cmpi slt, %add3A_16, %lt3A_17 : i32
    %convert_element_type3A_19 = arith.extui %lt3A_18 : i1 to i32
    %cond3A_20 = arith.constant 0 : i32
    %cond3A_21 = arith.cmpi ne, %convert_element_type3A_19, %cond3A_20 : i32
    scf.if %cond3A_21 {
      %mul3A_284 = arith.constant 64 : i32
      %mul3A_285 = arith.muli %add3A_16, %mul3A_284 : i32
      "tpu.region"() ({
        %run_scoped3A = tpu.sem_alloc : memref<!tpu.dma_semaphore, #tpu.memory_space<semaphore_mem>>
        %dma_start3A_286 = arith.constant 0 : i32
        %dma_start3A_287 = tpu.memref_slice %arg8[%mul3A_285, %dma_start3A_286] : memref<10000x128xf32, #tpu.memory_space<vmem_shared>> -> memref<64x128xf32, #tpu.memory_space<vmem_shared>>
        %dma_start3A_288 = arith.constant 0 : i32
        %dma_start3A_289 = tpu.memref_slice %arg8[%mul3A_285, %dma_start3A_288] : memref<10000x128xf32, #tpu.memory_space<vmem_shared>> -> memref<64x128xf32, #tpu.memory_space<vmem_shared>>
        tpu.enqueue_dma source(%arg18 : memref<64x128xf32, #tpu.memory_space<vmem>>) target(%dma_start3A_289 : memref<64x128xf32, #tpu.memory_space<vmem_shared>>) target_semaphore(%run_scoped3A : memref<!tpu.dma_semaphore, #tpu.memory_space<semaphore_mem>>)
        %dma_wait3A_290 = arith.constant 0 : i32
        %dma_wait3A_291 = tpu.memref_slice %arg8[%mul3A_285, %dma_wait3A_290] : memref<10000x128xf32, #tpu.memory_space<vmem_shared>> -> memref<64x128xf32, #tpu.memory_space<vmem_shared>>
        %dma_wait3A_292 = arith.constant 0 : i32
        %dma_wait3A_293 = tpu.memref_slice %arg8[%mul3A_285, %dma_wait3A_292] : memref<10000x128xf32, #tpu.memory_space<vmem_shared>> -> memref<64x128xf32, #tpu.memory_space<vmem_shared>>
        tpu.wait_dma2 semaphore(%run_scoped3A : memref<!tpu.dma_semaphore, #tpu.memory_space<semaphore_mem>>) src(%arg18 : memref<64x128xf32, #tpu.memory_space<vmem>>) dst(%dma_wait3A_293 : memref<64x128xf32, #tpu.memory_space<vmem_shared>>)
        tpu.yield
      }) : () -> ()
    } else {
    }
    %add3A_22 = arith.constant 48 : i32
    %add3A_23 = arith.addi %arg1, %add3A_22 : i32
    %lt3A_24 = arith.constant 156 : i32
    %lt3A_25 = arith.cmpi slt, %add3A_23, %lt3A_24 : i32
    %convert_element_type3A_26 = arith.extui %lt3A_25 : i1 to i32
    %cond3A_27 = arith.constant 0 : i32
    %cond3A_28 = arith.cmpi ne, %convert_element_type3A_26, %cond3A_27 : i32
    scf.if %cond3A_28 {
      %mul3A_284 = arith.constant 64 : i32
      %mul3A_285 = arith.muli %add3A_23, %mul3A_284 : i32
      "tpu.region"() ({
        %run_scoped3A = tpu.sem_alloc : memref<!tpu.dma_semaphore, #tpu.memory_space<semaphore_mem>>
        %dma_start3A_286 = arith.constant 0 : i32
        %dma_start3A_287 = tpu.memref_slice %arg8[%mul3A_285, %dma_start3A_286] : memref<10000x128xf32, #tpu.memory_space<vmem_shared>> -> memref<64x128xf32, #tpu.memory_space<vmem_shared>>
        %dma_start3A_288 = arith.constant 0 : i32
        %dma_start3A_289 = tpu.memref_slice %arg8[%mul3A_285, %dma_start3A_288] : memref<10000x128xf32, #tpu.memory_space<vmem_shared>> -> memref<64x128xf32, #tpu.memory_space<vmem_shared>>
        tpu.enqueue_dma source(%arg18 : memref<64x128xf32, #tpu.memory_space<vmem>>) target(%dma_start3A_289 : memref<64x128xf32, #tpu.memory_space<vmem_shared>>) target_semaphore(%run_scoped3A : memref<!tpu.dma_semaphore, #tpu.memory_space<semaphore_mem>>)
        %dma_wait3A_290 = arith.constant 0 : i32
        %dma_wait3A_291 = tpu.memref_slice %arg8[%mul3A_285, %dma_wait3A_290] : memref<10000x128xf32, #tpu.memory_space<vmem_shared>> -> memref<64x128xf32, #tpu.memory_space<vmem_shared>>
        %dma_wait3A_292 = arith.constant 0 : i32
        %dma_wait3A_293 = tpu.memref_slice %arg8[%mul3A_285, %dma_wait3A_292] : memref<10000x128xf32, #tpu.memory_space<vmem_shared>> -> memref<64x128xf32, #tpu.memory_space<vmem_shared>>
        tpu.wait_dma2 semaphore(%run_scoped3A : memref<!tpu.dma_semaphore, #tpu.memory_space<semaphore_mem>>) src(%arg18 : memref<64x128xf32, #tpu.memory_space<vmem>>) dst(%dma_wait3A_293 : memref<64x128xf32, #tpu.memory_space<vmem_shared>>)
        tpu.yield
      }) : () -> ()
    } else {
    }
    %add3A_29 = arith.constant 64 : i32
    %add3A_30 = arith.addi %arg1, %add3A_29 : i32
    %lt3A_31 = arith.constant 156 : i32
    %lt3A_32 = arith.cmpi slt, %add3A_30, %lt3A_31 : i32
    %convert_element_type3A_33 = arith.extui %lt3A_32 : i1 to i32
    %cond3A_34 = arith.constant 0 : i32
    %cond3A_35 = arith.cmpi ne, %convert_element_type3A_33, %cond3A_34 : i32
    scf.if %cond3A_35 {
      %mul3A_284 = arith.constant 64 : i32
      %mul3A_285 = arith.muli %add3A_30, %mul3A_284 : i32
      "tpu.region"() ({
        %run_scoped3A = tpu.sem_alloc : memref<!tpu.dma_semaphore, #tpu.memory_space<semaphore_mem>>
        %dma_start3A_286 = arith.constant 0 : i32
        %dma_start3A_287 = tpu.memref_slice %arg8[%mul3A_285, %dma_start3A_286] : memref<10000x128xf32, #tpu.memory_space<vmem_shared>> -> memref<64x128xf32, #tpu.memory_space<vmem_shared>>
        %dma_start3A_288 = arith.constant 0 : i32
        %dma_start3A_289 = tpu.memref_slice %arg8[%mul3A_285, %dma_start3A_288] : memref<10000x128xf32, #tpu.memory_space<vmem_shared>> -> memref<64x128xf32, #tpu.memory_space<vmem_shared>>
        tpu.enqueue_dma source(%arg18 : memref<64x128xf32, #tpu.memory_space<vmem>>) target(%dma_start3A_289 : memref<64x128xf32, #tpu.memory_space<vmem_shared>>) target_semaphore(%run_scoped3A : memref<!tpu.dma_semaphore, #tpu.memory_space<semaphore_mem>>)
        %dma_wait3A_290 = arith.constant 0 : i32
        %dma_wait3A_291 = tpu.memref_slice %arg8[%mul3A_285, %dma_wait3A_290] : memref<10000x128xf32, #tpu.memory_space<vmem_shared>> -> memref<64x128xf32, #tpu.memory_space<vmem_shared>>
        %dma_wait3A_292 = arith.constant 0 : i32
        %dma_wait3A_293 = tpu.memref_slice %arg8[%mul3A_285, %dma_wait3A_292] : memref<10000x128xf32, #tpu.memory_space<vmem_shared>> -> memref<64x128xf32, #tpu.memory_space<vmem_shared>>
        tpu.wait_dma2 semaphore(%run_scoped3A : memref<!tpu.dma_semaphore, #tpu.memory_space<semaphore_mem>>) src(%arg18 : memref<64x128xf32, #tpu.memory_space<vmem>>) dst(%dma_wait3A_293 : memref<64x128xf32, #tpu.memory_space<vmem_shared>>)
        tpu.yield
      }) : () -> ()
    } else {
    }
    %add3A_36 = arith.constant 80 : i32
    %add3A_37 = arith.addi %arg1, %add3A_36 : i32
    %lt3A_38 = arith.constant 156 : i32
    %lt3A_39 = arith.cmpi slt, %add3A_37, %lt3A_38 : i32
    %convert_element_type3A_40 = arith.extui %lt3A_39 : i1 to i32
    %cond3A_41 = arith.constant 0 : i32
    %cond3A_42 = arith.cmpi ne, %convert_element_type3A_40, %cond3A_41 : i32
    scf.if %cond3A_42 {
      %mul3A_284 = arith.constant 64 : i32
      %mul3A_285 = arith.muli %add3A_37, %mul3A_284 : i32
      "tpu.region"() ({
        %run_scoped3A = tpu.sem_alloc : memref<!tpu.dma_semaphore, #tpu.memory_space<semaphore_mem>>
        %dma_start3A_286 = arith.constant 0 : i32
        %dma_start3A_287 = tpu.memref_slice %arg8[%mul3A_285, %dma_start3A_286] : memref<10000x128xf32, #tpu.memory_space<vmem_shared>> -> memref<64x128xf32, #tpu.memory_space<vmem_shared>>
        %dma_start3A_288 = arith.constant 0 : i32
        %dma_start3A_289 = tpu.memref_slice %arg8[%mul3A_285, %dma_start3A_288] : memref<10000x128xf32, #tpu.memory_space<vmem_shared>> -> memref<64x128xf32, #tpu.memory_space<vmem_shared>>
        tpu.enqueue_dma source(%arg18 : memref<64x128xf32, #tpu.memory_space<vmem>>) target(%dma_start3A_289 : memref<64x128xf32, #tpu.memory_space<vmem_shared>>) target_semaphore(%run_scoped3A : memref<!tpu.dma_semaphore, #tpu.memory_space<semaphore_mem>>)
        %dma_wait3A_290 = arith.constant 0 : i32
        %dma_wait3A_291 = tpu.memref_slice %arg8[%mul3A_285, %dma_wait3A_290] : memref<10000x128xf32, #tpu.memory_space<vmem_shared>> -> memref<64x128xf32, #tpu.memory_space<vmem_shared>>
        %dma_wait3A_292 = arith.constant 0 : i32
        %dma_wait3A_293 = tpu.memref_slice %arg8[%mul3A_285, %dma_wait3A_292] : memref<10000x128xf32, #tpu.memory_space<vmem_shared>> -> memref<64x128xf32, #tpu.memory_space<vmem_shared>>
        tpu.wait_dma2 semaphore(%run_scoped3A : memref<!tpu.dma_semaphore, #tpu.memory_space<semaphore_mem>>) src(%arg18 : memref<64x128xf32, #tpu.memory_space<vmem>>) dst(%dma_wait3A_293 : memref<64x128xf32, #tpu.memory_space<vmem_shared>>)
        tpu.yield
      }) : () -> ()
    } else {
    }
    %add3A_43 = arith.constant 96 : i32
    %add3A_44 = arith.addi %arg1, %add3A_43 : i32
    %lt3A_45 = arith.constant 156 : i32
    %lt3A_46 = arith.cmpi slt, %add3A_44, %lt3A_45 : i32
    %convert_element_type3A_47 = arith.extui %lt3A_46 : i1 to i32
    %cond3A_48 = arith.constant 0 : i32
    %cond3A_49 = arith.cmpi ne, %convert_element_type3A_47, %cond3A_48 : i32
    scf.if %cond3A_49 {
      %mul3A_284 = arith.constant 64 : i32
      %mul3A_285 = arith.muli %add3A_44, %mul3A_284 : i32
      "tpu.region"() ({
        %run_scoped3A = tpu.sem_alloc : memref<!tpu.dma_semaphore, #tpu.memory_space<semaphore_mem>>
        %dma_start3A_286 = arith.constant 0 : i32
        %dma_start3A_287 = tpu.memref_slice %arg8[%mul3A_285, %dma_start3A_286] : memref<10000x128xf32, #tpu.memory_space<vmem_shared>> -> memref<64x128xf32, #tpu.memory_space<vmem_shared>>
        %dma_start3A_288 = arith.constant 0 : i32
        %dma_start3A_289 = tpu.memref_slice %arg8[%mul3A_285, %dma_start3A_288] : memref<10000x128xf32, #tpu.memory_space<vmem_shared>> -> memref<64x128xf32, #tpu.memory_space<vmem_shared>>
        tpu.enqueue_dma source(%arg18 : memref<64x128xf32, #tpu.memory_space<vmem>>) target(%dma_start3A_289 : memref<64x128xf32, #tpu.memory_space<vmem_shared>>) target_semaphore(%run_scoped3A : memref<!tpu.dma_semaphore, #tpu.memory_space<semaphore_mem>>)
        %dma_wait3A_290 = arith.constant 0 : i32
        %dma_wait3A_291 = tpu.memref_slice %arg8[%mul3A_285, %dma_wait3A_290] : memref<10000x128xf32, #tpu.memory_space<vmem_shared>> -> memref<64x128xf32, #tpu.memory_space<vmem_shared>>
        %dma_wait3A_292 = arith.constant 0 : i32
        %dma_wait3A_293 = tpu.memref_slice %arg8[%mul3A_285, %dma_wait3A_292] : memref<10000x128xf32, #tpu.memory_space<vmem_shared>> -> memref<64x128xf32, #tpu.memory_space<vmem_shared>>
        tpu.wait_dma2 semaphore(%run_scoped3A : memref<!tpu.dma_semaphore, #tpu.memory_space<semaphore_mem>>) src(%arg18 : memref<64x128xf32, #tpu.memory_space<vmem>>) dst(%dma_wait3A_293 : memref<64x128xf32, #tpu.memory_space<vmem_shared>>)
        tpu.yield
      }) : () -> ()
    } else {
    }
    %add3A_50 = arith.constant 112 : i32
    %add3A_51 = arith.addi %arg1, %add3A_50 : i32
    %lt3A_52 = arith.constant 156 : i32
    %lt3A_53 = arith.cmpi slt, %add3A_51, %lt3A_52 : i32
    %convert_element_type3A_54 = arith.extui %lt3A_53 : i1 to i32
    %cond3A_55 = arith.constant 0 : i32
    %cond3A_56 = arith.cmpi ne, %convert_element_type3A_54, %cond3A_55 : i32
    scf.if %cond3A_56 {
      %mul3A_284 = arith.constant 64 : i32
      %mul3A_285 = arith.muli %add3A_51, %mul3A_284 : i32
      "tpu.region"() ({
        %run_scoped3A = tpu.sem_alloc : memref<!tpu.dma_semaphore, #tpu.memory_space<semaphore_mem>>
        %dma_start3A_286 = arith.constant 0 : i32
        %dma_start3A_287 = tpu.memref_slice %arg8[%mul3A_285, %dma_start3A_286] : memref<10000x128xf32, #tpu.memory_space<vmem_shared>> -> memref<64x128xf32, #tpu.memory_space<vmem_shared>>
        %dma_start3A_288 = arith.constant 0 : i32
        %dma_start3A_289 = tpu.memref_slice %arg8[%mul3A_285, %dma_start3A_288] : memref<10000x128xf32, #tpu.memory_space<vmem_shared>> -> memref<64x128xf32, #tpu.memory_space<vmem_shared>>
        tpu.enqueue_dma source(%arg18 : memref<64x128xf32, #tpu.memory_space<vmem>>) target(%dma_start3A_289 : memref<64x128xf32, #tpu.memory_space<vmem_shared>>) target_semaphore(%run_scoped3A : memref<!tpu.dma_semaphore, #tpu.memory_space<semaphore_mem>>)
        %dma_wait3A_290 = arith.constant 0 : i32
        %dma_wait3A_291 = tpu.memref_slice %arg8[%mul3A_285, %dma_wait3A_290] : memref<10000x128xf32, #tpu.memory_space<vmem_shared>> -> memref<64x128xf32, #tpu.memory_space<vmem_shared>>
        %dma_wait3A_292 = arith.constant 0 : i32
        %dma_wait3A_293 = tpu.memref_slice %arg8[%mul3A_285, %dma_wait3A_292] : memref<10000x128xf32, #tpu.memory_space<vmem_shared>> -> memref<64x128xf32, #tpu.memory_space<vmem_shared>>
        tpu.wait_dma2 semaphore(%run_scoped3A : memref<!tpu.dma_semaphore, #tpu.memory_space<semaphore_mem>>) src(%arg18 : memref<64x128xf32, #tpu.memory_space<vmem>>) dst(%dma_wait3A_293 : memref<64x128xf32, #tpu.memory_space<vmem_shared>>)
        tpu.yield
      }) : () -> ()
    } else {
    }
    %add3A_57 = arith.constant 128 : i32
    %add3A_58 = arith.addi %arg1, %add3A_57 : i32
    %lt3A_59 = arith.constant 156 : i32
    %lt3A_60 = arith.cmpi slt, %add3A_58, %lt3A_59 : i32
    %convert_element_type3A_61 = arith.extui %lt3A_60 : i1 to i32
    %cond3A_62 = arith.constant 0 : i32
    %cond3A_63 = arith.cmpi ne, %convert_element_type3A_61, %cond3A_62 : i32
    scf.if %cond3A_63 {
      %mul3A_284 = arith.constant 64 : i32
      %mul3A_285 = arith.muli %add3A_58, %mul3A_284 : i32
      "tpu.region"() ({
        %run_scoped3A = tpu.sem_alloc : memref<!tpu.dma_semaphore, #tpu.memory_space<semaphore_mem>>
        %dma_start3A_286 = arith.constant 0 : i32
        %dma_start3A_287 = tpu.memref_slice %arg8[%mul3A_285, %dma_start3A_286] : memref<10000x128xf32, #tpu.memory_space<vmem_shared>> -> memref<64x128xf32, #tpu.memory_space<vmem_shared>>
        %dma_start3A_288 = arith.constant 0 : i32
        %dma_start3A_289 = tpu.memref_slice %arg8[%mul3A_285, %dma_start3A_288] : memref<10000x128xf32, #tpu.memory_space<vmem_shared>> -> memref<64x128xf32, #tpu.memory_space<vmem_shared>>
        tpu.enqueue_dma source(%arg18 : memref<64x128xf32, #tpu.memory_space<vmem>>) target(%dma_start3A_289 : memref<64x128xf32, #tpu.memory_space<vmem_shared>>) target_semaphore(%run_scoped3A : memref<!tpu.dma_semaphore, #tpu.memory_space<semaphore_mem>>)
        %dma_wait3A_290 = arith.constant 0 : i32
        %dma_wait3A_291 = tpu.memref_slice %arg8[%mul3A_285, %dma_wait3A_290] : memref<10000x128xf32, #tpu.memory_space<vmem_shared>> -> memref<64x128xf32, #tpu.memory_space<vmem_shared>>
        %dma_wait3A_292 = arith.constant 0 : i32
        %dma_wait3A_293 = tpu.memref_slice %arg8[%mul3A_285, %dma_wait3A_292] : memref<10000x128xf32, #tpu.memory_space<vmem_shared>> -> memref<64x128xf32, #tpu.memory_space<vmem_shared>>
        tpu.wait_dma2 semaphore(%run_scoped3A : memref<!tpu.dma_semaphore, #tpu.memory_space<semaphore_mem>>) src(%arg18 : memref<64x128xf32, #tpu.memory_space<vmem>>) dst(%dma_wait3A_293 : memref<64x128xf32, #tpu.memory_space<vmem_shared>>)
        tpu.yield
      }) : () -> ()
    } else {
    }
    %add3A_64 = arith.constant 144 : i32
    %add3A_65 = arith.addi %arg1, %add3A_64 : i32
    %lt3A_66 = arith.constant 156 : i32
    %lt3A_67 = arith.cmpi slt, %add3A_65, %lt3A_66 : i32
    %convert_element_type3A_68 = arith.extui %lt3A_67 : i1 to i32
    %cond3A_69 = arith.constant 0 : i32
    %cond3A_70 = arith.cmpi ne, %convert_element_type3A_68, %cond3A_69 : i32
    scf.if %cond3A_70 {
      %mul3A_284 = arith.constant 64 : i32
      %mul3A_285 = arith.muli %add3A_65, %mul3A_284 : i32
      "tpu.region"() ({
        %run_scoped3A = tpu.sem_alloc : memref<!tpu.dma_semaphore, #tpu.memory_space<semaphore_mem>>
        %dma_start3A_286 = arith.constant 0 : i32
        %dma_start3A_287 = tpu.memref_slice %arg8[%mul3A_285, %dma_start3A_286] : memref<10000x128xf32, #tpu.memory_space<vmem_shared>> -> memref<64x128xf32, #tpu.memory_space<vmem_shared>>
        %dma_start3A_288 = arith.constant 0 : i32
        %dma_start3A_289 = tpu.memref_slice %arg8[%mul3A_285, %dma_start3A_288] : memref<10000x128xf32, #tpu.memory_space<vmem_shared>> -> memref<64x128xf32, #tpu.memory_space<vmem_shared>>
        tpu.enqueue_dma source(%arg18 : memref<64x128xf32, #tpu.memory_space<vmem>>) target(%dma_start3A_289 : memref<64x128xf32, #tpu.memory_space<vmem_shared>>) target_semaphore(%run_scoped3A : memref<!tpu.dma_semaphore, #tpu.memory_space<semaphore_mem>>)
        %dma_wait3A_290 = arith.constant 0 : i32
        %dma_wait3A_291 = tpu.memref_slice %arg8[%mul3A_285, %dma_wait3A_290] : memref<10000x128xf32, #tpu.memory_space<vmem_shared>> -> memref<64x128xf32, #tpu.memory_space<vmem_shared>>
        %dma_wait3A_292 = arith.constant 0 : i32
        %dma_wait3A_293 = tpu.memref_slice %arg8[%mul3A_285, %dma_wait3A_292] : memref<10000x128xf32, #tpu.memory_space<vmem_shared>> -> memref<64x128xf32, #tpu.memory_space<vmem_shared>>
        tpu.wait_dma2 semaphore(%run_scoped3A : memref<!tpu.dma_semaphore, #tpu.memory_space<semaphore_mem>>) src(%arg18 : memref<64x128xf32, #tpu.memory_space<vmem>>) dst(%dma_wait3A_293 : memref<64x128xf32, #tpu.memory_space<vmem_shared>>)
        tpu.yield
      }) : () -> ()
    } else {
    }
    %eq3A = arith.constant 12 : i32
    %eq3A_71 = arith.cmpi eq, %arg1, %eq3A : i32
    %convert_element_type3A_72 = arith.extui %eq3A_71 : i1 to i32
    %cond3A_73 = arith.constant 0 : i32
    %cond3A_74 = arith.cmpi ne, %convert_element_type3A_72, %cond3A_73 : i32
    scf.if %cond3A_74 {
      "tpu.region"() ({
        %run_scoped3A = tpu.sem_alloc : memref<!tpu.dma_semaphore, #tpu.memory_space<semaphore_mem>>
        %dma_start3A_284 = arith.constant 0 : i32
        %dma_start3A_285 = arith.constant 0 : i32
        %dma_start3A_286 = tpu.memref_slice %arg18[%dma_start3A_284, %dma_start3A_285] : memref<64x128xf32, #tpu.memory_space<vmem>> -> memref<16x128xf32, #tpu.memory_space<vmem>>
        %dma_start3A_287 = arith.constant 9984 : i32
        %dma_start3A_288 = arith.constant 0 : i32
        %dma_start3A_289 = tpu.memref_slice %arg8[%dma_start3A_287, %dma_start3A_288] : memref<10000x128xf32, #tpu.memory_space<vmem_shared>> -> memref<16x128xf32, #tpu.memory_space<vmem_shared>>
        %dma_start3A_290 = arith.constant 9984 : i32
        %dma_start3A_291 = arith.constant 0 : i32
        %dma_start3A_292 = tpu.memref_slice %arg8[%dma_start3A_290, %dma_start3A_291] : memref<10000x128xf32, #tpu.memory_space<vmem_shared>> -> memref<16x128xf32, #tpu.memory_space<vmem_shared>>
        %dma_start3A_293 = arith.constant 0 : i32
        %dma_start3A_294 = arith.constant 0 : i32
        %dma_start3A_295 = tpu.memref_slice %arg18[%dma_start3A_293, %dma_start3A_294] : memref<64x128xf32, #tpu.memory_space<vmem>> -> memref<16x128xf32, #tpu.memory_space<vmem>>
        tpu.enqueue_dma source(%dma_start3A_295 : memref<16x128xf32, #tpu.memory_space<vmem>>) target(%dma_start3A_292 : memref<16x128xf32, #tpu.memory_space<vmem_shared>>) target_semaphore(%run_scoped3A : memref<!tpu.dma_semaphore, #tpu.memory_space<semaphore_mem>>)
        %dma_wait3A_296 = arith.constant 0 : i32
        %dma_wait3A_297 = arith.constant 0 : i32
        %dma_wait3A_298 = tpu.memref_slice %arg18[%dma_wait3A_296, %dma_wait3A_297] : memref<64x128xf32, #tpu.memory_space<vmem>> -> memref<16x128xf32, #tpu.memory_space<vmem>>
        %dma_wait3A_299 = arith.constant 9984 : i32
        %dma_wait3A_300 = arith.constant 0 : i32
        %dma_wait3A_301 = tpu.memref_slice %arg8[%dma_wait3A_299, %dma_wait3A_300] : memref<10000x128xf32, #tpu.memory_space<vmem_shared>> -> memref<16x128xf32, #tpu.memory_space<vmem_shared>>
        %dma_wait3A_302 = arith.constant 9984 : i32
        %dma_wait3A_303 = arith.constant 0 : i32
        %dma_wait3A_304 = tpu.memref_slice %arg8[%dma_wait3A_302, %dma_wait3A_303] : memref<10000x128xf32, #tpu.memory_space<vmem_shared>> -> memref<16x128xf32, #tpu.memory_space<vmem_shared>>
        %dma_wait3A_305 = arith.constant 0 : i32
        %dma_wait3A_306 = arith.constant 0 : i32
        %dma_wait3A_307 = tpu.memref_slice %arg18[%dma_wait3A_305, %dma_wait3A_306] : memref<64x128xf32, #tpu.memory_space<vmem>> -> memref<16x128xf32, #tpu.memory_space<vmem>>
        tpu.wait_dma2 semaphore(%run_scoped3A : memref<!tpu.dma_semaphore, #tpu.memory_space<semaphore_mem>>) src(%dma_wait3A_307 : memref<16x128xf32, #tpu.memory_space<vmem>>) dst(%dma_wait3A_304 : memref<16x128xf32, #tpu.memory_space<vmem_shared>>)
        tpu.yield
      }) : () -> ()
    } else {
    }
    %barrier3A = arith.constant 0 : index
    tpu.barrier barrier_id(%barrier3A)
    %xor3A = arith.constant 1 : i32
    %xor3A_75 = vector.broadcast %xor3A : i32 to vector<16xi32>
    %xor3A_76 = arith.xori %iota3A, %xor3A_75 : vector<16xi32>
    %broadcast_in_dim3A = vector.shape_cast %xor3A_76 : vector<16xi32> to vector<16x1xi32>
    %xor3A_77 = arith.constant 2 : i32
    %xor3A_78 = vector.broadcast %xor3A_77 : i32 to vector<16xi32>
    %xor3A_79 = arith.xori %iota3A, %xor3A_78 : vector<16xi32>
    %broadcast_in_dim3A_80 = vector.shape_cast %xor3A_79 : vector<16xi32> to vector<16x1xi32>
    %xor3A_81 = arith.constant 4 : i32
    %xor3A_82 = vector.broadcast %xor3A_81 : i32 to vector<16xi32>
    %xor3A_83 = arith.xori %iota3A, %xor3A_82 : vector<16xi32>
    %broadcast_in_dim3A_84 = vector.shape_cast %xor3A_83 : vector<16xi32> to vector<16x1xi32>
    %xor3A_85 = arith.constant 8 : i32
    %xor3A_86 = vector.broadcast %xor3A_85 : i32 to vector<16xi32>
    %xor3A_87 = arith.xori %iota3A, %xor3A_86 : vector<16xi32>
    %broadcast_in_dim3A_88 = vector.shape_cast %xor3A_87 : vector<16xi32> to vector<16x1xi32>
    %mul3A = arith.constant 64 : i32
    %mul3A_89 = arith.muli %arg0, %mul3A : i32
    %mul3A_90 = arith.constant 312 : i32
    %mul3A_91 = arith.muli %arg1, %mul3A_90 : i32
    %mul3A_92 = arith.constant 64 : i32
    %mul3A_93 = arith.muli %mul3A_91, %mul3A_92 : i32
    %dma_start3A = tpu.memref_slice %arg6[%mul3A_93] : memref<320000xi32, #tpu.memory_space<hbm>> -> memref<64xi32, #tpu.memory_space<hbm>>
    %dma_start3A_94 = tpu.memref_slice %arg6[%mul3A_93] : memref<320000xi32, #tpu.memory_space<hbm>> -> memref<64xi32, #tpu.memory_space<hbm>>
    tpu.enqueue_dma source(%dma_start3A_94 : memref<64xi32, #tpu.memory_space<hbm>>) target(%arg9 : memref<64xi32, #tpu.memory_space<vmem>>) target_semaphore(%arg21 : memref<!tpu.dma_semaphore, #tpu.memory_space<semaphore_mem>>)
    %dma_start3A_95 = tpu.memref_slice %arg5[%mul3A_93] : memref<320000xi32, #tpu.memory_space<hbm>> -> memref<64xi32, #tpu.memory_space<hbm>>
    %dma_start3A_96 = tpu.memref_slice %arg5[%mul3A_93] : memref<320000xi32, #tpu.memory_space<hbm>> -> memref<64xi32, #tpu.memory_space<hbm>>
    tpu.enqueue_dma source(%dma_start3A_96 : memref<64xi32, #tpu.memory_space<hbm>>) target(%arg11 : memref<64xi32, #tpu.memory_space<vmem>>) target_semaphore(%arg21 : memref<!tpu.dma_semaphore, #tpu.memory_space<semaphore_mem>>)
    %mul3A_97 = arith.constant 320000 : i32
    %mul3A_98 = arith.muli %arg0, %mul3A_97 : i32
    %mul3A_99 = arith.constant 64 : i32
    %mul3A_100 = arith.muli %mul3A_91, %mul3A_99 : i32
    %add3A_101 = arith.addi %mul3A_98, %mul3A_100 : i32
    %dma_start3A_102 = arith.constant 0 : i32
    %dma_start3A_103 = tpu.memref_slice %arg4[%add3A_101, %dma_start3A_102] : memref<640000x64xf32, #tpu.memory_space<hbm>> -> memref<64x64xf32, #tpu.memory_space<hbm>>
    %dma_start3A_104 = arith.constant 0 : i32
    %dma_start3A_105 = tpu.memref_slice %arg4[%add3A_101, %dma_start3A_104] : memref<640000x64xf32, #tpu.memory_space<hbm>> -> memref<64x64xf32, #tpu.memory_space<hbm>>
    tpu.enqueue_dma source(%dma_start3A_105 : memref<64x64xf32, #tpu.memory_space<hbm>>) target(%arg17 : memref<64x64xf32, #tpu.memory_space<vmem>>) target_semaphore(%arg27 : memref<!tpu.dma_semaphore, #tpu.memory_space<semaphore_mem>>)
    %mul3A_106 = arith.constant 64 : i32
    %mul3A_107 = arith.muli %mul3A_91, %mul3A_106 : i32
    %dma_wait3A = tpu.memref_slice %arg6[%mul3A_107] : memref<320000xi32, #tpu.memory_space<hbm>> -> memref<64xi32, #tpu.memory_space<hbm>>
    %dma_wait3A_108 = tpu.memref_slice %arg6[%mul3A_107] : memref<320000xi32, #tpu.memory_space<hbm>> -> memref<64xi32, #tpu.memory_space<hbm>>
    tpu.wait_dma2 semaphore(%arg21 : memref<!tpu.dma_semaphore, #tpu.memory_space<semaphore_mem>>) src(%dma_wait3A_108 : memref<64xi32, #tpu.memory_space<hbm>>) dst(%arg9 : memref<64xi32, #tpu.memory_space<vmem>>)
    %dma_wait3A_109 = tpu.memref_slice %arg5[%mul3A_107] : memref<320000xi32, #tpu.memory_space<hbm>> -> memref<64xi32, #tpu.memory_space<hbm>>
    %dma_wait3A_110 = tpu.memref_slice %arg5[%mul3A_107] : memref<320000xi32, #tpu.memory_space<hbm>> -> memref<64xi32, #tpu.memory_space<hbm>>
    tpu.wait_dma2 semaphore(%arg21 : memref<!tpu.dma_semaphore, #tpu.memory_space<semaphore_mem>>) src(%dma_wait3A_110 : memref<64xi32, #tpu.memory_space<hbm>>) dst(%arg11 : memref<64xi32, #tpu.memory_space<vmem>>)
    %get3A = arith.constant 0 : index
    %get3A_111 = tpu.vector_load %arg11[%get3A] {strides = array<i32>} : memref<64xi32, #tpu.memory_space<vmem>>, vector<16xi32>,
    %get3A_112 = vector.shape_cast %get3A_111 : vector<16xi32> to vector<16xi32>
    %mul3A_113 = arith.constant 10000 : i32
    %mul3A_114 = arith.muli %arg0, %mul3A_113 : i32
    %add3A_115 = vector.broadcast %mul3A_114 : i32 to vector<16xi32>
    %add3A_116 = arith.addi %get3A_112, %add3A_115 : vector<16xi32>
    %swap3A = arith.constant 0 : index
    %swap3A_117 = tpu.vector_load %arg11[%swap3A] {strides = array<i32>} : memref<64xi32, #tpu.memory_space<vmem>>, vector<16xi32>,
    %swap3A_118 = vector.shape_cast %swap3A_117 : vector<16xi32> to vector<16xi32>
    %swap3A_119 = vector.shape_cast %add3A_116 : vector<16xi32> to vector<16xi32>
    tpu.vector_store %arg11[%swap3A], %swap3A_119 {strides = array<i32>} : memref<64xi32, #tpu.memory_space<vmem>>, vector<16xi32>,
    %get3A_120 = arith.constant 16 : index
    %get3A_121 = tpu.vector_load %arg11[%get3A_120] {strides = array<i32>} : memref<64xi32, #tpu.memory_space<vmem>>, vector<16xi32>,
    %get3A_122 = vector.shape_cast %get3A_121 : vector<16xi32> to vector<16xi32>
    %mul3A_123 = arith.constant 10000 : i32
    %mul3A_124 = arith.muli %arg0, %mul3A_123 : i32
    %add3A_125 = vector.broadcast %mul3A_124 : i32 to vector<16xi32>
    %add3A_126 = arith.addi %get3A_122, %add3A_125 : vector<16xi32>
    %swap3A_127 = arith.constant 16 : index
    %swap3A_128 = tpu.vector_load %arg11[%swap3A_127] {strides = array<i32>} : memref<64xi32, #tpu.memory_space<vmem>>, vector<16xi32>,
    %swap3A_129 = vector.shape_cast %swap3A_128 : vector<16xi32> to vector<16xi32>
    %swap3A_130 = vector.shape_cast %add3A_126 : vector<16xi32> to vector<16xi32>
    tpu.vector_store %arg11[%swap3A_127], %swap3A_130 {strides = array<i32>} : memref<64xi32, #tpu.memory_space<vmem>>, vector<16xi32>,
    %get3A_131 = arith.constant 32 : index
    %get3A_132 = tpu.vector_load %arg11[%get3A_131] {strides = array<i32>} : memref<64xi32, #tpu.memory_space<vmem>>, vector<16xi32>,
    %get3A_133 = vector.shape_cast %get3A_132 : vector<16xi32> to vector<16xi32>
    %mul3A_134 = arith.constant 10000 : i32
    %mul3A_135 = arith.muli %arg0, %mul3A_134 : i32
    %add3A_136 = vector.broadcast %mul3A_135 : i32 to vector<16xi32>
    %add3A_137 = arith.addi %get3A_133, %add3A_136 : vector<16xi32>
    %swap3A_138 = arith.constant 32 : index
    %swap3A_139 = tpu.vector_load %arg11[%swap3A_138] {strides = array<i32>} : memref<64xi32, #tpu.memory_space<vmem>>, vector<16xi32>,
    %swap3A_140 = vector.shape_cast %swap3A_139 : vector<16xi32> to vector<16xi32>
    %swap3A_141 = vector.shape_cast %add3A_137 : vector<16xi32> to vector<16xi32>
    tpu.vector_store %arg11[%swap3A_138], %swap3A_141 {strides = array<i32>} : memref<64xi32, #tpu.memory_space<vmem>>, vector<16xi32>,
    %get3A_142 = arith.constant 48 : index
    %get3A_143 = tpu.vector_load %arg11[%get3A_142] {strides = array<i32>} : memref<64xi32, #tpu.memory_space<vmem>>, vector<16xi32>,
    %get3A_144 = vector.shape_cast %get3A_143 : vector<16xi32> to vector<16xi32>
    %mul3A_145 = arith.constant 10000 : i32
    %mul3A_146 = arith.muli %arg0, %mul3A_145 : i32
    %add3A_147 = vector.broadcast %mul3A_146 : i32 to vector<16xi32>
    %add3A_148 = arith.addi %get3A_144, %add3A_147 : vector<16xi32>
    %swap3A_149 = arith.constant 48 : index
    %swap3A_150 = tpu.vector_load %arg11[%swap3A_149] {strides = array<i32>} : memref<64xi32, #tpu.memory_space<vmem>>, vector<16xi32>,
    %swap3A_151 = vector.shape_cast %swap3A_150 : vector<16xi32> to vector<16xi32>
    %swap3A_152 = vector.shape_cast %add3A_148 : vector<16xi32> to vector<16xi32>
    tpu.vector_store %arg11[%swap3A_149], %swap3A_152 {strides = array<i32>} : memref<64xi32, #tpu.memory_space<vmem>>, vector<16xi32>,
    %dma_start3A_153 = arith.constant 0 : i32
    %dma_start3A_154 = arith.constant 0 : i32
    %dma_start3A_155 = tpu.memref_slice %arg2[%dma_start3A_153, %dma_start3A_154] : memref<10000x128xf32, #tpu.memory_space<hbm>> -> memref<10000x128xf32, #tpu.memory_space<hbm>>
    tpu.enqueue_indirect_dma source(%dma_start3A_155 : memref<10000x128xf32, #tpu.memory_space<hbm>>) target(%arg13 : memref<64x128xf32, #tpu.memory_space<vmem>>) offsets(%arg9 : memref<64xi32, #tpu.memory_space<vmem>>) semaphore(%arg23 : memref<!tpu.dma_semaphore, #tpu.memory_space<semaphore_mem>>)
    %dma_start3A_156 = arith.constant 0 : i32
    %dma_start3A_157 = arith.constant 0 : i32
    %dma_start3A_158 = tpu.memref_slice %arg3[%dma_start3A_156, %dma_start3A_157] : memref<20000x128xf32, #tpu.memory_space<hbm>> -> memref<20000x128xf32, #tpu.memory_space<hbm>>
    tpu.enqueue_indirect_dma source(%dma_start3A_158 : memref<20000x128xf32, #tpu.memory_space<hbm>>) target(%arg15 : memref<64x128xf32, #tpu.memory_space<vmem>>) offsets(%arg11 : memref<64xi32, #tpu.memory_space<vmem>>) semaphore(%arg25 : memref<!tpu.dma_semaphore, #tpu.memory_space<semaphore_mem>>)
    %add3A_159 = arith.constant 1 : i32
    %add3A_160 = arith.addi %mul3A_91, %add3A_159 : i32
    %mul3A_161 = arith.constant 64 : i32
    %mul3A_162 = arith.muli %add3A_160, %mul3A_161 : i32
    %dma_start3A_163 = tpu.memref_slice %arg6[%mul3A_162] : memref<320000xi32, #tpu.memory_space<hbm>> -> memref<64xi32, #tpu.memory_space<hbm>>
    %dma_start3A_164 = tpu.memref_slice %arg6[%mul3A_162] : memref<320000xi32, #tpu.memory_space<hbm>> -> memref<64xi32, #tpu.memory_space<hbm>>
    tpu.enqueue_dma source(%dma_start3A_164 : memref<64xi32, #tpu.memory_space<hbm>>) target(%arg10 : memref<64xi32, #tpu.memory_space<vmem>>) target_semaphore(%arg22 : memref<!tpu.dma_semaphore, #tpu.memory_space<semaphore_mem>>)
    %dma_start3A_165 = tpu.memref_slice %arg5[%mul3A_162] : memref<320000xi32, #tpu.memory_space<hbm>> -> memref<64xi32, #tpu.memory_space<hbm>>
    %dma_start3A_166 = tpu.memref_slice %arg5[%mul3A_162] : memref<320000xi32, #tpu.memory_space<hbm>> -> memref<64xi32, #tpu.memory_space<hbm>>
    tpu.enqueue_dma source(%dma_start3A_166 : memref<64xi32, #tpu.memory_space<hbm>>) target(%arg12 : memref<64xi32, #tpu.memory_space<vmem>>) target_semaphore(%arg22 : memref<!tpu.dma_semaphore, #tpu.memory_space<semaphore_mem>>)
    %scan3A_167 = arith.constant 0 : i32
    %scan3A_168 = arith.constant 0 : i32
    %scan3A_169 = arith.constant 156 : i32
    %scan3A_170 = arith.addi %scan3A_168, %scan3A_169 : i32
    %scan3A_171 = arith.constant 1 : i32
    scf.for %scan3A_284 = %scan3A_168 to %scan3A_170 step %scan3A_171  : i32 {
      %mul3A_285 = arith.constant 2 : i32
      %mul3A_286 = arith.muli %mul3A_285, %scan3A_284 : i32
      %add3A_287 = arith.addi %mul3A_91, %mul3A_286 : i32
      %add3A_288 = arith.constant 0 : i32
      %add3A_289 = arith.addi %add3A_287, %add3A_288 : i32
      %mul3A_290 = arith.constant 2 : i32
      %mul3A_291 = arith.muli %mul3A_290, %scan3A_284 : i32
      %add3A_292 = arith.constant 0 : i32
      %add3A_293 = arith.addi %mul3A_291, %add3A_292 : i32
      %add3A_294 = arith.constant 1 : i32
      %add3A_295 = arith.addi %add3A_293, %add3A_294 : i32
      %lt3A_296 = arith.constant 312 : i32
      %lt3A_297 = arith.cmpi slt, %add3A_295, %lt3A_296 : i32
      %convert_element_type3A_298 = arith.extui %lt3A_297 : i1 to i32
      %cond3A_299 = arith.constant 0 : i32
      %cond3A_300 = arith.cmpi ne, %convert_element_type3A_298, %cond3A_299 : i32
      scf.if %cond3A_300 {
        %add3A_488 = arith.constant 1 : i32
        %add3A_489 = arith.addi %add3A_289, %add3A_488 : i32
        %mul3A_490 = arith.constant 64 : i32
        %mul3A_491 = arith.muli %add3A_489, %mul3A_490 : i32
        %dma_wait3A_492 = tpu.memref_slice %arg6[%mul3A_491] : memref<320000xi32, #tpu.memory_space<hbm>> -> memref<64xi32, #tpu.memory_space<hbm>>
        %dma_wait3A_493 = tpu.memref_slice %arg6[%mul3A_491] : memref<320000xi32, #tpu.memory_space<hbm>> -> memref<64xi32, #tpu.memory_space<hbm>>
        tpu.wait_dma2 semaphore(%arg22 : memref<!tpu.dma_semaphore, #tpu.memory_space<semaphore_mem>>) src(%dma_wait3A_493 : memref<64xi32, #tpu.memory_space<hbm>>) dst(%arg10 : memref<64xi32, #tpu.memory_space<vmem>>)
        %dma_wait3A_494 = tpu.memref_slice %arg5[%mul3A_491] : memref<320000xi32, #tpu.memory_space<hbm>> -> memref<64xi32, #tpu.memory_space<hbm>>
        %dma_wait3A_495 = tpu.memref_slice %arg5[%mul3A_491] : memref<320000xi32, #tpu.memory_space<hbm>> -> memref<64xi32, #tpu.memory_space<hbm>>
        tpu.wait_dma2 semaphore(%arg22 : memref<!tpu.dma_semaphore, #tpu.memory_space<semaphore_mem>>) src(%dma_wait3A_495 : memref<64xi32, #tpu.memory_space<hbm>>) dst(%arg12 : memref<64xi32, #tpu.memory_space<vmem>>)
        %get3A_496 = arith.constant 0 : index
        %get3A_497 = tpu.vector_load %arg12[%get3A_496] {strides = array<i32>} : memref<64xi32, #tpu.memory_space<vmem>>, vector<16xi32>,
        %get3A_498 = vector.shape_cast %get3A_497 : vector<16xi32> to vector<16xi32>
        %mul3A_499 = arith.constant 10000 : i32
        %mul3A_500 = arith.muli %arg0, %mul3A_499 : i32
        %add3A_501 = vector.broadcast %mul3A_500 : i32 to vector<16xi32>
        %add3A_502 = arith.addi %get3A_498, %add3A_501 : vector<16xi32>
        %swap3A_503 = arith.constant 0 : index
        %swap3A_504 = tpu.vector_load %arg12[%swap3A_503] {strides = array<i32>} : memref<64xi32, #tpu.memory_space<vmem>>, vector<16xi32>,
        %swap3A_505 = vector.shape_cast %swap3A_504 : vector<16xi32> to vector<16xi32>
        %swap3A_506 = vector.shape_cast %add3A_502 : vector<16xi32> to vector<16xi32>
        tpu.vector_store %arg12[%swap3A_503], %swap3A_506 {strides = array<i32>} : memref<64xi32, #tpu.memory_space<vmem>>, vector<16xi32>,
        %get3A_507 = arith.constant 16 : index
        %get3A_508 = tpu.vector_load %arg12[%get3A_507] {strides = array<i32>} : memref<64xi32, #tpu.memory_space<vmem>>, vector<16xi32>,
        %get3A_509 = vector.shape_cast %get3A_508 : vector<16xi32> to vector<16xi32>
        %mul3A_510 = arith.constant 10000 : i32
        %mul3A_511 = arith.muli %arg0, %mul3A_510 : i32
        %add3A_512 = vector.broadcast %mul3A_511 : i32 to vector<16xi32>
        %add3A_513 = arith.addi %get3A_509, %add3A_512 : vector<16xi32>
        %swap3A_514 = arith.constant 16 : index
        %swap3A_515 = tpu.vector_load %arg12[%swap3A_514] {strides = array<i32>} : memref<64xi32, #tpu.memory_space<vmem>>, vector<16xi32>,
        %swap3A_516 = vector.shape_cast %swap3A_515 : vector<16xi32> to vector<16xi32>
        %swap3A_517 = vector.shape_cast %add3A_513 : vector<16xi32> to vector<16xi32>
        tpu.vector_store %arg12[%swap3A_514], %swap3A_517 {strides = array<i32>} : memref<64xi32, #tpu.memory_space<vmem>>, vector<16xi32>,
        %get3A_518 = arith.constant 32 : index
        %get3A_519 = tpu.vector_load %arg12[%get3A_518] {strides = array<i32>} : memref<64xi32, #tpu.memory_space<vmem>>, vector<16xi32>,
        %get3A_520 = vector.shape_cast %get3A_519 : vector<16xi32> to vector<16xi32>
        %mul3A_521 = arith.constant 10000 : i32
        %mul3A_522 = arith.muli %arg0, %mul3A_521 : i32
        %add3A_523 = vector.broadcast %mul3A_522 : i32 to vector<16xi32>
        %add3A_524 = arith.addi %get3A_520, %add3A_523 : vector<16xi32>
        %swap3A_525 = arith.constant 32 : index
        %swap3A_526 = tpu.vector_load %arg12[%swap3A_525] {strides = array<i32>} : memref<64xi32, #tpu.memory_space<vmem>>, vector<16xi32>,
        %swap3A_527 = vector.shape_cast %swap3A_526 : vector<16xi32> to vector<16xi32>
        %swap3A_528 = vector.shape_cast %add3A_524 : vector<16xi32> to vector<16xi32>
        tpu.vector_store %arg12[%swap3A_525], %swap3A_528 {strides = array<i32>} : memref<64xi32, #tpu.memory_space<vmem>>, vector<16xi32>,
        %get3A_529 = arith.constant 48 : index
        %get3A_530 = tpu.vector_load %arg12[%get3A_529] {strides = array<i32>} : memref<64xi32, #tpu.memory_space<vmem>>, vector<16xi32>,
        %get3A_531 = vector.shape_cast %get3A_530 : vector<16xi32> to vector<16xi32>
        %mul3A_532 = arith.constant 10000 : i32
        %mul3A_533 = arith.muli %arg0, %mul3A_532 : i32
        %add3A_534 = vector.broadcast %mul3A_533 : i32 to vector<16xi32>
        %add3A_535 = arith.addi %get3A_531, %add3A_534 : vector<16xi32>
        %swap3A_536 = arith.constant 48 : index
        %swap3A_537 = tpu.vector_load %arg12[%swap3A_536] {strides = array<i32>} : memref<64xi32, #tpu.memory_space<vmem>>, vector<16xi32>,
        %swap3A_538 = vector.shape_cast %swap3A_537 : vector<16xi32> to vector<16xi32>
        %swap3A_539 = vector.shape_cast %add3A_535 : vector<16xi32> to vector<16xi32>
        tpu.vector_store %arg12[%swap3A_536], %swap3A_539 {strides = array<i32>} : memref<64xi32, #tpu.memory_space<vmem>>, vector<16xi32>,
        %dma_start3A_540 = arith.constant 0 : i32
        %dma_start3A_541 = arith.constant 0 : i32
        %dma_start3A_542 = tpu.memref_slice %arg2[%dma_start3A_540, %dma_start3A_541] : memref<10000x128xf32, #tpu.memory_space<hbm>> -> memref<10000x128xf32, #tpu.memory_space<hbm>>
        tpu.enqueue_indirect_dma source(%dma_start3A_542 : memref<10000x128xf32, #tpu.memory_space<hbm>>) target(%arg14 : memref<64x128xf32, #tpu.memory_space<vmem>>) offsets(%arg10 : memref<64xi32, #tpu.memory_space<vmem>>) semaphore(%arg24 : memref<!tpu.dma_semaphore, #tpu.memory_space<semaphore_mem>>)
        %dma_start3A_543 = arith.constant 0 : i32
        %dma_start3A_544 = arith.constant 0 : i32
        %dma_start3A_545 = tpu.memref_slice %arg3[%dma_start3A_543, %dma_start3A_544] : memref<20000x128xf32, #tpu.memory_space<hbm>> -> memref<20000x128xf32, #tpu.memory_space<hbm>>
        tpu.enqueue_indirect_dma source(%dma_start3A_545 : memref<20000x128xf32, #tpu.memory_space<hbm>>) target(%arg16 : memref<64x128xf32, #tpu.memory_space<vmem>>) offsets(%arg12 : memref<64xi32, #tpu.memory_space<vmem>>) semaphore(%arg26 : memref<!tpu.dma_semaphore, #tpu.memory_space<semaphore_mem>>)
      } else {
      }
      %add3A_301 = arith.constant 1 : i32
      %add3A_302 = arith.addi %add3A_293, %add3A_301 : i32
      %lt3A_303 = arith.constant 312 : i32
      %lt3A_304 = arith.cmpi slt, %add3A_302, %lt3A_303 : i32
      %add3A_305 = arith.constant 1 : i32
      %add3A_306 = arith.addi %add3A_289, %add3A_305 : i32
      %jit3A = arith.constant -1 : i32
      %select_n3A = arith.select %lt3A_304, %add3A_306, %jit3A : i32
      %eq3A_307 = arith.constant 0 : i32
      %eq3A_308 = arith.cmpi eq, %add3A_293, %eq3A_307 : i32
      %mul3A_309 = arith.constant 64 : i32
      %mul3A_310 = arith.muli %add3A_289, %mul3A_309 : i32
      %dma_wait3A_311 = arith.constant 0 : i32
      %dma_wait3A_312 = arith.constant 0 : i32
      %dma_wait3A_313 = tpu.memref_slice %arg2[%dma_wait3A_311, %dma_wait3A_312] : memref<10000x128xf32, #tpu.memory_space<hbm>> -> memref<10000x128xf32, #tpu.memory_space<hbm>>
      tpu.wait_indirect_dma semaphore(%arg23 : memref<!tpu.dma_semaphore, #tpu.memory_space<semaphore_mem>>) src(%dma_wait3A_313 : memref<10000x128xf32, #tpu.memory_space<hbm>>) dst(%arg13 : memref<64x128xf32, #tpu.memory_space<vmem>>)
      %dma_wait3A_314 = arith.constant 0 : i32
      %dma_wait3A_315 = arith.constant 0 : i32
      %dma_wait3A_316 = tpu.memref_slice %arg3[%dma_wait3A_314, %dma_wait3A_315] : memref<20000x128xf32, #tpu.memory_space<hbm>> -> memref<20000x128xf32, #tpu.memory_space<hbm>>
      tpu.wait_indirect_dma semaphore(%arg25 : memref<!tpu.dma_semaphore, #tpu.memory_space<semaphore_mem>>) src(%dma_wait3A_316 : memref<20000x128xf32, #tpu.memory_space<hbm>>) dst(%arg15 : memref<64x128xf32, #tpu.memory_space<vmem>>)
      %mul3A_317 = arith.constant 320000 : i32
      %mul3A_318 = arith.muli %arg0, %mul3A_317 : i32
      %add3A_319 = arith.addi %mul3A_318, %mul3A_310 : i32
      %dma_wait3A_320 = arith.constant 0 : i32
      %dma_wait3A_321 = tpu.memref_slice %arg4[%add3A_319, %dma_wait3A_320] : memref<640000x64xf32, #tpu.memory_space<hbm>> -> memref<64x64xf32, #tpu.memory_space<hbm>>
      %dma_wait3A_322 = arith.constant 0 : i32
      %dma_wait3A_323 = tpu.memref_slice %arg4[%add3A_319, %dma_wait3A_322] : memref<640000x64xf32, #tpu.memory_space<hbm>> -> memref<64x64xf32, #tpu.memory_space<hbm>>
      tpu.wait_dma2 semaphore(%arg27 : memref<!tpu.dma_semaphore, #tpu.memory_space<semaphore_mem>>) src(%dma_wait3A_323 : memref<64x64xf32, #tpu.memory_space<hbm>>) dst(%arg17 : memref<64x64xf32, #tpu.memory_space<vmem>>)
      %not3A = arith.constant true
      %not3A_324 = arith.xori %eq3A_308, %not3A : i1
      %convert_element_type3A_325 = arith.extui %not3A_324 : i1 to i32
      %cond3A_326 = arith.constant 0 : i32
      %cond3A_327 = arith.cmpi ne, %convert_element_type3A_325, %cond3A_326 : i32
      scf.if %cond3A_327 {
        %dma_wait3A_488 = arith.constant 0 : i32
        %dma_wait3A_489 = arith.constant 0 : i32
        %dma_wait3A_490 = arith.constant 0 : i32
        %dma_wait3A_491 = tpu.memref_slice %arg18[%dma_wait3A_489, %dma_wait3A_490] : memref<64x128xf32, #tpu.memory_space<vmem>> -> memref<32x128xf32, #tpu.memory_space<vmem>>
        %dma_wait3A_492 = arith.constant 0 : i32
        %dma_wait3A_493 = arith.constant 0 : i32
        %dma_wait3A_494 = tpu.memref_slice %arg7[%dma_wait3A_488, %dma_wait3A_492, %dma_wait3A_493] : memref<2x10000x128xf32, #tpu.memory_space<hbm>> -> memref<1x32x128xf32, #tpu.memory_space<hbm>>
        %dma_wait3A_495 = tpu.memref_squeeze %dma_wait3A_494 : memref<1x32x128xf32, #tpu.memory_space<hbm>> -> memref<32x128xf32, #tpu.memory_space<hbm>>
        %dma_wait3A_496 = arith.constant 0 : i32
        %dma_wait3A_497 = arith.constant 0 : i32
        %dma_wait3A_498 = tpu.memref_slice %arg18[%dma_wait3A_496, %dma_wait3A_497] : memref<64x128xf32, #tpu.memory_space<vmem>> -> memref<32x128xf32, #tpu.memory_space<vmem>>
        %dma_wait3A_499 = arith.constant 0 : i32
        %dma_wait3A_500 = arith.constant 0 : i32
        %dma_wait3A_501 = tpu.memref_slice %arg7[%dma_wait3A_488, %dma_wait3A_499, %dma_wait3A_500] : memref<2x10000x128xf32, #tpu.memory_space<hbm>> -> memref<1x32x128xf32, #tpu.memory_space<hbm>>
        %dma_wait3A_502 = tpu.memref_squeeze %dma_wait3A_501 : memref<1x32x128xf32, #tpu.memory_space<hbm>> -> memref<32x128xf32, #tpu.memory_space<hbm>>
        tpu.wait_dma2 semaphore(%arg28 : memref<!tpu.dma_semaphore, #tpu.memory_space<semaphore_mem>>) src(%dma_wait3A_502 : memref<32x128xf32, #tpu.memory_space<hbm>>) dst(%dma_wait3A_498 : memref<32x128xf32, #tpu.memory_space<vmem>>)
        %dma_wait3A_503 = arith.constant 0 : i32
        %dma_wait3A_504 = arith.constant 32 : i32
        %dma_wait3A_505 = arith.constant 0 : i32
        %dma_wait3A_506 = tpu.memref_slice %arg18[%dma_wait3A_504, %dma_wait3A_505] : memref<64x128xf32, #tpu.memory_space<vmem>> -> memref<32x128xf32, #tpu.memory_space<vmem>>
        %dma_wait3A_507 = arith.constant 0 : i32
        %dma_wait3A_508 = arith.constant 0 : i32
        %dma_wait3A_509 = tpu.memref_slice %arg7[%dma_wait3A_503, %dma_wait3A_507, %dma_wait3A_508] : memref<2x10000x128xf32, #tpu.memory_space<hbm>> -> memref<1x32x128xf32, #tpu.memory_space<hbm>>
        %dma_wait3A_510 = tpu.memref_squeeze %dma_wait3A_509 : memref<1x32x128xf32, #tpu.memory_space<hbm>> -> memref<32x128xf32, #tpu.memory_space<hbm>>
        %dma_wait3A_511 = arith.constant 32 : i32
        %dma_wait3A_512 = arith.constant 0 : i32
        %dma_wait3A_513 = tpu.memref_slice %arg18[%dma_wait3A_511, %dma_wait3A_512] : memref<64x128xf32, #tpu.memory_space<vmem>> -> memref<32x128xf32, #tpu.memory_space<vmem>>
        %dma_wait3A_514 = arith.constant 0 : i32
        %dma_wait3A_515 = arith.constant 0 : i32
        %dma_wait3A_516 = tpu.memref_slice %arg7[%dma_wait3A_503, %dma_wait3A_514, %dma_wait3A_515] : memref<2x10000x128xf32, #tpu.memory_space<hbm>> -> memref<1x32x128xf32, #tpu.memory_space<hbm>>
        %dma_wait3A_517 = tpu.memref_squeeze %dma_wait3A_516 : memref<1x32x128xf32, #tpu.memory_space<hbm>> -> memref<32x128xf32, #tpu.memory_space<hbm>>
        tpu.wait_dma2 semaphore(%arg29 : memref<!tpu.dma_semaphore, #tpu.memory_space<semaphore_mem>>) src(%dma_wait3A_517 : memref<32x128xf32, #tpu.memory_space<hbm>>) dst(%dma_wait3A_513 : memref<32x128xf32, #tpu.memory_space<vmem>>)
      } else {
      }
      %get3A_328 = arith.constant 0 : index
      %get3A_329 = tpu.vector_load %arg9[%get3A_328] {strides = array<i32>} : memref<64xi32, #tpu.memory_space<vmem>>, vector<16xi32>,
      %get3A_330 = vector.shape_cast %get3A_329 : vector<16xi32> to vector<16xi32>
      %swap3A_331 = arith.constant 0 : index
      %swap3A_332 = tpu.vector_load %arg19[%swap3A_331] {strides = array<i32>} : memref<32xi32, #tpu.memory_space<vmem>>, vector<16xi32>,
      %swap3A_333 = vector.shape_cast %swap3A_332 : vector<16xi32> to vector<16xi32>
      %swap3A_334 = vector.shape_cast %get3A_330 : vector<16xi32> to vector<16xi32>
      tpu.vector_store %arg19[%swap3A_331], %swap3A_334 {strides = array<i32>} : memref<32xi32, #tpu.memory_space<vmem>>, vector<16xi32>,
      %get3A_335 = arith.constant 32 : index
      %get3A_336 = tpu.vector_load %arg9[%get3A_335] {strides = array<i32>} : memref<64xi32, #tpu.memory_space<vmem>>, vector<16xi32>,
      %get3A_337 = vector.shape_cast %get3A_336 : vector<16xi32> to vector<16xi32>
      %swap3A_338 = arith.constant 0 : index
      %swap3A_339 = tpu.vector_load %arg20[%swap3A_338] {strides = array<i32>} : memref<32xi32, #tpu.memory_space<vmem>>, vector<16xi32>,
      %swap3A_340 = vector.shape_cast %swap3A_339 : vector<16xi32> to vector<16xi32>
      %swap3A_341 = vector.shape_cast %get3A_337 : vector<16xi32> to vector<16xi32>
      tpu.vector_store %arg20[%swap3A_338], %swap3A_341 {strides = array<i32>} : memref<32xi32, #tpu.memory_space<vmem>>, vector<16xi32>,
      %get3A_342 = arith.constant 16 : index
      %get3A_343 = tpu.vector_load %arg9[%get3A_342] {strides = array<i32>} : memref<64xi32, #tpu.memory_space<vmem>>, vector<16xi32>,
      %get3A_344 = vector.shape_cast %get3A_343 : vector<16xi32> to vector<16xi32>
      %swap3A_345 = arith.constant 16 : index
      %swap3A_346 = tpu.vector_load %arg19[%swap3A_345] {strides = array<i32>} : memref<32xi32, #tpu.memory_space<vmem>>, vector<16xi32>,
      %swap3A_347 = vector.shape_cast %swap3A_346 : vector<16xi32> to vector<16xi32>
      %swap3A_348 = vector.shape_cast %get3A_344 : vector<16xi32> to vector<16xi32>
      tpu.vector_store %arg19[%swap3A_345], %swap3A_348 {strides = array<i32>} : memref<32xi32, #tpu.memory_space<vmem>>, vector<16xi32>,
      %get3A_349 = arith.constant 48 : index
      %get3A_350 = tpu.vector_load %arg9[%get3A_349] {strides = array<i32>} : memref<64xi32, #tpu.memory_space<vmem>>, vector<16xi32>,
      %get3A_351 = vector.shape_cast %get3A_350 : vector<16xi32> to vector<16xi32>
      %swap3A_352 = arith.constant 16 : index
      %swap3A_353 = tpu.vector_load %arg20[%swap3A_352] {strides = array<i32>} : memref<32xi32, #tpu.memory_space<vmem>>, vector<16xi32>,
      %swap3A_354 = vector.shape_cast %swap3A_353 : vector<16xi32> to vector<16xi32>
      %swap3A_355 = vector.shape_cast %get3A_351 : vector<16xi32> to vector<16xi32>
      tpu.vector_store %arg20[%swap3A_352], %swap3A_355 {strides = array<i32>} : memref<32xi32, #tpu.memory_space<vmem>>, vector<16xi32>,
      %parallel_loop3A = arith.constant 0 : i32
      %parallel_loop3A_356 = arith.constant 32 : i32
      %parallel_loop3A_357 = arith.constant 1 : i32
      scf.for %parallel_loop3A_488 = %parallel_loop3A to %parallel_loop3A_356 step %parallel_loop3A_357  : i32 {
        %parallel_loop3A_489 = arith.index_cast %parallel_loop3A_488 : i32 to index
        %parallel_loop3A_490 = arith.constant 0 : index
        %parallel_loop3A_491 = tpu.vector_load %arg17[%parallel_loop3A_489, %parallel_loop3A_490] {strides = array<i32>} : memref<64x64xf32, #tpu.memory_space<vmem>>, vector<1x16xf32>,
        %parallel_loop3A_492 = vector.shape_cast %parallel_loop3A_491 : vector<1x16xf32> to vector<16xf32>
        %parallel_loop3A_493 = arith.index_cast %parallel_loop3A_488 : i32 to index
        %parallel_loop3A_494 = arith.constant 16 : index
        %parallel_loop3A_495 = tpu.vector_load %arg17[%parallel_loop3A_493, %parallel_loop3A_494] {strides = array<i32>} : memref<64x64xf32, #tpu.memory_space<vmem>>, vector<1x16xf32>,
        %parallel_loop3A_496 = vector.shape_cast %parallel_loop3A_495 : vector<1x16xf32> to vector<16xf32>
        %parallel_loop3A_497 = arith.index_cast %parallel_loop3A_488 : i32 to index
        %parallel_loop3A_498 = arith.constant 32 : index
        %parallel_loop3A_499 = tpu.vector_load %arg17[%parallel_loop3A_497, %parallel_loop3A_498] {strides = array<i32>} : memref<64x64xf32, #tpu.memory_space<vmem>>, vector<1x16xf32>,
        %parallel_loop3A_500 = vector.shape_cast %parallel_loop3A_499 : vector<1x16xf32> to vector<16xf32>
        %parallel_loop3A_501 = arith.index_cast %parallel_loop3A_488 : i32 to index
        %parallel_loop3A_502 = arith.constant 48 : index
        %parallel_loop3A_503 = tpu.vector_load %arg17[%parallel_loop3A_501, %parallel_loop3A_502] {strides = array<i32>} : memref<64x64xf32, #tpu.memory_space<vmem>>, vector<1x16xf32>,
        %parallel_loop3A_504 = vector.shape_cast %parallel_loop3A_503 : vector<1x16xf32> to vector<16xf32>
        %parallel_loop3A_505 = arith.constant 0 : i32
        %parallel_loop3A_506 = arith.addi %mul3A_89, %parallel_loop3A_505 : i32
        %parallel_loop3A_507 = arith.index_cast %parallel_loop3A_488 : i32 to index
        %parallel_loop3A_508 = arith.index_cast %parallel_loop3A_506 : i32 to index
        %parallel_loop3A_509 = tpu.vector_load %arg13[%parallel_loop3A_507, %parallel_loop3A_508] {strides = array<i32>} : memref<64x128xf32, #tpu.memory_space<vmem>>, vector<1x16xf32>,
        %parallel_loop3A_510 = vector.shape_cast %parallel_loop3A_509 : vector<1x16xf32> to vector<16xf32>
        %parallel_loop3A_511 = arith.constant 16 : i32
        %parallel_loop3A_512 = arith.addi %mul3A_89, %parallel_loop3A_511 : i32
        %parallel_loop3A_513 = arith.index_cast %parallel_loop3A_488 : i32 to index
        %parallel_loop3A_514 = arith.index_cast %parallel_loop3A_512 : i32 to index
        %parallel_loop3A_515 = tpu.vector_load %arg13[%parallel_loop3A_513, %parallel_loop3A_514] {strides = array<i32>} : memref<64x128xf32, #tpu.memory_space<vmem>>, vector<1x16xf32>,
        %parallel_loop3A_516 = vector.shape_cast %parallel_loop3A_515 : vector<1x16xf32> to vector<16xf32>
        %parallel_loop3A_517 = arith.constant 32 : i32
        %parallel_loop3A_518 = arith.addi %mul3A_89, %parallel_loop3A_517 : i32
        %parallel_loop3A_519 = arith.index_cast %parallel_loop3A_488 : i32 to index
        %parallel_loop3A_520 = arith.index_cast %parallel_loop3A_518 : i32 to index
        %parallel_loop3A_521 = tpu.vector_load %arg13[%parallel_loop3A_519, %parallel_loop3A_520] {strides = array<i32>} : memref<64x128xf32, #tpu.memory_space<vmem>>, vector<1x16xf32>,
        %parallel_loop3A_522 = vector.shape_cast %parallel_loop3A_521 : vector<1x16xf32> to vector<16xf32>
        %parallel_loop3A_523 = arith.constant 48 : i32
        %parallel_loop3A_524 = arith.addi %mul3A_89, %parallel_loop3A_523 : i32
        %parallel_loop3A_525 = arith.index_cast %parallel_loop3A_488 : i32 to index
        %parallel_loop3A_526 = arith.index_cast %parallel_loop3A_524 : i32 to index
        %parallel_loop3A_527 = tpu.vector_load %arg13[%parallel_loop3A_525, %parallel_loop3A_526] {strides = array<i32>} : memref<64x128xf32, #tpu.memory_space<vmem>>, vector<1x16xf32>,
        %parallel_loop3A_528 = vector.shape_cast %parallel_loop3A_527 : vector<1x16xf32> to vector<16xf32>
        %parallel_loop3A_529 = arith.index_cast %parallel_loop3A_488 : i32 to index
        %parallel_loop3A_530 = arith.constant 0 : index
        %parallel_loop3A_531 = tpu.vector_load %arg15[%parallel_loop3A_529, %parallel_loop3A_530] {strides = array<i32>} : memref<64x128xf32, #tpu.memory_space<vmem>>, vector<1x16xf32>,
        %parallel_loop3A_532 = vector.shape_cast %parallel_loop3A_531 : vector<1x16xf32> to vector<16xf32>
        %parallel_loop3A_533 = arith.index_cast %parallel_loop3A_488 : i32 to index
        %parallel_loop3A_534 = arith.constant 16 : index
        %parallel_loop3A_535 = tpu.vector_load %arg15[%parallel_loop3A_533, %parallel_loop3A_534] {strides = array<i32>} : memref<64x128xf32, #tpu.memory_space<vmem>>, vector<1x16xf32>,
        %parallel_loop3A_536 = vector.shape_cast %parallel_loop3A_535 : vector<1x16xf32> to vector<16xf32>
        %parallel_loop3A_537 = arith.index_cast %parallel_loop3A_488 : i32 to index
        %parallel_loop3A_538 = arith.constant 32 : index
        %parallel_loop3A_539 = tpu.vector_load %arg15[%parallel_loop3A_537, %parallel_loop3A_538] {strides = array<i32>} : memref<64x128xf32, #tpu.memory_space<vmem>>, vector<1x16xf32>,
        %parallel_loop3A_540 = vector.shape_cast %parallel_loop3A_539 : vector<1x16xf32> to vector<16xf32>
        %parallel_loop3A_541 = arith.index_cast %parallel_loop3A_488 : i32 to index
        %parallel_loop3A_542 = arith.constant 48 : index
        %parallel_loop3A_543 = tpu.vector_load %arg15[%parallel_loop3A_541, %parallel_loop3A_542] {strides = array<i32>} : memref<64x128xf32, #tpu.memory_space<vmem>>, vector<1x16xf32>,
        %parallel_loop3A_544 = vector.shape_cast %parallel_loop3A_543 : vector<1x16xf32> to vector<16xf32>
        %parallel_loop3A_545 = arith.index_cast %parallel_loop3A_488 : i32 to index
        %parallel_loop3A_546 = arith.constant 64 : index
        %parallel_loop3A_547 = tpu.vector_load %arg15[%parallel_loop3A_545, %parallel_loop3A_546] {strides = array<i32>} : memref<64x128xf32, #tpu.memory_space<vmem>>, vector<1x16xf32>,
        %parallel_loop3A_548 = vector.shape_cast %parallel_loop3A_547 : vector<1x16xf32> to vector<16xf32>
        %parallel_loop3A_549 = arith.index_cast %parallel_loop3A_488 : i32 to index
        %parallel_loop3A_550 = arith.constant 80 : index
        %parallel_loop3A_551 = tpu.vector_load %arg15[%parallel_loop3A_549, %parallel_loop3A_550] {strides = array<i32>} : memref<64x128xf32, #tpu.memory_space<vmem>>, vector<1x16xf32>,
        %parallel_loop3A_552 = vector.shape_cast %parallel_loop3A_551 : vector<1x16xf32> to vector<16xf32>
        %parallel_loop3A_553 = arith.index_cast %parallel_loop3A_488 : i32 to index
        %parallel_loop3A_554 = arith.constant 96 : index
        %parallel_loop3A_555 = tpu.vector_load %arg15[%parallel_loop3A_553, %parallel_loop3A_554] {strides = array<i32>} : memref<64x128xf32, #tpu.memory_space<vmem>>, vector<1x16xf32>,
        %parallel_loop3A_556 = vector.shape_cast %parallel_loop3A_555 : vector<1x16xf32> to vector<16xf32>
        %parallel_loop3A_557 = arith.index_cast %parallel_loop3A_488 : i32 to index
        %parallel_loop3A_558 = arith.constant 112 : index
        %parallel_loop3A_559 = tpu.vector_load %arg15[%parallel_loop3A_557, %parallel_loop3A_558] {strides = array<i32>} : memref<64x128xf32, #tpu.memory_space<vmem>>, vector<1x16xf32>,
        %parallel_loop3A_560 = vector.shape_cast %parallel_loop3A_559 : vector<1x16xf32> to vector<16xf32>
        %parallel_loop3A_561 = arith.addf %parallel_loop3A_532, %parallel_loop3A_492 : vector<16xf32>
        %parallel_loop3A_562 = arith.mulf %parallel_loop3A_510, %parallel_loop3A_561 : vector<16xf32>
        %parallel_loop3A_563 = arith.addf %parallel_loop3A_536, %parallel_loop3A_496 : vector<16xf32>
        %parallel_loop3A_564 = arith.mulf %parallel_loop3A_516, %parallel_loop3A_563 : vector<16xf32>
        %parallel_loop3A_565 = arith.addf %parallel_loop3A_540, %parallel_loop3A_500 : vector<16xf32>
        %parallel_loop3A_566 = arith.mulf %parallel_loop3A_522, %parallel_loop3A_565 : vector<16xf32>
        %parallel_loop3A_567 = arith.addf %parallel_loop3A_544, %parallel_loop3A_504 : vector<16xf32>
        %parallel_loop3A_568 = arith.mulf %parallel_loop3A_528, %parallel_loop3A_567 : vector<16xf32>
        %parallel_loop3A_569 = arith.addf %parallel_loop3A_562, %parallel_loop3A_564 : vector<16xf32>
        %parallel_loop3A_570 = vector.shape_cast %broadcast_in_dim3A : vector<16x1xi32> to vector<16xi32>
        %parallel_loop3A_571 = tpu.dynamic_gather %parallel_loop3A_569[%parallel_loop3A_570] in [0] : vector<16xf32>, vector<16xi32> -> vector<16xf32>
        %parallel_loop3A_572 = arith.addf %parallel_loop3A_569, %parallel_loop3A_571 : vector<16xf32>
        %parallel_loop3A_573 = vector.shape_cast %broadcast_in_dim3A_80 : vector<16x1xi32> to vector<16xi32>
        %parallel_loop3A_574 = tpu.dynamic_gather %parallel_loop3A_572[%parallel_loop3A_573] in [0] : vector<16xf32>, vector<16xi32> -> vector<16xf32>
        %parallel_loop3A_575 = arith.addf %parallel_loop3A_572, %parallel_loop3A_574 : vector<16xf32>
        %parallel_loop3A_576 = vector.shape_cast %broadcast_in_dim3A_84 : vector<16x1xi32> to vector<16xi32>
        %parallel_loop3A_577 = tpu.dynamic_gather %parallel_loop3A_575[%parallel_loop3A_576] in [0] : vector<16xf32>, vector<16xi32> -> vector<16xf32>
        %parallel_loop3A_578 = arith.addf %parallel_loop3A_575, %parallel_loop3A_577 : vector<16xf32>
        %parallel_loop3A_579 = vector.shape_cast %broadcast_in_dim3A_88 : vector<16x1xi32> to vector<16xi32>
        %parallel_loop3A_580 = tpu.dynamic_gather %parallel_loop3A_578[%parallel_loop3A_579] in [0] : vector<16xf32>, vector<16xi32> -> vector<16xf32>
        %parallel_loop3A_581 = arith.addf %parallel_loop3A_578, %parallel_loop3A_580 : vector<16xf32>
        %parallel_loop3A_582 = math.exp %parallel_loop3A_581 : vector<16xf32>
        %parallel_loop3A_583 = arith.addf %parallel_loop3A_566, %parallel_loop3A_568 : vector<16xf32>
        %parallel_loop3A_584 = vector.shape_cast %broadcast_in_dim3A : vector<16x1xi32> to vector<16xi32>
        %parallel_loop3A_585 = tpu.dynamic_gather %parallel_loop3A_583[%parallel_loop3A_584] in [0] : vector<16xf32>, vector<16xi32> -> vector<16xf32>
        %parallel_loop3A_586 = arith.addf %parallel_loop3A_583, %parallel_loop3A_585 : vector<16xf32>
        %parallel_loop3A_587 = vector.shape_cast %broadcast_in_dim3A_80 : vector<16x1xi32> to vector<16xi32>
        %parallel_loop3A_588 = tpu.dynamic_gather %parallel_loop3A_586[%parallel_loop3A_587] in [0] : vector<16xf32>, vector<16xi32> -> vector<16xf32>
        %parallel_loop3A_589 = arith.addf %parallel_loop3A_586, %parallel_loop3A_588 : vector<16xf32>
        %parallel_loop3A_590 = vector.shape_cast %broadcast_in_dim3A_84 : vector<16x1xi32> to vector<16xi32>
        %parallel_loop3A_591 = tpu.dynamic_gather %parallel_loop3A_589[%parallel_loop3A_590] in [0] : vector<16xf32>, vector<16xi32> -> vector<16xf32>
        %parallel_loop3A_592 = arith.addf %parallel_loop3A_589, %parallel_loop3A_591 : vector<16xf32>
        %parallel_loop3A_593 = vector.shape_cast %broadcast_in_dim3A_88 : vector<16x1xi32> to vector<16xi32>
        %parallel_loop3A_594 = tpu.dynamic_gather %parallel_loop3A_592[%parallel_loop3A_593] in [0] : vector<16xf32>, vector<16xi32> -> vector<16xf32>
        %parallel_loop3A_595 = arith.addf %parallel_loop3A_592, %parallel_loop3A_594 : vector<16xf32>
        %parallel_loop3A_596 = math.exp %parallel_loop3A_595 : vector<16xf32>
        %parallel_loop3A_597 = arith.addf %parallel_loop3A_548, %parallel_loop3A_492 : vector<16xf32>
        %parallel_loop3A_598 = arith.mulf %parallel_loop3A_597, %parallel_loop3A_582 : vector<16xf32>
        %parallel_loop3A_599 = arith.index_cast %parallel_loop3A_488 : i32 to index
        %parallel_loop3A_600 = arith.constant 0 : index
        %parallel_loop3A_601 = tpu.vector_load %arg18[%parallel_loop3A_599, %parallel_loop3A_600] {strides = array<i32>} : memref<64x128xf32, #tpu.memory_space<vmem>>, vector<1x16xf32>,
        %parallel_loop3A_602 = vector.shape_cast %parallel_loop3A_601 : vector<1x16xf32> to vector<16xf32>
        %parallel_loop3A_603 = vector.shape_cast %parallel_loop3A_598 : vector<16xf32> to vector<1x16xf32>
        tpu.vector_store %arg18[%parallel_loop3A_599, %parallel_loop3A_600], %parallel_loop3A_603 {strides = array<i32>} : memref<64x128xf32, #tpu.memory_space<vmem>>, vector<1x16xf32>,
        %parallel_loop3A_604 = arith.addf %parallel_loop3A_552, %parallel_loop3A_496 : vector<16xf32>
        %parallel_loop3A_605 = arith.mulf %parallel_loop3A_604, %parallel_loop3A_582 : vector<16xf32>
        %parallel_loop3A_606 = arith.index_cast %parallel_loop3A_488 : i32 to index
        %parallel_loop3A_607 = arith.constant 16 : index
        %parallel_loop3A_608 = tpu.vector_load %arg18[%parallel_loop3A_606, %parallel_loop3A_607] {strides = array<i32>} : memref<64x128xf32, #tpu.memory_space<vmem>>, vector<1x16xf32>,
        %parallel_loop3A_609 = vector.shape_cast %parallel_loop3A_608 : vector<1x16xf32> to vector<16xf32>
        %parallel_loop3A_610 = vector.shape_cast %parallel_loop3A_605 : vector<16xf32> to vector<1x16xf32>
        tpu.vector_store %arg18[%parallel_loop3A_606, %parallel_loop3A_607], %parallel_loop3A_610 {strides = array<i32>} : memref<64x128xf32, #tpu.memory_space<vmem>>, vector<1x16xf32>,
        %parallel_loop3A_611 = arith.addf %parallel_loop3A_556, %parallel_loop3A_500 : vector<16xf32>
        %parallel_loop3A_612 = arith.mulf %parallel_loop3A_611, %parallel_loop3A_596 : vector<16xf32>
        %parallel_loop3A_613 = arith.index_cast %parallel_loop3A_488 : i32 to index
        %parallel_loop3A_614 = arith.constant 32 : index
        %parallel_loop3A_615 = tpu.vector_load %arg18[%parallel_loop3A_613, %parallel_loop3A_614] {strides = array<i32>} : memref<64x128xf32, #tpu.memory_space<vmem>>, vector<1x16xf32>,
        %parallel_loop3A_616 = vector.shape_cast %parallel_loop3A_615 : vector<1x16xf32> to vector<16xf32>
        %parallel_loop3A_617 = vector.shape_cast %parallel_loop3A_612 : vector<16xf32> to vector<1x16xf32>
        tpu.vector_store %arg18[%parallel_loop3A_613, %parallel_loop3A_614], %parallel_loop3A_617 {strides = array<i32>} : memref<64x128xf32, #tpu.memory_space<vmem>>, vector<1x16xf32>,
        %parallel_loop3A_618 = arith.addf %parallel_loop3A_560, %parallel_loop3A_504 : vector<16xf32>
        %parallel_loop3A_619 = arith.mulf %parallel_loop3A_618, %parallel_loop3A_596 : vector<16xf32>
        %parallel_loop3A_620 = arith.index_cast %parallel_loop3A_488 : i32 to index
        %parallel_loop3A_621 = arith.constant 48 : index
        %parallel_loop3A_622 = tpu.vector_load %arg18[%parallel_loop3A_620, %parallel_loop3A_621] {strides = array<i32>} : memref<64x128xf32, #tpu.memory_space<vmem>>, vector<1x16xf32>,
        %parallel_loop3A_623 = vector.shape_cast %parallel_loop3A_622 : vector<1x16xf32> to vector<16xf32>
        %parallel_loop3A_624 = vector.shape_cast %parallel_loop3A_619 : vector<16xf32> to vector<1x16xf32>
        tpu.vector_store %arg18[%parallel_loop3A_620, %parallel_loop3A_621], %parallel_loop3A_624 {strides = array<i32>} : memref<64x128xf32, #tpu.memory_space<vmem>>, vector<1x16xf32>,
        %parallel_loop3A_625 = arith.constant 0 : i32
        %parallel_loop3A_626 = vector.broadcast %parallel_loop3A_625 : i32 to vector<16xi32>
        %parallel_loop3A_627 = arith.cmpi eq, %iota3A, %parallel_loop3A_626 : vector<16xi32>
        %parallel_loop3A_628 = arith.constant 1 : i32
        %parallel_loop3A_629 = vector.broadcast %parallel_loop3A_628 : i32 to vector<16xi32>
        %parallel_loop3A_630 = arith.cmpi eq, %iota3A, %parallel_loop3A_629 : vector<16xi32>
        %parallel_loop3A_631 = arith.constant 0.000000e+00 : f32
        %parallel_loop3A_632 = vector.broadcast %parallel_loop3A_631 : f32 to vector<16xf32>
        %parallel_loop3A_633 = arith.select %parallel_loop3A_630, %parallel_loop3A_596, %parallel_loop3A_632 : vector<16xi1>, vector<16xf32>
        %parallel_loop3A_634 = arith.select %parallel_loop3A_627, %parallel_loop3A_582, %parallel_loop3A_633 : vector<16xi1>, vector<16xf32>
        %parallel_loop3A_635 = arith.index_cast %parallel_loop3A_488 : i32 to index
        %parallel_loop3A_636 = arith.constant 64 : index
        %parallel_loop3A_637 = tpu.vector_load %arg18[%parallel_loop3A_635, %parallel_loop3A_636] {strides = array<i32>} : memref<64x128xf32, #tpu.memory_space<vmem>>, vector<1x16xf32>,
        %parallel_loop3A_638 = vector.shape_cast %parallel_loop3A_637 : vector<1x16xf32> to vector<16xf32>
        %parallel_loop3A_639 = vector.shape_cast %parallel_loop3A_634 : vector<16xf32> to vector<1x16xf32>
        tpu.vector_store %arg18[%parallel_loop3A_635, %parallel_loop3A_636], %parallel_loop3A_639 {strides = array<i32>} : memref<64x128xf32, #tpu.memory_space<vmem>>, vector<1x16xf32>,
      } {sc.loop_unroll_factor = 4 : i64, sc.parallel_access}
      %dma_start3A_358 = arith.constant 0 : i32
      %dma_start3A_359 = arith.constant 0 : i32
      %dma_start3A_360 = tpu.memref_slice %arg18[%dma_start3A_358, %dma_start3A_359] : memref<64x128xf32, #tpu.memory_space<vmem>> -> memref<32x128xf32, #tpu.memory_space<vmem>>
      %dma_start3A_361 = arith.constant 0 : i32
      %dma_start3A_362 = arith.constant 0 : i32
      %dma_start3A_363 = tpu.memref_slice %arg8[%dma_start3A_361, %dma_start3A_362] : memref<10000x128xf32, #tpu.memory_space<vmem_shared>> -> memref<10000x128xf32, #tpu.memory_space<vmem_shared>>
      tpu.enqueue_indirect_dma source(%dma_start3A_360 : memref<32x128xf32, #tpu.memory_space<vmem>>) target(%dma_start3A_363 : memref<10000x128xf32, #tpu.memory_space<vmem_shared>>) offsets(%arg19 : memref<32xi32, #tpu.memory_space<vmem>>) semaphore(%arg28 : memref<!tpu.dma_semaphore, #tpu.memory_space<semaphore_mem>>) {add = true}
      %parallel_loop3A_364 = arith.constant 32 : i32
      %parallel_loop3A_365 = arith.constant 64 : i32
      %parallel_loop3A_366 = arith.constant 1 : i32
      scf.for %parallel_loop3A_488 = %parallel_loop3A_364 to %parallel_loop3A_365 step %parallel_loop3A_366  : i32 {
        %parallel_loop3A_489 = arith.index_cast %parallel_loop3A_488 : i32 to index
        %parallel_loop3A_490 = arith.constant 0 : index
        %parallel_loop3A_491 = tpu.vector_load %arg17[%parallel_loop3A_489, %parallel_loop3A_490] {strides = array<i32>} : memref<64x64xf32, #tpu.memory_space<vmem>>, vector<1x16xf32>,
        %parallel_loop3A_492 = vector.shape_cast %parallel_loop3A_491 : vector<1x16xf32> to vector<16xf32>
        %parallel_loop3A_493 = arith.index_cast %parallel_loop3A_488 : i32 to index
        %parallel_loop3A_494 = arith.constant 16 : index
        %parallel_loop3A_495 = tpu.vector_load %arg17[%parallel_loop3A_493, %parallel_loop3A_494] {strides = array<i32>} : memref<64x64xf32, #tpu.memory_space<vmem>>, vector<1x16xf32>,
        %parallel_loop3A_496 = vector.shape_cast %parallel_loop3A_495 : vector<1x16xf32> to vector<16xf32>
        %parallel_loop3A_497 = arith.index_cast %parallel_loop3A_488 : i32 to index
        %parallel_loop3A_498 = arith.constant 32 : index
        %parallel_loop3A_499 = tpu.vector_load %arg17[%parallel_loop3A_497, %parallel_loop3A_498] {strides = array<i32>} : memref<64x64xf32, #tpu.memory_space<vmem>>, vector<1x16xf32>,
        %parallel_loop3A_500 = vector.shape_cast %parallel_loop3A_499 : vector<1x16xf32> to vector<16xf32>
        %parallel_loop3A_501 = arith.index_cast %parallel_loop3A_488 : i32 to index
        %parallel_loop3A_502 = arith.constant 48 : index
        %parallel_loop3A_503 = tpu.vector_load %arg17[%parallel_loop3A_501, %parallel_loop3A_502] {strides = array<i32>} : memref<64x64xf32, #tpu.memory_space<vmem>>, vector<1x16xf32>,
        %parallel_loop3A_504 = vector.shape_cast %parallel_loop3A_503 : vector<1x16xf32> to vector<16xf32>
        %parallel_loop3A_505 = arith.constant 0 : i32
        %parallel_loop3A_506 = arith.addi %mul3A_89, %parallel_loop3A_505 : i32
        %parallel_loop3A_507 = arith.index_cast %parallel_loop3A_488 : i32 to index
        %parallel_loop3A_508 = arith.index_cast %parallel_loop3A_506 : i32 to index
        %parallel_loop3A_509 = tpu.vector_load %arg13[%parallel_loop3A_507, %parallel_loop3A_508] {strides = array<i32>} : memref<64x128xf32, #tpu.memory_space<vmem>>, vector<1x16xf32>,
        %parallel_loop3A_510 = vector.shape_cast %parallel_loop3A_509 : vector<1x16xf32> to vector<16xf32>
        %parallel_loop3A_511 = arith.constant 16 : i32
        %parallel_loop3A_512 = arith.addi %mul3A_89, %parallel_loop3A_511 : i32
        %parallel_loop3A_513 = arith.index_cast %parallel_loop3A_488 : i32 to index
        %parallel_loop3A_514 = arith.index_cast %parallel_loop3A_512 : i32 to index
        %parallel_loop3A_515 = tpu.vector_load %arg13[%parallel_loop3A_513, %parallel_loop3A_514] {strides = array<i32>} : memref<64x128xf32, #tpu.memory_space<vmem>>, vector<1x16xf32>,
        %parallel_loop3A_516 = vector.shape_cast %parallel_loop3A_515 : vector<1x16xf32> to vector<16xf32>
        %parallel_loop3A_517 = arith.constant 32 : i32
        %parallel_loop3A_518 = arith.addi %mul3A_89, %parallel_loop3A_517 : i32
        %parallel_loop3A_519 = arith.index_cast %parallel_loop3A_488 : i32 to index
        %parallel_loop3A_520 = arith.index_cast %parallel_loop3A_518 : i32 to index
        %parallel_loop3A_521 = tpu.vector_load %arg13[%parallel_loop3A_519, %parallel_loop3A_520] {strides = array<i32>} : memref<64x128xf32, #tpu.memory_space<vmem>>, vector<1x16xf32>,
        %parallel_loop3A_522 = vector.shape_cast %parallel_loop3A_521 : vector<1x16xf32> to vector<16xf32>
        %parallel_loop3A_523 = arith.constant 48 : i32
        %parallel_loop3A_524 = arith.addi %mul3A_89, %parallel_loop3A_523 : i32
        %parallel_loop3A_525 = arith.index_cast %parallel_loop3A_488 : i32 to index
        %parallel_loop3A_526 = arith.index_cast %parallel_loop3A_524 : i32 to index
        %parallel_loop3A_527 = tpu.vector_load %arg13[%parallel_loop3A_525, %parallel_loop3A_526] {strides = array<i32>} : memref<64x128xf32, #tpu.memory_space<vmem>>, vector<1x16xf32>,
        %parallel_loop3A_528 = vector.shape_cast %parallel_loop3A_527 : vector<1x16xf32> to vector<16xf32>
        %parallel_loop3A_529 = arith.index_cast %parallel_loop3A_488 : i32 to index
        %parallel_loop3A_530 = arith.constant 0 : index
        %parallel_loop3A_531 = tpu.vector_load %arg15[%parallel_loop3A_529, %parallel_loop3A_530] {strides = array<i32>} : memref<64x128xf32, #tpu.memory_space<vmem>>, vector<1x16xf32>,
        %parallel_loop3A_532 = vector.shape_cast %parallel_loop3A_531 : vector<1x16xf32> to vector<16xf32>
        %parallel_loop3A_533 = arith.index_cast %parallel_loop3A_488 : i32 to index
        %parallel_loop3A_534 = arith.constant 16 : index
        %parallel_loop3A_535 = tpu.vector_load %arg15[%parallel_loop3A_533, %parallel_loop3A_534] {strides = array<i32>} : memref<64x128xf32, #tpu.memory_space<vmem>>, vector<1x16xf32>,
        %parallel_loop3A_536 = vector.shape_cast %parallel_loop3A_535 : vector<1x16xf32> to vector<16xf32>
        %parallel_loop3A_537 = arith.index_cast %parallel_loop3A_488 : i32 to index
        %parallel_loop3A_538 = arith.constant 32 : index
        %parallel_loop3A_539 = tpu.vector_load %arg15[%parallel_loop3A_537, %parallel_loop3A_538] {strides = array<i32>} : memref<64x128xf32, #tpu.memory_space<vmem>>, vector<1x16xf32>,
        %parallel_loop3A_540 = vector.shape_cast %parallel_loop3A_539 : vector<1x16xf32> to vector<16xf32>
        %parallel_loop3A_541 = arith.index_cast %parallel_loop3A_488 : i32 to index
        %parallel_loop3A_542 = arith.constant 48 : index
        %parallel_loop3A_543 = tpu.vector_load %arg15[%parallel_loop3A_541, %parallel_loop3A_542] {strides = array<i32>} : memref<64x128xf32, #tpu.memory_space<vmem>>, vector<1x16xf32>,
        %parallel_loop3A_544 = vector.shape_cast %parallel_loop3A_543 : vector<1x16xf32> to vector<16xf32>
        %parallel_loop3A_545 = arith.index_cast %parallel_loop3A_488 : i32 to index
        %parallel_loop3A_546 = arith.constant 64 : index
        %parallel_loop3A_547 = tpu.vector_load %arg15[%parallel_loop3A_545, %parallel_loop3A_546] {strides = array<i32>} : memref<64x128xf32, #tpu.memory_space<vmem>>, vector<1x16xf32>,
        %parallel_loop3A_548 = vector.shape_cast %parallel_loop3A_547 : vector<1x16xf32> to vector<16xf32>
        %parallel_loop3A_549 = arith.index_cast %parallel_loop3A_488 : i32 to index
        %parallel_loop3A_550 = arith.constant 80 : index
        %parallel_loop3A_551 = tpu.vector_load %arg15[%parallel_loop3A_549, %parallel_loop3A_550] {strides = array<i32>} : memref<64x128xf32, #tpu.memory_space<vmem>>, vector<1x16xf32>,
        %parallel_loop3A_552 = vector.shape_cast %parallel_loop3A_551 : vector<1x16xf32> to vector<16xf32>
        %parallel_loop3A_553 = arith.index_cast %parallel_loop3A_488 : i32 to index
        %parallel_loop3A_554 = arith.constant 96 : index
        %parallel_loop3A_555 = tpu.vector_load %arg15[%parallel_loop3A_553, %parallel_loop3A_554] {strides = array<i32>} : memref<64x128xf32, #tpu.memory_space<vmem>>, vector<1x16xf32>,
        %parallel_loop3A_556 = vector.shape_cast %parallel_loop3A_555 : vector<1x16xf32> to vector<16xf32>
        %parallel_loop3A_557 = arith.index_cast %parallel_loop3A_488 : i32 to index
        %parallel_loop3A_558 = arith.constant 112 : index
        %parallel_loop3A_559 = tpu.vector_load %arg15[%parallel_loop3A_557, %parallel_loop3A_558] {strides = array<i32>} : memref<64x128xf32, #tpu.memory_space<vmem>>, vector<1x16xf32>,
        %parallel_loop3A_560 = vector.shape_cast %parallel_loop3A_559 : vector<1x16xf32> to vector<16xf32>
        %parallel_loop3A_561 = arith.addf %parallel_loop3A_532, %parallel_loop3A_492 : vector<16xf32>
        %parallel_loop3A_562 = arith.mulf %parallel_loop3A_510, %parallel_loop3A_561 : vector<16xf32>
        %parallel_loop3A_563 = arith.addf %parallel_loop3A_536, %parallel_loop3A_496 : vector<16xf32>
        %parallel_loop3A_564 = arith.mulf %parallel_loop3A_516, %parallel_loop3A_563 : vector<16xf32>
        %parallel_loop3A_565 = arith.addf %parallel_loop3A_540, %parallel_loop3A_500 : vector<16xf32>
        %parallel_loop3A_566 = arith.mulf %parallel_loop3A_522, %parallel_loop3A_565 : vector<16xf32>
        %parallel_loop3A_567 = arith.addf %parallel_loop3A_544, %parallel_loop3A_504 : vector<16xf32>
        %parallel_loop3A_568 = arith.mulf %parallel_loop3A_528, %parallel_loop3A_567 : vector<16xf32>
        %parallel_loop3A_569 = arith.addf %parallel_loop3A_562, %parallel_loop3A_564 : vector<16xf32>
        %parallel_loop3A_570 = vector.shape_cast %broadcast_in_dim3A : vector<16x1xi32> to vector<16xi32>
        %parallel_loop3A_571 = tpu.dynamic_gather %parallel_loop3A_569[%parallel_loop3A_570] in [0] : vector<16xf32>, vector<16xi32> -> vector<16xf32>
        %parallel_loop3A_572 = arith.addf %parallel_loop3A_569, %parallel_loop3A_571 : vector<16xf32>
        %parallel_loop3A_573 = vector.shape_cast %broadcast_in_dim3A_80 : vector<16x1xi32> to vector<16xi32>
        %parallel_loop3A_574 = tpu.dynamic_gather %parallel_loop3A_572[%parallel_loop3A_573] in [0] : vector<16xf32>, vector<16xi32> -> vector<16xf32>
        %parallel_loop3A_575 = arith.addf %parallel_loop3A_572, %parallel_loop3A_574 : vector<16xf32>
        %parallel_loop3A_576 = vector.shape_cast %broadcast_in_dim3A_84 : vector<16x1xi32> to vector<16xi32>
        %parallel_loop3A_577 = tpu.dynamic_gather %parallel_loop3A_575[%parallel_loop3A_576] in [0] : vector<16xf32>, vector<16xi32> -> vector<16xf32>
        %parallel_loop3A_578 = arith.addf %parallel_loop3A_575, %parallel_loop3A_577 : vector<16xf32>
        %parallel_loop3A_579 = vector.shape_cast %broadcast_in_dim3A_88 : vector<16x1xi32> to vector<16xi32>
        %parallel_loop3A_580 = tpu.dynamic_gather %parallel_loop3A_578[%parallel_loop3A_579] in [0] : vector<16xf32>, vector<16xi32> -> vector<16xf32>
        %parallel_loop3A_581 = arith.addf %parallel_loop3A_578, %parallel_loop3A_580 : vector<16xf32>
        %parallel_loop3A_582 = math.exp %parallel_loop3A_581 : vector<16xf32>
        %parallel_loop3A_583 = arith.addf %parallel_loop3A_566, %parallel_loop3A_568 : vector<16xf32>
        %parallel_loop3A_584 = vector.shape_cast %broadcast_in_dim3A : vector<16x1xi32> to vector<16xi32>
        %parallel_loop3A_585 = tpu.dynamic_gather %parallel_loop3A_583[%parallel_loop3A_584] in [0] : vector<16xf32>, vector<16xi32> -> vector<16xf32>
        %parallel_loop3A_586 = arith.addf %parallel_loop3A_583, %parallel_loop3A_585 : vector<16xf32>
        %parallel_loop3A_587 = vector.shape_cast %broadcast_in_dim3A_80 : vector<16x1xi32> to vector<16xi32>
        %parallel_loop3A_588 = tpu.dynamic_gather %parallel_loop3A_586[%parallel_loop3A_587] in [0] : vector<16xf32>, vector<16xi32> -> vector<16xf32>
        %parallel_loop3A_589 = arith.addf %parallel_loop3A_586, %parallel_loop3A_588 : vector<16xf32>
        %parallel_loop3A_590 = vector.shape_cast %broadcast_in_dim3A_84 : vector<16x1xi32> to vector<16xi32>
        %parallel_loop3A_591 = tpu.dynamic_gather %parallel_loop3A_589[%parallel_loop3A_590] in [0] : vector<16xf32>, vector<16xi32> -> vector<16xf32>
        %parallel_loop3A_592 = arith.addf %parallel_loop3A_589, %parallel_loop3A_591 : vector<16xf32>
        %parallel_loop3A_593 = vector.shape_cast %broadcast_in_dim3A_88 : vector<16x1xi32> to vector<16xi32>
        %parallel_loop3A_594 = tpu.dynamic_gather %parallel_loop3A_592[%parallel_loop3A_593] in [0] : vector<16xf32>, vector<16xi32> -> vector<16xf32>
        %parallel_loop3A_595 = arith.addf %parallel_loop3A_592, %parallel_loop3A_594 : vector<16xf32>
        %parallel_loop3A_596 = math.exp %parallel_loop3A_595 : vector<16xf32>
        %parallel_loop3A_597 = arith.addf %parallel_loop3A_548, %parallel_loop3A_492 : vector<16xf32>
        %parallel_loop3A_598 = arith.mulf %parallel_loop3A_597, %parallel_loop3A_582 : vector<16xf32>
        %parallel_loop3A_599 = arith.index_cast %parallel_loop3A_488 : i32 to index
        %parallel_loop3A_600 = arith.constant 0 : index
        %parallel_loop3A_601 = tpu.vector_load %arg18[%parallel_loop3A_599, %parallel_loop3A_600] {strides = array<i32>} : memref<64x128xf32, #tpu.memory_space<vmem>>, vector<1x16xf32>,
        %parallel_loop3A_602 = vector.shape_cast %parallel_loop3A_601 : vector<1x16xf32> to vector<16xf32>
        %parallel_loop3A_603 = vector.shape_cast %parallel_loop3A_598 : vector<16xf32> to vector<1x16xf32>
        tpu.vector_store %arg18[%parallel_loop3A_599, %parallel_loop3A_600], %parallel_loop3A_603 {strides = array<i32>} : memref<64x128xf32, #tpu.memory_space<vmem>>, vector<1x16xf32>,
        %parallel_loop3A_604 = arith.addf %parallel_loop3A_552, %parallel_loop3A_496 : vector<16xf32>
        %parallel_loop3A_605 = arith.mulf %parallel_loop3A_604, %parallel_loop3A_582 : vector<16xf32>
        %parallel_loop3A_606 = arith.index_cast %parallel_loop3A_488 : i32 to index
        %parallel_loop3A_607 = arith.constant 16 : index
        %parallel_loop3A_608 = tpu.vector_load %arg18[%parallel_loop3A_606, %parallel_loop3A_607] {strides = array<i32>} : memref<64x128xf32, #tpu.memory_space<vmem>>, vector<1x16xf32>,
        %parallel_loop3A_609 = vector.shape_cast %parallel_loop3A_608 : vector<1x16xf32> to vector<16xf32>
        %parallel_loop3A_610 = vector.shape_cast %parallel_loop3A_605 : vector<16xf32> to vector<1x16xf32>
        tpu.vector_store %arg18[%parallel_loop3A_606, %parallel_loop3A_607], %parallel_loop3A_610 {strides = array<i32>} : memref<64x128xf32, #tpu.memory_space<vmem>>, vector<1x16xf32>,
        %parallel_loop3A_611 = arith.addf %parallel_loop3A_556, %parallel_loop3A_500 : vector<16xf32>
        %parallel_loop3A_612 = arith.mulf %parallel_loop3A_611, %parallel_loop3A_596 : vector<16xf32>
        %parallel_loop3A_613 = arith.index_cast %parallel_loop3A_488 : i32 to index
        %parallel_loop3A_614 = arith.constant 32 : index
        %parallel_loop3A_615 = tpu.vector_load %arg18[%parallel_loop3A_613, %parallel_loop3A_614] {strides = array<i32>} : memref<64x128xf32, #tpu.memory_space<vmem>>, vector<1x16xf32>,
        %parallel_loop3A_616 = vector.shape_cast %parallel_loop3A_615 : vector<1x16xf32> to vector<16xf32>
        %parallel_loop3A_617 = vector.shape_cast %parallel_loop3A_612 : vector<16xf32> to vector<1x16xf32>
        tpu.vector_store %arg18[%parallel_loop3A_613, %parallel_loop3A_614], %parallel_loop3A_617 {strides = array<i32>} : memref<64x128xf32, #tpu.memory_space<vmem>>, vector<1x16xf32>,
        %parallel_loop3A_618 = arith.addf %parallel_loop3A_560, %parallel_loop3A_504 : vector<16xf32>
        %parallel_loop3A_619 = arith.mulf %parallel_loop3A_618, %parallel_loop3A_596 : vector<16xf32>
        %parallel_loop3A_620 = arith.index_cast %parallel_loop3A_488 : i32 to index
        %parallel_loop3A_621 = arith.constant 48 : index
        %parallel_loop3A_622 = tpu.vector_load %arg18[%parallel_loop3A_620, %parallel_loop3A_621] {strides = array<i32>} : memref<64x128xf32, #tpu.memory_space<vmem>>, vector<1x16xf32>,
        %parallel_loop3A_623 = vector.shape_cast %parallel_loop3A_622 : vector<1x16xf32> to vector<16xf32>
        %parallel_loop3A_624 = vector.shape_cast %parallel_loop3A_619 : vector<16xf32> to vector<1x16xf32>
        tpu.vector_store %arg18[%parallel_loop3A_620, %parallel_loop3A_621], %parallel_loop3A_624 {strides = array<i32>} : memref<64x128xf32, #tpu.memory_space<vmem>>, vector<1x16xf32>,
        %parallel_loop3A_625 = arith.constant 0 : i32
        %parallel_loop3A_626 = vector.broadcast %parallel_loop3A_625 : i32 to vector<16xi32>
        %parallel_loop3A_627 = arith.cmpi eq, %iota3A, %parallel_loop3A_626 : vector<16xi32>
        %parallel_loop3A_628 = arith.constant 1 : i32
        %parallel_loop3A_629 = vector.broadcast %parallel_loop3A_628 : i32 to vector<16xi32>
        %parallel_loop3A_630 = arith.cmpi eq, %iota3A, %parallel_loop3A_629 : vector<16xi32>
        %parallel_loop3A_631 = arith.constant 0.000000e+00 : f32
        %parallel_loop3A_632 = vector.broadcast %parallel_loop3A_631 : f32 to vector<16xf32>
        %parallel_loop3A_633 = arith.select %parallel_loop3A_630, %parallel_loop3A_596, %parallel_loop3A_632 : vector<16xi1>, vector<16xf32>
        %parallel_loop3A_634 = arith.select %parallel_loop3A_627, %parallel_loop3A_582, %parallel_loop3A_633 : vector<16xi1>, vector<16xf32>
        %parallel_loop3A_635 = arith.index_cast %parallel_loop3A_488 : i32 to index
        %parallel_loop3A_636 = arith.constant 64 : index
        %parallel_loop3A_637 = tpu.vector_load %arg18[%parallel_loop3A_635, %parallel_loop3A_636] {strides = array<i32>} : memref<64x128xf32, #tpu.memory_space<vmem>>, vector<1x16xf32>,
        %parallel_loop3A_638 = vector.shape_cast %parallel_loop3A_637 : vector<1x16xf32> to vector<16xf32>
        %parallel_loop3A_639 = vector.shape_cast %parallel_loop3A_634 : vector<16xf32> to vector<1x16xf32>
        tpu.vector_store %arg18[%parallel_loop3A_635, %parallel_loop3A_636], %parallel_loop3A_639 {strides = array<i32>} : memref<64x128xf32, #tpu.memory_space<vmem>>, vector<1x16xf32>,
      } {sc.loop_unroll_factor = 4 : i64, sc.parallel_access}
      %dma_start3A_367 = arith.constant 32 : i32
      %dma_start3A_368 = arith.constant 0 : i32
      %dma_start3A_369 = tpu.memref_slice %arg18[%dma_start3A_367, %dma_start3A_368] : memref<64x128xf32, #tpu.memory_space<vmem>> -> memref<32x128xf32, #tpu.memory_space<vmem>>
      %dma_start3A_370 = arith.constant 0 : i32
      %dma_start3A_371 = arith.constant 0 : i32
      %dma_start3A_372 = tpu.memref_slice %arg8[%dma_start3A_370, %dma_start3A_371] : memref<10000x128xf32, #tpu.memory_space<vmem_shared>> -> memref<10000x128xf32, #tpu.memory_space<vmem_shared>>
      tpu.enqueue_indirect_dma source(%dma_start3A_369 : memref<32x128xf32, #tpu.memory_space<vmem>>) target(%dma_start3A_372 : memref<10000x128xf32, #tpu.memory_space<vmem_shared>>) offsets(%arg20 : memref<32xi32, #tpu.memory_space<vmem>>) semaphore(%arg29 : memref<!tpu.dma_semaphore, #tpu.memory_space<semaphore_mem>>) {add = true}
      %ge3A = arith.constant 0 : i32
      %ge3A_373 = arith.cmpi sge, %select_n3A, %ge3A : i32
      %convert_element_type3A_374 = arith.extui %ge3A_373 : i1 to i32
      %cond3A_375 = arith.constant 0 : i32
      %cond3A_376 = arith.cmpi ne, %convert_element_type3A_374, %cond3A_375 : i32
      scf.if %cond3A_376 {
        %mul3A_488 = arith.constant 320000 : i32
        %mul3A_489 = arith.muli %arg0, %mul3A_488 : i32
        %mul3A_490 = arith.constant 64 : i32
        %mul3A_491 = arith.muli %select_n3A, %mul3A_490 : i32
        %add3A_492 = arith.addi %mul3A_489, %mul3A_491 : i32
        %dma_start3A_493 = arith.constant 0 : i32
        %dma_start3A_494 = tpu.memref_slice %arg4[%add3A_492, %dma_start3A_493] : memref<640000x64xf32, #tpu.memory_space<hbm>> -> memref<64x64xf32, #tpu.memory_space<hbm>>
        %dma_start3A_495 = arith.constant 0 : i32
        %dma_start3A_496 = tpu.memref_slice %arg4[%add3A_492, %dma_start3A_495] : memref<640000x64xf32, #tpu.memory_space<hbm>> -> memref<64x64xf32, #tpu.memory_space<hbm>>
        tpu.enqueue_dma source(%dma_start3A_496 : memref<64x64xf32, #tpu.memory_space<hbm>>) target(%arg17 : memref<64x64xf32, #tpu.memory_space<vmem>>) target_semaphore(%arg27 : memref<!tpu.dma_semaphore, #tpu.memory_space<semaphore_mem>>)
      } else {
      }
      %add3A_377 = arith.constant 2 : i32
      %add3A_378 = arith.addi %add3A_293, %add3A_377 : i32
      %lt3A_379 = arith.constant 312 : i32
      %lt3A_380 = arith.cmpi slt, %add3A_378, %lt3A_379 : i32
      %convert_element_type3A_381 = arith.extui %lt3A_380 : i1 to i32
      %cond3A_382 = arith.constant 0 : i32
      %cond3A_383 = arith.cmpi ne, %convert_element_type3A_381, %cond3A_382 : i32
      scf.if %cond3A_383 {
        %add3A_488 = arith.constant 2 : i32
        %add3A_489 = arith.addi %add3A_289, %add3A_488 : i32
        %mul3A_490 = arith.constant 64 : i32
        %mul3A_491 = arith.muli %add3A_489, %mul3A_490 : i32
        %dma_start3A_492 = tpu.memref_slice %arg6[%mul3A_491] : memref<320000xi32, #tpu.memory_space<hbm>> -> memref<64xi32, #tpu.memory_space<hbm>>
        %dma_start3A_493 = tpu.memref_slice %arg6[%mul3A_491] : memref<320000xi32, #tpu.memory_space<hbm>> -> memref<64xi32, #tpu.memory_space<hbm>>
        tpu.enqueue_dma source(%dma_start3A_493 : memref<64xi32, #tpu.memory_space<hbm>>) target(%arg9 : memref<64xi32, #tpu.memory_space<vmem>>) target_semaphore(%arg21 : memref<!tpu.dma_semaphore, #tpu.memory_space<semaphore_mem>>)
        %dma_start3A_494 = tpu.memref_slice %arg5[%mul3A_491] : memref<320000xi32, #tpu.memory_space<hbm>> -> memref<64xi32, #tpu.memory_space<hbm>>
        %dma_start3A_495 = tpu.memref_slice %arg5[%mul3A_491] : memref<320000xi32, #tpu.memory_space<hbm>> -> memref<64xi32, #tpu.memory_space<hbm>>
        tpu.enqueue_dma source(%dma_start3A_495 : memref<64xi32, #tpu.memory_space<hbm>>) target(%arg11 : memref<64xi32, #tpu.memory_space<vmem>>) target_semaphore(%arg21 : memref<!tpu.dma_semaphore, #tpu.memory_space<semaphore_mem>>)
      } else {
      }
      %mul3A_384 = arith.constant 2 : i32
      %mul3A_385 = arith.muli %mul3A_384, %scan3A_284 : i32
      %add3A_386 = arith.addi %mul3A_91, %mul3A_385 : i32
      %add3A_387 = arith.constant 1 : i32
      %add3A_388 = arith.addi %add3A_386, %add3A_387 : i32
      %mul3A_389 = arith.constant 2 : i32
      %mul3A_390 = arith.muli %mul3A_389, %scan3A_284 : i32
      %add3A_391 = arith.constant 1 : i32
      %add3A_392 = arith.addi %mul3A_390, %add3A_391 : i32
      %add3A_393 = arith.constant 1 : i32
      %add3A_394 = arith.addi %add3A_392, %add3A_393 : i32
      %lt3A_395 = arith.constant 312 : i32
      %lt3A_396 = arith.cmpi slt, %add3A_394, %lt3A_395 : i32
      %convert_element_type3A_397 = arith.extui %lt3A_396 : i1 to i32
      %cond3A_398 = arith.constant 0 : i32
      %cond3A_399 = arith.cmpi ne, %convert_element_type3A_397, %cond3A_398 : i32
      scf.if %cond3A_399 {
        %add3A_488 = arith.constant 1 : i32
        %add3A_489 = arith.addi %add3A_388, %add3A_488 : i32
        %mul3A_490 = arith.constant 64 : i32
        %mul3A_491 = arith.muli %add3A_489, %mul3A_490 : i32
        %dma_wait3A_492 = tpu.memref_slice %arg6[%mul3A_491] : memref<320000xi32, #tpu.memory_space<hbm>> -> memref<64xi32, #tpu.memory_space<hbm>>
        %dma_wait3A_493 = tpu.memref_slice %arg6[%mul3A_491] : memref<320000xi32, #tpu.memory_space<hbm>> -> memref<64xi32, #tpu.memory_space<hbm>>
        tpu.wait_dma2 semaphore(%arg21 : memref<!tpu.dma_semaphore, #tpu.memory_space<semaphore_mem>>) src(%dma_wait3A_493 : memref<64xi32, #tpu.memory_space<hbm>>) dst(%arg9 : memref<64xi32, #tpu.memory_space<vmem>>)
        %dma_wait3A_494 = tpu.memref_slice %arg5[%mul3A_491] : memref<320000xi32, #tpu.memory_space<hbm>> -> memref<64xi32, #tpu.memory_space<hbm>>
        %dma_wait3A_495 = tpu.memref_slice %arg5[%mul3A_491] : memref<320000xi32, #tpu.memory_space<hbm>> -> memref<64xi32, #tpu.memory_space<hbm>>
        tpu.wait_dma2 semaphore(%arg21 : memref<!tpu.dma_semaphore, #tpu.memory_space<semaphore_mem>>) src(%dma_wait3A_495 : memref<64xi32, #tpu.memory_space<hbm>>) dst(%arg11 : memref<64xi32, #tpu.memory_space<vmem>>)
        %get3A_496 = arith.constant 0 : index
        %get3A_497 = tpu.vector_load %arg11[%get3A_496] {strides = array<i32>} : memref<64xi32, #tpu.memory_space<vmem>>, vector<16xi32>,
        %get3A_498 = vector.shape_cast %get3A_497 : vector<16xi32> to vector<16xi32>
        %mul3A_499 = arith.constant 10000 : i32
        %mul3A_500 = arith.muli %arg0, %mul3A_499 : i32
        %add3A_501 = vector.broadcast %mul3A_500 : i32 to vector<16xi32>
        %add3A_502 = arith.addi %get3A_498, %add3A_501 : vector<16xi32>
        %swap3A_503 = arith.constant 0 : index
        %swap3A_504 = tpu.vector_load %arg11[%swap3A_503] {strides = array<i32>} : memref<64xi32, #tpu.memory_space<vmem>>, vector<16xi32>,
        %swap3A_505 = vector.shape_cast %swap3A_504 : vector<16xi32> to vector<16xi32>
        %swap3A_506 = vector.shape_cast %add3A_502 : vector<16xi32> to vector<16xi32>
        tpu.vector_store %arg11[%swap3A_503], %swap3A_506 {strides = array<i32>} : memref<64xi32, #tpu.memory_space<vmem>>, vector<16xi32>,
        %get3A_507 = arith.constant 16 : index
        %get3A_508 = tpu.vector_load %arg11[%get3A_507] {strides = array<i32>} : memref<64xi32, #tpu.memory_space<vmem>>, vector<16xi32>,
        %get3A_509 = vector.shape_cast %get3A_508 : vector<16xi32> to vector<16xi32>
        %mul3A_510 = arith.constant 10000 : i32
        %mul3A_511 = arith.muli %arg0, %mul3A_510 : i32
        %add3A_512 = vector.broadcast %mul3A_511 : i32 to vector<16xi32>
        %add3A_513 = arith.addi %get3A_509, %add3A_512 : vector<16xi32>
        %swap3A_514 = arith.constant 16 : index
        %swap3A_515 = tpu.vector_load %arg11[%swap3A_514] {strides = array<i32>} : memref<64xi32, #tpu.memory_space<vmem>>, vector<16xi32>,
        %swap3A_516 = vector.shape_cast %swap3A_515 : vector<16xi32> to vector<16xi32>
        %swap3A_517 = vector.shape_cast %add3A_513 : vector<16xi32> to vector<16xi32>
        tpu.vector_store %arg11[%swap3A_514], %swap3A_517 {strides = array<i32>} : memref<64xi32, #tpu.memory_space<vmem>>, vector<16xi32>,
        %get3A_518 = arith.constant 32 : index
        %get3A_519 = tpu.vector_load %arg11[%get3A_518] {strides = array<i32>} : memref<64xi32, #tpu.memory_space<vmem>>, vector<16xi32>,
        %get3A_520 = vector.shape_cast %get3A_519 : vector<16xi32> to vector<16xi32>
        %mul3A_521 = arith.constant 10000 : i32
        %mul3A_522 = arith.muli %arg0, %mul3A_521 : i32
        %add3A_523 = vector.broadcast %mul3A_522 : i32 to vector<16xi32>
        %add3A_524 = arith.addi %get3A_520, %add3A_523 : vector<16xi32>
        %swap3A_525 = arith.constant 32 : index
        %swap3A_526 = tpu.vector_load %arg11[%swap3A_525] {strides = array<i32>} : memref<64xi32, #tpu.memory_space<vmem>>, vector<16xi32>,
        %swap3A_527 = vector.shape_cast %swap3A_526 : vector<16xi32> to vector<16xi32>
        %swap3A_528 = vector.shape_cast %add3A_524 : vector<16xi32> to vector<16xi32>
        tpu.vector_store %arg11[%swap3A_525], %swap3A_528 {strides = array<i32>} : memref<64xi32, #tpu.memory_space<vmem>>, vector<16xi32>,
        %get3A_529 = arith.constant 48 : index
        %get3A_530 = tpu.vector_load %arg11[%get3A_529] {strides = array<i32>} : memref<64xi32, #tpu.memory_space<vmem>>, vector<16xi32>,
        %get3A_531 = vector.shape_cast %get3A_530 : vector<16xi32> to vector<16xi32>
        %mul3A_532 = arith.constant 10000 : i32
        %mul3A_533 = arith.muli %arg0, %mul3A_532 : i32
        %add3A_534 = vector.broadcast %mul3A_533 : i32 to vector<16xi32>
        %add3A_535 = arith.addi %get3A_531, %add3A_534 : vector<16xi32>
        %swap3A_536 = arith.constant 48 : index
        %swap3A_537 = tpu.vector_load %arg11[%swap3A_536] {strides = array<i32>} : memref<64xi32, #tpu.memory_space<vmem>>, vector<16xi32>,
        %swap3A_538 = vector.shape_cast %swap3A_537 : vector<16xi32> to vector<16xi32>
        %swap3A_539 = vector.shape_cast %add3A_535 : vector<16xi32> to vector<16xi32>
        tpu.vector_store %arg11[%swap3A_536], %swap3A_539 {strides = array<i32>} : memref<64xi32, #tpu.memory_space<vmem>>, vector<16xi32>,
        %dma_start3A_540 = arith.constant 0 : i32
        %dma_start3A_541 = arith.constant 0 : i32
        %dma_start3A_542 = tpu.memref_slice %arg2[%dma_start3A_540, %dma_start3A_541] : memref<10000x128xf32, #tpu.memory_space<hbm>> -> memref<10000x128xf32, #tpu.memory_space<hbm>>
        tpu.enqueue_indirect_dma source(%dma_start3A_542 : memref<10000x128xf32, #tpu.memory_space<hbm>>) target(%arg13 : memref<64x128xf32, #tpu.memory_space<vmem>>) offsets(%arg9 : memref<64xi32, #tpu.memory_space<vmem>>) semaphore(%arg23 : memref<!tpu.dma_semaphore, #tpu.memory_space<semaphore_mem>>)
        %dma_start3A_543 = arith.constant 0 : i32
        %dma_start3A_544 = arith.constant 0 : i32
        %dma_start3A_545 = tpu.memref_slice %arg3[%dma_start3A_543, %dma_start3A_544] : memref<20000x128xf32, #tpu.memory_space<hbm>> -> memref<20000x128xf32, #tpu.memory_space<hbm>>
        tpu.enqueue_indirect_dma source(%dma_start3A_545 : memref<20000x128xf32, #tpu.memory_space<hbm>>) target(%arg15 : memref<64x128xf32, #tpu.memory_space<vmem>>) offsets(%arg11 : memref<64xi32, #tpu.memory_space<vmem>>) semaphore(%arg25 : memref<!tpu.dma_semaphore, #tpu.memory_space<semaphore_mem>>)
      } else {
      }
      %add3A_400 = arith.constant 1 : i32
      %add3A_401 = arith.addi %add3A_392, %add3A_400 : i32
      %lt3A_402 = arith.constant 312 : i32
      %lt3A_403 = arith.cmpi slt, %add3A_401, %lt3A_402 : i32
      %add3A_404 = arith.constant 1 : i32
      %add3A_405 = arith.addi %add3A_388, %add3A_404 : i32
      %jit3A_406 = arith.constant -1 : i32
      %select_n3A_407 = arith.select %lt3A_403, %add3A_405, %jit3A_406 : i32
      %eq3A_408 = arith.constant 0 : i32
      %eq3A_409 = arith.cmpi eq, %add3A_392, %eq3A_408 : i32
      %mul3A_410 = arith.constant 64 : i32
      %mul3A_411 = arith.muli %add3A_388, %mul3A_410 : i32
      %dma_wait3A_412 = arith.constant 0 : i32
      %dma_wait3A_413 = arith.constant 0 : i32
      %dma_wait3A_414 = tpu.memref_slice %arg2[%dma_wait3A_412, %dma_wait3A_413] : memref<10000x128xf32, #tpu.memory_space<hbm>> -> memref<10000x128xf32, #tpu.memory_space<hbm>>
      tpu.wait_indirect_dma semaphore(%arg24 : memref<!tpu.dma_semaphore, #tpu.memory_space<semaphore_mem>>) src(%dma_wait3A_414 : memref<10000x128xf32, #tpu.memory_space<hbm>>) dst(%arg14 : memref<64x128xf32, #tpu.memory_space<vmem>>)
      %dma_wait3A_415 = arith.constant 0 : i32
      %dma_wait3A_416 = arith.constant 0 : i32
      %dma_wait3A_417 = tpu.memref_slice %arg3[%dma_wait3A_415, %dma_wait3A_416] : memref<20000x128xf32, #tpu.memory_space<hbm>> -> memref<20000x128xf32, #tpu.memory_space<hbm>>
      tpu.wait_indirect_dma semaphore(%arg26 : memref<!tpu.dma_semaphore, #tpu.memory_space<semaphore_mem>>) src(%dma_wait3A_417 : memref<20000x128xf32, #tpu.memory_space<hbm>>) dst(%arg16 : memref<64x128xf32, #tpu.memory_space<vmem>>)
      %mul3A_418 = arith.constant 320000 : i32
      %mul3A_419 = arith.muli %arg0, %mul3A_418 : i32
      %add3A_420 = arith.addi %mul3A_419, %mul3A_411 : i32
      %dma_wait3A_421 = arith.constant 0 : i32
      %dma_wait3A_422 = tpu.memref_slice %arg4[%add3A_420, %dma_wait3A_421] : memref<640000x64xf32, #tpu.memory_space<hbm>> -> memref<64x64xf32, #tpu.memory_space<hbm>>
      %dma_wait3A_423 = arith.constant 0 : i32
      %dma_wait3A_424 = tpu.memref_slice %arg4[%add3A_420, %dma_wait3A_423] : memref<640000x64xf32, #tpu.memory_space<hbm>> -> memref<64x64xf32, #tpu.memory_space<hbm>>
      tpu.wait_dma2 semaphore(%arg27 : memref<!tpu.dma_semaphore, #tpu.memory_space<semaphore_mem>>) src(%dma_wait3A_424 : memref<64x64xf32, #tpu.memory_space<hbm>>) dst(%arg17 : memref<64x64xf32, #tpu.memory_space<vmem>>)
      %not3A_425 = arith.constant true
      %not3A_426 = arith.xori %eq3A_409, %not3A_425 : i1
      %convert_element_type3A_427 = arith.extui %not3A_426 : i1 to i32
      %cond3A_428 = arith.constant 0 : i32
      %cond3A_429 = arith.cmpi ne, %convert_element_type3A_427, %cond3A_428 : i32
      scf.if %cond3A_429 {
        %dma_wait3A_488 = arith.constant 0 : i32
        %dma_wait3A_489 = arith.constant 0 : i32
        %dma_wait3A_490 = arith.constant 0 : i32
        %dma_wait3A_491 = tpu.memref_slice %arg18[%dma_wait3A_489, %dma_wait3A_490] : memref<64x128xf32, #tpu.memory_space<vmem>> -> memref<32x128xf32, #tpu.memory_space<vmem>>
        %dma_wait3A_492 = arith.constant 0 : i32
        %dma_wait3A_493 = arith.constant 0 : i32
        %dma_wait3A_494 = tpu.memref_slice %arg7[%dma_wait3A_488, %dma_wait3A_492, %dma_wait3A_493] : memref<2x10000x128xf32, #tpu.memory_space<hbm>> -> memref<1x32x128xf32, #tpu.memory_space<hbm>>
        %dma_wait3A_495 = tpu.memref_squeeze %dma_wait3A_494 : memref<1x32x128xf32, #tpu.memory_space<hbm>> -> memref<32x128xf32, #tpu.memory_space<hbm>>
        %dma_wait3A_496 = arith.constant 0 : i32
        %dma_wait3A_497 = arith.constant 0 : i32
        %dma_wait3A_498 = tpu.memref_slice %arg18[%dma_wait3A_496, %dma_wait3A_497] : memref<64x128xf32, #tpu.memory_space<vmem>> -> memref<32x128xf32, #tpu.memory_space<vmem>>
        %dma_wait3A_499 = arith.constant 0 : i32
        %dma_wait3A_500 = arith.constant 0 : i32
        %dma_wait3A_501 = tpu.memref_slice %arg7[%dma_wait3A_488, %dma_wait3A_499, %dma_wait3A_500] : memref<2x10000x128xf32, #tpu.memory_space<hbm>> -> memref<1x32x128xf32, #tpu.memory_space<hbm>>
        %dma_wait3A_502 = tpu.memref_squeeze %dma_wait3A_501 : memref<1x32x128xf32, #tpu.memory_space<hbm>> -> memref<32x128xf32, #tpu.memory_space<hbm>>
        tpu.wait_dma2 semaphore(%arg28 : memref<!tpu.dma_semaphore, #tpu.memory_space<semaphore_mem>>) src(%dma_wait3A_502 : memref<32x128xf32, #tpu.memory_space<hbm>>) dst(%dma_wait3A_498 : memref<32x128xf32, #tpu.memory_space<vmem>>)
        %dma_wait3A_503 = arith.constant 0 : i32
        %dma_wait3A_504 = arith.constant 32 : i32
        %dma_wait3A_505 = arith.constant 0 : i32
        %dma_wait3A_506 = tpu.memref_slice %arg18[%dma_wait3A_504, %dma_wait3A_505] : memref<64x128xf32, #tpu.memory_space<vmem>> -> memref<32x128xf32, #tpu.memory_space<vmem>>
        %dma_wait3A_507 = arith.constant 0 : i32
        %dma_wait3A_508 = arith.constant 0 : i32
        %dma_wait3A_509 = tpu.memref_slice %arg7[%dma_wait3A_503, %dma_wait3A_507, %dma_wait3A_508] : memref<2x10000x128xf32, #tpu.memory_space<hbm>> -> memref<1x32x128xf32, #tpu.memory_space<hbm>>
        %dma_wait3A_510 = tpu.memref_squeeze %dma_wait3A_509 : memref<1x32x128xf32, #tpu.memory_space<hbm>> -> memref<32x128xf32, #tpu.memory_space<hbm>>
        %dma_wait3A_511 = arith.constant 32 : i32
        %dma_wait3A_512 = arith.constant 0 : i32
        %dma_wait3A_513 = tpu.memref_slice %arg18[%dma_wait3A_511, %dma_wait3A_512] : memref<64x128xf32, #tpu.memory_space<vmem>> -> memref<32x128xf32, #tpu.memory_space<vmem>>
        %dma_wait3A_514 = arith.constant 0 : i32
        %dma_wait3A_515 = arith.constant 0 : i32
        %dma_wait3A_516 = tpu.memref_slice %arg7[%dma_wait3A_503, %dma_wait3A_514, %dma_wait3A_515] : memref<2x10000x128xf32, #tpu.memory_space<hbm>> -> memref<1x32x128xf32, #tpu.memory_space<hbm>>
        %dma_wait3A_517 = tpu.memref_squeeze %dma_wait3A_516 : memref<1x32x128xf32, #tpu.memory_space<hbm>> -> memref<32x128xf32, #tpu.memory_space<hbm>>
        tpu.wait_dma2 semaphore(%arg29 : memref<!tpu.dma_semaphore, #tpu.memory_space<semaphore_mem>>) src(%dma_wait3A_517 : memref<32x128xf32, #tpu.memory_space<hbm>>) dst(%dma_wait3A_513 : memref<32x128xf32, #tpu.memory_space<vmem>>)
      } else {
      }
      %get3A_430 = arith.constant 0 : index
      %get3A_431 = tpu.vector_load %arg10[%get3A_430] {strides = array<i32>} : memref<64xi32, #tpu.memory_space<vmem>>, vector<16xi32>,
      %get3A_432 = vector.shape_cast %get3A_431 : vector<16xi32> to vector<16xi32>
      %swap3A_433 = arith.constant 0 : index
      %swap3A_434 = tpu.vector_load %arg19[%swap3A_433] {strides = array<i32>} : memref<32xi32, #tpu.memory_space<vmem>>, vector<16xi32>,
      %swap3A_435 = vector.shape_cast %swap3A_434 : vector<16xi32> to vector<16xi32>
      %swap3A_436 = vector.shape_cast %get3A_432 : vector<16xi32> to vector<16xi32>
      tpu.vector_store %arg19[%swap3A_433], %swap3A_436 {strides = array<i32>} : memref<32xi32, #tpu.memory_space<vmem>>, vector<16xi32>,
      %get3A_437 = arith.constant 32 : index
      %get3A_438 = tpu.vector_load %arg10[%get3A_437] {strides = array<i32>} : memref<64xi32, #tpu.memory_space<vmem>>, vector<16xi32>,
      %get3A_439 = vector.shape_cast %get3A_438 : vector<16xi32> to vector<16xi32>
      %swap3A_440 = arith.constant 0 : index
      %swap3A_441 = tpu.vector_load %arg20[%swap3A_440] {strides = array<i32>} : memref<32xi32, #tpu.memory_space<vmem>>, vector<16xi32>,
      %swap3A_442 = vector.shape_cast %swap3A_441 : vector<16xi32> to vector<16xi32>
      %swap3A_443 = vector.shape_cast %get3A_439 : vector<16xi32> to vector<16xi32>
      tpu.vector_store %arg20[%swap3A_440], %swap3A_443 {strides = array<i32>} : memref<32xi32, #tpu.memory_space<vmem>>, vector<16xi32>,
      %get3A_444 = arith.constant 16 : index
      %get3A_445 = tpu.vector_load %arg10[%get3A_444] {strides = array<i32>} : memref<64xi32, #tpu.memory_space<vmem>>, vector<16xi32>,
      %get3A_446 = vector.shape_cast %get3A_445 : vector<16xi32> to vector<16xi32>
      %swap3A_447 = arith.constant 16 : index
      %swap3A_448 = tpu.vector_load %arg19[%swap3A_447] {strides = array<i32>} : memref<32xi32, #tpu.memory_space<vmem>>, vector<16xi32>,
      %swap3A_449 = vector.shape_cast %swap3A_448 : vector<16xi32> to vector<16xi32>
      %swap3A_450 = vector.shape_cast %get3A_446 : vector<16xi32> to vector<16xi32>
      tpu.vector_store %arg19[%swap3A_447], %swap3A_450 {strides = array<i32>} : memref<32xi32, #tpu.memory_space<vmem>>, vector<16xi32>,
      %get3A_451 = arith.constant 48 : index
      %get3A_452 = tpu.vector_load %arg10[%get3A_451] {strides = array<i32>} : memref<64xi32, #tpu.memory_space<vmem>>, vector<16xi32>,
      %get3A_453 = vector.shape_cast %get3A_452 : vector<16xi32> to vector<16xi32>
      %swap3A_454 = arith.constant 16 : index
      %swap3A_455 = tpu.vector_load %arg20[%swap3A_454] {strides = array<i32>} : memref<32xi32, #tpu.memory_space<vmem>>, vector<16xi32>,
      %swap3A_456 = vector.shape_cast %swap3A_455 : vector<16xi32> to vector<16xi32>
      %swap3A_457 = vector.shape_cast %get3A_453 : vector<16xi32> to vector<16xi32>
      tpu.vector_store %arg20[%swap3A_454], %swap3A_457 {strides = array<i32>} : memref<32xi32, #tpu.memory_space<vmem>>, vector<16xi32>,
      %parallel_loop3A_458 = arith.constant 0 : i32
      %parallel_loop3A_459 = arith.constant 32 : i32
      %parallel_loop3A_460 = arith.constant 1 : i32
      scf.for %parallel_loop3A_488 = %parallel_loop3A_458 to %parallel_loop3A_459 step %parallel_loop3A_460  : i32 {
        %parallel_loop3A_489 = arith.index_cast %parallel_loop3A_488 : i32 to index
        %parallel_loop3A_490 = arith.constant 0 : index
        %parallel_loop3A_491 = tpu.vector_load %arg17[%parallel_loop3A_489, %parallel_loop3A_490] {strides = array<i32>} : memref<64x64xf32, #tpu.memory_space<vmem>>, vector<1x16xf32>,
        %parallel_loop3A_492 = vector.shape_cast %parallel_loop3A_491 : vector<1x16xf32> to vector<16xf32>
        %parallel_loop3A_493 = arith.index_cast %parallel_loop3A_488 : i32 to index
        %parallel_loop3A_494 = arith.constant 16 : index
        %parallel_loop3A_495 = tpu.vector_load %arg17[%parallel_loop3A_493, %parallel_loop3A_494] {strides = array<i32>} : memref<64x64xf32, #tpu.memory_space<vmem>>, vector<1x16xf32>,
        %parallel_loop3A_496 = vector.shape_cast %parallel_loop3A_495 : vector<1x16xf32> to vector<16xf32>
        %parallel_loop3A_497 = arith.index_cast %parallel_loop3A_488 : i32 to index
        %parallel_loop3A_498 = arith.constant 32 : index
        %parallel_loop3A_499 = tpu.vector_load %arg17[%parallel_loop3A_497, %parallel_loop3A_498] {strides = array<i32>} : memref<64x64xf32, #tpu.memory_space<vmem>>, vector<1x16xf32>,
        %parallel_loop3A_500 = vector.shape_cast %parallel_loop3A_499 : vector<1x16xf32> to vector<16xf32>
        %parallel_loop3A_501 = arith.index_cast %parallel_loop3A_488 : i32 to index
        %parallel_loop3A_502 = arith.constant 48 : index
        %parallel_loop3A_503 = tpu.vector_load %arg17[%parallel_loop3A_501, %parallel_loop3A_502] {strides = array<i32>} : memref<64x64xf32, #tpu.memory_space<vmem>>, vector<1x16xf32>,
        %parallel_loop3A_504 = vector.shape_cast %parallel_loop3A_503 : vector<1x16xf32> to vector<16xf32>
        %parallel_loop3A_505 = arith.constant 0 : i32
        %parallel_loop3A_506 = arith.addi %mul3A_89, %parallel_loop3A_505 : i32
        %parallel_loop3A_507 = arith.index_cast %parallel_loop3A_488 : i32 to index
        %parallel_loop3A_508 = arith.index_cast %parallel_loop3A_506 : i32 to index
        %parallel_loop3A_509 = tpu.vector_load %arg14[%parallel_loop3A_507, %parallel_loop3A_508] {strides = array<i32>} : memref<64x128xf32, #tpu.memory_space<vmem>>, vector<1x16xf32>,
        %parallel_loop3A_510 = vector.shape_cast %parallel_loop3A_509 : vector<1x16xf32> to vector<16xf32>
        %parallel_loop3A_511 = arith.constant 16 : i32
        %parallel_loop3A_512 = arith.addi %mul3A_89, %parallel_loop3A_511 : i32
        %parallel_loop3A_513 = arith.index_cast %parallel_loop3A_488 : i32 to index
        %parallel_loop3A_514 = arith.index_cast %parallel_loop3A_512 : i32 to index
        %parallel_loop3A_515 = tpu.vector_load %arg14[%parallel_loop3A_513, %parallel_loop3A_514] {strides = array<i32>} : memref<64x128xf32, #tpu.memory_space<vmem>>, vector<1x16xf32>,
        %parallel_loop3A_516 = vector.shape_cast %parallel_loop3A_515 : vector<1x16xf32> to vector<16xf32>
        %parallel_loop3A_517 = arith.constant 32 : i32
        %parallel_loop3A_518 = arith.addi %mul3A_89, %parallel_loop3A_517 : i32
        %parallel_loop3A_519 = arith.index_cast %parallel_loop3A_488 : i32 to index
        %parallel_loop3A_520 = arith.index_cast %parallel_loop3A_518 : i32 to index
        %parallel_loop3A_521 = tpu.vector_load %arg14[%parallel_loop3A_519, %parallel_loop3A_520] {strides = array<i32>} : memref<64x128xf32, #tpu.memory_space<vmem>>, vector<1x16xf32>,
        %parallel_loop3A_522 = vector.shape_cast %parallel_loop3A_521 : vector<1x16xf32> to vector<16xf32>
        %parallel_loop3A_523 = arith.constant 48 : i32
        %parallel_loop3A_524 = arith.addi %mul3A_89, %parallel_loop3A_523 : i32
        %parallel_loop3A_525 = arith.index_cast %parallel_loop3A_488 : i32 to index
        %parallel_loop3A_526 = arith.index_cast %parallel_loop3A_524 : i32 to index
        %parallel_loop3A_527 = tpu.vector_load %arg14[%parallel_loop3A_525, %parallel_loop3A_526] {strides = array<i32>} : memref<64x128xf32, #tpu.memory_space<vmem>>, vector<1x16xf32>,
        %parallel_loop3A_528 = vector.shape_cast %parallel_loop3A_527 : vector<1x16xf32> to vector<16xf32>
        %parallel_loop3A_529 = arith.index_cast %parallel_loop3A_488 : i32 to index
        %parallel_loop3A_530 = arith.constant 0 : index
        %parallel_loop3A_531 = tpu.vector_load %arg16[%parallel_loop3A_529, %parallel_loop3A_530] {strides = array<i32>} : memref<64x128xf32, #tpu.memory_space<vmem>>, vector<1x16xf32>,
        %parallel_loop3A_532 = vector.shape_cast %parallel_loop3A_531 : vector<1x16xf32> to vector<16xf32>
        %parallel_loop3A_533 = arith.index_cast %parallel_loop3A_488 : i32 to index
        %parallel_loop3A_534 = arith.constant 16 : index
        %parallel_loop3A_535 = tpu.vector_load %arg16[%parallel_loop3A_533, %parallel_loop3A_534] {strides = array<i32>} : memref<64x128xf32, #tpu.memory_space<vmem>>, vector<1x16xf32>,
        %parallel_loop3A_536 = vector.shape_cast %parallel_loop3A_535 : vector<1x16xf32> to vector<16xf32>
        %parallel_loop3A_537 = arith.index_cast %parallel_loop3A_488 : i32 to index
        %parallel_loop3A_538 = arith.constant 32 : index
        %parallel_loop3A_539 = tpu.vector_load %arg16[%parallel_loop3A_537, %parallel_loop3A_538] {strides = array<i32>} : memref<64x128xf32, #tpu.memory_space<vmem>>, vector<1x16xf32>,
        %parallel_loop3A_540 = vector.shape_cast %parallel_loop3A_539 : vector<1x16xf32> to vector<16xf32>
        %parallel_loop3A_541 = arith.index_cast %parallel_loop3A_488 : i32 to index
        %parallel_loop3A_542 = arith.constant 48 : index
        %parallel_loop3A_543 = tpu.vector_load %arg16[%parallel_loop3A_541, %parallel_loop3A_542] {strides = array<i32>} : memref<64x128xf32, #tpu.memory_space<vmem>>, vector<1x16xf32>,
        %parallel_loop3A_544 = vector.shape_cast %parallel_loop3A_543 : vector<1x16xf32> to vector<16xf32>
        %parallel_loop3A_545 = arith.index_cast %parallel_loop3A_488 : i32 to index
        %parallel_loop3A_546 = arith.constant 64 : index
        %parallel_loop3A_547 = tpu.vector_load %arg16[%parallel_loop3A_545, %parallel_loop3A_546] {strides = array<i32>} : memref<64x128xf32, #tpu.memory_space<vmem>>, vector<1x16xf32>,
        %parallel_loop3A_548 = vector.shape_cast %parallel_loop3A_547 : vector<1x16xf32> to vector<16xf32>
        %parallel_loop3A_549 = arith.index_cast %parallel_loop3A_488 : i32 to index
        %parallel_loop3A_550 = arith.constant 80 : index
        %parallel_loop3A_551 = tpu.vector_load %arg16[%parallel_loop3A_549, %parallel_loop3A_550] {strides = array<i32>} : memref<64x128xf32, #tpu.memory_space<vmem>>, vector<1x16xf32>,
        %parallel_loop3A_552 = vector.shape_cast %parallel_loop3A_551 : vector<1x16xf32> to vector<16xf32>
        %parallel_loop3A_553 = arith.index_cast %parallel_loop3A_488 : i32 to index
        %parallel_loop3A_554 = arith.constant 96 : index
        %parallel_loop3A_555 = tpu.vector_load %arg16[%parallel_loop3A_553, %parallel_loop3A_554] {strides = array<i32>} : memref<64x128xf32, #tpu.memory_space<vmem>>, vector<1x16xf32>,
        %parallel_loop3A_556 = vector.shape_cast %parallel_loop3A_555 : vector<1x16xf32> to vector<16xf32>
        %parallel_loop3A_557 = arith.index_cast %parallel_loop3A_488 : i32 to index
        %parallel_loop3A_558 = arith.constant 112 : index
        %parallel_loop3A_559 = tpu.vector_load %arg16[%parallel_loop3A_557, %parallel_loop3A_558] {strides = array<i32>} : memref<64x128xf32, #tpu.memory_space<vmem>>, vector<1x16xf32>,
        %parallel_loop3A_560 = vector.shape_cast %parallel_loop3A_559 : vector<1x16xf32> to vector<16xf32>
        %parallel_loop3A_561 = arith.addf %parallel_loop3A_532, %parallel_loop3A_492 : vector<16xf32>
        %parallel_loop3A_562 = arith.mulf %parallel_loop3A_510, %parallel_loop3A_561 : vector<16xf32>
        %parallel_loop3A_563 = arith.addf %parallel_loop3A_536, %parallel_loop3A_496 : vector<16xf32>
        %parallel_loop3A_564 = arith.mulf %parallel_loop3A_516, %parallel_loop3A_563 : vector<16xf32>
        %parallel_loop3A_565 = arith.addf %parallel_loop3A_540, %parallel_loop3A_500 : vector<16xf32>
        %parallel_loop3A_566 = arith.mulf %parallel_loop3A_522, %parallel_loop3A_565 : vector<16xf32>
        %parallel_loop3A_567 = arith.addf %parallel_loop3A_544, %parallel_loop3A_504 : vector<16xf32>
        %parallel_loop3A_568 = arith.mulf %parallel_loop3A_528, %parallel_loop3A_567 : vector<16xf32>
        %parallel_loop3A_569 = arith.addf %parallel_loop3A_562, %parallel_loop3A_564 : vector<16xf32>
        %parallel_loop3A_570 = vector.shape_cast %broadcast_in_dim3A : vector<16x1xi32> to vector<16xi32>
        %parallel_loop3A_571 = tpu.dynamic_gather %parallel_loop3A_569[%parallel_loop3A_570] in [0] : vector<16xf32>, vector<16xi32> -> vector<16xf32>
        %parallel_loop3A_572 = arith.addf %parallel_loop3A_569, %parallel_loop3A_571 : vector<16xf32>
        %parallel_loop3A_573 = vector.shape_cast %broadcast_in_dim3A_80 : vector<16x1xi32> to vector<16xi32>
        %parallel_loop3A_574 = tpu.dynamic_gather %parallel_loop3A_572[%parallel_loop3A_573] in [0] : vector<16xf32>, vector<16xi32> -> vector<16xf32>
        %parallel_loop3A_575 = arith.addf %parallel_loop3A_572, %parallel_loop3A_574 : vector<16xf32>
        %parallel_loop3A_576 = vector.shape_cast %broadcast_in_dim3A_84 : vector<16x1xi32> to vector<16xi32>
        %parallel_loop3A_577 = tpu.dynamic_gather %parallel_loop3A_575[%parallel_loop3A_576] in [0] : vector<16xf32>, vector<16xi32> -> vector<16xf32>
        %parallel_loop3A_578 = arith.addf %parallel_loop3A_575, %parallel_loop3A_577 : vector<16xf32>
        %parallel_loop3A_579 = vector.shape_cast %broadcast_in_dim3A_88 : vector<16x1xi32> to vector<16xi32>
        %parallel_loop3A_580 = tpu.dynamic_gather %parallel_loop3A_578[%parallel_loop3A_579] in [0] : vector<16xf32>, vector<16xi32> -> vector<16xf32>
        %parallel_loop3A_581 = arith.addf %parallel_loop3A_578, %parallel_loop3A_580 : vector<16xf32>
        %parallel_loop3A_582 = math.exp %parallel_loop3A_581 : vector<16xf32>
        %parallel_loop3A_583 = arith.addf %parallel_loop3A_566, %parallel_loop3A_568 : vector<16xf32>
        %parallel_loop3A_584 = vector.shape_cast %broadcast_in_dim3A : vector<16x1xi32> to vector<16xi32>
        %parallel_loop3A_585 = tpu.dynamic_gather %parallel_loop3A_583[%parallel_loop3A_584] in [0] : vector<16xf32>, vector<16xi32> -> vector<16xf32>
        %parallel_loop3A_586 = arith.addf %parallel_loop3A_583, %parallel_loop3A_585 : vector<16xf32>
        %parallel_loop3A_587 = vector.shape_cast %broadcast_in_dim3A_80 : vector<16x1xi32> to vector<16xi32>
        %parallel_loop3A_588 = tpu.dynamic_gather %parallel_loop3A_586[%parallel_loop3A_587] in [0] : vector<16xf32>, vector<16xi32> -> vector<16xf32>
        %parallel_loop3A_589 = arith.addf %parallel_loop3A_586, %parallel_loop3A_588 : vector<16xf32>
        %parallel_loop3A_590 = vector.shape_cast %broadcast_in_dim3A_84 : vector<16x1xi32> to vector<16xi32>
        %parallel_loop3A_591 = tpu.dynamic_gather %parallel_loop3A_589[%parallel_loop3A_590] in [0] : vector<16xf32>, vector<16xi32> -> vector<16xf32>
        %parallel_loop3A_592 = arith.addf %parallel_loop3A_589, %parallel_loop3A_591 : vector<16xf32>
        %parallel_loop3A_593 = vector.shape_cast %broadcast_in_dim3A_88 : vector<16x1xi32> to vector<16xi32>
        %parallel_loop3A_594 = tpu.dynamic_gather %parallel_loop3A_592[%parallel_loop3A_593] in [0] : vector<16xf32>, vector<16xi32> -> vector<16xf32>
        %parallel_loop3A_595 = arith.addf %parallel_loop3A_592, %parallel_loop3A_594 : vector<16xf32>
        %parallel_loop3A_596 = math.exp %parallel_loop3A_595 : vector<16xf32>
        %parallel_loop3A_597 = arith.addf %parallel_loop3A_548, %parallel_loop3A_492 : vector<16xf32>
        %parallel_loop3A_598 = arith.mulf %parallel_loop3A_597, %parallel_loop3A_582 : vector<16xf32>
        %parallel_loop3A_599 = arith.index_cast %parallel_loop3A_488 : i32 to index
        %parallel_loop3A_600 = arith.constant 0 : index
        %parallel_loop3A_601 = tpu.vector_load %arg18[%parallel_loop3A_599, %parallel_loop3A_600] {strides = array<i32>} : memref<64x128xf32, #tpu.memory_space<vmem>>, vector<1x16xf32>,
        %parallel_loop3A_602 = vector.shape_cast %parallel_loop3A_601 : vector<1x16xf32> to vector<16xf32>
        %parallel_loop3A_603 = vector.shape_cast %parallel_loop3A_598 : vector<16xf32> to vector<1x16xf32>
        tpu.vector_store %arg18[%parallel_loop3A_599, %parallel_loop3A_600], %parallel_loop3A_603 {strides = array<i32>} : memref<64x128xf32, #tpu.memory_space<vmem>>, vector<1x16xf32>,
        %parallel_loop3A_604 = arith.addf %parallel_loop3A_552, %parallel_loop3A_496 : vector<16xf32>
        %parallel_loop3A_605 = arith.mulf %parallel_loop3A_604, %parallel_loop3A_582 : vector<16xf32>
        %parallel_loop3A_606 = arith.index_cast %parallel_loop3A_488 : i32 to index
        %parallel_loop3A_607 = arith.constant 16 : index
        %parallel_loop3A_608 = tpu.vector_load %arg18[%parallel_loop3A_606, %parallel_loop3A_607] {strides = array<i32>} : memref<64x128xf32, #tpu.memory_space<vmem>>, vector<1x16xf32>,
        %parallel_loop3A_609 = vector.shape_cast %parallel_loop3A_608 : vector<1x16xf32> to vector<16xf32>
        %parallel_loop3A_610 = vector.shape_cast %parallel_loop3A_605 : vector<16xf32> to vector<1x16xf32>
        tpu.vector_store %arg18[%parallel_loop3A_606, %parallel_loop3A_607], %parallel_loop3A_610 {strides = array<i32>} : memref<64x128xf32, #tpu.memory_space<vmem>>, vector<1x16xf32>,
        %parallel_loop3A_611 = arith.addf %parallel_loop3A_556, %parallel_loop3A_500 : vector<16xf32>
        %parallel_loop3A_612 = arith.mulf %parallel_loop3A_611, %parallel_loop3A_596 : vector<16xf32>
        %parallel_loop3A_613 = arith.index_cast %parallel_loop3A_488 : i32 to index
        %parallel_loop3A_614 = arith.constant 32 : index
        %parallel_loop3A_615 = tpu.vector_load %arg18[%parallel_loop3A_613, %parallel_loop3A_614] {strides = array<i32>} : memref<64x128xf32, #tpu.memory_space<vmem>>, vector<1x16xf32>,
        %parallel_loop3A_616 = vector.shape_cast %parallel_loop3A_615 : vector<1x16xf32> to vector<16xf32>
        %parallel_loop3A_617 = vector.shape_cast %parallel_loop3A_612 : vector<16xf32> to vector<1x16xf32>
        tpu.vector_store %arg18[%parallel_loop3A_613, %parallel_loop3A_614], %parallel_loop3A_617 {strides = array<i32>} : memref<64x128xf32, #tpu.memory_space<vmem>>, vector<1x16xf32>,
        %parallel_loop3A_618 = arith.addf %parallel_loop3A_560, %parallel_loop3A_504 : vector<16xf32>
        %parallel_loop3A_619 = arith.mulf %parallel_loop3A_618, %parallel_loop3A_596 : vector<16xf32>
        %parallel_loop3A_620 = arith.index_cast %parallel_loop3A_488 : i32 to index
        %parallel_loop3A_621 = arith.constant 48 : index
        %parallel_loop3A_622 = tpu.vector_load %arg18[%parallel_loop3A_620, %parallel_loop3A_621] {strides = array<i32>} : memref<64x128xf32, #tpu.memory_space<vmem>>, vector<1x16xf32>,
        %parallel_loop3A_623 = vector.shape_cast %parallel_loop3A_622 : vector<1x16xf32> to vector<16xf32>
        %parallel_loop3A_624 = vector.shape_cast %parallel_loop3A_619 : vector<16xf32> to vector<1x16xf32>
        tpu.vector_store %arg18[%parallel_loop3A_620, %parallel_loop3A_621], %parallel_loop3A_624 {strides = array<i32>} : memref<64x128xf32, #tpu.memory_space<vmem>>, vector<1x16xf32>,
        %parallel_loop3A_625 = arith.constant 0 : i32
        %parallel_loop3A_626 = vector.broadcast %parallel_loop3A_625 : i32 to vector<16xi32>
        %parallel_loop3A_627 = arith.cmpi eq, %iota3A, %parallel_loop3A_626 : vector<16xi32>
        %parallel_loop3A_628 = arith.constant 1 : i32
        %parallel_loop3A_629 = vector.broadcast %parallel_loop3A_628 : i32 to vector<16xi32>
        %parallel_loop3A_630 = arith.cmpi eq, %iota3A, %parallel_loop3A_629 : vector<16xi32>
        %parallel_loop3A_631 = arith.constant 0.000000e+00 : f32
        %parallel_loop3A_632 = vector.broadcast %parallel_loop3A_631 : f32 to vector<16xf32>
        %parallel_loop3A_633 = arith.select %parallel_loop3A_630, %parallel_loop3A_596, %parallel_loop3A_632 : vector<16xi1>, vector<16xf32>
        %parallel_loop3A_634 = arith.select %parallel_loop3A_627, %parallel_loop3A_582, %parallel_loop3A_633 : vector<16xi1>, vector<16xf32>
        %parallel_loop3A_635 = arith.index_cast %parallel_loop3A_488 : i32 to index
        %parallel_loop3A_636 = arith.constant 64 : index
        %parallel_loop3A_637 = tpu.vector_load %arg18[%parallel_loop3A_635, %parallel_loop3A_636] {strides = array<i32>} : memref<64x128xf32, #tpu.memory_space<vmem>>, vector<1x16xf32>,
        %parallel_loop3A_638 = vector.shape_cast %parallel_loop3A_637 : vector<1x16xf32> to vector<16xf32>
        %parallel_loop3A_639 = vector.shape_cast %parallel_loop3A_634 : vector<16xf32> to vector<1x16xf32>
        tpu.vector_store %arg18[%parallel_loop3A_635, %parallel_loop3A_636], %parallel_loop3A_639 {strides = array<i32>} : memref<64x128xf32, #tpu.memory_space<vmem>>, vector<1x16xf32>,
      } {sc.loop_unroll_factor = 4 : i64, sc.parallel_access}
      %dma_start3A_461 = arith.constant 0 : i32
      %dma_start3A_462 = arith.constant 0 : i32
      %dma_start3A_463 = tpu.memref_slice %arg18[%dma_start3A_461, %dma_start3A_462] : memref<64x128xf32, #tpu.memory_space<vmem>> -> memref<32x128xf32, #tpu.memory_space<vmem>>
      %dma_start3A_464 = arith.constant 0 : i32
      %dma_start3A_465 = arith.constant 0 : i32
      %dma_start3A_466 = tpu.memref_slice %arg8[%dma_start3A_464, %dma_start3A_465] : memref<10000x128xf32, #tpu.memory_space<vmem_shared>> -> memref<10000x128xf32, #tpu.memory_space<vmem_shared>>
      tpu.enqueue_indirect_dma source(%dma_start3A_463 : memref<32x128xf32, #tpu.memory_space<vmem>>) target(%dma_start3A_466 : memref<10000x128xf32, #tpu.memory_space<vmem_shared>>) offsets(%arg19 : memref<32xi32, #tpu.memory_space<vmem>>) semaphore(%arg28 : memref<!tpu.dma_semaphore, #tpu.memory_space<semaphore_mem>>) {add = true}
      %parallel_loop3A_467 = arith.constant 32 : i32
      %parallel_loop3A_468 = arith.constant 64 : i32
      %parallel_loop3A_469 = arith.constant 1 : i32
      scf.for %parallel_loop3A_488 = %parallel_loop3A_467 to %parallel_loop3A_468 step %parallel_loop3A_469  : i32 {
        %parallel_loop3A_489 = arith.index_cast %parallel_loop3A_488 : i32 to index
        %parallel_loop3A_490 = arith.constant 0 : index
        %parallel_loop3A_491 = tpu.vector_load %arg17[%parallel_loop3A_489, %parallel_loop3A_490] {strides = array<i32>} : memref<64x64xf32, #tpu.memory_space<vmem>>, vector<1x16xf32>,
        %parallel_loop3A_492 = vector.shape_cast %parallel_loop3A_491 : vector<1x16xf32> to vector<16xf32>
        %parallel_loop3A_493 = arith.index_cast %parallel_loop3A_488 : i32 to index
        %parallel_loop3A_494 = arith.constant 16 : index
        %parallel_loop3A_495 = tpu.vector_load %arg17[%parallel_loop3A_493, %parallel_loop3A_494] {strides = array<i32>} : memref<64x64xf32, #tpu.memory_space<vmem>>, vector<1x16xf32>,
        %parallel_loop3A_496 = vector.shape_cast %parallel_loop3A_495 : vector<1x16xf32> to vector<16xf32>
        %parallel_loop3A_497 = arith.index_cast %parallel_loop3A_488 : i32 to index
        %parallel_loop3A_498 = arith.constant 32 : index
        %parallel_loop3A_499 = tpu.vector_load %arg17[%parallel_loop3A_497, %parallel_loop3A_498] {strides = array<i32>} : memref<64x64xf32, #tpu.memory_space<vmem>>, vector<1x16xf32>,
        %parallel_loop3A_500 = vector.shape_cast %parallel_loop3A_499 : vector<1x16xf32> to vector<16xf32>
        %parallel_loop3A_501 = arith.index_cast %parallel_loop3A_488 : i32 to index
        %parallel_loop3A_502 = arith.constant 48 : index
        %parallel_loop3A_503 = tpu.vector_load %arg17[%parallel_loop3A_501, %parallel_loop3A_502] {strides = array<i32>} : memref<64x64xf32, #tpu.memory_space<vmem>>, vector<1x16xf32>,
        %parallel_loop3A_504 = vector.shape_cast %parallel_loop3A_503 : vector<1x16xf32> to vector<16xf32>
        %parallel_loop3A_505 = arith.constant 0 : i32
        %parallel_loop3A_506 = arith.addi %mul3A_89, %parallel_loop3A_505 : i32
        %parallel_loop3A_507 = arith.index_cast %parallel_loop3A_488 : i32 to index
        %parallel_loop3A_508 = arith.index_cast %parallel_loop3A_506 : i32 to index
        %parallel_loop3A_509 = tpu.vector_load %arg14[%parallel_loop3A_507, %parallel_loop3A_508] {strides = array<i32>} : memref<64x128xf32, #tpu.memory_space<vmem>>, vector<1x16xf32>,
        %parallel_loop3A_510 = vector.shape_cast %parallel_loop3A_509 : vector<1x16xf32> to vector<16xf32>
        %parallel_loop3A_511 = arith.constant 16 : i32
        %parallel_loop3A_512 = arith.addi %mul3A_89, %parallel_loop3A_511 : i32
        %parallel_loop3A_513 = arith.index_cast %parallel_loop3A_488 : i32 to index
        %parallel_loop3A_514 = arith.index_cast %parallel_loop3A_512 : i32 to index
        %parallel_loop3A_515 = tpu.vector_load %arg14[%parallel_loop3A_513, %parallel_loop3A_514] {strides = array<i32>} : memref<64x128xf32, #tpu.memory_space<vmem>>, vector<1x16xf32>,
        %parallel_loop3A_516 = vector.shape_cast %parallel_loop3A_515 : vector<1x16xf32> to vector<16xf32>
        %parallel_loop3A_517 = arith.constant 32 : i32
        %parallel_loop3A_518 = arith.addi %mul3A_89, %parallel_loop3A_517 : i32
        %parallel_loop3A_519 = arith.index_cast %parallel_loop3A_488 : i32 to index
        %parallel_loop3A_520 = arith.index_cast %parallel_loop3A_518 : i32 to index
        %parallel_loop3A_521 = tpu.vector_load %arg14[%parallel_loop3A_519, %parallel_loop3A_520] {strides = array<i32>} : memref<64x128xf32, #tpu.memory_space<vmem>>, vector<1x16xf32>,
        %parallel_loop3A_522 = vector.shape_cast %parallel_loop3A_521 : vector<1x16xf32> to vector<16xf32>
        %parallel_loop3A_523 = arith.constant 48 : i32
        %parallel_loop3A_524 = arith.addi %mul3A_89, %parallel_loop3A_523 : i32
        %parallel_loop3A_525 = arith.index_cast %parallel_loop3A_488 : i32 to index
        %parallel_loop3A_526 = arith.index_cast %parallel_loop3A_524 : i32 to index
        %parallel_loop3A_527 = tpu.vector_load %arg14[%parallel_loop3A_525, %parallel_loop3A_526] {strides = array<i32>} : memref<64x128xf32, #tpu.memory_space<vmem>>, vector<1x16xf32>,
        %parallel_loop3A_528 = vector.shape_cast %parallel_loop3A_527 : vector<1x16xf32> to vector<16xf32>
        %parallel_loop3A_529 = arith.index_cast %parallel_loop3A_488 : i32 to index
        %parallel_loop3A_530 = arith.constant 0 : index
        %parallel_loop3A_531 = tpu.vector_load %arg16[%parallel_loop3A_529, %parallel_loop3A_530] {strides = array<i32>} : memref<64x128xf32, #tpu.memory_space<vmem>>, vector<1x16xf32>,
        %parallel_loop3A_532 = vector.shape_cast %parallel_loop3A_531 : vector<1x16xf32> to vector<16xf32>
        %parallel_loop3A_533 = arith.index_cast %parallel_loop3A_488 : i32 to index
        %parallel_loop3A_534 = arith.constant 16 : index
        %parallel_loop3A_535 = tpu.vector_load %arg16[%parallel_loop3A_533, %parallel_loop3A_534] {strides = array<i32>} : memref<64x128xf32, #tpu.memory_space<vmem>>, vector<1x16xf32>,
        %parallel_loop3A_536 = vector.shape_cast %parallel_loop3A_535 : vector<1x16xf32> to vector<16xf32>
        %parallel_loop3A_537 = arith.index_cast %parallel_loop3A_488 : i32 to index
        %parallel_loop3A_538 = arith.constant 32 : index
        %parallel_loop3A_539 = tpu.vector_load %arg16[%parallel_loop3A_537, %parallel_loop3A_538] {strides = array<i32>} : memref<64x128xf32, #tpu.memory_space<vmem>>, vector<1x16xf32>,
        %parallel_loop3A_540 = vector.shape_cast %parallel_loop3A_539 : vector<1x16xf32> to vector<16xf32>
        %parallel_loop3A_541 = arith.index_cast %parallel_loop3A_488 : i32 to index
        %parallel_loop3A_542 = arith.constant 48 : index
        %parallel_loop3A_543 = tpu.vector_load %arg16[%parallel_loop3A_541, %parallel_loop3A_542] {strides = array<i32>} : memref<64x128xf32, #tpu.memory_space<vmem>>, vector<1x16xf32>,
        %parallel_loop3A_544 = vector.shape_cast %parallel_loop3A_543 : vector<1x16xf32> to vector<16xf32>
        %parallel_loop3A_545 = arith.index_cast %parallel_loop3A_488 : i32 to index
        %parallel_loop3A_546 = arith.constant 64 : index
        %parallel_loop3A_547 = tpu.vector_load %arg16[%parallel_loop3A_545, %parallel_loop3A_546] {strides = array<i32>} : memref<64x128xf32, #tpu.memory_space<vmem>>, vector<1x16xf32>,
        %parallel_loop3A_548 = vector.shape_cast %parallel_loop3A_547 : vector<1x16xf32> to vector<16xf32>
        %parallel_loop3A_549 = arith.index_cast %parallel_loop3A_488 : i32 to index
        %parallel_loop3A_550 = arith.constant 80 : index
        %parallel_loop3A_551 = tpu.vector_load %arg16[%parallel_loop3A_549, %parallel_loop3A_550] {strides = array<i32>} : memref<64x128xf32, #tpu.memory_space<vmem>>, vector<1x16xf32>,
        %parallel_loop3A_552 = vector.shape_cast %parallel_loop3A_551 : vector<1x16xf32> to vector<16xf32>
        %parallel_loop3A_553 = arith.index_cast %parallel_loop3A_488 : i32 to index
        %parallel_loop3A_554 = arith.constant 96 : index
        %parallel_loop3A_555 = tpu.vector_load %arg16[%parallel_loop3A_553, %parallel_loop3A_554] {strides = array<i32>} : memref<64x128xf32, #tpu.memory_space<vmem>>, vector<1x16xf32>,
        %parallel_loop3A_556 = vector.shape_cast %parallel_loop3A_555 : vector<1x16xf32> to vector<16xf32>
        %parallel_loop3A_557 = arith.index_cast %parallel_loop3A_488 : i32 to index
        %parallel_loop3A_558 = arith.constant 112 : index
        %parallel_loop3A_559 = tpu.vector_load %arg16[%parallel_loop3A_557, %parallel_loop3A_558] {strides = array<i32>} : memref<64x128xf32, #tpu.memory_space<vmem>>, vector<1x16xf32>,
        %parallel_loop3A_560 = vector.shape_cast %parallel_loop3A_559 : vector<1x16xf32> to vector<16xf32>
        %parallel_loop3A_561 = arith.addf %parallel_loop3A_532, %parallel_loop3A_492 : vector<16xf32>
        %parallel_loop3A_562 = arith.mulf %parallel_loop3A_510, %parallel_loop3A_561 : vector<16xf32>
        %parallel_loop3A_563 = arith.addf %parallel_loop3A_536, %parallel_loop3A_496 : vector<16xf32>
        %parallel_loop3A_564 = arith.mulf %parallel_loop3A_516, %parallel_loop3A_563 : vector<16xf32>
        %parallel_loop3A_565 = arith.addf %parallel_loop3A_540, %parallel_loop3A_500 : vector<16xf32>
        %parallel_loop3A_566 = arith.mulf %parallel_loop3A_522, %parallel_loop3A_565 : vector<16xf32>
        %parallel_loop3A_567 = arith.addf %parallel_loop3A_544, %parallel_loop3A_504 : vector<16xf32>
        %parallel_loop3A_568 = arith.mulf %parallel_loop3A_528, %parallel_loop3A_567 : vector<16xf32>
        %parallel_loop3A_569 = arith.addf %parallel_loop3A_562, %parallel_loop3A_564 : vector<16xf32>
        %parallel_loop3A_570 = vector.shape_cast %broadcast_in_dim3A : vector<16x1xi32> to vector<16xi32>
        %parallel_loop3A_571 = tpu.dynamic_gather %parallel_loop3A_569[%parallel_loop3A_570] in [0] : vector<16xf32>, vector<16xi32> -> vector<16xf32>
        %parallel_loop3A_572 = arith.addf %parallel_loop3A_569, %parallel_loop3A_571 : vector<16xf32>
        %parallel_loop3A_573 = vector.shape_cast %broadcast_in_dim3A_80 : vector<16x1xi32> to vector<16xi32>
        %parallel_loop3A_574 = tpu.dynamic_gather %parallel_loop3A_572[%parallel_loop3A_573] in [0] : vector<16xf32>, vector<16xi32> -> vector<16xf32>
        %parallel_loop3A_575 = arith.addf %parallel_loop3A_572, %parallel_loop3A_574 : vector<16xf32>
        %parallel_loop3A_576 = vector.shape_cast %broadcast_in_dim3A_84 : vector<16x1xi32> to vector<16xi32>
        %parallel_loop3A_577 = tpu.dynamic_gather %parallel_loop3A_575[%parallel_loop3A_576] in [0] : vector<16xf32>, vector<16xi32> -> vector<16xf32>
        %parallel_loop3A_578 = arith.addf %parallel_loop3A_575, %parallel_loop3A_577 : vector<16xf32>
        %parallel_loop3A_579 = vector.shape_cast %broadcast_in_dim3A_88 : vector<16x1xi32> to vector<16xi32>
        %parallel_loop3A_580 = tpu.dynamic_gather %parallel_loop3A_578[%parallel_loop3A_579] in [0] : vector<16xf32>, vector<16xi32> -> vector<16xf32>
        %parallel_loop3A_581 = arith.addf %parallel_loop3A_578, %parallel_loop3A_580 : vector<16xf32>
        %parallel_loop3A_582 = math.exp %parallel_loop3A_581 : vector<16xf32>
        %parallel_loop3A_583 = arith.addf %parallel_loop3A_566, %parallel_loop3A_568 : vector<16xf32>
        %parallel_loop3A_584 = vector.shape_cast %broadcast_in_dim3A : vector<16x1xi32> to vector<16xi32>
        %parallel_loop3A_585 = tpu.dynamic_gather %parallel_loop3A_583[%parallel_loop3A_584] in [0] : vector<16xf32>, vector<16xi32> -> vector<16xf32>
        %parallel_loop3A_586 = arith.addf %parallel_loop3A_583, %parallel_loop3A_585 : vector<16xf32>
        %parallel_loop3A_587 = vector.shape_cast %broadcast_in_dim3A_80 : vector<16x1xi32> to vector<16xi32>
        %parallel_loop3A_588 = tpu.dynamic_gather %parallel_loop3A_586[%parallel_loop3A_587] in [0] : vector<16xf32>, vector<16xi32> -> vector<16xf32>
        %parallel_loop3A_589 = arith.addf %parallel_loop3A_586, %parallel_loop3A_588 : vector<16xf32>
        %parallel_loop3A_590 = vector.shape_cast %broadcast_in_dim3A_84 : vector<16x1xi32> to vector<16xi32>
        %parallel_loop3A_591 = tpu.dynamic_gather %parallel_loop3A_589[%parallel_loop3A_590] in [0] : vector<16xf32>, vector<16xi32> -> vector<16xf32>
        %parallel_loop3A_592 = arith.addf %parallel_loop3A_589, %parallel_loop3A_591 : vector<16xf32>
        %parallel_loop3A_593 = vector.shape_cast %broadcast_in_dim3A_88 : vector<16x1xi32> to vector<16xi32>
        %parallel_loop3A_594 = tpu.dynamic_gather %parallel_loop3A_592[%parallel_loop3A_593] in [0] : vector<16xf32>, vector<16xi32> -> vector<16xf32>
        %parallel_loop3A_595 = arith.addf %parallel_loop3A_592, %parallel_loop3A_594 : vector<16xf32>
        %parallel_loop3A_596 = math.exp %parallel_loop3A_595 : vector<16xf32>
        %parallel_loop3A_597 = arith.addf %parallel_loop3A_548, %parallel_loop3A_492 : vector<16xf32>
        %parallel_loop3A_598 = arith.mulf %parallel_loop3A_597, %parallel_loop3A_582 : vector<16xf32>
        %parallel_loop3A_599 = arith.index_cast %parallel_loop3A_488 : i32 to index
        %parallel_loop3A_600 = arith.constant 0 : index
        %parallel_loop3A_601 = tpu.vector_load %arg18[%parallel_loop3A_599, %parallel_loop3A_600] {strides = array<i32>} : memref<64x128xf32, #tpu.memory_space<vmem>>, vector<1x16xf32>,
        %parallel_loop3A_602 = vector.shape_cast %parallel_loop3A_601 : vector<1x16xf32> to vector<16xf32>
        %parallel_loop3A_603 = vector.shape_cast %parallel_loop3A_598 : vector<16xf32> to vector<1x16xf32>
        tpu.vector_store %arg18[%parallel_loop3A_599, %parallel_loop3A_600], %parallel_loop3A_603 {strides = array<i32>} : memref<64x128xf32, #tpu.memory_space<vmem>>, vector<1x16xf32>,
        %parallel_loop3A_604 = arith.addf %parallel_loop3A_552, %parallel_loop3A_496 : vector<16xf32>
        %parallel_loop3A_605 = arith.mulf %parallel_loop3A_604, %parallel_loop3A_582 : vector<16xf32>
        %parallel_loop3A_606 = arith.index_cast %parallel_loop3A_488 : i32 to index
        %parallel_loop3A_607 = arith.constant 16 : index
        %parallel_loop3A_608 = tpu.vector_load %arg18[%parallel_loop3A_606, %parallel_loop3A_607] {strides = array<i32>} : memref<64x128xf32, #tpu.memory_space<vmem>>, vector<1x16xf32>,
        %parallel_loop3A_609 = vector.shape_cast %parallel_loop3A_608 : vector<1x16xf32> to vector<16xf32>
        %parallel_loop3A_610 = vector.shape_cast %parallel_loop3A_605 : vector<16xf32> to vector<1x16xf32>
        tpu.vector_store %arg18[%parallel_loop3A_606, %parallel_loop3A_607], %parallel_loop3A_610 {strides = array<i32>} : memref<64x128xf32, #tpu.memory_space<vmem>>, vector<1x16xf32>,
        %parallel_loop3A_611 = arith.addf %parallel_loop3A_556, %parallel_loop3A_500 : vector<16xf32>
        %parallel_loop3A_612 = arith.mulf %parallel_loop3A_611, %parallel_loop3A_596 : vector<16xf32>
        %parallel_loop3A_613 = arith.index_cast %parallel_loop3A_488 : i32 to index
        %parallel_loop3A_614 = arith.constant 32 : index
        %parallel_loop3A_615 = tpu.vector_load %arg18[%parallel_loop3A_613, %parallel_loop3A_614] {strides = array<i32>} : memref<64x128xf32, #tpu.memory_space<vmem>>, vector<1x16xf32>,
        %parallel_loop3A_616 = vector.shape_cast %parallel_loop3A_615 : vector<1x16xf32> to vector<16xf32>
        %parallel_loop3A_617 = vector.shape_cast %parallel_loop3A_612 : vector<16xf32> to vector<1x16xf32>
        tpu.vector_store %arg18[%parallel_loop3A_613, %parallel_loop3A_614], %parallel_loop3A_617 {strides = array<i32>} : memref<64x128xf32, #tpu.memory_space<vmem>>, vector<1x16xf32>,
        %parallel_loop3A_618 = arith.addf %parallel_loop3A_560, %parallel_loop3A_504 : vector<16xf32>
        %parallel_loop3A_619 = arith.mulf %parallel_loop3A_618, %parallel_loop3A_596 : vector<16xf32>
        %parallel_loop3A_620 = arith.index_cast %parallel_loop3A_488 : i32 to index
        %parallel_loop3A_621 = arith.constant 48 : index
        %parallel_loop3A_622 = tpu.vector_load %arg18[%parallel_loop3A_620, %parallel_loop3A_621] {strides = array<i32>} : memref<64x128xf32, #tpu.memory_space<vmem>>, vector<1x16xf32>,
        %parallel_loop3A_623 = vector.shape_cast %parallel_loop3A_622 : vector<1x16xf32> to vector<16xf32>
        %parallel_loop3A_624 = vector.shape_cast %parallel_loop3A_619 : vector<16xf32> to vector<1x16xf32>
        tpu.vector_store %arg18[%parallel_loop3A_620, %parallel_loop3A_621], %parallel_loop3A_624 {strides = array<i32>} : memref<64x128xf32, #tpu.memory_space<vmem>>, vector<1x16xf32>,
        %parallel_loop3A_625 = arith.constant 0 : i32
        %parallel_loop3A_626 = vector.broadcast %parallel_loop3A_625 : i32 to vector<16xi32>
        %parallel_loop3A_627 = arith.cmpi eq, %iota3A, %parallel_loop3A_626 : vector<16xi32>
        %parallel_loop3A_628 = arith.constant 1 : i32
        %parallel_loop3A_629 = vector.broadcast %parallel_loop3A_628 : i32 to vector<16xi32>
        %parallel_loop3A_630 = arith.cmpi eq, %iota3A, %parallel_loop3A_629 : vector<16xi32>
        %parallel_loop3A_631 = arith.constant 0.000000e+00 : f32
        %parallel_loop3A_632 = vector.broadcast %parallel_loop3A_631 : f32 to vector<16xf32>
        %parallel_loop3A_633 = arith.select %parallel_loop3A_630, %parallel_loop3A_596, %parallel_loop3A_632 : vector<16xi1>, vector<16xf32>
        %parallel_loop3A_634 = arith.select %parallel_loop3A_627, %parallel_loop3A_582, %parallel_loop3A_633 : vector<16xi1>, vector<16xf32>
        %parallel_loop3A_635 = arith.index_cast %parallel_loop3A_488 : i32 to index
        %parallel_loop3A_636 = arith.constant 64 : index
        %parallel_loop3A_637 = tpu.vector_load %arg18[%parallel_loop3A_635, %parallel_loop3A_636] {strides = array<i32>} : memref<64x128xf32, #tpu.memory_space<vmem>>, vector<1x16xf32>,
        %parallel_loop3A_638 = vector.shape_cast %parallel_loop3A_637 : vector<1x16xf32> to vector<16xf32>
        %parallel_loop3A_639 = vector.shape_cast %parallel_loop3A_634 : vector<16xf32> to vector<1x16xf32>
        tpu.vector_store %arg18[%parallel_loop3A_635, %parallel_loop3A_636], %parallel_loop3A_639 {strides = array<i32>} : memref<64x128xf32, #tpu.memory_space<vmem>>, vector<1x16xf32>,
      } {sc.loop_unroll_factor = 4 : i64, sc.parallel_access}
      %dma_start3A_470 = arith.constant 32 : i32
      %dma_start3A_471 = arith.constant 0 : i32
      %dma_start3A_472 = tpu.memref_slice %arg18[%dma_start3A_470, %dma_start3A_471] : memref<64x128xf32, #tpu.memory_space<vmem>> -> memref<32x128xf32, #tpu.memory_space<vmem>>
      %dma_start3A_473 = arith.constant 0 : i32
      %dma_start3A_474 = arith.constant 0 : i32
      %dma_start3A_475 = tpu.memref_slice %arg8[%dma_start3A_473, %dma_start3A_474] : memref<10000x128xf32, #tpu.memory_space<vmem_shared>> -> memref<10000x128xf32, #tpu.memory_space<vmem_shared>>
      tpu.enqueue_indirect_dma source(%dma_start3A_472 : memref<32x128xf32, #tpu.memory_space<vmem>>) target(%dma_start3A_475 : memref<10000x128xf32, #tpu.memory_space<vmem_shared>>) offsets(%arg20 : memref<32xi32, #tpu.memory_space<vmem>>) semaphore(%arg29 : memref<!tpu.dma_semaphore, #tpu.memory_space<semaphore_mem>>) {add = true}
      %ge3A_476 = arith.constant 0 : i32
      %ge3A_477 = arith.cmpi sge, %select_n3A_407, %ge3A_476 : i32
      %convert_element_type3A_478 = arith.extui %ge3A_477 : i1 to i32
      %cond3A_479 = arith.constant 0 : i32
      %cond3A_480 = arith.cmpi ne, %convert_element_type3A_478, %cond3A_479 : i32
      scf.if %cond3A_480 {
        %mul3A_488 = arith.constant 320000 : i32
        %mul3A_489 = arith.muli %arg0, %mul3A_488 : i32
        %mul3A_490 = arith.constant 64 : i32
        %mul3A_491 = arith.muli %select_n3A_407, %mul3A_490 : i32
        %add3A_492 = arith.addi %mul3A_489, %mul3A_491 : i32
        %dma_start3A_493 = arith.constant 0 : i32
        %dma_start3A_494 = tpu.memref_slice %arg4[%add3A_492, %dma_start3A_493] : memref<640000x64xf32, #tpu.memory_space<hbm>> -> memref<64x64xf32, #tpu.memory_space<hbm>>
        %dma_start3A_495 = arith.constant 0 : i32
        %dma_start3A_496 = tpu.memref_slice %arg4[%add3A_492, %dma_start3A_495] : memref<640000x64xf32, #tpu.memory_space<hbm>> -> memref<64x64xf32, #tpu.memory_space<hbm>>
        tpu.enqueue_dma source(%dma_start3A_496 : memref<64x64xf32, #tpu.memory_space<hbm>>) target(%arg17 : memref<64x64xf32, #tpu.memory_space<vmem>>) target_semaphore(%arg27 : memref<!tpu.dma_semaphore, #tpu.memory_space<semaphore_mem>>)
      } else {
      }
      %add3A_481 = arith.constant 2 : i32
      %add3A_482 = arith.addi %add3A_392, %add3A_481 : i32
      %lt3A_483 = arith.constant 312 : i32
      %lt3A_484 = arith.cmpi slt, %add3A_482, %lt3A_483 : i32
      %convert_element_type3A_485 = arith.extui %lt3A_484 : i1 to i32
      %cond3A_486 = arith.constant 0 : i32
      %cond3A_487 = arith.cmpi ne, %convert_element_type3A_485, %cond3A_486 : i32
      scf.if %cond3A_487 {
        %add3A_488 = arith.constant 2 : i32
        %add3A_489 = arith.addi %add3A_388, %add3A_488 : i32
        %mul3A_490 = arith.constant 64 : i32
        %mul3A_491 = arith.muli %add3A_489, %mul3A_490 : i32
        %dma_start3A_492 = tpu.memref_slice %arg6[%mul3A_491] : memref<320000xi32, #tpu.memory_space<hbm>> -> memref<64xi32, #tpu.memory_space<hbm>>
        %dma_start3A_493 = tpu.memref_slice %arg6[%mul3A_491] : memref<320000xi32, #tpu.memory_space<hbm>> -> memref<64xi32, #tpu.memory_space<hbm>>
        tpu.enqueue_dma source(%dma_start3A_493 : memref<64xi32, #tpu.memory_space<hbm>>) target(%arg10 : memref<64xi32, #tpu.memory_space<vmem>>) target_semaphore(%arg22 : memref<!tpu.dma_semaphore, #tpu.memory_space<semaphore_mem>>)
        %dma_start3A_494 = tpu.memref_slice %arg5[%mul3A_491] : memref<320000xi32, #tpu.memory_space<hbm>> -> memref<64xi32, #tpu.memory_space<hbm>>
        %dma_start3A_495 = tpu.memref_slice %arg5[%mul3A_491] : memref<320000xi32, #tpu.memory_space<hbm>> -> memref<64xi32, #tpu.memory_space<hbm>>
        tpu.enqueue_dma source(%dma_start3A_495 : memref<64xi32, #tpu.memory_space<hbm>>) target(%arg12 : memref<64xi32, #tpu.memory_space<vmem>>) target_semaphore(%arg22 : memref<!tpu.dma_semaphore, #tpu.memory_space<semaphore_mem>>)
      } else {
      }
    }
    %scan3A_172 = arith.constant 156 : i32
    %dma_wait3A_173 = arith.constant 0 : i32
    %dma_wait3A_174 = arith.constant 0 : i32
    %dma_wait3A_175 = arith.constant 0 : i32
    %dma_wait3A_176 = tpu.memref_slice %arg18[%dma_wait3A_174, %dma_wait3A_175] : memref<64x128xf32, #tpu.memory_space<vmem>> -> memref<32x128xf32, #tpu.memory_space<vmem>>
    %dma_wait3A_177 = arith.constant 0 : i32
    %dma_wait3A_178 = arith.constant 0 : i32
    %dma_wait3A_179 = tpu.memref_slice %arg7[%dma_wait3A_173, %dma_wait3A_177, %dma_wait3A_178] : memref<2x10000x128xf32, #tpu.memory_space<hbm>> -> memref<1x32x128xf32, #tpu.memory_space<hbm>>
    %dma_wait3A_180 = tpu.memref_squeeze %dma_wait3A_179 : memref<1x32x128xf32, #tpu.memory_space<hbm>> -> memref<32x128xf32, #tpu.memory_space<hbm>>
    %dma_wait3A_181 = arith.constant 0 : i32
    %dma_wait3A_182 = arith.constant 0 : i32
    %dma_wait3A_183 = tpu.memref_slice %arg18[%dma_wait3A_181, %dma_wait3A_182] : memref<64x128xf32, #tpu.memory_space<vmem>> -> memref<32x128xf32, #tpu.memory_space<vmem>>
    %dma_wait3A_184 = arith.constant 0 : i32
    %dma_wait3A_185 = arith.constant 0 : i32
    %dma_wait3A_186 = tpu.memref_slice %arg7[%dma_wait3A_173, %dma_wait3A_184, %dma_wait3A_185] : memref<2x10000x128xf32, #tpu.memory_space<hbm>> -> memref<1x32x128xf32, #tpu.memory_space<hbm>>
    %dma_wait3A_187 = tpu.memref_squeeze %dma_wait3A_186 : memref<1x32x128xf32, #tpu.memory_space<hbm>> -> memref<32x128xf32, #tpu.memory_space<hbm>>
    tpu.wait_dma2 semaphore(%arg28 : memref<!tpu.dma_semaphore, #tpu.memory_space<semaphore_mem>>) src(%dma_wait3A_187 : memref<32x128xf32, #tpu.memory_space<hbm>>) dst(%dma_wait3A_183 : memref<32x128xf32, #tpu.memory_space<vmem>>)
    %dma_wait3A_188 = arith.constant 0 : i32
    %dma_wait3A_189 = arith.constant 32 : i32
    %dma_wait3A_190 = arith.constant 0 : i32
    %dma_wait3A_191 = tpu.memref_slice %arg18[%dma_wait3A_189, %dma_wait3A_190] : memref<64x128xf32, #tpu.memory_space<vmem>> -> memref<32x128xf32, #tpu.memory_space<vmem>>
    %dma_wait3A_192 = arith.constant 0 : i32
    %dma_wait3A_193 = arith.constant 0 : i32
    %dma_wait3A_194 = tpu.memref_slice %arg7[%dma_wait3A_188, %dma_wait3A_192, %dma_wait3A_193] : memref<2x10000x128xf32, #tpu.memory_space<hbm>> -> memref<1x32x128xf32, #tpu.memory_space<hbm>>
    %dma_wait3A_195 = tpu.memref_squeeze %dma_wait3A_194 : memref<1x32x128xf32, #tpu.memory_space<hbm>> -> memref<32x128xf32, #tpu.memory_space<hbm>>
    %dma_wait3A_196 = arith.constant 32 : i32
    %dma_wait3A_197 = arith.constant 0 : i32
    %dma_wait3A_198 = tpu.memref_slice %arg18[%dma_wait3A_196, %dma_wait3A_197] : memref<64x128xf32, #tpu.memory_space<vmem>> -> memref<32x128xf32, #tpu.memory_space<vmem>>
    %dma_wait3A_199 = arith.constant 0 : i32
    %dma_wait3A_200 = arith.constant 0 : i32
    %dma_wait3A_201 = tpu.memref_slice %arg7[%dma_wait3A_188, %dma_wait3A_199, %dma_wait3A_200] : memref<2x10000x128xf32, #tpu.memory_space<hbm>> -> memref<1x32x128xf32, #tpu.memory_space<hbm>>
    %dma_wait3A_202 = tpu.memref_squeeze %dma_wait3A_201 : memref<1x32x128xf32, #tpu.memory_space<hbm>> -> memref<32x128xf32, #tpu.memory_space<hbm>>
    tpu.wait_dma2 semaphore(%arg29 : memref<!tpu.dma_semaphore, #tpu.memory_space<semaphore_mem>>) src(%dma_wait3A_202 : memref<32x128xf32, #tpu.memory_space<hbm>>) dst(%dma_wait3A_198 : memref<32x128xf32, #tpu.memory_space<vmem>>)
    %lt3A_203 = arith.constant 8 : i32
    %lt3A_204 = arith.cmpi slt, %arg1, %lt3A_203 : i32
    %convert_element_type3A_205 = arith.extui %lt3A_204 : i1 to i32
    %cond3A_206 = arith.constant 0 : i32
    %cond3A_207 = arith.cmpi ne, %convert_element_type3A_205, %cond3A_206 : i32
    scf.if %cond3A_207 {
      %add3A_284 = arith.constant 4992 : i32
      %add3A_285 = arith.addi %add3A_284, %arg1 : i32
      %mul3A_286 = arith.constant 64 : i32
      %mul3A_287 = arith.muli %add3A_285, %mul3A_286 : i32
      %dma_start3A_288 = tpu.memref_slice %arg6[%mul3A_287] : memref<320000xi32, #tpu.memory_space<hbm>> -> memref<64xi32, #tpu.memory_space<hbm>>
      %dma_start3A_289 = tpu.memref_slice %arg6[%mul3A_287] : memref<320000xi32, #tpu.memory_space<hbm>> -> memref<64xi32, #tpu.memory_space<hbm>>
      tpu.enqueue_dma source(%dma_start3A_289 : memref<64xi32, #tpu.memory_space<hbm>>) target(%arg9 : memref<64xi32, #tpu.memory_space<vmem>>) target_semaphore(%arg21 : memref<!tpu.dma_semaphore, #tpu.memory_space<semaphore_mem>>)
      %dma_start3A_290 = tpu.memref_slice %arg5[%mul3A_287] : memref<320000xi32, #tpu.memory_space<hbm>> -> memref<64xi32, #tpu.memory_space<hbm>>
      %dma_start3A_291 = tpu.memref_slice %arg5[%mul3A_287] : memref<320000xi32, #tpu.memory_space<hbm>> -> memref<64xi32, #tpu.memory_space<hbm>>
      tpu.enqueue_dma source(%dma_start3A_291 : memref<64xi32, #tpu.memory_space<hbm>>) target(%arg11 : memref<64xi32, #tpu.memory_space<vmem>>) target_semaphore(%arg21 : memref<!tpu.dma_semaphore, #tpu.memory_space<semaphore_mem>>)
      %mul3A_292 = arith.constant 320000 : i32
      %mul3A_293 = arith.muli %arg0, %mul3A_292 : i32
      %mul3A_294 = arith.constant 64 : i32
      %mul3A_295 = arith.muli %add3A_285, %mul3A_294 : i32
      %add3A_296 = arith.addi %mul3A_293, %mul3A_295 : i32
      %dma_start3A_297 = arith.constant 0 : i32
      %dma_start3A_298 = tpu.memref_slice %arg4[%add3A_296, %dma_start3A_297] : memref<640000x64xf32, #tpu.memory_space<hbm>> -> memref<64x64xf32, #tpu.memory_space<hbm>>
      %dma_start3A_299 = arith.constant 0 : i32
      %dma_start3A_300 = tpu.memref_slice %arg4[%add3A_296, %dma_start3A_299] : memref<640000x64xf32, #tpu.memory_space<hbm>> -> memref<64x64xf32, #tpu.memory_space<hbm>>
      tpu.enqueue_dma source(%dma_start3A_300 : memref<64x64xf32, #tpu.memory_space<hbm>>) target(%arg17 : memref<64x64xf32, #tpu.memory_space<vmem>>) target_semaphore(%arg27 : memref<!tpu.dma_semaphore, #tpu.memory_space<semaphore_mem>>)
      %mul3A_301 = arith.constant 64 : i32
      %mul3A_302 = arith.muli %add3A_285, %mul3A_301 : i32
      %dma_wait3A_303 = tpu.memref_slice %arg6[%mul3A_302] : memref<320000xi32, #tpu.memory_space<hbm>> -> memref<64xi32, #tpu.memory_space<hbm>>
      %dma_wait3A_304 = tpu.memref_slice %arg6[%mul3A_302] : memref<320000xi32, #tpu.memory_space<hbm>> -> memref<64xi32, #tpu.memory_space<hbm>>
      tpu.wait_dma2 semaphore(%arg21 : memref<!tpu.dma_semaphore, #tpu.memory_space<semaphore_mem>>) src(%dma_wait3A_304 : memref<64xi32, #tpu.memory_space<hbm>>) dst(%arg9 : memref<64xi32, #tpu.memory_space<vmem>>)
      %dma_wait3A_305 = tpu.memref_slice %arg5[%mul3A_302] : memref<320000xi32, #tpu.memory_space<hbm>> -> memref<64xi32, #tpu.memory_space<hbm>>
      %dma_wait3A_306 = tpu.memref_slice %arg5[%mul3A_302] : memref<320000xi32, #tpu.memory_space<hbm>> -> memref<64xi32, #tpu.memory_space<hbm>>
      tpu.wait_dma2 semaphore(%arg21 : memref<!tpu.dma_semaphore, #tpu.memory_space<semaphore_mem>>) src(%dma_wait3A_306 : memref<64xi32, #tpu.memory_space<hbm>>) dst(%arg11 : memref<64xi32, #tpu.memory_space<vmem>>)
      %get3A_307 = arith.constant 0 : index
      %get3A_308 = tpu.vector_load %arg11[%get3A_307] {strides = array<i32>} : memref<64xi32, #tpu.memory_space<vmem>>, vector<16xi32>,
      %get3A_309 = vector.shape_cast %get3A_308 : vector<16xi32> to vector<16xi32>
      %mul3A_310 = arith.constant 10000 : i32
      %mul3A_311 = arith.muli %arg0, %mul3A_310 : i32
      %add3A_312 = vector.broadcast %mul3A_311 : i32 to vector<16xi32>
      %add3A_313 = arith.addi %get3A_309, %add3A_312 : vector<16xi32>
      %swap3A_314 = arith.constant 0 : index
      %swap3A_315 = tpu.vector_load %arg11[%swap3A_314] {strides = array<i32>} : memref<64xi32, #tpu.memory_space<vmem>>, vector<16xi32>,
      %swap3A_316 = vector.shape_cast %swap3A_315 : vector<16xi32> to vector<16xi32>
      %swap3A_317 = vector.shape_cast %add3A_313 : vector<16xi32> to vector<16xi32>
      tpu.vector_store %arg11[%swap3A_314], %swap3A_317 {strides = array<i32>} : memref<64xi32, #tpu.memory_space<vmem>>, vector<16xi32>,
      %get3A_318 = arith.constant 16 : index
      %get3A_319 = tpu.vector_load %arg11[%get3A_318] {strides = array<i32>} : memref<64xi32, #tpu.memory_space<vmem>>, vector<16xi32>,
      %get3A_320 = vector.shape_cast %get3A_319 : vector<16xi32> to vector<16xi32>
      %mul3A_321 = arith.constant 10000 : i32
      %mul3A_322 = arith.muli %arg0, %mul3A_321 : i32
      %add3A_323 = vector.broadcast %mul3A_322 : i32 to vector<16xi32>
      %add3A_324 = arith.addi %get3A_320, %add3A_323 : vector<16xi32>
      %swap3A_325 = arith.constant 16 : index
      %swap3A_326 = tpu.vector_load %arg11[%swap3A_325] {strides = array<i32>} : memref<64xi32, #tpu.memory_space<vmem>>, vector<16xi32>,
      %swap3A_327 = vector.shape_cast %swap3A_326 : vector<16xi32> to vector<16xi32>
      %swap3A_328 = vector.shape_cast %add3A_324 : vector<16xi32> to vector<16xi32>
      tpu.vector_store %arg11[%swap3A_325], %swap3A_328 {strides = array<i32>} : memref<64xi32, #tpu.memory_space<vmem>>, vector<16xi32>,
      %get3A_329 = arith.constant 32 : index
      %get3A_330 = tpu.vector_load %arg11[%get3A_329] {strides = array<i32>} : memref<64xi32, #tpu.memory_space<vmem>>, vector<16xi32>,
      %get3A_331 = vector.shape_cast %get3A_330 : vector<16xi32> to vector<16xi32>
      %mul3A_332 = arith.constant 10000 : i32
      %mul3A_333 = arith.muli %arg0, %mul3A_332 : i32
      %add3A_334 = vector.broadcast %mul3A_333 : i32 to vector<16xi32>
      %add3A_335 = arith.addi %get3A_331, %add3A_334 : vector<16xi32>
      %swap3A_336 = arith.constant 32 : index
      %swap3A_337 = tpu.vector_load %arg11[%swap3A_336] {strides = array<i32>} : memref<64xi32, #tpu.memory_space<vmem>>, vector<16xi32>,
      %swap3A_338 = vector.shape_cast %swap3A_337 : vector<16xi32> to vector<16xi32>
      %swap3A_339 = vector.shape_cast %add3A_335 : vector<16xi32> to vector<16xi32>
      tpu.vector_store %arg11[%swap3A_336], %swap3A_339 {strides = array<i32>} : memref<64xi32, #tpu.memory_space<vmem>>, vector<16xi32>,
      %get3A_340 = arith.constant 48 : index
      %get3A_341 = tpu.vector_load %arg11[%get3A_340] {strides = array<i32>} : memref<64xi32, #tpu.memory_space<vmem>>, vector<16xi32>,
      %get3A_342 = vector.shape_cast %get3A_341 : vector<16xi32> to vector<16xi32>
      %mul3A_343 = arith.constant 10000 : i32
      %mul3A_344 = arith.muli %arg0, %mul3A_343 : i32
      %add3A_345 = vector.broadcast %mul3A_344 : i32 to vector<16xi32>
      %add3A_346 = arith.addi %get3A_342, %add3A_345 : vector<16xi32>
      %swap3A_347 = arith.constant 48 : index
      %swap3A_348 = tpu.vector_load %arg11[%swap3A_347] {strides = array<i32>} : memref<64xi32, #tpu.memory_space<vmem>>, vector<16xi32>,
      %swap3A_349 = vector.shape_cast %swap3A_348 : vector<16xi32> to vector<16xi32>
      %swap3A_350 = vector.shape_cast %add3A_346 : vector<16xi32> to vector<16xi32>
      tpu.vector_store %arg11[%swap3A_347], %swap3A_350 {strides = array<i32>} : memref<64xi32, #tpu.memory_space<vmem>>, vector<16xi32>,
      %dma_start3A_351 = arith.constant 0 : i32
      %dma_start3A_352 = arith.constant 0 : i32
      %dma_start3A_353 = tpu.memref_slice %arg2[%dma_start3A_351, %dma_start3A_352] : memref<10000x128xf32, #tpu.memory_space<hbm>> -> memref<10000x128xf32, #tpu.memory_space<hbm>>
      tpu.enqueue_indirect_dma source(%dma_start3A_353 : memref<10000x128xf32, #tpu.memory_space<hbm>>) target(%arg13 : memref<64x128xf32, #tpu.memory_space<vmem>>) offsets(%arg9 : memref<64xi32, #tpu.memory_space<vmem>>) semaphore(%arg23 : memref<!tpu.dma_semaphore, #tpu.memory_space<semaphore_mem>>)
      %dma_start3A_354 = arith.constant 0 : i32
      %dma_start3A_355 = arith.constant 0 : i32
      %dma_start3A_356 = tpu.memref_slice %arg3[%dma_start3A_354, %dma_start3A_355] : memref<20000x128xf32, #tpu.memory_space<hbm>> -> memref<20000x128xf32, #tpu.memory_space<hbm>>
      tpu.enqueue_indirect_dma source(%dma_start3A_356 : memref<20000x128xf32, #tpu.memory_space<hbm>>) target(%arg15 : memref<64x128xf32, #tpu.memory_space<vmem>>) offsets(%arg11 : memref<64xi32, #tpu.memory_space<vmem>>) semaphore(%arg25 : memref<!tpu.dma_semaphore, #tpu.memory_space<semaphore_mem>>)
      %mul3A_357 = arith.constant 64 : i32
      %mul3A_358 = arith.muli %add3A_285, %mul3A_357 : i32
      %dma_wait3A_359 = arith.constant 0 : i32
      %dma_wait3A_360 = arith.constant 0 : i32
      %dma_wait3A_361 = tpu.memref_slice %arg2[%dma_wait3A_359, %dma_wait3A_360] : memref<10000x128xf32, #tpu.memory_space<hbm>> -> memref<10000x128xf32, #tpu.memory_space<hbm>>
      tpu.wait_indirect_dma semaphore(%arg23 : memref<!tpu.dma_semaphore, #tpu.memory_space<semaphore_mem>>) src(%dma_wait3A_361 : memref<10000x128xf32, #tpu.memory_space<hbm>>) dst(%arg13 : memref<64x128xf32, #tpu.memory_space<vmem>>)
      %dma_wait3A_362 = arith.constant 0 : i32
      %dma_wait3A_363 = arith.constant 0 : i32
      %dma_wait3A_364 = tpu.memref_slice %arg3[%dma_wait3A_362, %dma_wait3A_363] : memref<20000x128xf32, #tpu.memory_space<hbm>> -> memref<20000x128xf32, #tpu.memory_space<hbm>>
      tpu.wait_indirect_dma semaphore(%arg25 : memref<!tpu.dma_semaphore, #tpu.memory_space<semaphore_mem>>) src(%dma_wait3A_364 : memref<20000x128xf32, #tpu.memory_space<hbm>>) dst(%arg15 : memref<64x128xf32, #tpu.memory_space<vmem>>)
      %mul3A_365 = arith.constant 320000 : i32
      %mul3A_366 = arith.muli %arg0, %mul3A_365 : i32
      %add3A_367 = arith.addi %mul3A_366, %mul3A_358 : i32
      %dma_wait3A_368 = arith.constant 0 : i32
      %dma_wait3A_369 = tpu.memref_slice %arg4[%add3A_367, %dma_wait3A_368] : memref<640000x64xf32, #tpu.memory_space<hbm>> -> memref<64x64xf32, #tpu.memory_space<hbm>>
      %dma_wait3A_370 = arith.constant 0 : i32
      %dma_wait3A_371 = tpu.memref_slice %arg4[%add3A_367, %dma_wait3A_370] : memref<640000x64xf32, #tpu.memory_space<hbm>> -> memref<64x64xf32, #tpu.memory_space<hbm>>
      tpu.wait_dma2 semaphore(%arg27 : memref<!tpu.dma_semaphore, #tpu.memory_space<semaphore_mem>>) src(%dma_wait3A_371 : memref<64x64xf32, #tpu.memory_space<hbm>>) dst(%arg17 : memref<64x64xf32, #tpu.memory_space<vmem>>)
      %not3A = arith.constant true
      %not3A_372 = arith.constant true
      %not3A_373 = arith.xori %not3A, %not3A_372 : i1
      %convert_element_type3A_374 = arith.extui %not3A_373 : i1 to i32
      %cond3A_375 = arith.constant 0 : i32
      %cond3A_376 = arith.cmpi ne, %convert_element_type3A_374, %cond3A_375 : i32
      scf.if %cond3A_376 {
        %dma_wait3A_458 = arith.constant 0 : i32
        %dma_wait3A_459 = arith.constant 0 : i32
        %dma_wait3A_460 = arith.constant 0 : i32
        %dma_wait3A_461 = tpu.memref_slice %arg18[%dma_wait3A_459, %dma_wait3A_460] : memref<64x128xf32, #tpu.memory_space<vmem>> -> memref<32x128xf32, #tpu.memory_space<vmem>>
        %dma_wait3A_462 = arith.constant 0 : i32
        %dma_wait3A_463 = arith.constant 0 : i32
        %dma_wait3A_464 = tpu.memref_slice %arg7[%dma_wait3A_458, %dma_wait3A_462, %dma_wait3A_463] : memref<2x10000x128xf32, #tpu.memory_space<hbm>> -> memref<1x32x128xf32, #tpu.memory_space<hbm>>
        %dma_wait3A_465 = tpu.memref_squeeze %dma_wait3A_464 : memref<1x32x128xf32, #tpu.memory_space<hbm>> -> memref<32x128xf32, #tpu.memory_space<hbm>>
        %dma_wait3A_466 = arith.constant 0 : i32
        %dma_wait3A_467 = arith.constant 0 : i32
        %dma_wait3A_468 = tpu.memref_slice %arg18[%dma_wait3A_466, %dma_wait3A_467] : memref<64x128xf32, #tpu.memory_space<vmem>> -> memref<32x128xf32, #tpu.memory_space<vmem>>
        %dma_wait3A_469 = arith.constant 0 : i32
        %dma_wait3A_470 = arith.constant 0 : i32
        %dma_wait3A_471 = tpu.memref_slice %arg7[%dma_wait3A_458, %dma_wait3A_469, %dma_wait3A_470] : memref<2x10000x128xf32, #tpu.memory_space<hbm>> -> memref<1x32x128xf32, #tpu.memory_space<hbm>>
        %dma_wait3A_472 = tpu.memref_squeeze %dma_wait3A_471 : memref<1x32x128xf32, #tpu.memory_space<hbm>> -> memref<32x128xf32, #tpu.memory_space<hbm>>
        tpu.wait_dma2 semaphore(%arg28 : memref<!tpu.dma_semaphore, #tpu.memory_space<semaphore_mem>>) src(%dma_wait3A_472 : memref<32x128xf32, #tpu.memory_space<hbm>>) dst(%dma_wait3A_468 : memref<32x128xf32, #tpu.memory_space<vmem>>)
        %dma_wait3A_473 = arith.constant 0 : i32
        %dma_wait3A_474 = arith.constant 32 : i32
        %dma_wait3A_475 = arith.constant 0 : i32
        %dma_wait3A_476 = tpu.memref_slice %arg18[%dma_wait3A_474, %dma_wait3A_475] : memref<64x128xf32, #tpu.memory_space<vmem>> -> memref<32x128xf32, #tpu.memory_space<vmem>>
        %dma_wait3A_477 = arith.constant 0 : i32
        %dma_wait3A_478 = arith.constant 0 : i32
        %dma_wait3A_479 = tpu.memref_slice %arg7[%dma_wait3A_473, %dma_wait3A_477, %dma_wait3A_478] : memref<2x10000x128xf32, #tpu.memory_space<hbm>> -> memref<1x32x128xf32, #tpu.memory_space<hbm>>
        %dma_wait3A_480 = tpu.memref_squeeze %dma_wait3A_479 : memref<1x32x128xf32, #tpu.memory_space<hbm>> -> memref<32x128xf32, #tpu.memory_space<hbm>>
        %dma_wait3A_481 = arith.constant 32 : i32
        %dma_wait3A_482 = arith.constant 0 : i32
        %dma_wait3A_483 = tpu.memref_slice %arg18[%dma_wait3A_481, %dma_wait3A_482] : memref<64x128xf32, #tpu.memory_space<vmem>> -> memref<32x128xf32, #tpu.memory_space<vmem>>
        %dma_wait3A_484 = arith.constant 0 : i32
        %dma_wait3A_485 = arith.constant 0 : i32
        %dma_wait3A_486 = tpu.memref_slice %arg7[%dma_wait3A_473, %dma_wait3A_484, %dma_wait3A_485] : memref<2x10000x128xf32, #tpu.memory_space<hbm>> -> memref<1x32x128xf32, #tpu.memory_space<hbm>>
        %dma_wait3A_487 = tpu.memref_squeeze %dma_wait3A_486 : memref<1x32x128xf32, #tpu.memory_space<hbm>> -> memref<32x128xf32, #tpu.memory_space<hbm>>
        tpu.wait_dma2 semaphore(%arg29 : memref<!tpu.dma_semaphore, #tpu.memory_space<semaphore_mem>>) src(%dma_wait3A_487 : memref<32x128xf32, #tpu.memory_space<hbm>>) dst(%dma_wait3A_483 : memref<32x128xf32, #tpu.memory_space<vmem>>)
      } else {
      }
      %get3A_377 = arith.constant 0 : index
      %get3A_378 = tpu.vector_load %arg9[%get3A_377] {strides = array<i32>} : memref<64xi32, #tpu.memory_space<vmem>>, vector<16xi32>,
      %get3A_379 = vector.shape_cast %get3A_378 : vector<16xi32> to vector<16xi32>
      %swap3A_380 = arith.constant 0 : index
      %swap3A_381 = tpu.vector_load %arg19[%swap3A_380] {strides = array<i32>} : memref<32xi32, #tpu.memory_space<vmem>>, vector<16xi32>,
      %swap3A_382 = vector.shape_cast %swap3A_381 : vector<16xi32> to vector<16xi32>
      %swap3A_383 = vector.shape_cast %get3A_379 : vector<16xi32> to vector<16xi32>
      tpu.vector_store %arg19[%swap3A_380], %swap3A_383 {strides = array<i32>} : memref<32xi32, #tpu.memory_space<vmem>>, vector<16xi32>,
      %get3A_384 = arith.constant 32 : index
      %get3A_385 = tpu.vector_load %arg9[%get3A_384] {strides = array<i32>} : memref<64xi32, #tpu.memory_space<vmem>>, vector<16xi32>,
      %get3A_386 = vector.shape_cast %get3A_385 : vector<16xi32> to vector<16xi32>
      %swap3A_387 = arith.constant 0 : index
      %swap3A_388 = tpu.vector_load %arg20[%swap3A_387] {strides = array<i32>} : memref<32xi32, #tpu.memory_space<vmem>>, vector<16xi32>,
      %swap3A_389 = vector.shape_cast %swap3A_388 : vector<16xi32> to vector<16xi32>
      %swap3A_390 = vector.shape_cast %get3A_386 : vector<16xi32> to vector<16xi32>
      tpu.vector_store %arg20[%swap3A_387], %swap3A_390 {strides = array<i32>} : memref<32xi32, #tpu.memory_space<vmem>>, vector<16xi32>,
      %get3A_391 = arith.constant 16 : index
      %get3A_392 = tpu.vector_load %arg9[%get3A_391] {strides = array<i32>} : memref<64xi32, #tpu.memory_space<vmem>>, vector<16xi32>,
      %get3A_393 = vector.shape_cast %get3A_392 : vector<16xi32> to vector<16xi32>
      %swap3A_394 = arith.constant 16 : index
      %swap3A_395 = tpu.vector_load %arg19[%swap3A_394] {strides = array<i32>} : memref<32xi32, #tpu.memory_space<vmem>>, vector<16xi32>,
      %swap3A_396 = vector.shape_cast %swap3A_395 : vector<16xi32> to vector<16xi32>
      %swap3A_397 = vector.shape_cast %get3A_393 : vector<16xi32> to vector<16xi32>
      tpu.vector_store %arg19[%swap3A_394], %swap3A_397 {strides = array<i32>} : memref<32xi32, #tpu.memory_space<vmem>>, vector<16xi32>,
      %get3A_398 = arith.constant 48 : index
      %get3A_399 = tpu.vector_load %arg9[%get3A_398] {strides = array<i32>} : memref<64xi32, #tpu.memory_space<vmem>>, vector<16xi32>,
      %get3A_400 = vector.shape_cast %get3A_399 : vector<16xi32> to vector<16xi32>
      %swap3A_401 = arith.constant 16 : index
      %swap3A_402 = tpu.vector_load %arg20[%swap3A_401] {strides = array<i32>} : memref<32xi32, #tpu.memory_space<vmem>>, vector<16xi32>,
      %swap3A_403 = vector.shape_cast %swap3A_402 : vector<16xi32> to vector<16xi32>
      %swap3A_404 = vector.shape_cast %get3A_400 : vector<16xi32> to vector<16xi32>
      tpu.vector_store %arg20[%swap3A_401], %swap3A_404 {strides = array<i32>} : memref<32xi32, #tpu.memory_space<vmem>>, vector<16xi32>,
      %parallel_loop3A = arith.constant 0 : i32
      %parallel_loop3A_405 = arith.constant 32 : i32
      %parallel_loop3A_406 = arith.constant 1 : i32
      scf.for %parallel_loop3A_458 = %parallel_loop3A to %parallel_loop3A_405 step %parallel_loop3A_406  : i32 {
        %parallel_loop3A_459 = arith.index_cast %parallel_loop3A_458 : i32 to index
        %parallel_loop3A_460 = arith.constant 0 : index
        %parallel_loop3A_461 = tpu.vector_load %arg17[%parallel_loop3A_459, %parallel_loop3A_460] {strides = array<i32>} : memref<64x64xf32, #tpu.memory_space<vmem>>, vector<1x16xf32>,
        %parallel_loop3A_462 = vector.shape_cast %parallel_loop3A_461 : vector<1x16xf32> to vector<16xf32>
        %parallel_loop3A_463 = arith.index_cast %parallel_loop3A_458 : i32 to index
        %parallel_loop3A_464 = arith.constant 16 : index
        %parallel_loop3A_465 = tpu.vector_load %arg17[%parallel_loop3A_463, %parallel_loop3A_464] {strides = array<i32>} : memref<64x64xf32, #tpu.memory_space<vmem>>, vector<1x16xf32>,
        %parallel_loop3A_466 = vector.shape_cast %parallel_loop3A_465 : vector<1x16xf32> to vector<16xf32>
        %parallel_loop3A_467 = arith.index_cast %parallel_loop3A_458 : i32 to index
        %parallel_loop3A_468 = arith.constant 32 : index
        %parallel_loop3A_469 = tpu.vector_load %arg17[%parallel_loop3A_467, %parallel_loop3A_468] {strides = array<i32>} : memref<64x64xf32, #tpu.memory_space<vmem>>, vector<1x16xf32>,
        %parallel_loop3A_470 = vector.shape_cast %parallel_loop3A_469 : vector<1x16xf32> to vector<16xf32>
        %parallel_loop3A_471 = arith.index_cast %parallel_loop3A_458 : i32 to index
        %parallel_loop3A_472 = arith.constant 48 : index
        %parallel_loop3A_473 = tpu.vector_load %arg17[%parallel_loop3A_471, %parallel_loop3A_472] {strides = array<i32>} : memref<64x64xf32, #tpu.memory_space<vmem>>, vector<1x16xf32>,
        %parallel_loop3A_474 = vector.shape_cast %parallel_loop3A_473 : vector<1x16xf32> to vector<16xf32>
        %parallel_loop3A_475 = arith.constant 0 : i32
        %parallel_loop3A_476 = arith.addi %mul3A_89, %parallel_loop3A_475 : i32
        %parallel_loop3A_477 = arith.index_cast %parallel_loop3A_458 : i32 to index
        %parallel_loop3A_478 = arith.index_cast %parallel_loop3A_476 : i32 to index
        %parallel_loop3A_479 = tpu.vector_load %arg13[%parallel_loop3A_477, %parallel_loop3A_478] {strides = array<i32>} : memref<64x128xf32, #tpu.memory_space<vmem>>, vector<1x16xf32>,
        %parallel_loop3A_480 = vector.shape_cast %parallel_loop3A_479 : vector<1x16xf32> to vector<16xf32>
        %parallel_loop3A_481 = arith.constant 16 : i32
        %parallel_loop3A_482 = arith.addi %mul3A_89, %parallel_loop3A_481 : i32
        %parallel_loop3A_483 = arith.index_cast %parallel_loop3A_458 : i32 to index
        %parallel_loop3A_484 = arith.index_cast %parallel_loop3A_482 : i32 to index
        %parallel_loop3A_485 = tpu.vector_load %arg13[%parallel_loop3A_483, %parallel_loop3A_484] {strides = array<i32>} : memref<64x128xf32, #tpu.memory_space<vmem>>, vector<1x16xf32>,
        %parallel_loop3A_486 = vector.shape_cast %parallel_loop3A_485 : vector<1x16xf32> to vector<16xf32>
        %parallel_loop3A_487 = arith.constant 32 : i32
        %parallel_loop3A_488 = arith.addi %mul3A_89, %parallel_loop3A_487 : i32
        %parallel_loop3A_489 = arith.index_cast %parallel_loop3A_458 : i32 to index
        %parallel_loop3A_490 = arith.index_cast %parallel_loop3A_488 : i32 to index
        %parallel_loop3A_491 = tpu.vector_load %arg13[%parallel_loop3A_489, %parallel_loop3A_490] {strides = array<i32>} : memref<64x128xf32, #tpu.memory_space<vmem>>, vector<1x16xf32>,
        %parallel_loop3A_492 = vector.shape_cast %parallel_loop3A_491 : vector<1x16xf32> to vector<16xf32>
        %parallel_loop3A_493 = arith.constant 48 : i32
        %parallel_loop3A_494 = arith.addi %mul3A_89, %parallel_loop3A_493 : i32
        %parallel_loop3A_495 = arith.index_cast %parallel_loop3A_458 : i32 to index
        %parallel_loop3A_496 = arith.index_cast %parallel_loop3A_494 : i32 to index
        %parallel_loop3A_497 = tpu.vector_load %arg13[%parallel_loop3A_495, %parallel_loop3A_496] {strides = array<i32>} : memref<64x128xf32, #tpu.memory_space<vmem>>, vector<1x16xf32>,
        %parallel_loop3A_498 = vector.shape_cast %parallel_loop3A_497 : vector<1x16xf32> to vector<16xf32>
        %parallel_loop3A_499 = arith.index_cast %parallel_loop3A_458 : i32 to index
        %parallel_loop3A_500 = arith.constant 0 : index
        %parallel_loop3A_501 = tpu.vector_load %arg15[%parallel_loop3A_499, %parallel_loop3A_500] {strides = array<i32>} : memref<64x128xf32, #tpu.memory_space<vmem>>, vector<1x16xf32>,
        %parallel_loop3A_502 = vector.shape_cast %parallel_loop3A_501 : vector<1x16xf32> to vector<16xf32>
        %parallel_loop3A_503 = arith.index_cast %parallel_loop3A_458 : i32 to index
        %parallel_loop3A_504 = arith.constant 16 : index
        %parallel_loop3A_505 = tpu.vector_load %arg15[%parallel_loop3A_503, %parallel_loop3A_504] {strides = array<i32>} : memref<64x128xf32, #tpu.memory_space<vmem>>, vector<1x16xf32>,
        %parallel_loop3A_506 = vector.shape_cast %parallel_loop3A_505 : vector<1x16xf32> to vector<16xf32>
        %parallel_loop3A_507 = arith.index_cast %parallel_loop3A_458 : i32 to index
        %parallel_loop3A_508 = arith.constant 32 : index
        %parallel_loop3A_509 = tpu.vector_load %arg15[%parallel_loop3A_507, %parallel_loop3A_508] {strides = array<i32>} : memref<64x128xf32, #tpu.memory_space<vmem>>, vector<1x16xf32>,
        %parallel_loop3A_510 = vector.shape_cast %parallel_loop3A_509 : vector<1x16xf32> to vector<16xf32>
        %parallel_loop3A_511 = arith.index_cast %parallel_loop3A_458 : i32 to index
        %parallel_loop3A_512 = arith.constant 48 : index
        %parallel_loop3A_513 = tpu.vector_load %arg15[%parallel_loop3A_511, %parallel_loop3A_512] {strides = array<i32>} : memref<64x128xf32, #tpu.memory_space<vmem>>, vector<1x16xf32>,
        %parallel_loop3A_514 = vector.shape_cast %parallel_loop3A_513 : vector<1x16xf32> to vector<16xf32>
        %parallel_loop3A_515 = arith.index_cast %parallel_loop3A_458 : i32 to index
        %parallel_loop3A_516 = arith.constant 64 : index
        %parallel_loop3A_517 = tpu.vector_load %arg15[%parallel_loop3A_515, %parallel_loop3A_516] {strides = array<i32>} : memref<64x128xf32, #tpu.memory_space<vmem>>, vector<1x16xf32>,
        %parallel_loop3A_518 = vector.shape_cast %parallel_loop3A_517 : vector<1x16xf32> to vector<16xf32>
        %parallel_loop3A_519 = arith.index_cast %parallel_loop3A_458 : i32 to index
        %parallel_loop3A_520 = arith.constant 80 : index
        %parallel_loop3A_521 = tpu.vector_load %arg15[%parallel_loop3A_519, %parallel_loop3A_520] {strides = array<i32>} : memref<64x128xf32, #tpu.memory_space<vmem>>, vector<1x16xf32>,
        %parallel_loop3A_522 = vector.shape_cast %parallel_loop3A_521 : vector<1x16xf32> to vector<16xf32>
        %parallel_loop3A_523 = arith.index_cast %parallel_loop3A_458 : i32 to index
        %parallel_loop3A_524 = arith.constant 96 : index
        %parallel_loop3A_525 = tpu.vector_load %arg15[%parallel_loop3A_523, %parallel_loop3A_524] {strides = array<i32>} : memref<64x128xf32, #tpu.memory_space<vmem>>, vector<1x16xf32>,
        %parallel_loop3A_526 = vector.shape_cast %parallel_loop3A_525 : vector<1x16xf32> to vector<16xf32>
        %parallel_loop3A_527 = arith.index_cast %parallel_loop3A_458 : i32 to index
        %parallel_loop3A_528 = arith.constant 112 : index
        %parallel_loop3A_529 = tpu.vector_load %arg15[%parallel_loop3A_527, %parallel_loop3A_528] {strides = array<i32>} : memref<64x128xf32, #tpu.memory_space<vmem>>, vector<1x16xf32>,
        %parallel_loop3A_530 = vector.shape_cast %parallel_loop3A_529 : vector<1x16xf32> to vector<16xf32>
        %parallel_loop3A_531 = arith.addf %parallel_loop3A_502, %parallel_loop3A_462 : vector<16xf32>
        %parallel_loop3A_532 = arith.mulf %parallel_loop3A_480, %parallel_loop3A_531 : vector<16xf32>
        %parallel_loop3A_533 = arith.addf %parallel_loop3A_506, %parallel_loop3A_466 : vector<16xf32>
        %parallel_loop3A_534 = arith.mulf %parallel_loop3A_486, %parallel_loop3A_533 : vector<16xf32>
        %parallel_loop3A_535 = arith.addf %parallel_loop3A_510, %parallel_loop3A_470 : vector<16xf32>
        %parallel_loop3A_536 = arith.mulf %parallel_loop3A_492, %parallel_loop3A_535 : vector<16xf32>
        %parallel_loop3A_537 = arith.addf %parallel_loop3A_514, %parallel_loop3A_474 : vector<16xf32>
        %parallel_loop3A_538 = arith.mulf %parallel_loop3A_498, %parallel_loop3A_537 : vector<16xf32>
        %parallel_loop3A_539 = arith.addf %parallel_loop3A_532, %parallel_loop3A_534 : vector<16xf32>
        %parallel_loop3A_540 = vector.shape_cast %broadcast_in_dim3A : vector<16x1xi32> to vector<16xi32>
        %parallel_loop3A_541 = tpu.dynamic_gather %parallel_loop3A_539[%parallel_loop3A_540] in [0] : vector<16xf32>, vector<16xi32> -> vector<16xf32>
        %parallel_loop3A_542 = arith.addf %parallel_loop3A_539, %parallel_loop3A_541 : vector<16xf32>
        %parallel_loop3A_543 = vector.shape_cast %broadcast_in_dim3A_80 : vector<16x1xi32> to vector<16xi32>
        %parallel_loop3A_544 = tpu.dynamic_gather %parallel_loop3A_542[%parallel_loop3A_543] in [0] : vector<16xf32>, vector<16xi32> -> vector<16xf32>
        %parallel_loop3A_545 = arith.addf %parallel_loop3A_542, %parallel_loop3A_544 : vector<16xf32>
        %parallel_loop3A_546 = vector.shape_cast %broadcast_in_dim3A_84 : vector<16x1xi32> to vector<16xi32>
        %parallel_loop3A_547 = tpu.dynamic_gather %parallel_loop3A_545[%parallel_loop3A_546] in [0] : vector<16xf32>, vector<16xi32> -> vector<16xf32>
        %parallel_loop3A_548 = arith.addf %parallel_loop3A_545, %parallel_loop3A_547 : vector<16xf32>
        %parallel_loop3A_549 = vector.shape_cast %broadcast_in_dim3A_88 : vector<16x1xi32> to vector<16xi32>
        %parallel_loop3A_550 = tpu.dynamic_gather %parallel_loop3A_548[%parallel_loop3A_549] in [0] : vector<16xf32>, vector<16xi32> -> vector<16xf32>
        %parallel_loop3A_551 = arith.addf %parallel_loop3A_548, %parallel_loop3A_550 : vector<16xf32>
        %parallel_loop3A_552 = math.exp %parallel_loop3A_551 : vector<16xf32>
        %parallel_loop3A_553 = arith.addf %parallel_loop3A_536, %parallel_loop3A_538 : vector<16xf32>
        %parallel_loop3A_554 = vector.shape_cast %broadcast_in_dim3A : vector<16x1xi32> to vector<16xi32>
        %parallel_loop3A_555 = tpu.dynamic_gather %parallel_loop3A_553[%parallel_loop3A_554] in [0] : vector<16xf32>, vector<16xi32> -> vector<16xf32>
        %parallel_loop3A_556 = arith.addf %parallel_loop3A_553, %parallel_loop3A_555 : vector<16xf32>
        %parallel_loop3A_557 = vector.shape_cast %broadcast_in_dim3A_80 : vector<16x1xi32> to vector<16xi32>
        %parallel_loop3A_558 = tpu.dynamic_gather %parallel_loop3A_556[%parallel_loop3A_557] in [0] : vector<16xf32>, vector<16xi32> -> vector<16xf32>
        %parallel_loop3A_559 = arith.addf %parallel_loop3A_556, %parallel_loop3A_558 : vector<16xf32>
        %parallel_loop3A_560 = vector.shape_cast %broadcast_in_dim3A_84 : vector<16x1xi32> to vector<16xi32>
        %parallel_loop3A_561 = tpu.dynamic_gather %parallel_loop3A_559[%parallel_loop3A_560] in [0] : vector<16xf32>, vector<16xi32> -> vector<16xf32>
        %parallel_loop3A_562 = arith.addf %parallel_loop3A_559, %parallel_loop3A_561 : vector<16xf32>
        %parallel_loop3A_563 = vector.shape_cast %broadcast_in_dim3A_88 : vector<16x1xi32> to vector<16xi32>
        %parallel_loop3A_564 = tpu.dynamic_gather %parallel_loop3A_562[%parallel_loop3A_563] in [0] : vector<16xf32>, vector<16xi32> -> vector<16xf32>
        %parallel_loop3A_565 = arith.addf %parallel_loop3A_562, %parallel_loop3A_564 : vector<16xf32>
        %parallel_loop3A_566 = math.exp %parallel_loop3A_565 : vector<16xf32>
        %parallel_loop3A_567 = arith.addf %parallel_loop3A_518, %parallel_loop3A_462 : vector<16xf32>
        %parallel_loop3A_568 = arith.mulf %parallel_loop3A_567, %parallel_loop3A_552 : vector<16xf32>
        %parallel_loop3A_569 = arith.index_cast %parallel_loop3A_458 : i32 to index
        %parallel_loop3A_570 = arith.constant 0 : index
        %parallel_loop3A_571 = tpu.vector_load %arg18[%parallel_loop3A_569, %parallel_loop3A_570] {strides = array<i32>} : memref<64x128xf32, #tpu.memory_space<vmem>>, vector<1x16xf32>,
        %parallel_loop3A_572 = vector.shape_cast %parallel_loop3A_571 : vector<1x16xf32> to vector<16xf32>
        %parallel_loop3A_573 = vector.shape_cast %parallel_loop3A_568 : vector<16xf32> to vector<1x16xf32>
        tpu.vector_store %arg18[%parallel_loop3A_569, %parallel_loop3A_570], %parallel_loop3A_573 {strides = array<i32>} : memref<64x128xf32, #tpu.memory_space<vmem>>, vector<1x16xf32>,
        %parallel_loop3A_574 = arith.addf %parallel_loop3A_522, %parallel_loop3A_466 : vector<16xf32>
        %parallel_loop3A_575 = arith.mulf %parallel_loop3A_574, %parallel_loop3A_552 : vector<16xf32>
        %parallel_loop3A_576 = arith.index_cast %parallel_loop3A_458 : i32 to index
        %parallel_loop3A_577 = arith.constant 16 : index
        %parallel_loop3A_578 = tpu.vector_load %arg18[%parallel_loop3A_576, %parallel_loop3A_577] {strides = array<i32>} : memref<64x128xf32, #tpu.memory_space<vmem>>, vector<1x16xf32>,
        %parallel_loop3A_579 = vector.shape_cast %parallel_loop3A_578 : vector<1x16xf32> to vector<16xf32>
        %parallel_loop3A_580 = vector.shape_cast %parallel_loop3A_575 : vector<16xf32> to vector<1x16xf32>
        tpu.vector_store %arg18[%parallel_loop3A_576, %parallel_loop3A_577], %parallel_loop3A_580 {strides = array<i32>} : memref<64x128xf32, #tpu.memory_space<vmem>>, vector<1x16xf32>,
        %parallel_loop3A_581 = arith.addf %parallel_loop3A_526, %parallel_loop3A_470 : vector<16xf32>
        %parallel_loop3A_582 = arith.mulf %parallel_loop3A_581, %parallel_loop3A_566 : vector<16xf32>
        %parallel_loop3A_583 = arith.index_cast %parallel_loop3A_458 : i32 to index
        %parallel_loop3A_584 = arith.constant 32 : index
        %parallel_loop3A_585 = tpu.vector_load %arg18[%parallel_loop3A_583, %parallel_loop3A_584] {strides = array<i32>} : memref<64x128xf32, #tpu.memory_space<vmem>>, vector<1x16xf32>,
        %parallel_loop3A_586 = vector.shape_cast %parallel_loop3A_585 : vector<1x16xf32> to vector<16xf32>
        %parallel_loop3A_587 = vector.shape_cast %parallel_loop3A_582 : vector<16xf32> to vector<1x16xf32>
        tpu.vector_store %arg18[%parallel_loop3A_583, %parallel_loop3A_584], %parallel_loop3A_587 {strides = array<i32>} : memref<64x128xf32, #tpu.memory_space<vmem>>, vector<1x16xf32>,
        %parallel_loop3A_588 = arith.addf %parallel_loop3A_530, %parallel_loop3A_474 : vector<16xf32>
        %parallel_loop3A_589 = arith.mulf %parallel_loop3A_588, %parallel_loop3A_566 : vector<16xf32>
        %parallel_loop3A_590 = arith.index_cast %parallel_loop3A_458 : i32 to index
        %parallel_loop3A_591 = arith.constant 48 : index
        %parallel_loop3A_592 = tpu.vector_load %arg18[%parallel_loop3A_590, %parallel_loop3A_591] {strides = array<i32>} : memref<64x128xf32, #tpu.memory_space<vmem>>, vector<1x16xf32>,
        %parallel_loop3A_593 = vector.shape_cast %parallel_loop3A_592 : vector<1x16xf32> to vector<16xf32>
        %parallel_loop3A_594 = vector.shape_cast %parallel_loop3A_589 : vector<16xf32> to vector<1x16xf32>
        tpu.vector_store %arg18[%parallel_loop3A_590, %parallel_loop3A_591], %parallel_loop3A_594 {strides = array<i32>} : memref<64x128xf32, #tpu.memory_space<vmem>>, vector<1x16xf32>,
        %parallel_loop3A_595 = arith.constant 0 : i32
        %parallel_loop3A_596 = vector.broadcast %parallel_loop3A_595 : i32 to vector<16xi32>
        %parallel_loop3A_597 = arith.cmpi eq, %iota3A, %parallel_loop3A_596 : vector<16xi32>
        %parallel_loop3A_598 = arith.constant 1 : i32
        %parallel_loop3A_599 = vector.broadcast %parallel_loop3A_598 : i32 to vector<16xi32>
        %parallel_loop3A_600 = arith.cmpi eq, %iota3A, %parallel_loop3A_599 : vector<16xi32>
        %parallel_loop3A_601 = arith.constant 0.000000e+00 : f32
        %parallel_loop3A_602 = vector.broadcast %parallel_loop3A_601 : f32 to vector<16xf32>
        %parallel_loop3A_603 = arith.select %parallel_loop3A_600, %parallel_loop3A_566, %parallel_loop3A_602 : vector<16xi1>, vector<16xf32>
        %parallel_loop3A_604 = arith.select %parallel_loop3A_597, %parallel_loop3A_552, %parallel_loop3A_603 : vector<16xi1>, vector<16xf32>
        %parallel_loop3A_605 = arith.index_cast %parallel_loop3A_458 : i32 to index
        %parallel_loop3A_606 = arith.constant 64 : index
        %parallel_loop3A_607 = tpu.vector_load %arg18[%parallel_loop3A_605, %parallel_loop3A_606] {strides = array<i32>} : memref<64x128xf32, #tpu.memory_space<vmem>>, vector<1x16xf32>,
        %parallel_loop3A_608 = vector.shape_cast %parallel_loop3A_607 : vector<1x16xf32> to vector<16xf32>
        %parallel_loop3A_609 = vector.shape_cast %parallel_loop3A_604 : vector<16xf32> to vector<1x16xf32>
        tpu.vector_store %arg18[%parallel_loop3A_605, %parallel_loop3A_606], %parallel_loop3A_609 {strides = array<i32>} : memref<64x128xf32, #tpu.memory_space<vmem>>, vector<1x16xf32>,
      } {sc.loop_unroll_factor = 4 : i64, sc.parallel_access}
      %dma_start3A_407 = arith.constant 0 : i32
      %dma_start3A_408 = arith.constant 0 : i32
      %dma_start3A_409 = tpu.memref_slice %arg18[%dma_start3A_407, %dma_start3A_408] : memref<64x128xf32, #tpu.memory_space<vmem>> -> memref<32x128xf32, #tpu.memory_space<vmem>>
      %dma_start3A_410 = arith.constant 0 : i32
      %dma_start3A_411 = arith.constant 0 : i32
      %dma_start3A_412 = tpu.memref_slice %arg8[%dma_start3A_410, %dma_start3A_411] : memref<10000x128xf32, #tpu.memory_space<vmem_shared>> -> memref<10000x128xf32, #tpu.memory_space<vmem_shared>>
      tpu.enqueue_indirect_dma source(%dma_start3A_409 : memref<32x128xf32, #tpu.memory_space<vmem>>) target(%dma_start3A_412 : memref<10000x128xf32, #tpu.memory_space<vmem_shared>>) offsets(%arg19 : memref<32xi32, #tpu.memory_space<vmem>>) semaphore(%arg28 : memref<!tpu.dma_semaphore, #tpu.memory_space<semaphore_mem>>) {add = true}
      %parallel_loop3A_413 = arith.constant 32 : i32
      %parallel_loop3A_414 = arith.constant 64 : i32
      %parallel_loop3A_415 = arith.constant 1 : i32
      scf.for %parallel_loop3A_458 = %parallel_loop3A_413 to %parallel_loop3A_414 step %parallel_loop3A_415  : i32 {
        %parallel_loop3A_459 = arith.index_cast %parallel_loop3A_458 : i32 to index
        %parallel_loop3A_460 = arith.constant 0 : index
        %parallel_loop3A_461 = tpu.vector_load %arg17[%parallel_loop3A_459, %parallel_loop3A_460] {strides = array<i32>} : memref<64x64xf32, #tpu.memory_space<vmem>>, vector<1x16xf32>,
        %parallel_loop3A_462 = vector.shape_cast %parallel_loop3A_461 : vector<1x16xf32> to vector<16xf32>
        %parallel_loop3A_463 = arith.index_cast %parallel_loop3A_458 : i32 to index
        %parallel_loop3A_464 = arith.constant 16 : index
        %parallel_loop3A_465 = tpu.vector_load %arg17[%parallel_loop3A_463, %parallel_loop3A_464] {strides = array<i32>} : memref<64x64xf32, #tpu.memory_space<vmem>>, vector<1x16xf32>,
        %parallel_loop3A_466 = vector.shape_cast %parallel_loop3A_465 : vector<1x16xf32> to vector<16xf32>
        %parallel_loop3A_467 = arith.index_cast %parallel_loop3A_458 : i32 to index
        %parallel_loop3A_468 = arith.constant 32 : index
        %parallel_loop3A_469 = tpu.vector_load %arg17[%parallel_loop3A_467, %parallel_loop3A_468] {strides = array<i32>} : memref<64x64xf32, #tpu.memory_space<vmem>>, vector<1x16xf32>,
        %parallel_loop3A_470 = vector.shape_cast %parallel_loop3A_469 : vector<1x16xf32> to vector<16xf32>
        %parallel_loop3A_471 = arith.index_cast %parallel_loop3A_458 : i32 to index
        %parallel_loop3A_472 = arith.constant 48 : index
        %parallel_loop3A_473 = tpu.vector_load %arg17[%parallel_loop3A_471, %parallel_loop3A_472] {strides = array<i32>} : memref<64x64xf32, #tpu.memory_space<vmem>>, vector<1x16xf32>,
        %parallel_loop3A_474 = vector.shape_cast %parallel_loop3A_473 : vector<1x16xf32> to vector<16xf32>
        %parallel_loop3A_475 = arith.constant 0 : i32
        %parallel_loop3A_476 = arith.addi %mul3A_89, %parallel_loop3A_475 : i32
        %parallel_loop3A_477 = arith.index_cast %parallel_loop3A_458 : i32 to index
        %parallel_loop3A_478 = arith.index_cast %parallel_loop3A_476 : i32 to index
        %parallel_loop3A_479 = tpu.vector_load %arg13[%parallel_loop3A_477, %parallel_loop3A_478] {strides = array<i32>} : memref<64x128xf32, #tpu.memory_space<vmem>>, vector<1x16xf32>,
        %parallel_loop3A_480 = vector.shape_cast %parallel_loop3A_479 : vector<1x16xf32> to vector<16xf32>
        %parallel_loop3A_481 = arith.constant 16 : i32
        %parallel_loop3A_482 = arith.addi %mul3A_89, %parallel_loop3A_481 : i32
        %parallel_loop3A_483 = arith.index_cast %parallel_loop3A_458 : i32 to index
        %parallel_loop3A_484 = arith.index_cast %parallel_loop3A_482 : i32 to index
        %parallel_loop3A_485 = tpu.vector_load %arg13[%parallel_loop3A_483, %parallel_loop3A_484] {strides = array<i32>} : memref<64x128xf32, #tpu.memory_space<vmem>>, vector<1x16xf32>,
        %parallel_loop3A_486 = vector.shape_cast %parallel_loop3A_485 : vector<1x16xf32> to vector<16xf32>
        %parallel_loop3A_487 = arith.constant 32 : i32
        %parallel_loop3A_488 = arith.addi %mul3A_89, %parallel_loop3A_487 : i32
        %parallel_loop3A_489 = arith.index_cast %parallel_loop3A_458 : i32 to index
        %parallel_loop3A_490 = arith.index_cast %parallel_loop3A_488 : i32 to index
        %parallel_loop3A_491 = tpu.vector_load %arg13[%parallel_loop3A_489, %parallel_loop3A_490] {strides = array<i32>} : memref<64x128xf32, #tpu.memory_space<vmem>>, vector<1x16xf32>,
        %parallel_loop3A_492 = vector.shape_cast %parallel_loop3A_491 : vector<1x16xf32> to vector<16xf32>
        %parallel_loop3A_493 = arith.constant 48 : i32
        %parallel_loop3A_494 = arith.addi %mul3A_89, %parallel_loop3A_493 : i32
        %parallel_loop3A_495 = arith.index_cast %parallel_loop3A_458 : i32 to index
        %parallel_loop3A_496 = arith.index_cast %parallel_loop3A_494 : i32 to index
        %parallel_loop3A_497 = tpu.vector_load %arg13[%parallel_loop3A_495, %parallel_loop3A_496] {strides = array<i32>} : memref<64x128xf32, #tpu.memory_space<vmem>>, vector<1x16xf32>,
        %parallel_loop3A_498 = vector.shape_cast %parallel_loop3A_497 : vector<1x16xf32> to vector<16xf32>
        %parallel_loop3A_499 = arith.index_cast %parallel_loop3A_458 : i32 to index
        %parallel_loop3A_500 = arith.constant 0 : index
        %parallel_loop3A_501 = tpu.vector_load %arg15[%parallel_loop3A_499, %parallel_loop3A_500] {strides = array<i32>} : memref<64x128xf32, #tpu.memory_space<vmem>>, vector<1x16xf32>,
        %parallel_loop3A_502 = vector.shape_cast %parallel_loop3A_501 : vector<1x16xf32> to vector<16xf32>
        %parallel_loop3A_503 = arith.index_cast %parallel_loop3A_458 : i32 to index
        %parallel_loop3A_504 = arith.constant 16 : index
        %parallel_loop3A_505 = tpu.vector_load %arg15[%parallel_loop3A_503, %parallel_loop3A_504] {strides = array<i32>} : memref<64x128xf32, #tpu.memory_space<vmem>>, vector<1x16xf32>,
        %parallel_loop3A_506 = vector.shape_cast %parallel_loop3A_505 : vector<1x16xf32> to vector<16xf32>
        %parallel_loop3A_507 = arith.index_cast %parallel_loop3A_458 : i32 to index
        %parallel_loop3A_508 = arith.constant 32 : index
        %parallel_loop3A_509 = tpu.vector_load %arg15[%parallel_loop3A_507, %parallel_loop3A_508] {strides = array<i32>} : memref<64x128xf32, #tpu.memory_space<vmem>>, vector<1x16xf32>,
        %parallel_loop3A_510 = vector.shape_cast %parallel_loop3A_509 : vector<1x16xf32> to vector<16xf32>
        %parallel_loop3A_511 = arith.index_cast %parallel_loop3A_458 : i32 to index
        %parallel_loop3A_512 = arith.constant 48 : index
        %parallel_loop3A_513 = tpu.vector_load %arg15[%parallel_loop3A_511, %parallel_loop3A_512] {strides = array<i32>} : memref<64x128xf32, #tpu.memory_space<vmem>>, vector<1x16xf32>,
        %parallel_loop3A_514 = vector.shape_cast %parallel_loop3A_513 : vector<1x16xf32> to vector<16xf32>
        %parallel_loop3A_515 = arith.index_cast %parallel_loop3A_458 : i32 to index
        %parallel_loop3A_516 = arith.constant 64 : index
        %parallel_loop3A_517 = tpu.vector_load %arg15[%parallel_loop3A_515, %parallel_loop3A_516] {strides = array<i32>} : memref<64x128xf32, #tpu.memory_space<vmem>>, vector<1x16xf32>,
        %parallel_loop3A_518 = vector.shape_cast %parallel_loop3A_517 : vector<1x16xf32> to vector<16xf32>
        %parallel_loop3A_519 = arith.index_cast %parallel_loop3A_458 : i32 to index
        %parallel_loop3A_520 = arith.constant 80 : index
        %parallel_loop3A_521 = tpu.vector_load %arg15[%parallel_loop3A_519, %parallel_loop3A_520] {strides = array<i32>} : memref<64x128xf32, #tpu.memory_space<vmem>>, vector<1x16xf32>,
        %parallel_loop3A_522 = vector.shape_cast %parallel_loop3A_521 : vector<1x16xf32> to vector<16xf32>
        %parallel_loop3A_523 = arith.index_cast %parallel_loop3A_458 : i32 to index
        %parallel_loop3A_524 = arith.constant 96 : index
        %parallel_loop3A_525 = tpu.vector_load %arg15[%parallel_loop3A_523, %parallel_loop3A_524] {strides = array<i32>} : memref<64x128xf32, #tpu.memory_space<vmem>>, vector<1x16xf32>,
        %parallel_loop3A_526 = vector.shape_cast %parallel_loop3A_525 : vector<1x16xf32> to vector<16xf32>
        %parallel_loop3A_527 = arith.index_cast %parallel_loop3A_458 : i32 to index
        %parallel_loop3A_528 = arith.constant 112 : index
        %parallel_loop3A_529 = tpu.vector_load %arg15[%parallel_loop3A_527, %parallel_loop3A_528] {strides = array<i32>} : memref<64x128xf32, #tpu.memory_space<vmem>>, vector<1x16xf32>,
        %parallel_loop3A_530 = vector.shape_cast %parallel_loop3A_529 : vector<1x16xf32> to vector<16xf32>
        %parallel_loop3A_531 = arith.addf %parallel_loop3A_502, %parallel_loop3A_462 : vector<16xf32>
        %parallel_loop3A_532 = arith.mulf %parallel_loop3A_480, %parallel_loop3A_531 : vector<16xf32>
        %parallel_loop3A_533 = arith.addf %parallel_loop3A_506, %parallel_loop3A_466 : vector<16xf32>
        %parallel_loop3A_534 = arith.mulf %parallel_loop3A_486, %parallel_loop3A_533 : vector<16xf32>
        %parallel_loop3A_535 = arith.addf %parallel_loop3A_510, %parallel_loop3A_470 : vector<16xf32>
        %parallel_loop3A_536 = arith.mulf %parallel_loop3A_492, %parallel_loop3A_535 : vector<16xf32>
        %parallel_loop3A_537 = arith.addf %parallel_loop3A_514, %parallel_loop3A_474 : vector<16xf32>
        %parallel_loop3A_538 = arith.mulf %parallel_loop3A_498, %parallel_loop3A_537 : vector<16xf32>
        %parallel_loop3A_539 = arith.addf %parallel_loop3A_532, %parallel_loop3A_534 : vector<16xf32>
        %parallel_loop3A_540 = vector.shape_cast %broadcast_in_dim3A : vector<16x1xi32> to vector<16xi32>
        %parallel_loop3A_541 = tpu.dynamic_gather %parallel_loop3A_539[%parallel_loop3A_540] in [0] : vector<16xf32>, vector<16xi32> -> vector<16xf32>
        %parallel_loop3A_542 = arith.addf %parallel_loop3A_539, %parallel_loop3A_541 : vector<16xf32>
        %parallel_loop3A_543 = vector.shape_cast %broadcast_in_dim3A_80 : vector<16x1xi32> to vector<16xi32>
        %parallel_loop3A_544 = tpu.dynamic_gather %parallel_loop3A_542[%parallel_loop3A_543] in [0] : vector<16xf32>, vector<16xi32> -> vector<16xf32>
        %parallel_loop3A_545 = arith.addf %parallel_loop3A_542, %parallel_loop3A_544 : vector<16xf32>
        %parallel_loop3A_546 = vector.shape_cast %broadcast_in_dim3A_84 : vector<16x1xi32> to vector<16xi32>
        %parallel_loop3A_547 = tpu.dynamic_gather %parallel_loop3A_545[%parallel_loop3A_546] in [0] : vector<16xf32>, vector<16xi32> -> vector<16xf32>
        %parallel_loop3A_548 = arith.addf %parallel_loop3A_545, %parallel_loop3A_547 : vector<16xf32>
        %parallel_loop3A_549 = vector.shape_cast %broadcast_in_dim3A_88 : vector<16x1xi32> to vector<16xi32>
        %parallel_loop3A_550 = tpu.dynamic_gather %parallel_loop3A_548[%parallel_loop3A_549] in [0] : vector<16xf32>, vector<16xi32> -> vector<16xf32>
        %parallel_loop3A_551 = arith.addf %parallel_loop3A_548, %parallel_loop3A_550 : vector<16xf32>
        %parallel_loop3A_552 = math.exp %parallel_loop3A_551 : vector<16xf32>
        %parallel_loop3A_553 = arith.addf %parallel_loop3A_536, %parallel_loop3A_538 : vector<16xf32>
        %parallel_loop3A_554 = vector.shape_cast %broadcast_in_dim3A : vector<16x1xi32> to vector<16xi32>
        %parallel_loop3A_555 = tpu.dynamic_gather %parallel_loop3A_553[%parallel_loop3A_554] in [0] : vector<16xf32>, vector<16xi32> -> vector<16xf32>
        %parallel_loop3A_556 = arith.addf %parallel_loop3A_553, %parallel_loop3A_555 : vector<16xf32>
        %parallel_loop3A_557 = vector.shape_cast %broadcast_in_dim3A_80 : vector<16x1xi32> to vector<16xi32>
        %parallel_loop3A_558 = tpu.dynamic_gather %parallel_loop3A_556[%parallel_loop3A_557] in [0] : vector<16xf32>, vector<16xi32> -> vector<16xf32>
        %parallel_loop3A_559 = arith.addf %parallel_loop3A_556, %parallel_loop3A_558 : vector<16xf32>
        %parallel_loop3A_560 = vector.shape_cast %broadcast_in_dim3A_84 : vector<16x1xi32> to vector<16xi32>
        %parallel_loop3A_561 = tpu.dynamic_gather %parallel_loop3A_559[%parallel_loop3A_560] in [0] : vector<16xf32>, vector<16xi32> -> vector<16xf32>
        %parallel_loop3A_562 = arith.addf %parallel_loop3A_559, %parallel_loop3A_561 : vector<16xf32>
        %parallel_loop3A_563 = vector.shape_cast %broadcast_in_dim3A_88 : vector<16x1xi32> to vector<16xi32>
        %parallel_loop3A_564 = tpu.dynamic_gather %parallel_loop3A_562[%parallel_loop3A_563] in [0] : vector<16xf32>, vector<16xi32> -> vector<16xf32>
        %parallel_loop3A_565 = arith.addf %parallel_loop3A_562, %parallel_loop3A_564 : vector<16xf32>
        %parallel_loop3A_566 = math.exp %parallel_loop3A_565 : vector<16xf32>
        %parallel_loop3A_567 = arith.addf %parallel_loop3A_518, %parallel_loop3A_462 : vector<16xf32>
        %parallel_loop3A_568 = arith.mulf %parallel_loop3A_567, %parallel_loop3A_552 : vector<16xf32>
        %parallel_loop3A_569 = arith.index_cast %parallel_loop3A_458 : i32 to index
        %parallel_loop3A_570 = arith.constant 0 : index
        %parallel_loop3A_571 = tpu.vector_load %arg18[%parallel_loop3A_569, %parallel_loop3A_570] {strides = array<i32>} : memref<64x128xf32, #tpu.memory_space<vmem>>, vector<1x16xf32>,
        %parallel_loop3A_572 = vector.shape_cast %parallel_loop3A_571 : vector<1x16xf32> to vector<16xf32>
        %parallel_loop3A_573 = vector.shape_cast %parallel_loop3A_568 : vector<16xf32> to vector<1x16xf32>
        tpu.vector_store %arg18[%parallel_loop3A_569, %parallel_loop3A_570], %parallel_loop3A_573 {strides = array<i32>} : memref<64x128xf32, #tpu.memory_space<vmem>>, vector<1x16xf32>,
        %parallel_loop3A_574 = arith.addf %parallel_loop3A_522, %parallel_loop3A_466 : vector<16xf32>
        %parallel_loop3A_575 = arith.mulf %parallel_loop3A_574, %parallel_loop3A_552 : vector<16xf32>
        %parallel_loop3A_576 = arith.index_cast %parallel_loop3A_458 : i32 to index
        %parallel_loop3A_577 = arith.constant 16 : index
        %parallel_loop3A_578 = tpu.vector_load %arg18[%parallel_loop3A_576, %parallel_loop3A_577] {strides = array<i32>} : memref<64x128xf32, #tpu.memory_space<vmem>>, vector<1x16xf32>,
        %parallel_loop3A_579 = vector.shape_cast %parallel_loop3A_578 : vector<1x16xf32> to vector<16xf32>
        %parallel_loop3A_580 = vector.shape_cast %parallel_loop3A_575 : vector<16xf32> to vector<1x16xf32>
        tpu.vector_store %arg18[%parallel_loop3A_576, %parallel_loop3A_577], %parallel_loop3A_580 {strides = array<i32>} : memref<64x128xf32, #tpu.memory_space<vmem>>, vector<1x16xf32>,
        %parallel_loop3A_581 = arith.addf %parallel_loop3A_526, %parallel_loop3A_470 : vector<16xf32>
        %parallel_loop3A_582 = arith.mulf %parallel_loop3A_581, %parallel_loop3A_566 : vector<16xf32>
        %parallel_loop3A_583 = arith.index_cast %parallel_loop3A_458 : i32 to index
        %parallel_loop3A_584 = arith.constant 32 : index
        %parallel_loop3A_585 = tpu.vector_load %arg18[%parallel_loop3A_583, %parallel_loop3A_584] {strides = array<i32>} : memref<64x128xf32, #tpu.memory_space<vmem>>, vector<1x16xf32>,
        %parallel_loop3A_586 = vector.shape_cast %parallel_loop3A_585 : vector<1x16xf32> to vector<16xf32>
        %parallel_loop3A_587 = vector.shape_cast %parallel_loop3A_582 : vector<16xf32> to vector<1x16xf32>
        tpu.vector_store %arg18[%parallel_loop3A_583, %parallel_loop3A_584], %parallel_loop3A_587 {strides = array<i32>} : memref<64x128xf32, #tpu.memory_space<vmem>>, vector<1x16xf32>,
        %parallel_loop3A_588 = arith.addf %parallel_loop3A_530, %parallel_loop3A_474 : vector<16xf32>
        %parallel_loop3A_589 = arith.mulf %parallel_loop3A_588, %parallel_loop3A_566 : vector<16xf32>
        %parallel_loop3A_590 = arith.index_cast %parallel_loop3A_458 : i32 to index
        %parallel_loop3A_591 = arith.constant 48 : index
        %parallel_loop3A_592 = tpu.vector_load %arg18[%parallel_loop3A_590, %parallel_loop3A_591] {strides = array<i32>} : memref<64x128xf32, #tpu.memory_space<vmem>>, vector<1x16xf32>,
        %parallel_loop3A_593 = vector.shape_cast %parallel_loop3A_592 : vector<1x16xf32> to vector<16xf32>
        %parallel_loop3A_594 = vector.shape_cast %parallel_loop3A_589 : vector<16xf32> to vector<1x16xf32>
        tpu.vector_store %arg18[%parallel_loop3A_590, %parallel_loop3A_591], %parallel_loop3A_594 {strides = array<i32>} : memref<64x128xf32, #tpu.memory_space<vmem>>, vector<1x16xf32>,
        %parallel_loop3A_595 = arith.constant 0 : i32
        %parallel_loop3A_596 = vector.broadcast %parallel_loop3A_595 : i32 to vector<16xi32>
        %parallel_loop3A_597 = arith.cmpi eq, %iota3A, %parallel_loop3A_596 : vector<16xi32>
        %parallel_loop3A_598 = arith.constant 1 : i32
        %parallel_loop3A_599 = vector.broadcast %parallel_loop3A_598 : i32 to vector<16xi32>
        %parallel_loop3A_600 = arith.cmpi eq, %iota3A, %parallel_loop3A_599 : vector<16xi32>
        %parallel_loop3A_601 = arith.constant 0.000000e+00 : f32
        %parallel_loop3A_602 = vector.broadcast %parallel_loop3A_601 : f32 to vector<16xf32>
        %parallel_loop3A_603 = arith.select %parallel_loop3A_600, %parallel_loop3A_566, %parallel_loop3A_602 : vector<16xi1>, vector<16xf32>
        %parallel_loop3A_604 = arith.select %parallel_loop3A_597, %parallel_loop3A_552, %parallel_loop3A_603 : vector<16xi1>, vector<16xf32>
        %parallel_loop3A_605 = arith.index_cast %parallel_loop3A_458 : i32 to index
        %parallel_loop3A_606 = arith.constant 64 : index
        %parallel_loop3A_607 = tpu.vector_load %arg18[%parallel_loop3A_605, %parallel_loop3A_606] {strides = array<i32>} : memref<64x128xf32, #tpu.memory_space<vmem>>, vector<1x16xf32>,
        %parallel_loop3A_608 = vector.shape_cast %parallel_loop3A_607 : vector<1x16xf32> to vector<16xf32>
        %parallel_loop3A_609 = vector.shape_cast %parallel_loop3A_604 : vector<16xf32> to vector<1x16xf32>
        tpu.vector_store %arg18[%parallel_loop3A_605, %parallel_loop3A_606], %parallel_loop3A_609 {strides = array<i32>} : memref<64x128xf32, #tpu.memory_space<vmem>>, vector<1x16xf32>,
      } {sc.loop_unroll_factor = 4 : i64, sc.parallel_access}
      %dma_start3A_416 = arith.constant 32 : i32
      %dma_start3A_417 = arith.constant 0 : i32
      %dma_start3A_418 = tpu.memref_slice %arg18[%dma_start3A_416, %dma_start3A_417] : memref<64x128xf32, #tpu.memory_space<vmem>> -> memref<32x128xf32, #tpu.memory_space<vmem>>
      %dma_start3A_419 = arith.constant 0 : i32
      %dma_start3A_420 = arith.constant 0 : i32
      %dma_start3A_421 = tpu.memref_slice %arg8[%dma_start3A_419, %dma_start3A_420] : memref<10000x128xf32, #tpu.memory_space<vmem_shared>> -> memref<10000x128xf32, #tpu.memory_space<vmem_shared>>
      tpu.enqueue_indirect_dma source(%dma_start3A_418 : memref<32x128xf32, #tpu.memory_space<vmem>>) target(%dma_start3A_421 : memref<10000x128xf32, #tpu.memory_space<vmem_shared>>) offsets(%arg20 : memref<32xi32, #tpu.memory_space<vmem>>) semaphore(%arg29 : memref<!tpu.dma_semaphore, #tpu.memory_space<semaphore_mem>>) {add = true}
      %ge3A = arith.constant -1 : i32
      %ge3A_422 = arith.constant 0 : i32
      %ge3A_423 = arith.cmpi sge, %ge3A, %ge3A_422 : i32
      %convert_element_type3A_424 = arith.extui %ge3A_423 : i1 to i32
      %cond3A_425 = arith.constant -1 : i32
      %cond3A_426 = arith.constant 0 : i32
      %cond3A_427 = arith.cmpi ne, %convert_element_type3A_424, %cond3A_426 : i32
      scf.if %cond3A_427 {
        %mul3A_458 = arith.constant 320000 : i32
        %mul3A_459 = arith.muli %arg0, %mul3A_458 : i32
        %mul3A_460 = arith.constant 64 : i32
        %mul3A_461 = arith.muli %cond3A_425, %mul3A_460 : i32
        %add3A_462 = arith.addi %mul3A_459, %mul3A_461 : i32
        %dma_start3A_463 = arith.constant 0 : i32
        %dma_start3A_464 = tpu.memref_slice %arg4[%add3A_462, %dma_start3A_463] : memref<640000x64xf32, #tpu.memory_space<hbm>> -> memref<64x64xf32, #tpu.memory_space<hbm>>
        %dma_start3A_465 = arith.constant 0 : i32
        %dma_start3A_466 = tpu.memref_slice %arg4[%add3A_462, %dma_start3A_465] : memref<640000x64xf32, #tpu.memory_space<hbm>> -> memref<64x64xf32, #tpu.memory_space<hbm>>
        tpu.enqueue_dma source(%dma_start3A_466 : memref<64x64xf32, #tpu.memory_space<hbm>>) target(%arg17 : memref<64x64xf32, #tpu.memory_space<vmem>>) target_semaphore(%arg27 : memref<!tpu.dma_semaphore, #tpu.memory_space<semaphore_mem>>)
      } else {
      }
      %dma_wait3A_428 = arith.constant 0 : i32
      %dma_wait3A_429 = arith.constant 0 : i32
      %dma_wait3A_430 = arith.constant 0 : i32
      %dma_wait3A_431 = tpu.memref_slice %arg18[%dma_wait3A_429, %dma_wait3A_430] : memref<64x128xf32, #tpu.memory_space<vmem>> -> memref<32x128xf32, #tpu.memory_space<vmem>>
      %dma_wait3A_432 = arith.constant 0 : i32
      %dma_wait3A_433 = arith.constant 0 : i32
      %dma_wait3A_434 = tpu.memref_slice %arg7[%dma_wait3A_428, %dma_wait3A_432, %dma_wait3A_433] : memref<2x10000x128xf32, #tpu.memory_space<hbm>> -> memref<1x32x128xf32, #tpu.memory_space<hbm>>
      %dma_wait3A_435 = tpu.memref_squeeze %dma_wait3A_434 : memref<1x32x128xf32, #tpu.memory_space<hbm>> -> memref<32x128xf32, #tpu.memory_space<hbm>>
      %dma_wait3A_436 = arith.constant 0 : i32
      %dma_wait3A_437 = arith.constant 0 : i32
      %dma_wait3A_438 = tpu.memref_slice %arg18[%dma_wait3A_436, %dma_wait3A_437] : memref<64x128xf32, #tpu.memory_space<vmem>> -> memref<32x128xf32, #tpu.memory_space<vmem>>
      %dma_wait3A_439 = arith.constant 0 : i32
      %dma_wait3A_440 = arith.constant 0 : i32
      %dma_wait3A_441 = tpu.memref_slice %arg7[%dma_wait3A_428, %dma_wait3A_439, %dma_wait3A_440] : memref<2x10000x128xf32, #tpu.memory_space<hbm>> -> memref<1x32x128xf32, #tpu.memory_space<hbm>>
      %dma_wait3A_442 = tpu.memref_squeeze %dma_wait3A_441 : memref<1x32x128xf32, #tpu.memory_space<hbm>> -> memref<32x128xf32, #tpu.memory_space<hbm>>
      tpu.wait_dma2 semaphore(%arg28 : memref<!tpu.dma_semaphore, #tpu.memory_space<semaphore_mem>>) src(%dma_wait3A_442 : memref<32x128xf32, #tpu.memory_space<hbm>>) dst(%dma_wait3A_438 : memref<32x128xf32, #tpu.memory_space<vmem>>)
      %dma_wait3A_443 = arith.constant 0 : i32
      %dma_wait3A_444 = arith.constant 32 : i32
      %dma_wait3A_445 = arith.constant 0 : i32
      %dma_wait3A_446 = tpu.memref_slice %arg18[%dma_wait3A_444, %dma_wait3A_445] : memref<64x128xf32, #tpu.memory_space<vmem>> -> memref<32x128xf32, #tpu.memory_space<vmem>>
      %dma_wait3A_447 = arith.constant 0 : i32
      %dma_wait3A_448 = arith.constant 0 : i32
      %dma_wait3A_449 = tpu.memref_slice %arg7[%dma_wait3A_443, %dma_wait3A_447, %dma_wait3A_448] : memref<2x10000x128xf32, #tpu.memory_space<hbm>> -> memref<1x32x128xf32, #tpu.memory_space<hbm>>
      %dma_wait3A_450 = tpu.memref_squeeze %dma_wait3A_449 : memref<1x32x128xf32, #tpu.memory_space<hbm>> -> memref<32x128xf32, #tpu.memory_space<hbm>>
      %dma_wait3A_451 = arith.constant 32 : i32
      %dma_wait3A_452 = arith.constant 0 : i32
      %dma_wait3A_453 = tpu.memref_slice %arg18[%dma_wait3A_451, %dma_wait3A_452] : memref<64x128xf32, #tpu.memory_space<vmem>> -> memref<32x128xf32, #tpu.memory_space<vmem>>
      %dma_wait3A_454 = arith.constant 0 : i32
      %dma_wait3A_455 = arith.constant 0 : i32
      %dma_wait3A_456 = tpu.memref_slice %arg7[%dma_wait3A_443, %dma_wait3A_454, %dma_wait3A_455] : memref<2x10000x128xf32, #tpu.memory_space<hbm>> -> memref<1x32x128xf32, #tpu.memory_space<hbm>>
      %dma_wait3A_457 = tpu.memref_squeeze %dma_wait3A_456 : memref<1x32x128xf32, #tpu.memory_space<hbm>> -> memref<32x128xf32, #tpu.memory_space<hbm>>
      tpu.wait_dma2 semaphore(%arg29 : memref<!tpu.dma_semaphore, #tpu.memory_space<semaphore_mem>>) src(%dma_wait3A_457 : memref<32x128xf32, #tpu.memory_space<hbm>>) dst(%dma_wait3A_453 : memref<32x128xf32, #tpu.memory_space<vmem>>)
    } else {
    }
    %barrier3A_208 = arith.constant 0 : index
    tpu.barrier barrier_id(%barrier3A_208)
    %add3A_209 = arith.constant 0 : i32
    %add3A_210 = arith.addi %arg1, %add3A_209 : i32
    %lt3A_211 = arith.constant 156 : i32
    %lt3A_212 = arith.cmpi slt, %add3A_210, %lt3A_211 : i32
    %convert_element_type3A_213 = arith.extui %lt3A_212 : i1 to i32
    %cond3A_214 = arith.constant 0 : i32
    %cond3A_215 = arith.cmpi ne, %convert_element_type3A_213, %cond3A_214 : i32
    scf.if %cond3A_215 {
      %mul3A_284 = arith.constant 64 : i32
      %mul3A_285 = arith.muli %add3A_210, %mul3A_284 : i32
      %mul3A_286 = arith.constant 64 : i32
      %mul3A_287 = arith.muli %add3A_210, %mul3A_286 : i32
      "tpu.region"() ({
        %run_scoped3A = tpu.sem_alloc : memref<!tpu.dma_semaphore, #tpu.memory_space<semaphore_mem>>
        %dma_start3A_288 = arith.constant 0 : i32
        %dma_start3A_289 = tpu.memref_slice %arg7[%arg0, %mul3A_287, %dma_start3A_288] : memref<2x10000x128xf32, #tpu.memory_space<hbm>> -> memref<1x64x128xf32, #tpu.memory_space<hbm>>
        %dma_start3A_290 = tpu.memref_squeeze %dma_start3A_289 : memref<1x64x128xf32, #tpu.memory_space<hbm>> -> memref<64x128xf32, #tpu.memory_space<hbm>>
        %dma_start3A_291 = arith.constant 0 : i32
        %dma_start3A_292 = tpu.memref_slice %arg8[%mul3A_285, %dma_start3A_291] : memref<10000x128xf32, #tpu.memory_space<vmem_shared>> -> memref<64x128xf32, #tpu.memory_space<vmem_shared>>
        tpu.enqueue_dma source(%dma_start3A_292 : memref<64x128xf32, #tpu.memory_space<vmem_shared>>) target(%dma_start3A_290 : memref<64x128xf32, #tpu.memory_space<hbm>>) target_semaphore(%run_scoped3A : memref<!tpu.dma_semaphore, #tpu.memory_space<semaphore_mem>>)
        %dma_wait3A_293 = arith.constant 0 : i32
        %dma_wait3A_294 = tpu.memref_slice %arg7[%arg0, %mul3A_287, %dma_wait3A_293] : memref<2x10000x128xf32, #tpu.memory_space<hbm>> -> memref<1x64x128xf32, #tpu.memory_space<hbm>>
        %dma_wait3A_295 = tpu.memref_squeeze %dma_wait3A_294 : memref<1x64x128xf32, #tpu.memory_space<hbm>> -> memref<64x128xf32, #tpu.memory_space<hbm>>
        %dma_wait3A_296 = arith.constant 0 : i32
        %dma_wait3A_297 = tpu.memref_slice %arg8[%mul3A_285, %dma_wait3A_296] : memref<10000x128xf32, #tpu.memory_space<vmem_shared>> -> memref<64x128xf32, #tpu.memory_space<vmem_shared>>
        tpu.wait_dma2 semaphore(%run_scoped3A : memref<!tpu.dma_semaphore, #tpu.memory_space<semaphore_mem>>) src(%dma_wait3A_297 : memref<64x128xf32, #tpu.memory_space<vmem_shared>>) dst(%dma_wait3A_295 : memref<64x128xf32, #tpu.memory_space<hbm>>)
        tpu.yield
      }) : () -> ()
    } else {
    }
    %add3A_216 = arith.constant 16 : i32
    %add3A_217 = arith.addi %arg1, %add3A_216 : i32
    %lt3A_218 = arith.constant 156 : i32
    %lt3A_219 = arith.cmpi slt, %add3A_217, %lt3A_218 : i32
    %convert_element_type3A_220 = arith.extui %lt3A_219 : i1 to i32
    %cond3A_221 = arith.constant 0 : i32
    %cond3A_222 = arith.cmpi ne, %convert_element_type3A_220, %cond3A_221 : i32
    scf.if %cond3A_222 {
      %mul3A_284 = arith.constant 64 : i32
      %mul3A_285 = arith.muli %add3A_217, %mul3A_284 : i32
      %mul3A_286 = arith.constant 64 : i32
      %mul3A_287 = arith.muli %add3A_217, %mul3A_286 : i32
      "tpu.region"() ({
        %run_scoped3A = tpu.sem_alloc : memref<!tpu.dma_semaphore, #tpu.memory_space<semaphore_mem>>
        %dma_start3A_288 = arith.constant 0 : i32
        %dma_start3A_289 = tpu.memref_slice %arg7[%arg0, %mul3A_287, %dma_start3A_288] : memref<2x10000x128xf32, #tpu.memory_space<hbm>> -> memref<1x64x128xf32, #tpu.memory_space<hbm>>
        %dma_start3A_290 = tpu.memref_squeeze %dma_start3A_289 : memref<1x64x128xf32, #tpu.memory_space<hbm>> -> memref<64x128xf32, #tpu.memory_space<hbm>>
        %dma_start3A_291 = arith.constant 0 : i32
        %dma_start3A_292 = tpu.memref_slice %arg8[%mul3A_285, %dma_start3A_291] : memref<10000x128xf32, #tpu.memory_space<vmem_shared>> -> memref<64x128xf32, #tpu.memory_space<vmem_shared>>
        tpu.enqueue_dma source(%dma_start3A_292 : memref<64x128xf32, #tpu.memory_space<vmem_shared>>) target(%dma_start3A_290 : memref<64x128xf32, #tpu.memory_space<hbm>>) target_semaphore(%run_scoped3A : memref<!tpu.dma_semaphore, #tpu.memory_space<semaphore_mem>>)
        %dma_wait3A_293 = arith.constant 0 : i32
        %dma_wait3A_294 = tpu.memref_slice %arg7[%arg0, %mul3A_287, %dma_wait3A_293] : memref<2x10000x128xf32, #tpu.memory_space<hbm>> -> memref<1x64x128xf32, #tpu.memory_space<hbm>>
        %dma_wait3A_295 = tpu.memref_squeeze %dma_wait3A_294 : memref<1x64x128xf32, #tpu.memory_space<hbm>> -> memref<64x128xf32, #tpu.memory_space<hbm>>
        %dma_wait3A_296 = arith.constant 0 : i32
        %dma_wait3A_297 = tpu.memref_slice %arg8[%mul3A_285, %dma_wait3A_296] : memref<10000x128xf32, #tpu.memory_space<vmem_shared>> -> memref<64x128xf32, #tpu.memory_space<vmem_shared>>
        tpu.wait_dma2 semaphore(%run_scoped3A : memref<!tpu.dma_semaphore, #tpu.memory_space<semaphore_mem>>) src(%dma_wait3A_297 : memref<64x128xf32, #tpu.memory_space<vmem_shared>>) dst(%dma_wait3A_295 : memref<64x128xf32, #tpu.memory_space<hbm>>)
        tpu.yield
      }) : () -> ()
    } else {
    }
    %add3A_223 = arith.constant 32 : i32
    %add3A_224 = arith.addi %arg1, %add3A_223 : i32
    %lt3A_225 = arith.constant 156 : i32
    %lt3A_226 = arith.cmpi slt, %add3A_224, %lt3A_225 : i32
    %convert_element_type3A_227 = arith.extui %lt3A_226 : i1 to i32
    %cond3A_228 = arith.constant 0 : i32
    %cond3A_229 = arith.cmpi ne, %convert_element_type3A_227, %cond3A_228 : i32
    scf.if %cond3A_229 {
      %mul3A_284 = arith.constant 64 : i32
      %mul3A_285 = arith.muli %add3A_224, %mul3A_284 : i32
      %mul3A_286 = arith.constant 64 : i32
      %mul3A_287 = arith.muli %add3A_224, %mul3A_286 : i32
      "tpu.region"() ({
        %run_scoped3A = tpu.sem_alloc : memref<!tpu.dma_semaphore, #tpu.memory_space<semaphore_mem>>
        %dma_start3A_288 = arith.constant 0 : i32
        %dma_start3A_289 = tpu.memref_slice %arg7[%arg0, %mul3A_287, %dma_start3A_288] : memref<2x10000x128xf32, #tpu.memory_space<hbm>> -> memref<1x64x128xf32, #tpu.memory_space<hbm>>
        %dma_start3A_290 = tpu.memref_squeeze %dma_start3A_289 : memref<1x64x128xf32, #tpu.memory_space<hbm>> -> memref<64x128xf32, #tpu.memory_space<hbm>>
        %dma_start3A_291 = arith.constant 0 : i32
        %dma_start3A_292 = tpu.memref_slice %arg8[%mul3A_285, %dma_start3A_291] : memref<10000x128xf32, #tpu.memory_space<vmem_shared>> -> memref<64x128xf32, #tpu.memory_space<vmem_shared>>
        tpu.enqueue_dma source(%dma_start3A_292 : memref<64x128xf32, #tpu.memory_space<vmem_shared>>) target(%dma_start3A_290 : memref<64x128xf32, #tpu.memory_space<hbm>>) target_semaphore(%run_scoped3A : memref<!tpu.dma_semaphore, #tpu.memory_space<semaphore_mem>>)
        %dma_wait3A_293 = arith.constant 0 : i32
        %dma_wait3A_294 = tpu.memref_slice %arg7[%arg0, %mul3A_287, %dma_wait3A_293] : memref<2x10000x128xf32, #tpu.memory_space<hbm>> -> memref<1x64x128xf32, #tpu.memory_space<hbm>>
        %dma_wait3A_295 = tpu.memref_squeeze %dma_wait3A_294 : memref<1x64x128xf32, #tpu.memory_space<hbm>> -> memref<64x128xf32, #tpu.memory_space<hbm>>
        %dma_wait3A_296 = arith.constant 0 : i32
        %dma_wait3A_297 = tpu.memref_slice %arg8[%mul3A_285, %dma_wait3A_296] : memref<10000x128xf32, #tpu.memory_space<vmem_shared>> -> memref<64x128xf32, #tpu.memory_space<vmem_shared>>
        tpu.wait_dma2 semaphore(%run_scoped3A : memref<!tpu.dma_semaphore, #tpu.memory_space<semaphore_mem>>) src(%dma_wait3A_297 : memref<64x128xf32, #tpu.memory_space<vmem_shared>>) dst(%dma_wait3A_295 : memref<64x128xf32, #tpu.memory_space<hbm>>)
        tpu.yield
      }) : () -> ()
    } else {
    }
    %add3A_230 = arith.constant 48 : i32
    %add3A_231 = arith.addi %arg1, %add3A_230 : i32
    %lt3A_232 = arith.constant 156 : i32
    %lt3A_233 = arith.cmpi slt, %add3A_231, %lt3A_232 : i32
    %convert_element_type3A_234 = arith.extui %lt3A_233 : i1 to i32
    %cond3A_235 = arith.constant 0 : i32
    %cond3A_236 = arith.cmpi ne, %convert_element_type3A_234, %cond3A_235 : i32
    scf.if %cond3A_236 {
      %mul3A_284 = arith.constant 64 : i32
      %mul3A_285 = arith.muli %add3A_231, %mul3A_284 : i32
      %mul3A_286 = arith.constant 64 : i32
      %mul3A_287 = arith.muli %add3A_231, %mul3A_286 : i32
      "tpu.region"() ({
        %run_scoped3A = tpu.sem_alloc : memref<!tpu.dma_semaphore, #tpu.memory_space<semaphore_mem>>
        %dma_start3A_288 = arith.constant 0 : i32
        %dma_start3A_289 = tpu.memref_slice %arg7[%arg0, %mul3A_287, %dma_start3A_288] : memref<2x10000x128xf32, #tpu.memory_space<hbm>> -> memref<1x64x128xf32, #tpu.memory_space<hbm>>
        %dma_start3A_290 = tpu.memref_squeeze %dma_start3A_289 : memref<1x64x128xf32, #tpu.memory_space<hbm>> -> memref<64x128xf32, #tpu.memory_space<hbm>>
        %dma_start3A_291 = arith.constant 0 : i32
        %dma_start3A_292 = tpu.memref_slice %arg8[%mul3A_285, %dma_start3A_291] : memref<10000x128xf32, #tpu.memory_space<vmem_shared>> -> memref<64x128xf32, #tpu.memory_space<vmem_shared>>
        tpu.enqueue_dma source(%dma_start3A_292 : memref<64x128xf32, #tpu.memory_space<vmem_shared>>) target(%dma_start3A_290 : memref<64x128xf32, #tpu.memory_space<hbm>>) target_semaphore(%run_scoped3A : memref<!tpu.dma_semaphore, #tpu.memory_space<semaphore_mem>>)
        %dma_wait3A_293 = arith.constant 0 : i32
        %dma_wait3A_294 = tpu.memref_slice %arg7[%arg0, %mul3A_287, %dma_wait3A_293] : memref<2x10000x128xf32, #tpu.memory_space<hbm>> -> memref<1x64x128xf32, #tpu.memory_space<hbm>>
        %dma_wait3A_295 = tpu.memref_squeeze %dma_wait3A_294 : memref<1x64x128xf32, #tpu.memory_space<hbm>> -> memref<64x128xf32, #tpu.memory_space<hbm>>
        %dma_wait3A_296 = arith.constant 0 : i32
        %dma_wait3A_297 = tpu.memref_slice %arg8[%mul3A_285, %dma_wait3A_296] : memref<10000x128xf32, #tpu.memory_space<vmem_shared>> -> memref<64x128xf32, #tpu.memory_space<vmem_shared>>
        tpu.wait_dma2 semaphore(%run_scoped3A : memref<!tpu.dma_semaphore, #tpu.memory_space<semaphore_mem>>) src(%dma_wait3A_297 : memref<64x128xf32, #tpu.memory_space<vmem_shared>>) dst(%dma_wait3A_295 : memref<64x128xf32, #tpu.memory_space<hbm>>)
        tpu.yield
      }) : () -> ()
    } else {
    }
    %add3A_237 = arith.constant 64 : i32
    %add3A_238 = arith.addi %arg1, %add3A_237 : i32
    %lt3A_239 = arith.constant 156 : i32
    %lt3A_240 = arith.cmpi slt, %add3A_238, %lt3A_239 : i32
    %convert_element_type3A_241 = arith.extui %lt3A_240 : i1 to i32
    %cond3A_242 = arith.constant 0 : i32
    %cond3A_243 = arith.cmpi ne, %convert_element_type3A_241, %cond3A_242 : i32
    scf.if %cond3A_243 {
      %mul3A_284 = arith.constant 64 : i32
      %mul3A_285 = arith.muli %add3A_238, %mul3A_284 : i32
      %mul3A_286 = arith.constant 64 : i32
      %mul3A_287 = arith.muli %add3A_238, %mul3A_286 : i32
      "tpu.region"() ({
        %run_scoped3A = tpu.sem_alloc : memref<!tpu.dma_semaphore, #tpu.memory_space<semaphore_mem>>
        %dma_start3A_288 = arith.constant 0 : i32
        %dma_start3A_289 = tpu.memref_slice %arg7[%arg0, %mul3A_287, %dma_start3A_288] : memref<2x10000x128xf32, #tpu.memory_space<hbm>> -> memref<1x64x128xf32, #tpu.memory_space<hbm>>
        %dma_start3A_290 = tpu.memref_squeeze %dma_start3A_289 : memref<1x64x128xf32, #tpu.memory_space<hbm>> -> memref<64x128xf32, #tpu.memory_space<hbm>>
        %dma_start3A_291 = arith.constant 0 : i32
        %dma_start3A_292 = tpu.memref_slice %arg8[%mul3A_285, %dma_start3A_291] : memref<10000x128xf32, #tpu.memory_space<vmem_shared>> -> memref<64x128xf32, #tpu.memory_space<vmem_shared>>
        tpu.enqueue_dma source(%dma_start3A_292 : memref<64x128xf32, #tpu.memory_space<vmem_shared>>) target(%dma_start3A_290 : memref<64x128xf32, #tpu.memory_space<hbm>>) target_semaphore(%run_scoped3A : memref<!tpu.dma_semaphore, #tpu.memory_space<semaphore_mem>>)
        %dma_wait3A_293 = arith.constant 0 : i32
        %dma_wait3A_294 = tpu.memref_slice %arg7[%arg0, %mul3A_287, %dma_wait3A_293] : memref<2x10000x128xf32, #tpu.memory_space<hbm>> -> memref<1x64x128xf32, #tpu.memory_space<hbm>>
        %dma_wait3A_295 = tpu.memref_squeeze %dma_wait3A_294 : memref<1x64x128xf32, #tpu.memory_space<hbm>> -> memref<64x128xf32, #tpu.memory_space<hbm>>
        %dma_wait3A_296 = arith.constant 0 : i32
        %dma_wait3A_297 = tpu.memref_slice %arg8[%mul3A_285, %dma_wait3A_296] : memref<10000x128xf32, #tpu.memory_space<vmem_shared>> -> memref<64x128xf32, #tpu.memory_space<vmem_shared>>
        tpu.wait_dma2 semaphore(%run_scoped3A : memref<!tpu.dma_semaphore, #tpu.memory_space<semaphore_mem>>) src(%dma_wait3A_297 : memref<64x128xf32, #tpu.memory_space<vmem_shared>>) dst(%dma_wait3A_295 : memref<64x128xf32, #tpu.memory_space<hbm>>)
        tpu.yield
      }) : () -> ()
    } else {
    }
    %add3A_244 = arith.constant 80 : i32
    %add3A_245 = arith.addi %arg1, %add3A_244 : i32
    %lt3A_246 = arith.constant 156 : i32
    %lt3A_247 = arith.cmpi slt, %add3A_245, %lt3A_246 : i32
    %convert_element_type3A_248 = arith.extui %lt3A_247 : i1 to i32
    %cond3A_249 = arith.constant 0 : i32
    %cond3A_250 = arith.cmpi ne, %convert_element_type3A_248, %cond3A_249 : i32
    scf.if %cond3A_250 {
      %mul3A_284 = arith.constant 64 : i32
      %mul3A_285 = arith.muli %add3A_245, %mul3A_284 : i32
      %mul3A_286 = arith.constant 64 : i32
      %mul3A_287 = arith.muli %add3A_245, %mul3A_286 : i32
      "tpu.region"() ({
        %run_scoped3A = tpu.sem_alloc : memref<!tpu.dma_semaphore, #tpu.memory_space<semaphore_mem>>
        %dma_start3A_288 = arith.constant 0 : i32
        %dma_start3A_289 = tpu.memref_slice %arg7[%arg0, %mul3A_287, %dma_start3A_288] : memref<2x10000x128xf32, #tpu.memory_space<hbm>> -> memref<1x64x128xf32, #tpu.memory_space<hbm>>
        %dma_start3A_290 = tpu.memref_squeeze %dma_start3A_289 : memref<1x64x128xf32, #tpu.memory_space<hbm>> -> memref<64x128xf32, #tpu.memory_space<hbm>>
        %dma_start3A_291 = arith.constant 0 : i32
        %dma_start3A_292 = tpu.memref_slice %arg8[%mul3A_285, %dma_start3A_291] : memref<10000x128xf32, #tpu.memory_space<vmem_shared>> -> memref<64x128xf32, #tpu.memory_space<vmem_shared>>
        tpu.enqueue_dma source(%dma_start3A_292 : memref<64x128xf32, #tpu.memory_space<vmem_shared>>) target(%dma_start3A_290 : memref<64x128xf32, #tpu.memory_space<hbm>>) target_semaphore(%run_scoped3A : memref<!tpu.dma_semaphore, #tpu.memory_space<semaphore_mem>>)
        %dma_wait3A_293 = arith.constant 0 : i32
        %dma_wait3A_294 = tpu.memref_slice %arg7[%arg0, %mul3A_287, %dma_wait3A_293] : memref<2x10000x128xf32, #tpu.memory_space<hbm>> -> memref<1x64x128xf32, #tpu.memory_space<hbm>>
        %dma_wait3A_295 = tpu.memref_squeeze %dma_wait3A_294 : memref<1x64x128xf32, #tpu.memory_space<hbm>> -> memref<64x128xf32, #tpu.memory_space<hbm>>
        %dma_wait3A_296 = arith.constant 0 : i32
        %dma_wait3A_297 = tpu.memref_slice %arg8[%mul3A_285, %dma_wait3A_296] : memref<10000x128xf32, #tpu.memory_space<vmem_shared>> -> memref<64x128xf32, #tpu.memory_space<vmem_shared>>
        tpu.wait_dma2 semaphore(%run_scoped3A : memref<!tpu.dma_semaphore, #tpu.memory_space<semaphore_mem>>) src(%dma_wait3A_297 : memref<64x128xf32, #tpu.memory_space<vmem_shared>>) dst(%dma_wait3A_295 : memref<64x128xf32, #tpu.memory_space<hbm>>)
        tpu.yield
      }) : () -> ()
    } else {
    }
    %add3A_251 = arith.constant 96 : i32
    %add3A_252 = arith.addi %arg1, %add3A_251 : i32
    %lt3A_253 = arith.constant 156 : i32
    %lt3A_254 = arith.cmpi slt, %add3A_252, %lt3A_253 : i32
    %convert_element_type3A_255 = arith.extui %lt3A_254 : i1 to i32
    %cond3A_256 = arith.constant 0 : i32
    %cond3A_257 = arith.cmpi ne, %convert_element_type3A_255, %cond3A_256 : i32
    scf.if %cond3A_257 {
      %mul3A_284 = arith.constant 64 : i32
      %mul3A_285 = arith.muli %add3A_252, %mul3A_284 : i32
      %mul3A_286 = arith.constant 64 : i32
      %mul3A_287 = arith.muli %add3A_252, %mul3A_286 : i32
      "tpu.region"() ({
        %run_scoped3A = tpu.sem_alloc : memref<!tpu.dma_semaphore, #tpu.memory_space<semaphore_mem>>
        %dma_start3A_288 = arith.constant 0 : i32
        %dma_start3A_289 = tpu.memref_slice %arg7[%arg0, %mul3A_287, %dma_start3A_288] : memref<2x10000x128xf32, #tpu.memory_space<hbm>> -> memref<1x64x128xf32, #tpu.memory_space<hbm>>
        %dma_start3A_290 = tpu.memref_squeeze %dma_start3A_289 : memref<1x64x128xf32, #tpu.memory_space<hbm>> -> memref<64x128xf32, #tpu.memory_space<hbm>>
        %dma_start3A_291 = arith.constant 0 : i32
        %dma_start3A_292 = tpu.memref_slice %arg8[%mul3A_285, %dma_start3A_291] : memref<10000x128xf32, #tpu.memory_space<vmem_shared>> -> memref<64x128xf32, #tpu.memory_space<vmem_shared>>
        tpu.enqueue_dma source(%dma_start3A_292 : memref<64x128xf32, #tpu.memory_space<vmem_shared>>) target(%dma_start3A_290 : memref<64x128xf32, #tpu.memory_space<hbm>>) target_semaphore(%run_scoped3A : memref<!tpu.dma_semaphore, #tpu.memory_space<semaphore_mem>>)
        %dma_wait3A_293 = arith.constant 0 : i32
        %dma_wait3A_294 = tpu.memref_slice %arg7[%arg0, %mul3A_287, %dma_wait3A_293] : memref<2x10000x128xf32, #tpu.memory_space<hbm>> -> memref<1x64x128xf32, #tpu.memory_space<hbm>>
        %dma_wait3A_295 = tpu.memref_squeeze %dma_wait3A_294 : memref<1x64x128xf32, #tpu.memory_space<hbm>> -> memref<64x128xf32, #tpu.memory_space<hbm>>
        %dma_wait3A_296 = arith.constant 0 : i32
        %dma_wait3A_297 = tpu.memref_slice %arg8[%mul3A_285, %dma_wait3A_296] : memref<10000x128xf32, #tpu.memory_space<vmem_shared>> -> memref<64x128xf32, #tpu.memory_space<vmem_shared>>
        tpu.wait_dma2 semaphore(%run_scoped3A : memref<!tpu.dma_semaphore, #tpu.memory_space<semaphore_mem>>) src(%dma_wait3A_297 : memref<64x128xf32, #tpu.memory_space<vmem_shared>>) dst(%dma_wait3A_295 : memref<64x128xf32, #tpu.memory_space<hbm>>)
        tpu.yield
      }) : () -> ()
    } else {
    }
    %add3A_258 = arith.constant 112 : i32
    %add3A_259 = arith.addi %arg1, %add3A_258 : i32
    %lt3A_260 = arith.constant 156 : i32
    %lt3A_261 = arith.cmpi slt, %add3A_259, %lt3A_260 : i32
    %convert_element_type3A_262 = arith.extui %lt3A_261 : i1 to i32
    %cond3A_263 = arith.constant 0 : i32
    %cond3A_264 = arith.cmpi ne, %convert_element_type3A_262, %cond3A_263 : i32
    scf.if %cond3A_264 {
      %mul3A_284 = arith.constant 64 : i32
      %mul3A_285 = arith.muli %add3A_259, %mul3A_284 : i32
      %mul3A_286 = arith.constant 64 : i32
      %mul3A_287 = arith.muli %add3A_259, %mul3A_286 : i32
      "tpu.region"() ({
        %run_scoped3A = tpu.sem_alloc : memref<!tpu.dma_semaphore, #tpu.memory_space<semaphore_mem>>
        %dma_start3A_288 = arith.constant 0 : i32
        %dma_start3A_289 = tpu.memref_slice %arg7[%arg0, %mul3A_287, %dma_start3A_288] : memref<2x10000x128xf32, #tpu.memory_space<hbm>> -> memref<1x64x128xf32, #tpu.memory_space<hbm>>
        %dma_start3A_290 = tpu.memref_squeeze %dma_start3A_289 : memref<1x64x128xf32, #tpu.memory_space<hbm>> -> memref<64x128xf32, #tpu.memory_space<hbm>>
        %dma_start3A_291 = arith.constant 0 : i32
        %dma_start3A_292 = tpu.memref_slice %arg8[%mul3A_285, %dma_start3A_291] : memref<10000x128xf32, #tpu.memory_space<vmem_shared>> -> memref<64x128xf32, #tpu.memory_space<vmem_shared>>
        tpu.enqueue_dma source(%dma_start3A_292 : memref<64x128xf32, #tpu.memory_space<vmem_shared>>) target(%dma_start3A_290 : memref<64x128xf32, #tpu.memory_space<hbm>>) target_semaphore(%run_scoped3A : memref<!tpu.dma_semaphore, #tpu.memory_space<semaphore_mem>>)
        %dma_wait3A_293 = arith.constant 0 : i32
        %dma_wait3A_294 = tpu.memref_slice %arg7[%arg0, %mul3A_287, %dma_wait3A_293] : memref<2x10000x128xf32, #tpu.memory_space<hbm>> -> memref<1x64x128xf32, #tpu.memory_space<hbm>>
        %dma_wait3A_295 = tpu.memref_squeeze %dma_wait3A_294 : memref<1x64x128xf32, #tpu.memory_space<hbm>> -> memref<64x128xf32, #tpu.memory_space<hbm>>
        %dma_wait3A_296 = arith.constant 0 : i32
        %dma_wait3A_297 = tpu.memref_slice %arg8[%mul3A_285, %dma_wait3A_296] : memref<10000x128xf32, #tpu.memory_space<vmem_shared>> -> memref<64x128xf32, #tpu.memory_space<vmem_shared>>
        tpu.wait_dma2 semaphore(%run_scoped3A : memref<!tpu.dma_semaphore, #tpu.memory_space<semaphore_mem>>) src(%dma_wait3A_297 : memref<64x128xf32, #tpu.memory_space<vmem_shared>>) dst(%dma_wait3A_295 : memref<64x128xf32, #tpu.memory_space<hbm>>)
        tpu.yield
      }) : () -> ()
    } else {
    }
    %add3A_265 = arith.constant 128 : i32
    %add3A_266 = arith.addi %arg1, %add3A_265 : i32
    %lt3A_267 = arith.constant 156 : i32
    %lt3A_268 = arith.cmpi slt, %add3A_266, %lt3A_267 : i32
    %convert_element_type3A_269 = arith.extui %lt3A_268 : i1 to i32
    %cond3A_270 = arith.constant 0 : i32
    %cond3A_271 = arith.cmpi ne, %convert_element_type3A_269, %cond3A_270 : i32
    scf.if %cond3A_271 {
      %mul3A_284 = arith.constant 64 : i32
      %mul3A_285 = arith.muli %add3A_266, %mul3A_284 : i32
      %mul3A_286 = arith.constant 64 : i32
      %mul3A_287 = arith.muli %add3A_266, %mul3A_286 : i32
      "tpu.region"() ({
        %run_scoped3A = tpu.sem_alloc : memref<!tpu.dma_semaphore, #tpu.memory_space<semaphore_mem>>
        %dma_start3A_288 = arith.constant 0 : i32
        %dma_start3A_289 = tpu.memref_slice %arg7[%arg0, %mul3A_287, %dma_start3A_288] : memref<2x10000x128xf32, #tpu.memory_space<hbm>> -> memref<1x64x128xf32, #tpu.memory_space<hbm>>
        %dma_start3A_290 = tpu.memref_squeeze %dma_start3A_289 : memref<1x64x128xf32, #tpu.memory_space<hbm>> -> memref<64x128xf32, #tpu.memory_space<hbm>>
        %dma_start3A_291 = arith.constant 0 : i32
        %dma_start3A_292 = tpu.memref_slice %arg8[%mul3A_285, %dma_start3A_291] : memref<10000x128xf32, #tpu.memory_space<vmem_shared>> -> memref<64x128xf32, #tpu.memory_space<vmem_shared>>
        tpu.enqueue_dma source(%dma_start3A_292 : memref<64x128xf32, #tpu.memory_space<vmem_shared>>) target(%dma_start3A_290 : memref<64x128xf32, #tpu.memory_space<hbm>>) target_semaphore(%run_scoped3A : memref<!tpu.dma_semaphore, #tpu.memory_space<semaphore_mem>>)
        %dma_wait3A_293 = arith.constant 0 : i32
        %dma_wait3A_294 = tpu.memref_slice %arg7[%arg0, %mul3A_287, %dma_wait3A_293] : memref<2x10000x128xf32, #tpu.memory_space<hbm>> -> memref<1x64x128xf32, #tpu.memory_space<hbm>>
        %dma_wait3A_295 = tpu.memref_squeeze %dma_wait3A_294 : memref<1x64x128xf32, #tpu.memory_space<hbm>> -> memref<64x128xf32, #tpu.memory_space<hbm>>
        %dma_wait3A_296 = arith.constant 0 : i32
        %dma_wait3A_297 = tpu.memref_slice %arg8[%mul3A_285, %dma_wait3A_296] : memref<10000x128xf32, #tpu.memory_space<vmem_shared>> -> memref<64x128xf32, #tpu.memory_space<vmem_shared>>
        tpu.wait_dma2 semaphore(%run_scoped3A : memref<!tpu.dma_semaphore, #tpu.memory_space<semaphore_mem>>) src(%dma_wait3A_297 : memref<64x128xf32, #tpu.memory_space<vmem_shared>>) dst(%dma_wait3A_295 : memref<64x128xf32, #tpu.memory_space<hbm>>)
        tpu.yield
      }) : () -> ()
    } else {
    }
    %add3A_272 = arith.constant 144 : i32
    %add3A_273 = arith.addi %arg1, %add3A_272 : i32
    %lt3A_274 = arith.constant 156 : i32
    %lt3A_275 = arith.cmpi slt, %add3A_273, %lt3A_274 : i32
    %convert_element_type3A_276 = arith.extui %lt3A_275 : i1 to i32
    %cond3A_277 = arith.constant 0 : i32
    %cond3A_278 = arith.cmpi ne, %convert_element_type3A_276, %cond3A_277 : i32
    scf.if %cond3A_278 {
      %mul3A_284 = arith.constant 64 : i32
      %mul3A_285 = arith.muli %add3A_273, %mul3A_284 : i32
      %mul3A_286 = arith.constant 64 : i32
      %mul3A_287 = arith.muli %add3A_273, %mul3A_286 : i32
      "tpu.region"() ({
        %run_scoped3A = tpu.sem_alloc : memref<!tpu.dma_semaphore, #tpu.memory_space<semaphore_mem>>
        %dma_start3A_288 = arith.constant 0 : i32
        %dma_start3A_289 = tpu.memref_slice %arg7[%arg0, %mul3A_287, %dma_start3A_288] : memref<2x10000x128xf32, #tpu.memory_space<hbm>> -> memref<1x64x128xf32, #tpu.memory_space<hbm>>
        %dma_start3A_290 = tpu.memref_squeeze %dma_start3A_289 : memref<1x64x128xf32, #tpu.memory_space<hbm>> -> memref<64x128xf32, #tpu.memory_space<hbm>>
        %dma_start3A_291 = arith.constant 0 : i32
        %dma_start3A_292 = tpu.memref_slice %arg8[%mul3A_285, %dma_start3A_291] : memref<10000x128xf32, #tpu.memory_space<vmem_shared>> -> memref<64x128xf32, #tpu.memory_space<vmem_shared>>
        tpu.enqueue_dma source(%dma_start3A_292 : memref<64x128xf32, #tpu.memory_space<vmem_shared>>) target(%dma_start3A_290 : memref<64x128xf32, #tpu.memory_space<hbm>>) target_semaphore(%run_scoped3A : memref<!tpu.dma_semaphore, #tpu.memory_space<semaphore_mem>>)
        %dma_wait3A_293 = arith.constant 0 : i32
        %dma_wait3A_294 = tpu.memref_slice %arg7[%arg0, %mul3A_287, %dma_wait3A_293] : memref<2x10000x128xf32, #tpu.memory_space<hbm>> -> memref<1x64x128xf32, #tpu.memory_space<hbm>>
        %dma_wait3A_295 = tpu.memref_squeeze %dma_wait3A_294 : memref<1x64x128xf32, #tpu.memory_space<hbm>> -> memref<64x128xf32, #tpu.memory_space<hbm>>
        %dma_wait3A_296 = arith.constant 0 : i32
        %dma_wait3A_297 = tpu.memref_slice %arg8[%mul3A_285, %dma_wait3A_296] : memref<10000x128xf32, #tpu.memory_space<vmem_shared>> -> memref<64x128xf32, #tpu.memory_space<vmem_shared>>
        tpu.wait_dma2 semaphore(%run_scoped3A : memref<!tpu.dma_semaphore, #tpu.memory_space<semaphore_mem>>) src(%dma_wait3A_297 : memref<64x128xf32, #tpu.memory_space<vmem_shared>>) dst(%dma_wait3A_295 : memref<64x128xf32, #tpu.memory_space<hbm>>)
        tpu.yield
      }) : () -> ()
    } else {
    }
    %eq3A_279 = arith.constant 12 : i32
    %eq3A_280 = arith.cmpi eq, %arg1, %eq3A_279 : i32
    %convert_element_type3A_281 = arith.extui %eq3A_280 : i1 to i32
    %cond3A_282 = arith.constant 0 : i32
    %cond3A_283 = arith.cmpi ne, %convert_element_type3A_281, %cond3A_282 : i32
    scf.if %cond3A_283 {
      "tpu.region"() ({
        %run_scoped3A = tpu.sem_alloc : memref<!tpu.dma_semaphore, #tpu.memory_space<semaphore_mem>>
        %dma_start3A_284 = arith.constant 9984 : i32
        %dma_start3A_285 = arith.constant 0 : i32
        %dma_start3A_286 = tpu.memref_slice %arg7[%arg0, %dma_start3A_284, %dma_start3A_285] : memref<2x10000x128xf32, #tpu.memory_space<hbm>> -> memref<1x16x128xf32, #tpu.memory_space<hbm>>
        %dma_start3A_287 = tpu.memref_squeeze %dma_start3A_286 : memref<1x16x128xf32, #tpu.memory_space<hbm>> -> memref<16x128xf32, #tpu.memory_space<hbm>>
        %dma_start3A_288 = arith.constant 9984 : i32
        %dma_start3A_289 = arith.constant 0 : i32
        %dma_start3A_290 = tpu.memref_slice %arg8[%dma_start3A_288, %dma_start3A_289] : memref<10000x128xf32, #tpu.memory_space<vmem_shared>> -> memref<16x128xf32, #tpu.memory_space<vmem_shared>>
        tpu.enqueue_dma source(%dma_start3A_290 : memref<16x128xf32, #tpu.memory_space<vmem_shared>>) target(%dma_start3A_287 : memref<16x128xf32, #tpu.memory_space<hbm>>) target_semaphore(%run_scoped3A : memref<!tpu.dma_semaphore, #tpu.memory_space<semaphore_mem>>)
        %dma_wait3A_291 = arith.constant 9984 : i32
        %dma_wait3A_292 = arith.constant 0 : i32
        %dma_wait3A_293 = tpu.memref_slice %arg7[%arg0, %dma_wait3A_291, %dma_wait3A_292] : memref<2x10000x128xf32, #tpu.memory_space<hbm>> -> memref<1x16x128xf32, #tpu.memory_space<hbm>>
        %dma_wait3A_294 = tpu.memref_squeeze %dma_wait3A_293 : memref<1x16x128xf32, #tpu.memory_space<hbm>> -> memref<16x128xf32, #tpu.memory_space<hbm>>
        %dma_wait3A_295 = arith.constant 9984 : i32
        %dma_wait3A_296 = arith.constant 0 : i32
        %dma_wait3A_297 = tpu.memref_slice %arg8[%dma_wait3A_295, %dma_wait3A_296] : memref<10000x128xf32, #tpu.memory_space<vmem_shared>> -> memref<16x128xf32, #tpu.memory_space<vmem_shared>>
        tpu.wait_dma2 semaphore(%run_scoped3A : memref<!tpu.dma_semaphore, #tpu.memory_space<semaphore_mem>>) src(%dma_wait3A_297 : memref<16x128xf32, #tpu.memory_space<vmem_shared>>) dst(%dma_wait3A_294 : memref<16x128xf32, #tpu.memory_space<hbm>>)
        tpu.yield
      }) : () -> ()
    } else {
    }
    return
  }
}

module attributes {stable_mosaic.version = 14 : i64} {
  func.func @_proj_body(%arg0: i32, %arg1: memref<200x128xf32, #tpu.memory_space<vmem>>, %arg2: memref<128x128xf32, #tpu.memory_space<vmem>>, %arg3: memref<1x128xf32, #tpu.memory_space<vmem>>, %arg4: memref<128x128xf32, #tpu.memory_space<vmem>>, %arg5: memref<1x128xf32, #tpu.memory_space<vmem>>, %arg6: memref<128x128xf32, #tpu.memory_space<vmem>>, %arg7: memref<1x128xf32, #tpu.memory_space<vmem>>, %arg8: memref<6400x16xf32, #tpu.memory_space<vmem>>, %arg9: memref<16x128xf32, #tpu.memory_space<vmem>>, %arg10: memref<200x128xf32, #tpu.memory_space<vmem>>, %arg11: memref<2x200x128xf32, #tpu.memory_space<vmem>>, %arg12: memref<2x6400x64xf32, #tpu.memory_space<vmem>>) attributes {dimension_semantics = [#tpu.dimension_semantics<arbitrary>], iteration_bounds = array<i64: 50>, scalar_prefetch = 0 : i64, scratch_operands = 0 : i64, tpu.core_type = #tpu.core_type<tc>, window_params = [{transform_indices = @transform_0, window_bounds = array<i64: 200, 128>}, {pipeline_mode = #tpu.pipeline_mode<synchronous>, transform_indices = @transform_1, window_bounds = array<i64: 128, 128>}, {pipeline_mode = #tpu.pipeline_mode<synchronous>, transform_indices = @transform_2, window_bounds = array<i64: 1, 128>}, {pipeline_mode = #tpu.pipeline_mode<synchronous>, transform_indices = @transform_3, window_bounds = array<i64: 128, 128>}, {pipeline_mode = #tpu.pipeline_mode<synchronous>, transform_indices = @transform_4, window_bounds = array<i64: 1, 128>}, {pipeline_mode = #tpu.pipeline_mode<synchronous>, transform_indices = @transform_5, window_bounds = array<i64: 128, 128>}, {pipeline_mode = #tpu.pipeline_mode<synchronous>, transform_indices = @transform_6, window_bounds = array<i64: 1, 128>}, {transform_indices = @transform_7, window_bounds = array<i64: 6400, 16>}, {pipeline_mode = #tpu.pipeline_mode<synchronous>, transform_indices = @transform_8, window_bounds = array<i64: 16, 128>}, {transform_indices = @transform_9, window_bounds = array<i64: 200, 128>}, {transform_indices = @transform_10, window_bounds = array<i64: 2, 200, 128>}, {transform_indices = @transform_11, window_bounds = array<i64: 2, 6400, 64>}]} {
    %get3A = arith.constant 0 : index
    %get3A_0 = arith.constant 0 : index
    %get3A_1 = vector.load %arg1[%get3A, %get3A_0] : memref<200x128xf32, #tpu.memory_space<vmem>>, vector<200x128xf32>
    %get3A_2 = arith.constant 0 : index
    %get3A_3 = arith.constant 0 : index
    %get3A_4 = vector.load %arg2[%get3A_2, %get3A_3] : memref<128x128xf32, #tpu.memory_space<vmem>>, vector<128x128xf32>
    %dot_general3A = arith.constant dense<0.000000e+00> : vector<200x128xf32>
    %dot_general3A_5 = tpu.matmul %get3A_1, %get3A_4, %dot_general3A {dimension_numbers = #tpu.dot_dimension_numbers<[1], [0], [0], [1], [0, 0, 1, 1], [], []>, transpose_lhs_hint = false} : vector<200x128xf32>, vector<128x128xf32>, vector<200x128xf32> -> vector<200x128xf32>
    %get3A_6 = arith.constant 0 : index
    %get3A_7 = arith.constant 0 : index
    %get3A_8 = vector.load %arg3[%get3A_6, %get3A_7] : memref<1x128xf32, #tpu.memory_space<vmem>>, vector<1x128xf32>
    %add3A = vector.broadcast %get3A_8 : vector<1x128xf32> to vector<200x128xf32>
    %add3A_9 = arith.addf %dot_general3A_5, %add3A : vector<200x128xf32>
    %mul3A = arith.constant 0.176776692 : f32
    %mul3A_10 = vector.broadcast %mul3A : f32 to vector<200x128xf32>
    %mul3A_11 = arith.mulf %add3A_9, %mul3A_10 : vector<200x128xf32>
    %get3A_12 = arith.constant 0 : index
    %get3A_13 = arith.constant 0 : index
    %get3A_14 = vector.load %arg4[%get3A_12, %get3A_13] : memref<128x128xf32, #tpu.memory_space<vmem>>, vector<128x128xf32>
    %dot_general3A_15 = arith.constant dense<0.000000e+00> : vector<200x128xf32>
    %dot_general3A_16 = tpu.matmul %get3A_1, %get3A_14, %dot_general3A_15 {dimension_numbers = #tpu.dot_dimension_numbers<[1], [0], [0], [1], [0, 0, 1, 1], [], []>, transpose_lhs_hint = false} : vector<200x128xf32>, vector<128x128xf32>, vector<200x128xf32> -> vector<200x128xf32>
    %get3A_17 = arith.constant 0 : index
    %get3A_18 = arith.constant 0 : index
    %get3A_19 = vector.load %arg5[%get3A_17, %get3A_18] : memref<1x128xf32, #tpu.memory_space<vmem>>, vector<1x128xf32>
    %add3A_20 = vector.broadcast %get3A_19 : vector<1x128xf32> to vector<200x128xf32>
    %add3A_21 = arith.addf %dot_general3A_16, %add3A_20 : vector<200x128xf32>
    %get3A_22 = arith.constant 0 : index
    %get3A_23 = arith.constant 0 : index
    %get3A_24 = vector.load %arg6[%get3A_22, %get3A_23] : memref<128x128xf32, #tpu.memory_space<vmem>>, vector<128x128xf32>
    %dot_general3A_25 = arith.constant dense<0.000000e+00> : vector<200x128xf32>
    %dot_general3A_26 = tpu.matmul %get3A_1, %get3A_24, %dot_general3A_25 {dimension_numbers = #tpu.dot_dimension_numbers<[1], [0], [0], [1], [0, 0, 1, 1], [], []>, transpose_lhs_hint = false} : vector<200x128xf32>, vector<128x128xf32>, vector<200x128xf32> -> vector<200x128xf32>
    %get3A_27 = arith.constant 0 : index
    %get3A_28 = arith.constant 0 : index
    %get3A_29 = vector.load %arg7[%get3A_27, %get3A_28] : memref<1x128xf32, #tpu.memory_space<vmem>>, vector<1x128xf32>
    %add3A_30 = vector.broadcast %get3A_29 : vector<1x128xf32> to vector<200x128xf32>
    %add3A_31 = arith.addf %dot_general3A_26, %add3A_30 : vector<200x128xf32>
    %swap3A = arith.constant 0 : index
    %swap3A_32 = arith.constant 0 : index
    %swap3A_33 = vector.load %arg10[%swap3A, %swap3A_32] : memref<200x128xf32, #tpu.memory_space<vmem>>, vector<200x128xf32>
    tpu.vector_store %arg10[%swap3A, %swap3A_32], %mul3A_11 {strides = array<i32>} : memref<200x128xf32, #tpu.memory_space<vmem>>, vector<200x128xf32>,
    %slice3A = vector.extract_strided_slice %add3A_21 {offsets = [0, 0], sizes = [200, 64], strides = [1, 1]} : vector<200x128xf32> to vector<200x64xf32>
    %slice3A_34 = vector.extract_strided_slice %add3A_31 {offsets = [0, 0], sizes = [200, 64], strides = [1, 1]} : vector<200x128xf32> to vector<200x64xf32>
    %concatenate3A = tpu.concatenate %slice3A, %slice3A_34 in 1 : vector<200x64xf32>, vector<200x64xf32> -> vector<200x128xf32>
    %swap3A_35 = arith.constant 0 : index
    %swap3A_36 = arith.constant 0 : index
    %swap3A_37 = arith.constant 0 : index
    %swap3A_38 = vector.load %arg11[%swap3A_35, %swap3A_36, %swap3A_37] : memref<2x200x128xf32, #tpu.memory_space<vmem>>, vector<1x200x128xf32>
    %swap3A_39 = vector.shape_cast %swap3A_38 : vector<1x200x128xf32> to vector<200x128xf32>
    %swap3A_40 = vector.shape_cast %concatenate3A : vector<200x128xf32> to vector<1x200x128xf32>
    tpu.vector_store %arg11[%swap3A_35, %swap3A_36, %swap3A_37], %swap3A_40 {strides = array<i32>} : memref<2x200x128xf32, #tpu.memory_space<vmem>>, vector<1x200x128xf32>,
    %slice3A_41 = vector.extract_strided_slice %add3A_21 {offsets = [0, 64], sizes = [200, 64], strides = [1, 1]} : vector<200x128xf32> to vector<200x64xf32>
    %slice3A_42 = vector.extract_strided_slice %add3A_31 {offsets = [0, 64], sizes = [200, 64], strides = [1, 1]} : vector<200x128xf32> to vector<200x64xf32>
    %concatenate3A_43 = tpu.concatenate %slice3A_41, %slice3A_42 in 1 : vector<200x64xf32>, vector<200x64xf32> -> vector<200x128xf32>
    %swap3A_44 = arith.constant 1 : index
    %swap3A_45 = arith.constant 0 : index
    %swap3A_46 = arith.constant 0 : index
    %swap3A_47 = vector.load %arg11[%swap3A_44, %swap3A_45, %swap3A_46] : memref<2x200x128xf32, #tpu.memory_space<vmem>>, vector<1x200x128xf32>
    %swap3A_48 = vector.shape_cast %swap3A_47 : vector<1x200x128xf32> to vector<200x128xf32>
    %swap3A_49 = vector.shape_cast %concatenate3A_43 : vector<200x128xf32> to vector<1x200x128xf32>
    tpu.vector_store %arg11[%swap3A_44, %swap3A_45, %swap3A_46], %swap3A_49 {strides = array<i32>} : memref<2x200x128xf32, #tpu.memory_space<vmem>>, vector<1x200x128xf32>,
    %get3A_50 = arith.constant 0 : index
    %get3A_51 = arith.constant 0 : index
    %get3A_52 = vector.load %arg8[%get3A_50, %get3A_51] : memref<6400x16xf32, #tpu.memory_space<vmem>>, vector<6400x16xf32>
    %get3A_53 = arith.constant 0 : index
    %get3A_54 = arith.constant 0 : index
    %get3A_55 = vector.load %arg9[%get3A_53, %get3A_54] : memref<16x128xf32, #tpu.memory_space<vmem>>, vector<16x128xf32>
    %dot_general3A_56 = arith.constant dense<0.000000e+00> : vector<6400x128xf32>
    %dot_general3A_57 = tpu.matmul %get3A_52, %get3A_55, %dot_general3A_56 {dimension_numbers = #tpu.dot_dimension_numbers<[1], [0], [0], [1], [0, 0, 1, 1], [], []>, transpose_lhs_hint = false} : vector<6400x16xf32>, vector<16x128xf32>, vector<6400x128xf32> -> vector<6400x128xf32>
    %slice3A_58 = vector.extract_strided_slice %dot_general3A_57 {offsets = [0, 0], sizes = [6400, 64], strides = [1, 1]} : vector<6400x128xf32> to vector<6400x64xf32>
    %swap3A_59 = arith.constant 0 : index
    %swap3A_60 = arith.constant 0 : index
    %swap3A_61 = arith.constant 0 : index
    %swap3A_62 = vector.load %arg12[%swap3A_59, %swap3A_60, %swap3A_61] : memref<2x6400x64xf32, #tpu.memory_space<vmem>>, vector<1x6400x64xf32>
    %swap3A_63 = vector.shape_cast %swap3A_62 : vector<1x6400x64xf32> to vector<6400x64xf32>
    %swap3A_64 = vector.shape_cast %slice3A_58 : vector<6400x64xf32> to vector<1x6400x64xf32>
    tpu.vector_store %arg12[%swap3A_59, %swap3A_60, %swap3A_61], %swap3A_64 {strides = array<i32>} : memref<2x6400x64xf32, #tpu.memory_space<vmem>>, vector<1x6400x64xf32>,
    %slice3A_65 = vector.extract_strided_slice %dot_general3A_57 {offsets = [0, 64], sizes = [6400, 64], strides = [1, 1]} : vector<6400x128xf32> to vector<6400x64xf32>
    %swap3A_66 = arith.constant 1 : index
    %swap3A_67 = arith.constant 0 : index
    %swap3A_68 = arith.constant 0 : index
    %swap3A_69 = vector.load %arg12[%swap3A_66, %swap3A_67, %swap3A_68] : memref<2x6400x64xf32, #tpu.memory_space<vmem>>, vector<1x6400x64xf32>
    %swap3A_70 = vector.shape_cast %swap3A_69 : vector<1x6400x64xf32> to vector<6400x64xf32>
    %swap3A_71 = vector.shape_cast %slice3A_65 : vector<6400x64xf32> to vector<1x6400x64xf32>
    tpu.vector_store %arg12[%swap3A_66, %swap3A_67, %swap3A_68], %swap3A_71 {strides = array<i32>} : memref<2x6400x64xf32, #tpu.memory_space<vmem>>, vector<1x6400x64xf32>,
    return
  }
  func.func @transform_0(%arg0: i32) -> (i32, i32) {
    %c0_i32 = arith.constant 0 : i32
    %c0_i32_0 = arith.constant 0 : i32
    return %arg0, %c0_i32 : i32, i32
  }
  func.func @transform_1(%arg0: i32) -> (i32, i32) {
    %c0_i32 = arith.constant 0 : i32
    %c0_i32_0 = arith.constant 0 : i32
    %c0_i32_1 = arith.constant 0 : i32
    return %c0_i32, %c0_i32_0 : i32, i32
  }
  func.func @transform_2(%arg0: i32) -> (i32, i32) {
    %c0_i32 = arith.constant 0 : i32
    %c0_i32_0 = arith.constant 0 : i32
    %c0_i32_1 = arith.constant 0 : i32
    return %c0_i32, %c0_i32_0 : i32, i32
  }
  func.func @transform_3(%arg0: i32) -> (i32, i32) {
    %c0_i32 = arith.constant 0 : i32
    %c0_i32_0 = arith.constant 0 : i32
    %c0_i32_1 = arith.constant 0 : i32
    return %c0_i32, %c0_i32_0 : i32, i32
  }
  func.func @transform_4(%arg0: i32) -> (i32, i32) {
    %c0_i32 = arith.constant 0 : i32
    %c0_i32_0 = arith.constant 0 : i32
    %c0_i32_1 = arith.constant 0 : i32
    return %c0_i32, %c0_i32_0 : i32, i32
  }
  func.func @transform_5(%arg0: i32) -> (i32, i32) {
    %c0_i32 = arith.constant 0 : i32
    %c0_i32_0 = arith.constant 0 : i32
    %c0_i32_1 = arith.constant 0 : i32
    return %c0_i32, %c0_i32_0 : i32, i32
  }
  func.func @transform_6(%arg0: i32) -> (i32, i32) {
    %c0_i32 = arith.constant 0 : i32
    %c0_i32_0 = arith.constant 0 : i32
    %c0_i32_1 = arith.constant 0 : i32
    return %c0_i32, %c0_i32_0 : i32, i32
  }
  func.func @transform_7(%arg0: i32) -> (i32, i32) {
    %c0_i32 = arith.constant 0 : i32
    %c0_i32_0 = arith.constant 0 : i32
    return %arg0, %c0_i32 : i32, i32
  }
  func.func @transform_8(%arg0: i32) -> (i32, i32) {
    %c0_i32 = arith.constant 0 : i32
    %c0_i32_0 = arith.constant 0 : i32
    %c0_i32_1 = arith.constant 0 : i32
    return %c0_i32, %c0_i32_0 : i32, i32
  }
  func.func @transform_9(%arg0: i32) -> (i32, i32) {
    %c0_i32 = arith.constant 0 : i32
    %c0_i32_0 = arith.constant 0 : i32
    return %arg0, %c0_i32 : i32, i32
  }
  func.func @transform_10(%arg0: i32) -> (i32, i32, i32) {
    %c0_i32 = arith.constant 0 : i32
    %c0_i32_0 = arith.constant 0 : i32
    %c0_i32_1 = arith.constant 0 : i32
    return %c0_i32, %arg0, %c0_i32_0 : i32, i32, i32
  }
  func.func @transform_11(%arg0: i32) -> (i32, i32, i32) {
    %c0_i32 = arith.constant 0 : i32
    %c0_i32_0 = arith.constant 0 : i32
    %c0_i32_1 = arith.constant 0 : i32
    return %c0_i32, %arg0, %c0_i32_0 : i32, i32, i32
  }
}

module attributes {stable_mosaic.version = 14 : i64} {
  func.func @_final_body(%arg0: i32, %arg1: memref<2x2000x128xf32, #tpu.memory_space<vmem>>, %arg2: memref<2000x128xf32, #tpu.memory_space<vmem>>, %arg3: memref<128x128xf32, #tpu.memory_space<vmem>>, %arg4: memref<1x128xf32, #tpu.memory_space<vmem>>, %arg5: memref<2000x128xf32, #tpu.memory_space<vmem>>) attributes {dimension_semantics = [#tpu.dimension_semantics<arbitrary>], iteration_bounds = array<i64: 5>, scalar_prefetch = 0 : i64, scratch_operands = 0 : i64, tpu.core_type = #tpu.core_type<tc>, window_params = [{transform_indices = @transform_0, window_bounds = array<i64: 2, 2000, 128>}, {transform_indices = @transform_1, window_bounds = array<i64: 2000, 128>}, {pipeline_mode = #tpu.pipeline_mode<synchronous>, transform_indices = @transform_2, window_bounds = array<i64: 128, 128>}, {pipeline_mode = #tpu.pipeline_mode<synchronous>, transform_indices = @transform_3, window_bounds = array<i64: 1, 128>}, {transform_indices = @transform_4, window_bounds = array<i64: 2000, 128>}]} {
    %get3A = arith.constant 0 : index
    %get3A_0 = arith.constant 0 : index
    %get3A_1 = arith.constant 0 : index
    %get3A_2 = vector.load %arg1[%get3A, %get3A_0, %get3A_1] : memref<2x2000x128xf32, #tpu.memory_space<vmem>>, vector<1x2000x128xf32>
    %get3A_3 = vector.shape_cast %get3A_2 : vector<1x2000x128xf32> to vector<2000x128xf32>
    %get3A_4 = arith.constant 1 : index
    %get3A_5 = arith.constant 0 : index
    %get3A_6 = arith.constant 0 : index
    %get3A_7 = vector.load %arg1[%get3A_4, %get3A_5, %get3A_6] : memref<2x2000x128xf32, #tpu.memory_space<vmem>>, vector<1x2000x128xf32>
    %get3A_8 = vector.shape_cast %get3A_7 : vector<1x2000x128xf32> to vector<2000x128xf32>
    %slice3A = vector.extract_strided_slice %get3A_3 {offsets = [0, 0], sizes = [2000, 64], strides = [1, 1]} : vector<2000x128xf32> to vector<2000x64xf32>
    %slice3A_9 = vector.extract_strided_slice %get3A_8 {offsets = [0, 0], sizes = [2000, 64], strides = [1, 1]} : vector<2000x128xf32> to vector<2000x64xf32>
    %concatenate3A = tpu.concatenate %slice3A, %slice3A_9 in 1 : vector<2000x64xf32>, vector<2000x64xf32> -> vector<2000x128xf32>
    %slice3A_10 = vector.extract_strided_slice %get3A_3 {offsets = [0, 64], sizes = [2000, 2], strides = [1, 1]} : vector<2000x128xf32> to vector<2000x2xf32>
    %slice3A_11 = vector.extract_strided_slice %get3A_8 {offsets = [0, 64], sizes = [2000, 2], strides = [1, 1]} : vector<2000x128xf32> to vector<2000x2xf32>
    %concatenate3A_12 = tpu.concatenate %slice3A_10, %slice3A_11 in 1 : vector<2000x2xf32>, vector<2000x2xf32> -> vector<2000x4xf32>
    %iota3A = tpu.iota {dimensions = array<i32: 1>} : vector<4x128xi32>
    %jit3A = arith.constant 32 : i32
    %div3A = vector.broadcast %jit3A : i32 to vector<4x128xi32>
    %div3A_13 = arith.divsi %iota3A, %div3A : vector<4x128xi32>
    %sign3A = arith.constant 0 : i32
    %sign3A_14 = vector.broadcast %sign3A : i32 to vector<4x128xi32>
    %sign3A_15 = arith.cmpi sgt, %iota3A, %sign3A_14 : vector<4x128xi32>
    %sign3A_16 = arith.extui %sign3A_15 : vector<4x128xi1> to vector<4x128xi32>
    %sign3A_17 = arith.constant 0 : i32
    %sign3A_18 = vector.broadcast %sign3A_17 : i32 to vector<4x128xi32>
    %sign3A_19 = arith.cmpi slt, %iota3A, %sign3A_18 : vector<4x128xi32>
    %sign3A_20 = arith.extui %sign3A_19 : vector<4x128xi1> to vector<4x128xi32>
    %sign3A_21 = arith.subi %sign3A_16, %sign3A_20 : vector<4x128xi32>
    %sign3A_22 = arith.constant 0 : i32
    %sign3A_23 = arith.cmpi sgt, %jit3A, %sign3A_22 : i32
    %sign3A_24 = arith.extui %sign3A_23 : i1 to i32
    %sign3A_25 = arith.constant 0 : i32
    %sign3A_26 = arith.cmpi slt, %jit3A, %sign3A_25 : i32
    %sign3A_27 = arith.extui %sign3A_26 : i1 to i32
    %sign3A_28 = arith.subi %sign3A_24, %sign3A_27 : i32
    %ne3A = vector.broadcast %sign3A_28 : i32 to vector<4x128xi32>
    %ne3A_29 = arith.cmpi ne, %sign3A_21, %ne3A : vector<4x128xi32>
    %rem3A = vector.broadcast %jit3A : i32 to vector<4x128xi32>
    %rem3A_30 = arith.remsi %iota3A, %rem3A : vector<4x128xi32>
    %ne3A_31 = arith.constant 0 : i32
    %ne3A_32 = vector.broadcast %ne3A_31 : i32 to vector<4x128xi32>
    %ne3A_33 = arith.cmpi ne, %rem3A_30, %ne3A_32 : vector<4x128xi32>
    %and3A = arith.andi %ne3A_29, %ne3A_33 : vector<4x128xi1>
    %sub3A = arith.constant 1 : i32
    %sub3A_34 = vector.broadcast %sub3A : i32 to vector<4x128xi32>
    %sub3A_35 = arith.subi %div3A_13, %sub3A_34 : vector<4x128xi32>
    %select_n3A = arith.select %and3A, %sub3A_35, %div3A_13 : vector<4x128xi1>, vector<4x128xi32>
    %iota3A_36 = tpu.iota {dimensions = array<i32: 0>} : vector<4x128xi32>
    %eq3A = arith.cmpi eq, %select_n3A, %iota3A_36 : vector<4x128xi32>
    %convert_element_type3A = arith.extui %eq3A : vector<4x128xi1> to vector<4x128xi32>
    %convert_element_type3A_37 = arith.sitofp %convert_element_type3A : vector<4x128xi32> to vector<4x128xf32>
    %dot_general3A = arith.constant dense<0.000000e+00> : vector<2000x128xf32>
    %dot_general3A_38 = tpu.matmul %concatenate3A_12, %convert_element_type3A_37, %dot_general3A {dimension_numbers = #tpu.dot_dimension_numbers<[1], [0], [0], [1], [0, 0, 1, 1], [], []>, transpose_lhs_hint = false} : vector<2000x4xf32>, vector<4x128xf32>, vector<2000x128xf32> -> vector<2000x128xf32>
    %get3A_39 = arith.constant 0 : index
    %get3A_40 = arith.constant 0 : index
    %get3A_41 = vector.load %arg2[%get3A_39, %get3A_40] : memref<2000x128xf32, #tpu.memory_space<vmem>>, vector<2000x128xf32>
    %get3A_42 = arith.constant 0 : index
    %get3A_43 = arith.constant 0 : index
    %get3A_44 = vector.load %arg3[%get3A_42, %get3A_43] : memref<128x128xf32, #tpu.memory_space<vmem>>, vector<128x128xf32>
    %dot_general3A_45 = arith.constant dense<0.000000e+00> : vector<2000x128xf32>
    %dot_general3A_46 = tpu.matmul %get3A_41, %get3A_44, %dot_general3A_45 {dimension_numbers = #tpu.dot_dimension_numbers<[1], [0], [0], [1], [0, 0, 1, 1], [], []>, transpose_lhs_hint = false} : vector<2000x128xf32>, vector<128x128xf32>, vector<2000x128xf32> -> vector<2000x128xf32>
    %get3A_47 = arith.constant 0 : index
    %get3A_48 = arith.constant 0 : index
    %get3A_49 = vector.load %arg4[%get3A_47, %get3A_48] : memref<1x128xf32, #tpu.memory_space<vmem>>, vector<1x128xf32>
    %add3A = vector.broadcast %get3A_49 : vector<1x128xf32> to vector<2000x128xf32>
    %add3A_50 = arith.addf %dot_general3A_46, %add3A : vector<2000x128xf32>
    %add3A_51 = arith.constant 1.000000e-16 : f32
    %add3A_52 = vector.broadcast %add3A_51 : f32 to vector<2000x128xf32>
    %add3A_53 = arith.addf %dot_general3A_38, %add3A_52 : vector<2000x128xf32>
    %div3A_54 = arith.divf %concatenate3A, %add3A_53 : vector<2000x128xf32>
    %add3A_55 = arith.addf %div3A_54, %add3A_50 : vector<2000x128xf32>
    %swap3A = arith.constant 0 : index
    %swap3A_56 = arith.constant 0 : index
    %swap3A_57 = vector.load %arg5[%swap3A, %swap3A_56] : memref<2000x128xf32, #tpu.memory_space<vmem>>, vector<2000x128xf32>
    tpu.vector_store %arg5[%swap3A, %swap3A_56], %add3A_55 {strides = array<i32>} : memref<2000x128xf32, #tpu.memory_space<vmem>>, vector<2000x128xf32>,
    return
  }
  func.func @transform_0(%arg0: i32) -> (i32, i32, i32) {
    %c0_i32 = arith.constant 0 : i32
    %c0_i32_0 = arith.constant 0 : i32
    %c0_i32_1 = arith.constant 0 : i32
    return %c0_i32, %arg0, %c0_i32_0 : i32, i32, i32
  }
  func.func @transform_1(%arg0: i32) -> (i32, i32) {
    %c0_i32 = arith.constant 0 : i32
    %c0_i32_0 = arith.constant 0 : i32
    return %arg0, %c0_i32 : i32, i32
  }
  func.func @transform_2(%arg0: i32) -> (i32, i32) {
    %c0_i32 = arith.constant 0 : i32
    %c0_i32_0 = arith.constant 0 : i32
    %c0_i32_1 = arith.constant 0 : i32
    return %c0_i32, %c0_i32_0 : i32, i32
  }
  func.func @transform_3(%arg0: i32) -> (i32, i32) {
    %c0_i32 = arith.constant 0 : i32
    %c0_i32_0 = arith.constant 0 : i32
    %c0_i32_1 = arith.constant 0 : i32
    return %c0_i32, %c0_i32_0 : i32, i32
  }
  func.func @transform_4(%arg0: i32) -> (i32, i32) {
    %c0_i32 = arith.constant 0 : i32
    %c0_i32_0 = arith.constant 0 : i32
    return %arg0, %c0_i32 : i32, i32
  }
}

</mosaic_0001>

<sc_bundles>
// kernel: kernel.5.cloned.1.call-start
scs
__scs_entry_jumppad:
0x0: {  	(pc) =	sbr.rel $0x88, $3  }
0x1: {  	(tag) =	ssettag $0x0;
	lr =	simm.s32 $0x1  }
0x2: {  	[smem:$0x3F95] =	sst lr;
	_ =	strace $0xD0000000  }
0x3: {  	_ = 	snop  }
0x4: {  	_ = 	snop  }
0x5: {  	_ = 	snop  }
0x6: {  	_ = 	snop  }
0x7: {  	_ = 	snop  }
__scs_overlays_trampoline_lowered:
0x8: {  	[smem:$0x3FA4] =	sst s0  }
0x9: {  	[smem:$0x3FA5] =	sst s1  }
0xa: {  	[smem:$0x3FA6] =	sst s2  }
0xb: {  	[smem:$0x3FA7] =	sst s3  }
0xc: {  	[smem:$0x3FA8] =	sst s4  }
0xd: {  	[smem:$0x3FA9] =	sst s5  }
0xe: {  	[smem:$0x3FAA] =	sst s6  }
0xf: {  	[smem:$0x3FAB] =	sst s7  }
0x10: {  	[smem:$0x3FAC] =	sst s8  }
0x11: {  	[smem:$0x3FAD] =	sst s9;
	s0 =	simm.s32 @!p0 $0x0  }
0x12: {  	s1 =	sld [smem:$0x3F93];
	s0 =	simm.s32 @p0 $0x1  }
0x13: {  	[smem:$0x3FAE] =	sst s0;
	s0 =	simm.s32 @!p1 $0x0  }
0x14: {  	s2 =	sld [smem:$0x3F92];
	s0 =	simm.s32 @p1 $0x1  }
0x15: {  	[smem:$0x3FAF] =	sst s0;
	s0 =	simm.s32 @!p2 $0x0  }
0x16: {  	s3 =	sld [smem:$0x3FDB];
	s0 =	simm.s32 @p2 $0x1  }
0x17: {  	s4 =	simm.s32 $0x1BF5;
	[smem:$0x3FB1] =	sst s0  }
0x18: {  	s0 =	sld [smem:$0x3F94];
	_ =	swait.ge [sflag:s4], $0x0  }
0x19: {  	s7 =	sld [smem:$0x3F95]  }
0x1a: {  	s8 =	sadd.s32 $0xFFFFE003, lr  }
0x1b: {  	s9 =	sadd.s32 $0xFFFFFEF7, lr;
	s5 =	simm.s32 $0xFFFFFFFF;
	p2 =	slt.u32 s8, $0xFFFFF086  }
0x1c: {  	p1 =	slt.u32 s9, $0xF7A;
	s5 =	simm.s32 @!p2 $0x0  }
0x1d: {  	s5 =	simm.s32 @p1 $0x1;
	p0 =	seq.s32 s7, s2  }
0x1e: {  	s7 =	smul.u32 @!p0 $0xF7A, s2;
	p2 =	seq.s32 @!p0 s5, $0x0  }
0x1f: {  	s9 =	smul.u32 $0xF7A, s1;
	s8 =	simm.s32 @!p0 $0x1BF5;
	p2 =	por !p2, p0  }
0x20: {  	[sflag:s8] =	ssyncset.s32 @!p0 $0xFFFFF086;
	s6 =	sadd.s32 @!p0 s3, s7;
	s7 =	simm.s32 @!p0 $0x108  }
0x21: {  	s3 =	sadd.s32 s3, s9;
	s6 =	sadd.s32 @!p0 $0x88, s6;
	s7 =	simm.s32 @p2 $0x1082  }
0x22: {  	[simem:s7], [sflag:s8] =	dma.local @!p0 [hbm:s6], $0xF7A  }
0x23: {  	s9 =	sor.u32 $0xD0000000, s2;
	s6 =	simm.s32 $0x108;
	_ =	swait.ge @!p0 [sflag:s8], $0x0  }
0x24: {  	s3 =	sadd.s32 $0x88, s3;
	s6 =	simm.s32 @!p1 $0x1082;
	[sflag:s4] =	ssyncset.s32 $0xFFFFF086  }
0x25: {  	[simem:s6], [sflag:s4] =	dma.local [hbm:s3], $0xF7A  }
0x26: {  	[smem:$0x3F95] =	sst s1;
	(tag) =	ssettag s2;
	_ =	strace s9  }
0x27: {  	s1 =	sld [smem:$0x3FA5]  }
0x28: {  	s2 =	sld [smem:$0x3FA6]  }
0x29: {  	s4 =	sld [smem:$0x3FA8]  }
0x2a: {  	p0 =	seq.s32 s5, $0x0;
	s5 =	sld [smem:$0x3FA9]  }
0x2b: {  	s6 =	sld [smem:$0x3FAA]  }
0x2c: {  	s7 =	sld [smem:$0x3FAB]  }
0x2d: {  	s3 =	simm.s32 $0x108;
	s8 =	sld [smem:$0x3FAC]  }
0x2e: {  	s3 =	simm.s32 @!p0 $0x1082;
	s9 =	sld [smem:$0x3FAD]  }
0x2f: {  	lr =	sadd.s32 s0, s3;
	s0 =	sld [smem:$0x3FA4]  }
0x30: {  	s3 =	sld [smem:$0x3FA7]  }
0x31: {  	[smem:$0x3FB0] =	sst s10  }
0x32: {  	s10 =	sld [smem:$0x3FAE];
	_ =	sdelay $0x3  }
0x33: {  	p0 =	seq.s32 s10, $0x1;
	s10 =	sld [smem:$0x3FB0];
	_ =	sdelay $0x3  }
0x34: {  	[smem:$0x3FB0] =	sst s10  }
0x35: {  	s10 =	sld [smem:$0x3FAF];
	_ =	sdelay $0x3  }
0x36: {  	p1 =	seq.s32 s10, $0x1;
	s10 =	sld [smem:$0x3FB0];
	_ =	sdelay $0x3  }
0x37: {  	[smem:$0x3FB0] =	sst s10  }
0x38: {  	s10 =	sld [smem:$0x3FB1]  }
0x39: {  	_ = 	snop;
	(pc) =	sbr.ind lr, $3  }
0x3a: {  	_ = 	snop  }
0x3b: {  	_ = 	snop  }
0x3c: {  	p2 =	seq.s32 s10, $0x1;
	s10 =	sld [smem:$0x3FB0]  }
0x3d: {  	_ =	shalt  }
0x3e: {  	_ =	shalt  }
0x3f: {  	_ =	shalt  }
0x40: {  	_ =	shalt  }
0x41: {  	_ =	shalt  }
0x42: {  	_ =	shalt  }
0x43: {  	_ =	shalt  }
0x44: {  	_ =	shalt  }
0x45: {  	_ =	shalt  }
0x46: {  	_ =	shalt  }
0x47: {  	_ =	shalt  }
0x48: {  	_ =	shalt  }
0x49: {  	_ =	shalt  }
0x4a: {  	_ =	shalt  }
0x4b: {  	_ =	shalt  }
0x4c: {  	_ =	shalt  }
0x4d: {  	_ =	shalt  }
0x4e: {  	_ =	shalt  }
0x4f: {  	_ =	shalt  }
0x50: {  	_ =	shalt  }
0x51: {  	_ =	shalt  }
0x52: {  	_ =	shalt  }
0x53: {  	_ =	shalt  }
0x54: {  	_ =	shalt  }
0x55: {  	_ =	shalt  }
0x56: {  	_ =	shalt  }
0x57: {  	_ =	shalt  }
0x58: {  	_ =	shalt  }
0x59: {  	_ =	shalt  }
0x5a: {  	_ =	shalt  }
0x5b: {  	_ =	shalt  }
0x5c: {  	_ =	shalt  }
0x5d: {  	_ =	shalt  }
0x5e: {  	_ =	shalt  }
0x5f: {  	_ =	shalt  }
0x60: {  	_ =	shalt  }
0x61: {  	_ =	shalt  }
0x62: {  	_ =	shalt  }
0x63: {  	_ =	shalt  }
0x64: {  	_ =	shalt  }
0x65: {  	_ =	shalt  }
0x66: {  	_ =	shalt  }
0x67: {  	_ =	shalt  }
0x68: {  	_ =	shalt  }
0x69: {  	_ =	shalt  }
0x6a: {  	_ =	shalt  }
0x6b: {  	_ =	shalt  }
0x6c: {  	_ =	shalt  }
0x6d: {  	_ =	shalt  }
0x6e: {  	_ =	shalt  }
0x6f: {  	_ =	shalt  }
0x70: {  	_ =	shalt  }
0x71: {  	_ =	shalt  }
0x72: {  	_ =	shalt  }
0x73: {  	_ =	shalt  }
0x74: {  	_ =	shalt  }
0x75: {  	_ =	shalt  }
0x76: {  	_ =	shalt  }
0x77: {  	_ =	shalt  }
0x78: {  	_ =	shalt  }
0x79: {  	_ =	shalt  }
0x7a: {  	_ =	shalt  }
0x7b: {  	_ =	shalt  }
0x7c: {  	_ =	shalt  }
0x7d: {  	_ =	shalt  }
0x7e: {  	_ =	shalt  }
0x7f: {  	_ =	shalt  }
0x80: {  	_ =	shalt  }
0x81: {  	_ =	shalt  }
0x82: {  	_ =	shalt  }
0x83: {  	_ =	shalt  }
0x84: {  	_ =	shalt  }
0x85: {  	_ =	shalt  }
0x86: {  	_ =	shalt  }
0x87: {  	_ =	shalt  }
.Lfunc_end0:
.L_simem_size_0:
called_computation_lowered:
.L_overlay_start_0:
0x88: {  	s2 =	sld [smem:$0x3FD9]  }
0x89: {  	s3 =	sld [smem:$0x3FFE];
	_ =	sdelay $0x1  }
0x8a: {  	s1 =	srdreg.scid  }
0x8b: {  	s0 =	sand.u32 $0x1, s1  }
0x8c: {  	s17 =	sshll.u32 s0, $0xA;
	s2 =	sadd.s32 s3, s2  }
0x8d: {  	s2 =	sadd.s32 s2, s17  }
0x8e: {  	[smem:$0x3FBC] =	sst s2  }
0x8f: {  	_ = 	snop  }
0x90: {  	s2 =	sld [smem:$0x3FD0];
	(tm) =	ssettm $0x1  }
0x91: {  	s18 =	sld [smem:$0x3FFB];
	_ =	sdelay $0x3  }
0x92: {  	_ =	strace s18  }
0x93: {  	s3 =	sld [smem:$0x3FFC];
	_ =	sdelay $0x3  }
0x94: {  	_ =	strace s3  }
0x95: {  	s3 =	sld [smem:$0x3FFD];
	_ =	sdelay $0x3  }
0x96: {  	_ =	strace s3  }
0x97: {  	_ =	strace $0x8FFFFFFF  }
0x98: {  	s19 =	sld [smem:$0x3FDB];
	_ =	sdelay $0x1  }
0x99: {  	s4 =	simm.s32 $_scs_section_size  }
0x9a: {  	s5 =	simm.s32 $_size__tile_overlayer_lowered;
	s6 =	simm.s32 $_tile_overlayer_lowered  }
0x9b: {  	s22 =	simm.s32 $0x1BFF;
	s21 =	sshll.u32 s6, $0x1;
	s3 =	sadd.s32 s4, s19  }
0x9c: {  	s7 =	simm.s32 $0x0;
	s20 =	sshll.u32 s5, $0x1;
	s5 =	sadd.s32 s21, s3  }
0x9d: {  	[timem:s7], [sflag:s22] =	dma.local [hbm:s5], s20  }
0x9e: {  	_ =	swait.ge [sflag:s22], s20  }
0x9f: {  	s4 =	ssub.s32 $0x0, s20;
	[sflag:s22] =	ssyncset.done $0x0  }
0xa0: {  	[sflag:s22] =	ssyncadd.s32 s4;
	_ =	sdelay $0x1  }
0xa1: {  	s23 =	simm.s32 $0x1B8B  }
0xa2: {  	_ =	swait.ge [sflag:s23], $0x1  }
0xa3: {  	[sflag:s23] =	ssyncset.done $0x0  }
0xa4: {  	s25 =	simm.s32 $0x1B8E;
	s24 =	sld [smem:$0x3FFE];
	[sflag:s23] =	ssyncadd.s32 $0xFFFFFFFF  }
0xa5: {  	s26 =	simm.s32 $execute0_lowered;
	[smem:$0x3FD2] =	sst s25  }
0xa6: {  	s5 =	sshll.u32 s26, $0x1;
	_ =	strace $0x80000046;
	[dreg:$0x1] =	wrdreg $0xFFFFFFFF  }
0xa7: {  	s28 =	simm.s32 $_size_execute0_lowered;
	s3 =	sadd.s32 s3, s5;
	[dreg:$0x0] =	wrdreg $0x0  }
0xa8: {  	s5 =	sshll.u32 s28, $0x1;
	[dreg:$0x2] =	wrdreg s3  }
0xa9: {  	[dreg:$0x3] =	wrdreg s5  }
0xaa: {  	[dreg:$0x4] =	wrdreg $0xC0  }
0xab: {  	_ =	task [dreg:s7], $0x5FFFF  }
0xac: {  	[dreg:$0x1] =	wrdreg $0xFFFFFFFF  }
0xad: {  	[dreg:$0x0] =	wrdreg $0x60  }
0xae: {  	[dreg:$0x2] =	wrdreg s2  }
0xaf: {  	[dreg:$0x3] =	wrdreg s24  }
0xb0: {  	[dreg:$0x4] =	wrdreg $0x0  }
0xb1: {  	[dreg:$0x5] =	wrdreg $0x9  }
0xb2: {  	_ =	task.clear_ibuf [dreg:s7], $0x6FFFF;
	_ =	strace $0x90000046  }
0xb3: {  	s29 =	simm.s32 $0x9;
	_ =	strace $0x80000048  }
0xb4: {  	_ =	swait.ge [sflag:s29], $0x1  }
0xb5: {  	[sflag:s29] =	ssyncadd.s32 $0xFFFFFFFF  }
0xb6: {  	_ =	strace $0x90000048  }
0xb7: {  	_ =	sfence  }
0xb8: {  	s30 =	sld [smem:$0x0];
	_ =	sdelay $0x2  }
0xb9: {  	s31 =	sshll.u32 s1, $0xD;
	s1 =	sshrl.u32 s1, $0x2  }
0xba: {  	s3 =	sand.u32 $0x4000, s31;
	s1 =	sadd.s32 s1, s30  }
0xbb: {  	s0 =	sor.u32 s3, s0;
	s1 =	sshll.u32 s1, $0x11  }
0xbc: {  	s0 =	sor.u32 s1, s0  }
0xbd: {  	s0 =	sadd.s32 $0x8F2B, s0  }
0xbe: {  	[sflag:s0] =	ssyncadd.remote.s32 $0x1  }
0xbf: {  	_ =	sfence.sel $0xFFFF  }
0xc0: {  	[dreg:$0x0] =	wrdreg $0xFFFFFFFF;
	(pc) =	sbr.abs _section_cstart, $3  }
0xc1: {  	[dreg:$0x1] =	wrdreg $0xFFFFFFFF  }
0xc2: {  	_ =	task.clear_ibuf [dreg:s7], $0x2FFFF;
	_ =	strace $0x9FFFFFFF  }
0xc3: {  	(tm) =	ssettm $0x7FFFFFFF  }
tec
execute0_lowered:
.L_overlay_start_1:
0x0: {  	(tag) =	ssettag $0x1  }
0x1: {  	s0 =	srdreg.scid  }
0x2: {  	s3 =	rddreg [dreg:$0x1];
	s2 =	simm.s32 $0x0;
	s21 =	stileid.u32  }
0x3: {  	s29 =	simm.s32 $0x1FB00;
	s30 =	simm.s32 $0x1EA80;
	s0 =	sand.u32 $0x1, s0  }
0x4: {  	[smem:$0x7FF] =	sst s2;
	s5 =	sadd.s32 $0x50400, s3;
	p0 =	sgt.u32 s21, $0xB  }
0x5: {  	p3 =	sgt.u32 s21, $0x7;
	s1 =	ssub.s32 $0x2, s0;
	p2 =	sne.s32 @p0 s21, $0xC  }
0x6: {  	s8 =	smul.u32 $0x138800, s0;
	s4 =	sshrl.u32 s1, $0x1;
	p1 =	por p2, !p0  }
0x7: {  	p2 =	por !p2, !p0;
	s1 =	ssub.s32 s1, s4;
	s4 =	sshll.u32 s21, $0xD  }
0x8: {  	s6 =	sor.u32 $0x20000, s4;
	s7 =	sor.u32 $0x40000, s4;
	s9 =	sor.u32 $0x60000, s4  }
0x9: {  	s10 =	sor.u32 $0x80000, s4;
	s11 =	sor.u32 $0xA0000, s4;
	s12 =	sor.u32 $0xC0000, s4  }
0xa: {  	s14 =	sor.u32 $0xE0000, s4;
	s13 =	sadd.s32 s4, s8;
	s19 =	sor.u32 $0x100000, s4  }
0xb: {  	s1 =	smax.u32 s1, $0x1;
	s13 =	sshrl.u32 s13, $0x3;
	s15 =	sadd.s32 s8, s6  }
0xc: {  	s22 =	sadd.s32 s8, s7;
	s24 =	sadd.s32 s8, s9;
	s26 =	sadd.s32 s8, s10  }
0xd: {  	s16 =	sadd.s32 s8, s11;
	s18 =	sadd.s32 s8, s12;
	s13 =	sadd.s32 s5, s13  }
0xe: {  	s20 =	sshrl.u32 s15, $0x3;
	s23 =	sshrl.u32 s22, $0x3;
	s25 =	sshrl.u32 s24, $0x3  }
0xf: {  	s15 =	sshrl.u32 s26, $0x3;
	s17 =	sshrl.u32 s16, $0x3;
	s22 =	sadd.s32 s8, s14  }
0x10: {  	s24 =	sadd.s32 s8, s19;
	[dreg:$0x4] =	wrdreg s13;
	s13 =	sadd.s32 s5, s20  }
0x11: {  	s16 =	sadd.s32 $0x4F7E00, s3;
	[dreg:$0x5] =	wrdreg s13;
	s13 =	sadd.s32 s5, s23  }
0x12: {  	s20 =	sshrl.u32 s18, $0x3;
	[dreg:$0x6] =	wrdreg s13;
	s13 =	sadd.s32 s5, s25  }
0x13: {  	s18 =	sadd.s32 $0x4E4200, s3;
	[dreg:$0x7] =	wrdreg s13;
	s13 =	sadd.s32 s5, s15  }
0x14: {  	s23 =	sshrl.u32 s22, $0x3;
	[dreg:$0x8] =	wrdreg s13;
	s13 =	sadd.s32 s5, s17  }
0x15: {  	s25 =	sshrl.u32 s24, $0x3;
	[dreg:$0x9] =	wrdreg s13;
	s13 =	sadd.s32 s5, s20  }
0x16: {  	s20 =	sor.u32 $0x120000, s4;
	[dreg:$0xa] =	wrdreg s13;
	s13 =	sadd.s32 s5, s23  }
0x17: {  	s26 =	sadd.s32 s8, s20;
	[dreg:$0xb] =	wrdreg s13;
	s13 =	sadd.s32 s5, s25  }
0x18: {  	s22 =	smul.u32 $0x4E200, s0;
	s15 =	sshrl.u32 s26, $0x3;
	[dreg:$0xc] =	wrdreg s13  }
0x19: {  	s17 =	sadd.s32 $0x4EE000, s3;
	s13 =	rddreg [dreg:$0x2];
	s15 =	sadd.s32 s5, s15  }
0x1a: {  	[dreg:$0xd] =	wrdreg s15;
	s31 =	sadd.s32 s7, s13;
	s7 =	sadd.s32 s9, s13  }
0x1b: {  	s9 =	sadd.s32 s10, s13;
	_ =	strace $0x80000047;
	[dreg:$0x11] =	wrdreg s7  }
0x1c: {  	s8 =	sshrl.u32 s8, $0x3;
	s10 =	sadd.s32 s11, s13;
	[dreg:$0x12] =	wrdreg s9  }
0x1d: {  	s25 =	smul.u32 $0x9C0, s21;
	s11 =	sadd.s32 s12, s13;
	[dreg:$0x13] =	wrdreg s10  }
0x1e: {  	s5 =	sadd.s32 s5, s8;
	s14 =	sadd.s32 s14, s13;
	[dreg:$0x14] =	wrdreg s11  }
0x1f: {  	s15 =	sadd.s32 $0x2200, s3;
	s19 =	sadd.s32 s19, s13;
	[dreg:$0x15] =	wrdreg s14  }
0x20: {  	s8 =	sadd.s32 s4, s13;
	s23 =	sadd.s32 s20, s13;
	[dreg:$0x16] =	wrdreg s19  }
0x21: {  	s28 =	sadd.s32 s6, s13;
	s12 =	smul.u32 $0x4E00, s21;
	[dreg:$0x17] =	wrdreg s23  }
0x22: {  	s10 =	sor.u32 $0x8, s25;
	s11 =	smul.u32 $0x2710000, s0;
	[smem:$0x7FB] =	sst s1  }
0x23: {  	s14 =	sshll.u32 s21, $0x6;
	s25 =	smul.u32 $0x2710, s0;
	[dreg:$0xe] =	wrdreg s8  }
0x24: {  	v0 =	vimm.s32 $0xEFCDAB89;
	s0 =	sshll.u32 s0, $0x6;
	s7 =	sadd.s32 $0x138000, s13;
	[dreg:$0xf] =	wrdreg s28  }
0x25: {  	v0 =	vunpack.c.l.s4.s8 v0;
	s1 =	simm.s32 $0x9;
	[dreg:$0x10] =	wrdreg s31;
	s24 =	sshrl.u32 s12, $0x3  }
0x26: {  	v1 =	vimm.s32 $0x67452301;
	s3 =	sadd.s32 s12, s22;
	s12 =	sadd.s32 s18, s10;
	[dreg:$0x1c] =	wrdreg s14  }
0x27: {  	v2 =	vunpack.c.0.s8.s32 v0;
	v0 =	vunpack.c.l.s4.s8 v1;
	s9 =	sor.u32 $0x13B80, s0;
	[smem:$0x7FD] =	sst s7;
	s26 =	sadd.s32 s18, s24  }
0x28: {  	v5 =	vimm.s32 $0x32107654;
	s6 =	sadd.s32 s17, s24;
	s3 =	sshll.u32 s3, $0x4;
	[dreg:$0x1b] =	wrdreg s12  }
0x29: {  	v6 =	vunpack.c.0.s8.s32 v0;
	v0 =	vunpack.c.l.s4.s8 v5;
	s19 =	sor.u32 $0x2000, s11;
	s20 =	sor.u32 $0x4000, s11;
	[dreg:$0x18] =	wrdreg s26  }
0x2a: {  	s24 =	sadd.s32 $0x27000, s5;
	s12 =	sor.u32 $0x15B80, s0;
	[dreg:$0x19] =	wrdreg s6  }
0x2b: {  	v7 =	vunpack.c.0.s8.s32 v0;
	s11 =	simm.s32 $0x1DA80;
	v0 =	vmov s25;
	s25 =	simm.s32 $0x7;
	[dreg:$0x1e] =	wrdreg s19  }
0x2c: {  	v3 =	vimm.s32 $0x54761032;
	v4 =	vimm.s32 $0xBA98FEDC;
	s3 =	sadd.s32 s16, s3;
	s6 =	sadd.s32 s17, s10;
	[dreg:$0x1f] =	wrdreg s20  }
0x2d: {  	v8 =	vimm.s32 $0x76543210;
	[smem:$0x7FA] =	sst s24;
	s10 =	sor.u32 $0x14C30, s0;
	s26 =	smul.u32 $0x138, s21  }
0x2e: {  	v3 =	vunpack.c.l.s4.s8 v3;
	v1 =	vimm.s32 $0xDCFE98BA;
	v5 =	vimm.s32 $0xFEDCBA98;
	s20 =	simm.s32 $0x2;
	s24 =	simm.s32 $0x5;
	s21 =	simm.s32 $0x6  }
0x2f: {  	v4 =	vunpack.c.l.s4.s8 v4;
	v1 =	vunpack.c.l.s4.s8 v1;
	v5 =	vunpack.c.l.s4.s8 v5;
	s19 =	simm.s32 $0x0;
	[dreg:$0x1a] =	wrdreg s3;
	s3 =	sor.u32 $0x4E000, s14  }
0x30: {  	v3 =	vunpack.c.0.s8.s32 v3;
	v2 =	vcombine.low v6, v2;
	v6 =	vunpack.c.l.s4.s8 v8;
	[dreg:$0x1d] =	wrdreg s6;
	s14 =	sor.u32 $0x16C30, s0;
	s4 =	sadd.s32 s22, s3  }
.Ltmp0:
0x31: {  	v4 =	vunpack.c.0.s8.s32 v4;
	v1 =	vunpack.c.0.s8.s32 v1;
	v5 =	vunpack.c.0.s8.s32 v5;
	s3 =	sshrl.u32 s3, $0x3;
	[smem:$0x7FC] =	sst s26;
	(pc) =	sbr.rel .LBB2_1-.Ltmp0, $4  }
0x32: {  	vm0 =	vcmask $0x3F08;
	v6 =	vunpack.c.0.s8.s32 v6;
	s26 =	simm.s32 $0x20;
	s22 =	sadd.s32 s18, s3;
	s3 =	sadd.s32 s17, s3  }
0x33: {  	v3 =	vcombine.low v3, v1;
	v4 =	vcombine.low v7, v4;
	v5 =	vand.u32 $0xF, v5;
	s23 =	sshll.u32 s4, $0x4;
	s4 =	simm.s32 $0x40;
	[smem:$0x7F7] =	sst s22  }
0x34: {  	vm1 =	vmmov $0x1;
	v1 =	vimm.f32 $0.0e+00;
	v5 =	vcombine.low v5, v6;
	[smem:$0x7F8] =	sst s3;
	s3 =	sadd.s32 s16, s23;
	s23 =	simm.s32 $0x3  }
0x35: {  	v2 =	vand.u32 $0xF, v2;
	v3 =	vand.u32 $0xF, v3;
	v4 =	vand.u32 $0xF, v4;
	s22 =	simm.s32 $0x8;
	[smem:$0x7F9] =	sst s3;
	s3 =	simm.s32 $0x4  }
.LBB2_20:
0x36: {  	[bflag:$0x0] =	sbarrier.arrive $0xFFFF  }
0x37: {  	s0 =	rddreg [dreg:$0x1c]  }
0x38: {  	s7 =	simm.s32 $0xA;
	s8 =	rddreg [dreg:$0xe]  }
0x39: {  	s6 =	rddreg [dreg:$0x4];
	s0 =	sor.u32 $0x1C0A, s0;
	s5 =	sshrl.u32 s8, $0x3  }
0x3a: {  	[hbm:s6], [sflag:s0] =	dma.local [spmem:s5], $0x400  }
0x3b: {  	_ =	swait.ge [sflag:s7], $0x400  }
0x3c: {  	[sflag:s7] =	ssyncset.done $0x0  }
0x3d: {  	s5 =	sshrl.u32 s28, $0x3;
	s6 =	rddreg [dreg:$0x5];
	[sflag:s7] =	ssyncadd.s32 $0xFFFFFC00  }
0x3e: {  	[hbm:s6], [sflag:s0] =	dma.local [spmem:s5], $0x400  }
0x3f: {  	_ =	swait.ge [sflag:s7], $0x400  }
0x40: {  	[sflag:s7] =	ssyncset.done $0x0  }
0x41: {  	s5 =	sshrl.u32 s31, $0x3;
	s6 =	rddreg [dreg:$0x6];
	[sflag:s7] =	ssyncadd.s32 $0xFFFFFC00  }
0x42: {  	[hbm:s6], [sflag:s0] =	dma.local [spmem:s5], $0x400  }
0x43: {  	_ =	swait.ge [sflag:s7], $0x400  }
0x44: {  	[sflag:s7] =	ssyncset.done $0x0;
	s6 =	rddreg [dreg:$0x11]  }
0x45: {  	[sflag:s7] =	ssyncadd.s32 $0xFFFFFC00;
	s5 =	sshrl.u32 s6, $0x3;
	s6 =	rddreg [dreg:$0x7]  }
0x46: {  	[hbm:s6], [sflag:s0] =	dma.local [spmem:s5], $0x400  }
0x47: {  	_ =	swait.ge [sflag:s7], $0x400  }
0x48: {  	[sflag:s7] =	ssyncset.done $0x0;
	s6 =	rddreg [dreg:$0x12]  }
0x49: {  	[sflag:s7] =	ssyncadd.s32 $0xFFFFFC00;
	s5 =	sshrl.u32 s6, $0x3;
	s6 =	rddreg [dreg:$0x8]  }
0x4a: {  	[hbm:s6], [sflag:s0] =	dma.local [spmem:s5], $0x400  }
0x4b: {  	_ =	swait.ge [sflag:s7], $0x400  }
0x4c: {  	[sflag:s7] =	ssyncset.done $0x0;
	s6 =	rddreg [dreg:$0x13]  }
0x4d: {  	[sflag:s7] =	ssyncadd.s32 $0xFFFFFC00;
	s5 =	sshrl.u32 s6, $0x3;
	s6 =	rddreg [dreg:$0x9]  }
0x4e: {  	[hbm:s6], [sflag:s0] =	dma.local [spmem:s5], $0x400  }
0x4f: {  	_ =	swait.ge [sflag:s7], $0x400  }
0x50: {  	[sflag:s7] =	ssyncset.done $0x0;
	s6 =	rddreg [dreg:$0x14]  }
0x51: {  	[sflag:s7] =	ssyncadd.s32 $0xFFFFFC00;
	s5 =	sshrl.u32 s6, $0x3;
	s6 =	rddreg [dreg:$0xa]  }
0x52: {  	[hbm:s6], [sflag:s0] =	dma.local [spmem:s5], $0x400  }
0x53: {  	_ =	swait.ge [sflag:s7], $0x400  }
0x54: {  	[sflag:s7] =	ssyncset.done $0x0;
	s6 =	rddreg [dreg:$0x15]  }
0x55: {  	[sflag:s7] =	ssyncadd.s32 $0xFFFFFC00;
	s5 =	sshrl.u32 s6, $0x3;
	s6 =	rddreg [dreg:$0xb]  }
0x56: {  	[hbm:s6], [sflag:s0] =	dma.local [spmem:s5], $0x400  }
0x57: {  	_ =	swait.ge [sflag:s7], $0x400  }
0x58: {  	[sflag:s7] =	ssyncset.done $0x0;
	s6 =	rddreg [dreg:$0x16]  }
0x59: {  	[sflag:s7] =	ssyncadd.s32 $0xFFFFFC00;
	s5 =	sshrl.u32 s6, $0x3;
	s6 =	rddreg [dreg:$0xc]  }
0x5a: {  	[hbm:s6], [sflag:s0] =	dma.local [spmem:s5], $0x400  }
0x5b: {  	_ =	swait.ge [sflag:s7], $0x400  }
0x5c: {  	[sflag:s7] =	ssyncset.done $0x0;
	s5 =	rddreg [dreg:$0x17]  }
0x5d: {  	s6 =	rddreg [dreg:$0xd];
	[sflag:s7] =	ssyncadd.s32 $0xFFFFFC00;
	s5 =	sshrl.u32 @!p0 s5, $0x3  }
0x5e: {  	[hbm:s6], [sflag:s0] =	dma.local @!p0 [spmem:s5], $0x400  }
0x5f: {  	s5 =	simm.s32 @!p0 $0xA  }
0x60: {  	_ =	swait.ge @!p0 [sflag:s5], $0x400  }
0x61: {  	s7 =	sld [smem:$0x7FD]  }
0x62: {  	s6 =	sld [smem:$0x7FA]  }
0x63: {  	[sflag:s5] =	ssyncset.done @!p0 $0x0  }
0x64: {  	[sflag:s5] =	ssyncadd.s32 @!p0 $0xFFFFFC00;
	s5 =	sshrl.u32 @p4 s7, $0x3  }
0x65: {  	[hbm:s6], [sflag:s0] =	dma.local @p4 [spmem:s5], $0x100  }
0x66: {  	s0 =	simm.s32 @p4 $0xA  }
0x67: {  	_ =	swait.ge @p4 [sflag:s0], $0x100  }
0x68: {  	s6 =	sld [smem:$0x7FB];
	_ =	sdelay $0x1  }
0x69: {  	s19 =	sadd.s32 $0x1, s19  }
0x6a: {  	p5 =	sne.s32 s19, s6  }
.Ltmp1:
0x6b: {  	_ = 	snop;
	(pc) =	sbr.rel @!p5 .LBB2_21-.Ltmp1, $3  }
0x6c: {  	_ =	sdelay $0x1  }
0x6d: {  	[sflag:s0] =	ssyncset.done @p4 $0x0  }
0x6e: {  	[sflag:s0] =	ssyncadd.s32 @p4 $0xFFFFFF00  }
.LBB2_1:
0x6f: {  	[smem:$0x7F6] =	sst s19;
	s0 =	simm.s32 $0x0;
	s5 =	simm.s32 $0x200  }
.LBB2_2:
0x70: {  	p4 =	sne.s32 s5, $0x7E00;
	[tilespmem:s0+$0x1DAF0] =	vst v1  }
0x71: {  	[tilespmem:s0+$0x1DA80] =	vst v1  }
0x72: {  	[tilespmem:s0+$0x1DA90] =	vst v1  }
.Ltmp2:
0x73: {  	[tilespmem:s0+$0x1DAA0] =	vst v1;
	(pc) =	sbr.rel @p4 .LBB2_2-.Ltmp2, $4  }
0x74: {  	[tilespmem:s0+$0x1DAB0] =	vst v1  }
0x75: {  	[tilespmem:s0+$0x1DAC0] =	vst v1  }
0x76: {  	[tilespmem:s0+$0x1DAD0] =	vst v1  }
0x77: {  	[tilespmem:s0+$0x1DAE0] =	vst v1;
	s0 =	sshra.s32 s5, $0x2;
	s5 =	sadd.s32 $0x200, s5  }
0x78: {  	[tilespmem:s0+$0x1DAF0] =	vst v1  }
0x79: {  	[tilespmem:s0+$0x1DA80] =	vst v1  }
0x7a: {  	[tilespmem:s0+$0x1DA90] =	vst v1  }
0x7b: {  	[tilespmem:s0+$0x1DAA0] =	vst v1  }
0x7c: {  	[tilespmem:s0+$0x1DAB0] =	vst v1  }
0x7d: {  	[tilespmem:s0+$0x1DAC0] =	vst v1  }
0x7e: {  	[tilespmem:s0+$0x1DAD0] =	vst v1  }
0x7f: {  	[tilespmem:s0+$0x1DAE0] =	vst v1;
	s5 =	simm.s32 $0xA  }
0x80: {  	[spmem:s8] =	stream.linear.scatter [tilespmem:s11], [sflag:$0xA], $0x2000, $0x38;
	[tilespmem:$0x1FB80] =	vst v63  }
0x81: {  	_ =	swait.ge [sflag:s5], $0x2000  }
0x82: {  	[sflag:s5] =	ssyncset.done $0x0  }
0x83: {  	[sflag:s5] =	ssyncadd.s32 $0xFFFFE000  }
0x84: {  	[spmem:s28] =	stream.linear.scatter [tilespmem:s11], [sflag:$0xA], $0x2000, $0x38;
	[tilespmem:$0x1FB80] =	vst v63  }
0x85: {  	_ =	swait.ge [sflag:s5], $0x2000  }
0x86: {  	[sflag:s5] =	ssyncset.done $0x0  }
0x87: {  	[sflag:s5] =	ssyncadd.s32 $0xFFFFE000  }
0x88: {  	[spmem:s31] =	stream.linear.scatter [tilespmem:s11], [sflag:$0xA], $0x2000, $0x38;
	[tilespmem:$0x1FB80] =	vst v63  }
0x89: {  	_ =	swait.ge [sflag:s5], $0x2000  }
0x8a: {  	[sflag:s5] =	ssyncset.done $0x0  }
0x8b: {  	s19 =	rddreg [dreg:$0x11];
	[sflag:s5] =	ssyncadd.s32 $0xFFFFE000  }
0x8c: {  	[spmem:s19] =	stream.linear.scatter [tilespmem:s11], [sflag:$0xA], $0x2000, $0x38;
	[tilespmem:$0x1FB80] =	vst v63  }
0x8d: {  	_ =	swait.ge [sflag:s5], $0x2000  }
0x8e: {  	[sflag:s5] =	ssyncset.done $0x0  }
0x8f: {  	s28 =	rddreg [dreg:$0x12];
	[sflag:s5] =	ssyncadd.s32 $0xFFFFE000  }
0x90: {  	[spmem:s28] =	stream.linear.scatter [tilespmem:s11], [sflag:$0xA], $0x2000, $0x38;
	[tilespmem:$0x1FB80] =	vst v63  }
0x91: {  	_ =	swait.ge [sflag:s5], $0x2000  }
0x92: {  	[sflag:s5] =	ssyncset.done $0x0  }
0x93: {  	s31 =	rddreg [dreg:$0x13];
	[sflag:s5] =	ssyncadd.s32 $0xFFFFE000  }
0x94: {  	[spmem:s31] =	stream.linear.scatter [tilespmem:s11], [sflag:$0xA], $0x2000, $0x38;
	[tilespmem:$0x1FB80] =	vst v63  }
0x95: {  	_ =	swait.ge [sflag:s5], $0x2000  }
0x96: {  	[sflag:s5] =	ssyncset.done $0x0  }
0x97: {  	s6 =	rddreg [dreg:$0x14];
	[sflag:s5] =	ssyncadd.s32 $0xFFFFE000  }
0x98: {  	[spmem:s6] =	stream.linear.scatter [tilespmem:s11], [sflag:$0xA], $0x2000, $0x38;
	[tilespmem:$0x1FB80] =	vst v63  }
0x99: {  	_ =	swait.ge [sflag:s5], $0x2000  }
0x9a: {  	[sflag:s5] =	ssyncset.done $0x0  }
0x9b: {  	s8 =	rddreg [dreg:$0x15];
	[sflag:s5] =	ssyncadd.s32 $0xFFFFE000  }
0x9c: {  	[spmem:s8] =	stream.linear.scatter [tilespmem:s11], [sflag:$0xA], $0x2000, $0x38;
	[tilespmem:$0x1FB80] =	vst v63  }
0x9d: {  	_ =	swait.ge [sflag:s5], $0x2000  }
0x9e: {  	[sflag:s5] =	ssyncset.done $0x0  }
0x9f: {  	s19 =	rddreg [dreg:$0x16];
	[sflag:s5] =	ssyncadd.s32 $0xFFFFE000  }
0xa0: {  	[spmem:s19] =	stream.linear.scatter [tilespmem:s11], [sflag:$0xA], $0x2000, $0x38;
	[tilespmem:$0x1FB80] =	vst v63  }
0xa1: {  	_ =	swait.ge [sflag:s5], $0x2000  }
0xa2: {  	[sflag:s5] =	ssyncset.done $0x0  }
0xa3: {  	s0 =	simm.s32 @!p1 $0x1DA80;
	[sflag:s5] =	ssyncadd.s32 $0xFFFFE000  }
0xa4: {  	[spmem:s7] =	stream.linear.scatter @!p1 [tilespmem:s0], [sflag:$0xA], $0x800, $0x38;
	[tilespmem:$0x1FB80] =	vst v63  }
0xa5: {  	s0 =	simm.s32 @!p1 $0xA  }
0xa6: {  	_ =	swait.ge @!p1 [sflag:s0], $0x800  }
0xa7: {  	[sflag:s0] =	ssyncset.done @!p1 $0x0  }
0xa8: {  	s5 =	rddreg [dreg:$0x17];
	[sflag:s0] =	ssyncadd.s32 @!p1 $0xFFFFF800;
	s0 =	simm.s32 @!p0 $0x1DA80  }
0xa9: {  	[spmem:s5] =	stream.linear.scatter @!p0 [tilespmem:s0], [sflag:$0xA], $0x2000, $0x38;
	[tilespmem:$0x1FB80] =	vst v63  }
0xaa: {  	s0 =	simm.s32 @!p0 $0xA  }
0xab: {  	_ =	swait.ge @!p0 [sflag:s0], $0x2000  }
0xac: {  	[sflag:s0] =	ssyncset.done @!p0 $0x0  }
0xad: {  	[sflag:s0] =	ssyncadd.s32 @!p0 $0xFFFFE000  }
0xae: {  	[bflag:$0x0] =	sbarrier.arrive $0xFFFF  }
0xaf: {  	s6 =	simm.s32 $0x0;
	s5 =	simm.s32 $0x13880;
	s28 =	rddreg [dreg:$0x18]  }
0xb0: {  	[tilespmem:s5], [sflag:$0x1] =	stream.linear.gather [hbm4b:s28+s6], $0x40, $0x38;
	[tilespmem:$0x1FB80] =	vst v63  }
0xb1: {  	s7 =	simm.s32 $0x13980;
	s31 =	rddreg [dreg:$0x19]  }
0xb2: {  	[tilespmem:s7], [sflag:$0x1] =	stream.linear.gather [hbm4b:s31+s6], $0x40, $0x38;
	[tilespmem:$0x1FB80] =	vst v63  }
0xb3: {  	s19 =	simm.s32 $0x1BA80;
	s8 =	rddreg [dreg:$0x1a];
	s28 =	simm.s32 $0x1  }
0xb4: {  	[tilespmem:s19], [sflag:$0x7] =	stream.linear.gather [hbm4b:s8+s6], $0x2000, $0x38;
	[tilespmem:$0x1FB80] =	vst v63  }
0xb5: {  	_ =	swait.ge [sflag:s28], $0x40  }
0xb6: {  	[sflag:s28] =	ssyncset.done $0x0  }
0xb7: {  	[sflag:s28] =	ssyncadd.s32 $0xFFFFFFC0  }
0xb8: {  	_ =	swait.ge [sflag:s28], $0x40  }
0xb9: {  	[sflag:s28] =	ssyncset.done $0x0  }
0xba: {  	[sflag:s28] =	ssyncadd.s32 $0xFFFFFFC0  }
0xbb: {  	v6 =	vld [tilespmem:$0x13980]  }
0xbc: {  	v7 =	vld [tilespmem:$0x13990]  }
0xbd: {  	v8 =	vld [tilespmem:$0x139A0]  }
0xbe: {  	v9 =	vld [tilespmem:$0x139B0];
	_ =	sdelay $0x1  }
0xbf: {  	v6 =	vadd.s32 v0, v6  }
0xc0: {  	[tilespmem:$0x13980] =	vst v6;
	v6 =	vadd.s32 v0, v7  }
0xc1: {  	[tilespmem:$0x13990] =	vst v6;
	v6 =	vadd.s32 v0, v8  }
0xc2: {  	p5 =	por @p0 $0x0, $0x0;
	[tilespmem:$0x139A0] =	vst v6;
	v6 =	vadd.s32 v0, v9  }
0xc3: {  	p4 =	por @!p1 $0x1, $0x1;
	s31 =	simm.s32 $0x13A80;
	s0 =	rddreg [dreg:$0x0];
	[tilespmem:$0x139B0] =	vst v6  }
0xc4: {  	[tilespmem:s31], [sflag:$0x3] =	stream.indirect.gather [hbm4b:s0+s4], $0x80, s5, s4, $0xb8;
	[tilespmem:$0x1FB80] =	vst v63  }
0xc5: {  	p4 =	por @!p2 p5, p5;
	s19 =	simm.s32 $0x17A80  }
0xc6: {  	[tilespmem:s19], [sflag:$0x5] =	stream.indirect.gather [hbm4b:s15+s4], $0x80, s7, s4, $0xb8;
	[tilespmem:$0x1FB80] =	vst v63  }
0xc7: {  	p5 =	por @!p0 $0x0, $0x0;
	s28 =	rddreg [dreg:$0x1b];
	s5 =	simm.s32 $0x13900  }
0xc8: {  	[tilespmem:s5], [sflag:$0x2] =	stream.linear.gather [hbm4b:s28+s6], $0x40, $0x38;
	[tilespmem:$0x1FB80] =	vst v63  }
0xc9: {  	p4 =	por @!p0 p5, p5;
	s31 =	rddreg [dreg:$0x1d];
	s7 =	simm.s32 $0x13A00  }
0xca: {  	[tilespmem:s7], [sflag:$0x2] =	stream.linear.gather [hbm4b:s31+s6], $0x40, $0x38;
	[tilespmem:$0x1FB80] =	vst v63  }
.LBB2_4:
0xcb: {  	_ =	swait.ge [sflag:s20], $0x40  }
0xcc: {  	[sflag:s20] =	ssyncset.done $0x0  }
0xcd: {  	[sflag:s20] =	ssyncadd.s32 $0xFFFFFFC0  }
0xce: {  	_ =	swait.ge [sflag:s20], $0x40  }
0xcf: {  	[sflag:s20] =	ssyncset.done $0x0  }
0xd0: {  	[sflag:s20] =	ssyncadd.s32 $0xFFFFFFC0  }
0xd1: {  	v6 =	vld [tilespmem:$0x13A00]  }
0xd2: {  	v7 =	vld [tilespmem:$0x13A10]  }
0xd3: {  	v8 =	vld [tilespmem:$0x13A20]  }
0xd4: {  	v9 =	vld [tilespmem:$0x13A30];
	_ =	sdelay $0x1  }
0xd5: {  	v6 =	vadd.s32 v0, v6  }
0xd6: {  	[tilespmem:$0x13A00] =	vst v6;
	v6 =	vadd.s32 v0, v7  }
0xd7: {  	[tilespmem:$0x13A10] =	vst v6;
	v6 =	vadd.s32 v0, v8  }
0xd8: {  	[tilespmem:$0x13A20] =	vst v6;
	v6 =	vadd.s32 v0, v9  }
0xd9: {  	s8 =	simm.s32 $0x15A80;
	s0 =	rddreg [dreg:$0x0];
	[tilespmem:$0x13A30] =	vst v6  }
0xda: {  	[tilespmem:s8], [sflag:$0x4] =	stream.indirect.gather [hbm4b:s0+s4], $0x80, s5, s4, $0xb8;
	[tilespmem:$0x1FB80] =	vst v63  }
0xdb: {  	s8 =	simm.s32 $0x19A80  }
0xdc: {  	[tilespmem:s8], [sflag:$0x6] =	stream.indirect.gather [hbm4b:s15+s4], $0x80, s7, s4, $0xb8;
	[tilespmem:$0x1FB80] =	vst v63  }
0xdd: {  	_ =	swait.ge [sflag:s23], $0x2000  }
0xde: {  	[sflag:s23] =	ssyncset.done $0x0  }
0xdf: {  	[sflag:s23] =	ssyncadd.s32 $0xFFFFE000  }
0xe0: {  	_ =	swait.ge [sflag:s24], $0x2000  }
0xe1: {  	[sflag:s24] =	ssyncset.done $0x0  }
0xe2: {  	[sflag:s24] =	ssyncadd.s32 $0xFFFFE000  }
0xe3: {  	_ =	swait.ge [sflag:s25], $0x2000  }
0xe4: {  	p5 =	seq.s32 s6, $0x0;
	[sflag:s25] =	ssyncset.done $0x0  }
0xe5: {  	s0 =	simm.s32 @!p5 $0x8;
	[sflag:s25] =	ssyncadd.s32 $0xFFFFE000  }
0xe6: {  	_ =	swait.ge @!p5 [sflag:s0], $0x1000  }
0xe7: {  	[sflag:s0] =	ssyncset.done @!p5 $0x0  }
0xe8: {  	[sflag:s0] =	ssyncadd.s32 @!p5 $0xFFFFF000;
	s0 =	simm.s32 @!p5 $0x9  }
0xe9: {  	_ =	swait.ge @!p5 [sflag:s0], $0x1000  }
0xea: {  	[sflag:s0] =	ssyncset.done @!p5 $0x0  }
0xeb: {  	[sflag:s0] =	ssyncadd.s32 @!p5 $0xFFFFF000  }
0xec: {  	v6 =	vld [tilespmem:$0x13880]  }
0xed: {  	v7 =	vld [tilespmem:$0x138A0]  }
0xee: {  	v8 =	vld [tilespmem:$0x13890]  }
0xef: {  	v9 =	vld [tilespmem:$0x138B0];
	_ =	sdelay $0x1  }
0xf0: {  	[tilespmem:$0x1FA80] =	vst v6  }
0xf1: {  	[tilespmem:$0x1FB00] =	vst v7  }
0xf2: {  	[tilespmem:$0x1FA90] =	vst v8  }
0xf3: {  	[tilespmem:$0x1FB10] =	vst v9  }
0xf4: {  	v11 =	vld [tilespmem:s9+$0x80]  }
0xf5: {  	s0 =	simm.s32 $0x1BB80;
	v12 =	vld [tilespmem:s9+$0xA0]  }
0xf6: {  	v23 =	vld [tilespmem:s0+$0x80]  }
0xf7: {  	v24 =	vld [tilespmem:s0+$0x90]  }
0xf8: {  	v7 =	vld [tilespmem:s0+$0xA0]  }
0xf9: {  	s31 =	simm.s32 $0x17B80;
	v6 =	vld [tilespmem:s0+$0xB0]  }
0xfa: {  	v13 =	vld [tilespmem:s31+$0x80]  }
0xfb: {  	v8 =	vld [tilespmem:s31+$0xA0]  }
0xfc: {  	v14 =	vld [tilespmem:s31+$0xB0]  }
0xfd: {  	v15 =	vld [tilespmem:s31+$0x90]  }
0xfe: {  	v16 =	vld [tilespmem:s9+$0xB0]  }
0xff: {  	v17 =	vld [tilespmem:s9+$0x90]  }
0x100: {  	v9 =	vld [tilespmem:s0+$0xFFFFFF10]  }
0x101: {  	v10 =	vld [tilespmem:s0+$0xFFFFFF20]  }
0x102: {  	v19 =	vld [tilespmem:s31+$0xFFFFFF00]  }
0x103: {  	v20 =	vld [tilespmem:s31+$0xFFFFFF10]  }
0x104: {  	v21 =	vld [tilespmem:s31+$0xFFFFFF20]  }
0x105: {  	v25 =	vld [tilespmem:s31+$0xFFFFFF30];
	v18 =	vadd.f32 v8, v7;
	v14 =	vadd.f32 v14, v6  }
0x106: {  	v26 =	vld [tilespmem:s31+$0xFFFFFF80];
	v13 =	vadd.f32 v13, v23;
	v15 =	vadd.f32 v15, v24  }
0x107: {  	v27 =	vld [tilespmem:s31+$0xFFFFFF90];
	v12 =	vmul.f32 v18, v12;
	v14 =	vmul.f32 v14, v16  }
0x108: {  	v28 =	vld [tilespmem:s31+$0xFFFFFFA0];
	v11 =	vmul.f32 v13, v11;
	v13 =	vmul.f32 v15, v17  }
0x109: {  	v29 =	vld [tilespmem:s31+$0xFFFFFFB0]  }
0x10a: {  	v33 =	vld [tilespmem:s31+$0x10];
	v14 =	vadd.f32 v14, v12;
	v15 =	vadd.f32 v13, v11  }
0x10b: {  	v35 =	vld [tilespmem:s31+$0x20]  }
0x10c: {  	v58 =	vld [tilespmem:s31+$0x30];
	v16 =	vperm.xlane v14, v2;
	v17 =	vperm.xlane v15, v2  }
0x10d: {  	v36 =	vld [tilespmem:s9+$0xFFFFFF00]  }
0x10e: {  	v37 =	vld [tilespmem:s9+$0xFFFFFF10];
	v16 =	vadd.f32 v16, v14;
	v15 =	vadd.f32 v17, v15  }
0x10f: {  	v59 =	vld [tilespmem:s9+$0xFFFFFF30]  }
0x110: {  	v38 =	vld [tilespmem:s9+$0xFFFFFF80];
	v17 =	vperm.xlane v16, v3;
	v18 =	vperm.xlane v15, v3  }
0x111: {  	v39 =	vld [tilespmem:s9+$0xFFFFFF90]  }
0x112: {  	v60 =	vld [tilespmem:s9+$0xFFFFFFA0];
	v16 =	vadd.f32 v17, v16;
	v22 =	vadd.f32 v18, v15  }
0x113: {  	v61 =	vld [tilespmem:s9+$0xFFFFFFB0]  }
0x114: {  	v62 =	vld [tilespmem:s9+$0x10];
	v30 =	vperm.xlane v16, v4;
	v31 =	vperm.xlane v22, v4  }
0x115: {  	v51 =	vld [tilespmem:s9+$0x20]  }
0x116: {  	v8 =	vld [tilespmem:s0+$0xFFFFFF30];
	v30 =	vadd.f32 v30, v16;
	v22 =	vadd.f32 v31, v22  }
0x117: {  	v12 =	vld [tilespmem:s0+$0xFFFFFF80]  }
0x118: {  	v13 =	vld [tilespmem:s0+$0xFFFFFF90];
	v32 =	vperm.xlane v30, v5;
	v34 =	vperm.xlane v22, v5  }
0x119: {  	v11 =	vld [tilespmem:s0+$0xFFFFFFA0]  }
0x11a: {  	v30 =	vadd.f32 v32, v30;
	v34 =	vadd.f32 v34, v22;
	v22 =	vld [tilespmem:s0+$0xFFFFFF00]  }
0x11b: {  	v20 =	vadd.f32 v20, v9;
	v14 =	vld [tilespmem:s0+$0xFFFFFFB0]  }
0x11c: {  	v15 =	vld [tilespmem:s0+$0x10];
	v30 =	vmul.f32 $1.442695020e+00, v30  }
0x11d: {  	v20 =	vmul.f32 v20, v37;
	v25 =	vadd.f32 v25, v8;
	v17 =	vld [tilespmem:s0+$0x20]  }
0x11e: {  	v26 =	vadd.f32 v26, v12;
	v27 =	vadd.f32 v27, v13;
	(erf) = vpow2.f32 v30;
	v30 =	vld [tilespmem:s9+$0xFFFFFF20]  }
0x11f: {  	v25 =	vmul.f32 v25, v59;
	v28 =	vadd.f32 v28, v11;
	v18 =	vld [tilespmem:s0+$0x0];
	v19 =	vadd.f32 v19, v22  }
0x120: {  	v26 =	vmul.f32 v26, v38;
	v27 =	vmul.f32 v27, v39;
	v29 =	vadd.f32 v29, v14;
	v16 =	vld [tilespmem:s0+$0x30]  }
0x121: {  	v21 =	vadd.f32 v21, v10;
	v28 =	vmul.f32 v28, v60;
	v31 =	vld [tilespmem:s31+$0x0];
	v19 =	vmul.f32 v19, v36  }
0x122: {  	v54 =	vld [tilespmem:s9+$0x30];
	v27 =	vadd.f32 v27, v26;
	v29 =	vmul.f32 v29, v61;
	v33 =	vadd.f32 v33, v15  }
0x123: {  	v35 =	vadd.f32 v35, v17;
	v21 =	vmul.f32 v21, v30;
	v20 =	vadd.f32 v20, v19;
	v30 =	vld [tilespmem:s9+$0x0]  }
0x124: {  	v48 =	vld [tilespmem:s31+$0xC0];
	v28 =	vadd.f32 v29, v28;
	v29 =	vmul.f32 v33, v62;
	v34 =	vmul.f32 $1.442695020e+00, v34  }
0x125: {  	v63 =	vadd.f32 v58, v16;
	v47 =	vperm.xlane v20, v2;
	v40 =	vadd.f32 v25, v21  }
0x126: {  	v35 =	vmul.f32 v35, v51;
	v31 =	vadd.f32 v31, v18;
	(erf) = vpow2.f32 v34  }
0x127: {  	v49 =	vld [tilespmem:s31+$0xD0];
	v38 =	vmul.f32 v63, v54;
	v50 =	vadd.f32 v47, v20;
	v26 =	vperm.xlane v40, v2  }
0x128: {  	v33 =	vld [tilespmem:s31+$0xFFFFFF60];
	v30 =	vmul.f32 v31, v30;
	v31 =	vperm.xlane v27, v2  }
0x129: {  	v32 =	vld [tilespmem:s31+$0xFFFFFF40];
	v52 =	vperm.xlane v50, v3;
	v53 =	vadd.f32 v26, v40;
	v26 =	vadd.f32 v48, v23  }
0x12a: {  	v34 =	vld [tilespmem:s31+$0xFFFFFFD0];
	v23 =	vadd.f32 v31, v27;
	v31 =	vperm.xlane v28, v2;
	v55 =	vadd.f32 v29, v30  }
0x12b: {  	v60 =	vadd.f32 v38, v35;
	v35 =	vld [tilespmem:s31+$0x40];
	v37 =	vadd.f32 v52, v50;
	v30 =	vperm.xlane v53, v3  }
0x12c: {  	v38 =	vld [tilespmem:s31+$0x60];
	v27 =	vadd.f32 v49, v24;
	v56 =	vadd.f32 v31, v28;
	v31 =	vperm.xlane v55, v2  }
0x12d: {  	v36 =	vld [tilespmem:s31+$0x50];
	v19 =	vpop (erf);
	v24 =	vperm.xlane v23, v3;
	v42 =	vperm.xlane v37, v4;
	v44 =	vadd.f32 v30, v53  }
0x12e: {  	v21 =	vld [tilespmem:s31+$0xE0];
	v41 =	vsel vm0, $0x0, v19;
	v57 =	vperm.xlane v56, v3;
	v39 =	vadd.f32 v31, v55  }
0x12f: {  	v20 =	vld [tilespmem:s31+$0xF0];
	v25 =	vpop (erf);
	v24 =	vadd.f32 v24, v23;
	v58 =	vadd.f32 v42, v37;
	v59 =	vperm.xlane v44, v4  }
0x130: {  	v43 =	vsel vm1, v25, v41;
	v29 =	vld [tilespmem:s31+$0xFFFFFF50];
	v41 =	vadd.f32 v57, v56;
	v23 =	vperm.xlane v39, v3  }
0x131: {  	v28 =	vld [tilespmem:s31+$0xFFFFFF70];
	v62 =	vperm.xlane v24, v4;
	v61 =	vperm.xlane v58, v5;
	v44 =	vadd.f32 v59, v44  }
0x132: {  	s28 =	sld [smem:$0x7FC];
	v63 =	vperm.xlane v60, v2;
	v30 =	vld [tilespmem:s31+$0xFFFFFFC0];
	v45 =	vperm.xlane v41, v4;
	v23 =	vadd.f32 v23, v39  }
0x133: {  	v31 =	vld [tilespmem:s31+$0xFFFFFFE0];
	v24 =	vadd.f32 v62, v24;
	v46 =	vadd.f32 v61, v58;
	v47 =	vperm.xlane v44, v5  }
0x134: {  	s19 =	sshll.u32 s6, $0x1;
	s7 =	simm.s32 $0x1DB80;
	v37 =	vld [tilespmem:s31+$0xFFFFFFF0];
	v40 =	vadd.f32 v45, v41;
	v41 =	vadd.f32 v63, v60;
	v42 =	vperm.xlane v23, v4  }
0x135: {  	s8 =	sadd.s32 $0x200, s9;
	s5 =	sadd.s32 s28, s19;
	s19 =	simm.s32 $0x0;
	[tilespmem:s7+$0xC0] =	vst v43;
	v39 =	vld [tilespmem:s31+$0x70];
	v43 =	vmul.f32 $1.442695020e+00, v46;
	v45 =	vadd.f32 v47, v44;
	v44 =	vperm.xlane v24, v5  }
.LBB2_5:
0x136: {  	v46 =	vld [tilespmem:s8+$0x80];
	v47 =	vperm.xlane v40, v5;
	v42 =	vadd.f32 v42, v23;
	v23 =	vperm.xlane v41, v3  }
0x137: {  	s0 =	sadd.s32 $0x200, s0;
	v48 =	vld [tilespmem:s8+$0xA0];
	v45 =	vmul.f32 $1.442695020e+00, v45;
	v44 =	vadd.f32 v44, v24;
	(erf) = vpow2.f32 v43  }
0x138: {  	v24 =	vld [tilespmem:s0+$0x80];
	v40 =	vadd.f32 v47, v40;
	v43 =	vperm.xlane v42, v5;
	v41 =	vadd.f32 v23, v41  }
0x139: {  	v22 =	vadd.f32 v32, v22;
	v23 =	vld [tilespmem:s0+$0x90];
	v32 =	vmul.f32 $1.442695020e+00, v44;
	(erf) = vpow2.f32 v45  }
0x13a: {  	v44 =	vld [tilespmem:s0+$0xA0];
	v40 =	vmul.f32 $1.442695020e+00, v40;
	v42 =	vadd.f32 v43, v42;
	v43 =	vperm.xlane v41, v4  }
0x13b: {  	v29 =	vadd.f32 v29, v9;
	v33 =	vadd.f32 v33, v10;
	s31 =	sadd.s32 $0x200, s31;
	v45 =	vld [tilespmem:s0+$0xB0];
	(erf) = vpow2.f32 v32  }
0x13c: {  	v32 =	vld [tilespmem:s31+$0x80];
	v9 =	vmul.f32 $1.442695020e+00, v42;
	v10 =	vadd.f32 v43, v41;
	(erf) = vpow2.f32 v40  }
0x13d: {  	v28 =	vadd.f32 v28, v8;
	v12 =	vadd.f32 v30, v12;
	v8 =	vmul.f32 v25, v26;
	v40 =	vld [tilespmem:s31+$0xA0]  }
0x13e: {  	s19 =	sadd.s32 $0x4, s19;
	v13 =	vadd.f32 v34, v13;
	v26 =	vld [tilespmem:s31+$0xB0];
	v30 =	vperm.xlane v10, v5;
	(erf) = vpow2.f32 v9  }
0x13f: {  	v11 =	vadd.f32 v31, v11;
	v14 =	vadd.f32 v37, v14;
	p5 =	slt.u32 s19, $0x1C;
	v34 =	vld [tilespmem:s31+$0x90];
	[tilespmem:s7+$0x80] =	vst v8;
	v8 =	vmul.f32 v25, v27  }
0x140: {  	v18 =	vadd.f32 v35, v18;
	v25 =	vld [tilespmem:s8+$0xB0];
	v10 =	vadd.f32 v30, v10;
	v27 =	vpop (erf)  }
0x141: {  	v15 =	vadd.f32 v36, v15;
	v17 =	vadd.f32 v38, v17;
	v30 =	vld [tilespmem:s8+$0x90];
	v22 =	vmul.f32 v27, v22;
	[tilespmem:s7+$0x90] =	vst v8  }
0x142: {  	v21 =	vadd.f32 v21, v7;
	v16 =	vadd.f32 v39, v16;
	v9 =	vld [tilespmem:s0+$0xFFFFFF10];
	v31 =	vmul.f32 $1.442695020e+00, v10;
	v35 =	vpop (erf)  }
0x143: {  	v37 =	vmul.f32 v27, v29;
	v38 =	vadd.f32 v40, v44;
	v10 =	vld [tilespmem:s0+$0xFFFFFF20];
	v26 =	vadd.f32 v26, v45;
	[tilespmem:s7+$0xFFFFFF00] =	vst v22  }
0x144: {  	v29 =	vadd.f32 v32, v24;
	v8 =	vld [tilespmem:s0+$0xFFFFFF30];
	v32 =	vadd.f32 v34, v23;
	v34 =	vpop (erf);
	(erf) = vpow2.f32 v31  }
0x145: {  	v20 =	vadd.f32 v20, v6;
	v36 =	vmul.f32 v38, v48;
	v31 =	vld [tilespmem:s31+$0xFFFFFF00];
	v25 =	vmul.f32 v26, v25;
	[tilespmem:s7+$0xFFFFFF10] =	vst v37;
	v22 =	vpop (erf)  }
0x146: {  	v7 =	vmovc v44;
	v6 =	vmovc v45;
	v29 =	vmul.f32 v29, v46;
	v26 =	vld [tilespmem:s31+$0xFFFFFF10];
	v30 =	vmul.f32 v32, v30;
	v32 =	vsel vm0, $0x0, v35  }
0x147: {  	v33 =	vmul.f32 v35, v33;
	v28 =	vmul.f32 v35, v28;
	v37 =	vld [tilespmem:s31+$0xFFFFFF20];
	v25 =	vadd.f32 v25, v36;
	v35 =	vpop (erf)  }
0x148: {  	v38 =	vmul.f32 v34, v13;
	v36 =	vld [tilespmem:s31+$0xFFFFFF30];
	v29 =	vadd.f32 v30, v29;
	v30 =	vmul.f32 v34, v12  }
0x149: {  	v40 =	vsel vm0, $0x0, v22;
	v12 =	vld [tilespmem:s0+$0xFFFFFF80];
	v39 =	vperm.xlane v25, v2;
	[tilespmem:s7+$0xFFFFFF20] =	vst v33;
	v33 =	vmul.f32 v22, v11  }
0x14a: {  	v27 =	vsel vm1, v27, v32;
	v22 =	vmul.f32 v22, v14;
	v13 =	vld [tilespmem:s0+$0xFFFFFF90];
	v41 =	vperm.xlane v29, v2;
	[tilespmem:s7+$0xFFFFFF30] =	vst v28  }
0x14b: {  	v18 =	vmul.f32 v35, v18;
	v26 =	vadd.f32 v26, v9;
	v11 =	vld [tilespmem:s0+$0xFFFFFFA0];
	v25 =	vadd.f32 v39, v25;
	[tilespmem:s7+$0xFFFFFF40] =	vst v27  }
0x14c: {  	v27 =	vadd.f32 v37, v10;
	v14 =	vld [tilespmem:s0+$0xFFFFFFB0];
	v28 =	vadd.f32 v41, v29;
	[tilespmem:s7+$0xFFFFFF80] =	vst v30;
	v29 =	vmul.f32 v35, v15  }
0x14d: {  	v21 =	vmul.f32 v19, v21;
	v30 =	vadd.f32 v36, v8;
	v15 =	vld [tilespmem:s31+$0xFFFFFF80];
	v32 =	vperm.xlane v25, v3;
	[tilespmem:s7+$0xFFFFFF90] =	vst v38;
	v36 =	vpop (erf)  }
0x14e: {  	v37 =	vld [tilespmem:s31+$0xFFFFFF90];
	v38 =	vperm.xlane v28, v3;
	[tilespmem:s7+$0xFFFFFFA0] =	vst v33;
	v33 =	vmul.f32 v36, v17;
	v17 =	vsel vm0, $0x0, v36  }
0x14f: {  	v19 =	vmul.f32 v19, v20;
	v39 =	vld [tilespmem:s31+$0xFFFFFFA0];
	v25 =	vadd.f32 v32, v25;
	[tilespmem:s7+$0xFFFFFFB0] =	vst v22;
	v22 =	vmul.f32 v36, v16  }
0x150: {  	v16 =	vsel vm1, v34, v40;
	v32 =	vsel vm1, v35, v17;
	v20 =	vld [tilespmem:s31+$0xFFFFFFB0];
	v28 =	vadd.f32 v38, v28;
	[tilespmem:s7+$0x0] =	vst v18  }
0x151: {  	v18 =	vld [tilespmem:s0+$0x0];
	v34 =	vperm.xlane v25, v4;
	[tilespmem:s7+$0xFFFFFFC0] =	vst v16  }
0x152: {  	v35 =	vadd.f32 v15, v12;
	v15 =	vld [tilespmem:s0+$0x10];
	v36 =	vperm.xlane v28, v4;
	[tilespmem:s7+$0x10] =	vst v29  }
0x153: {  	v29 =	vadd.f32 v37, v13;
	v17 =	vld [tilespmem:s0+$0x20];
	v25 =	vadd.f32 v34, v25;
	[tilespmem:s7+$0x20] =	vst v33  }
0x154: {  	v33 =	vadd.f32 v39, v11;
	v16 =	vld [tilespmem:s0+$0x30];
	v28 =	vadd.f32 v36, v28;
	[tilespmem:s7+$0x30] =	vst v22  }
0x155: {  	v20 =	vadd.f32 v20, v14;
	v34 =	vld [tilespmem:s31+$0x0];
	v22 =	vperm.xlane v25, v5;
	[tilespmem:s7+$0x40] =	vst v32  }
0x156: {  	v32 =	vld [tilespmem:s31+$0x10];
	v36 =	vperm.xlane v28, v5;
	[tilespmem:s7+$0xA0] =	vst v21  }
0x157: {  	v21 =	vld [tilespmem:s31+$0x20];
	v25 =	vadd.f32 v22, v25;
	[tilespmem:s7+$0xB0] =	vst v19  }
0x158: {  	v19 =	vld [tilespmem:s31+$0x30];
	v28 =	vadd.f32 v36, v28  }
0x159: {  	v22 =	vld [tilespmem:s0+$0xFFFFFF00];
	v25 =	vmul.f32 $1.442695020e+00, v25  }
0x15a: {  	v36 =	vld [tilespmem:s8+$0xFFFFFF00];
	v34 =	vadd.f32 v34, v18;
	v28 =	vmul.f32 $1.442695020e+00, v28  }
0x15b: {  	v37 =	vld [tilespmem:s8+$0xFFFFFF10];
	v32 =	vadd.f32 v32, v15;
	(erf) = vpow2.f32 v25  }
0x15c: {  	v25 =	vld [tilespmem:s8+$0xFFFFFF20];
	v38 =	vadd.f32 v21, v17;
	(erf) = vpow2.f32 v28  }
0x15d: {  	v21 =	vld [tilespmem:s8+$0xFFFFFF30];
	v39 =	vadd.f32 v19, v16  }
0x15e: {  	v19 =	vadd.f32 v31, v22;
	v28 =	vld [tilespmem:s8+$0xFFFFFF80]  }
0x15f: {  	v31 =	vld [tilespmem:s8+$0xFFFFFF90]  }
0x160: {  	v19 =	vmul.f32 v19, v36;
	v26 =	vmul.f32 v26, v37;
	v36 =	vld [tilespmem:s8+$0xFFFFFFA0]  }
0x161: {  	v25 =	vmul.f32 v27, v25;
	v27 =	vld [tilespmem:s8+$0xFFFFFFB0]  }
0x162: {  	v21 =	vmul.f32 v30, v21;
	v26 =	vadd.f32 v26, v19;
	v30 =	vld [tilespmem:s8+$0x0]  }
0x163: {  	v28 =	vmul.f32 v35, v28;
	v35 =	vld [tilespmem:s8+$0x10]  }
0x164: {  	v37 =	vperm.xlane v26, v2;
	v40 =	vadd.f32 v21, v25;
	v21 =	vmul.f32 v29, v31;
	v29 =	vld [tilespmem:s31+$0xC0];
	v19 =	vpop (erf)  }
0x165: {  	v31 =	vmul.f32 v33, v36;
	v33 =	vld [tilespmem:s31+$0xD0];
	v36 =	vsel vm0, $0x0, v19;
	v25 =	vpop (erf)  }
0x166: {  	s7 =	sadd.s32 $0x200, s7;
	v27 =	vmul.f32 v20, v27;
	v28 =	vadd.f32 v21, v28;
	v21 =	vld [tilespmem:s31+$0xE0];
	v36 =	vsel vm1, v25, v36  }
0x167: {  	v37 =	vadd.f32 v37, v26;
	v26 =	vperm.xlane v40, v2;
	v30 =	vmul.f32 v34, v30;
	v20 =	vld [tilespmem:s31+$0xF0];
	[tilespmem:s7+$0xC0] =	vst v36  }
0x168: {  	v34 =	vperm.xlane v28, v2;
	v31 =	vadd.f32 v27, v31;
	v36 =	vld [tilespmem:s8+$0x20];
	v27 =	vmul.f32 v32, v35  }
0x169: {  	v35 =	vperm.xlane v37, v3;
	v40 =	vadd.f32 v26, v40;
	v41 =	vld [tilespmem:s8+$0x30];
	v26 =	vadd.f32 v29, v24  }
0x16a: {  	v32 =	vld [tilespmem:s31+$0xFFFFFF40];
	v24 =	vadd.f32 v34, v28;
	v28 =	vperm.xlane v31, v2;
	v34 =	vadd.f32 v27, v30  }
0x16b: {  	v35 =	vadd.f32 v35, v37;
	v30 =	vperm.xlane v40, v3;
	v27 =	vadd.f32 v33, v23;
	v29 =	vld [tilespmem:s31+$0xFFFFFF50]  }
0x16c: {  	v33 =	vld [tilespmem:s31+$0xFFFFFF60];
	v23 =	vperm.xlane v24, v3;
	v37 =	vadd.f32 v28, v31;
	v31 =	vperm.xlane v34, v2  }
0x16d: {  	v42 =	vperm.xlane v35, v4;
	v40 =	vadd.f32 v30, v40;
	v28 =	vld [tilespmem:s31+$0xFFFFFF70];
	v36 =	vmul.f32 v38, v36  }
0x16e: {  	v30 =	vld [tilespmem:s31+$0xFFFFFFC0];
	v38 =	vperm.xlane v37, v3;
	v39 =	vmul.f32 v39, v41;
	v41 =	vadd.f32 v31, v34  }
0x16f: {  	v42 =	vadd.f32 v42, v35;
	v35 =	vperm.xlane v40, v4;
	v24 =	vadd.f32 v23, v24;
	v34 =	vld [tilespmem:s31+$0xFFFFFFD0]  }
0x170: {  	v31 =	vld [tilespmem:s31+$0xFFFFFFE0];
	v38 =	vadd.f32 v38, v37;
	v23 =	vperm.xlane v41, v3;
	v39 =	vadd.f32 v39, v36  }
.Ltmp3:
0x171: {  	v36 =	vperm.xlane v42, v5;
	v44 =	vadd.f32 v35, v40;
	v40 =	vperm.xlane v24, v4;
	v37 =	vld [tilespmem:s31+$0xFFFFFFF0];
	(pc) =	sbr.rel @p5 .LBB2_5-.Ltmp3, $4  }
0x172: {  	v43 =	vperm.xlane v38, v4;
	v35 =	vld [tilespmem:s31+$0x40];
	v23 =	vadd.f32 v23, v41;
	v41 =	vperm.xlane v39, v2  }
0x173: {  	v45 =	vadd.f32 v36, v42;
	v46 =	vperm.xlane v44, v5;
	v24 =	vadd.f32 v40, v24;
	v36 =	vld [tilespmem:s31+$0x50]  }
0x174: {  	v40 =	vadd.f32 v43, v38;
	v38 =	vld [tilespmem:s31+$0x60];
	v42 =	vperm.xlane v23, v4;
	v41 =	vadd.f32 v41, v39  }
0x175: {  	s8 =	sadd.s32 $0x200, s8;
	v43 =	vmul.f32 $1.442695020e+00, v45;
	v45 =	vadd.f32 v46, v44;
	v44 =	vperm.xlane v24, v5;
	v39 =	vld [tilespmem:s31+$0x70]  }
0x176: {  	v46 =	vperm.xlane v41, v3  }
0x177: {  	v61 =	vperm.xlane v40, v5;
	v23 =	vadd.f32 v42, v23  }
0x178: {  	v45 =	vmul.f32 $1.442695020e+00, v45;
	(erf) = vpow2.f32 v43;
	v41 =	vadd.f32 v46, v41  }
0x179: {  	v7 =	vadd.f32 v21, v7;
	v24 =	vadd.f32 v44, v24;
	v63 =	vperm.xlane v23, v5  }
0x17a: {  	v40 =	vadd.f32 v61, v40;
	(erf) = vpow2.f32 v45;
	v62 =	vperm.xlane v41, v4  }
0x17b: {  	v26 =	vmul.f32 v25, v26;
	v24 =	vmul.f32 $1.442695020e+00, v24;
	v23 =	vadd.f32 v63, v23  }
0x17c: {  	v7 =	vmul.f32 v19, v7;
	v40 =	vmul.f32 $1.442695020e+00, v40;
	v41 =	vadd.f32 v62, v41  }
0x17d: {  	(erf) = vpow2.f32 v24;
	v23 =	vmul.f32 $1.442695020e+00, v23  }
0x17e: {  	v6 =	vadd.f32 v20, v6;
	(erf) = vpow2.f32 v40;
	v24 =	vperm.xlane v41, v5  }
0x17f: {  	(erf) = vpow2.f32 v23;
	v23 =	vmul.f32 v25, v27  }
0x180: {  	v22 =	vadd.f32 v32, v22;
	[tilespmem:s7+$0x80] =	vst v26;
	v6 =	vmul.f32 v19, v6;
	v24 =	vadd.f32 v24, v41  }
0x181: {  	v9 =	vadd.f32 v29, v9;
	[tilespmem:s7+$0xA0] =	vst v7;
	v25 =	vpop (erf)  }
0x182: {  	v10 =	vadd.f32 v33, v10;
	[tilespmem:s7+$0xB0] =	vst v6;
	v22 =	vmul.f32 v25, v22;
	v24 =	vmul.f32 $1.442695020e+00, v24  }
0x183: {  	v8 =	vadd.f32 v28, v8;
	[tilespmem:s7+$0x90] =	vst v23;
	v9 =	vmul.f32 v25, v9;
	v23 =	vpop (erf)  }
0x184: {  	[tilespmem:s7+$0xFFFFFF00] =	vst v22;
	v10 =	vmul.f32 v23, v10;
	(erf) = vpow2.f32 v24  }
0x185: {  	v12 =	vadd.f32 v30, v12;
	[tilespmem:s7+$0xFFFFFF10] =	vst v9;
	v8 =	vmul.f32 v23, v8  }
0x186: {  	v9 =	vadd.f32 v34, v13;
	v22 =	vsel vm0, $0x0, v23;
	v13 =	vpop (erf);
	[tilespmem:s7+$0xFFFFFF20] =	vst v10  }
0x187: {  	v10 =	vadd.f32 v31, v11;
	v11 =	vmul.f32 v13, v12;
	[tilespmem:s7+$0xFFFFFF30] =	vst v8;
	v8 =	vsel vm1, v25, v22  }
0x188: {  	v12 =	vadd.f32 v37, v14;
	v14 =	vpop (erf);
	v9 =	vmul.f32 v13, v9;
	[tilespmem:s7+$0xFFFFFF40] =	vst v8  }
0x189: {  	v10 =	vmul.f32 v14, v10;
	[tilespmem:s7+$0xFFFFFF80] =	vst v11  }
0x18a: {  	v8 =	vadd.f32 v35, v18;
	v12 =	vmul.f32 v14, v12;
	[tilespmem:s7+$0xFFFFFF90] =	vst v9  }
0x18b: {  	v9 =	vadd.f32 v36, v15;
	v14 =	vsel vm0, $0x0, v14;
	v11 =	vpop (erf);
	[tilespmem:s7+$0xFFFFFFA0] =	vst v10  }
0x18c: {  	v13 =	vsel vm1, v13, v14;
	v10 =	vadd.f32 v38, v17;
	[tilespmem:s7+$0xFFFFFFB0] =	vst v12;
	v8 =	vmul.f32 v11, v8  }
0x18d: {  	v12 =	vadd.f32 v39, v16;
	[tilespmem:s7+$0xFFFFFFC0] =	vst v13;
	v9 =	vmul.f32 v11, v9;
	v15 =	vpop (erf)  }
0x18e: {  	[tilespmem:s7+$0x0] =	vst v8;
	v8 =	vmul.f32 v15, v10  }
0x18f: {  	[tilespmem:s7+$0x10] =	vst v9;
	v10 =	vmul.f32 v15, v12  }
0x190: {  	v9 =	vsel vm0, $0x0, v15;
	[tilespmem:s7+$0x20] =	vst v8  }
0x191: {  	v8 =	vsel vm1, v11, v9;
	[tilespmem:s7+$0x30] =	vst v10  }
0x192: {  	s0 =	simm.s32 $0x1FA80;
	[tilespmem:s7+$0x40] =	vst v8  }
0x193: {  	[spmem:s13] =	stream.indirect.scatter.add.f32 [tilespmem:s11], [sflag:$0x8], $0x80, s0, s26, $0xb8;
	[tilespmem:$0x1FB80] =	vst v63  }
0x194: {  	v11 =	vld [tilespmem:s10+$0xFFFFFFD0]  }
0x195: {  	s0 =	simm.s32 $0x1CC30;
	v12 =	vld [tilespmem:s10+$0xFFFFFFF0]  }
0x196: {  	v23 =	vld [tilespmem:s0+$0xFFFFFFD0]  }
0x197: {  	v24 =	vld [tilespmem:s0+$0xFFFFFFE0]  }
0x198: {  	v7 =	vld [tilespmem:s0+$0xFFFFFFF0]  }
0x199: {  	s31 =	simm.s32 $0x18C70;
	v6 =	vld [tilespmem:s0+$0x0]  }
0x19a: {  	v13 =	vld [tilespmem:s31+$0xFFFFFF90]  }
0x19b: {  	v8 =	vld [tilespmem:s31+$0xFFFFFFB0]  }
0x19c: {  	v14 =	vld [tilespmem:s31+$0xFFFFFFC0]  }
0x19d: {  	v15 =	vld [tilespmem:s31+$0xFFFFFFA0]  }
0x19e: {  	v16 =	vld [tilespmem:s10+$0x0]  }
0x19f: {  	v17 =	vld [tilespmem:s10+$0xFFFFFFE0]  }
0x1a0: {  	v9 =	vld [tilespmem:s0+$0xFFFFFE60]  }
0x1a1: {  	v10 =	vld [tilespmem:s0+$0xFFFFFE70]  }
0x1a2: {  	v19 =	vld [tilespmem:s31+$0xFFFFFE10]  }
0x1a3: {  	v20 =	vld [tilespmem:s31+$0xFFFFFE20]  }
0x1a4: {  	v21 =	vld [tilespmem:s31+$0xFFFFFE30]  }
0x1a5: {  	v25 =	vld [tilespmem:s31+$0xFFFFFE40];
	v18 =	vadd.f32 v8, v7;
	v14 =	vadd.f32 v14, v6  }
0x1a6: {  	v26 =	vld [tilespmem:s31+$0xFFFFFE90];
	v13 =	vadd.f32 v13, v23;
	v15 =	vadd.f32 v15, v24  }
0x1a7: {  	v27 =	vld [tilespmem:s31+$0xFFFFFEA0];
	v12 =	vmul.f32 v18, v12;
	v14 =	vmul.f32 v14, v16  }
0x1a8: {  	v28 =	vld [tilespmem:s31+$0xFFFFFEB0];
	v11 =	vmul.f32 v13, v11;
	v13 =	vmul.f32 v15, v17  }
0x1a9: {  	v29 =	vld [tilespmem:s31+$0xFFFFFEC0]  }
0x1aa: {  	v44 =	vld [tilespmem:s31+$0xFFFFFF20];
	v14 =	vadd.f32 v14, v12;
	v15 =	vadd.f32 v13, v11  }
0x1ab: {  	v46 =	vld [tilespmem:s31+$0xFFFFFF30]  }
0x1ac: {  	v47 =	vld [tilespmem:s31+$0xFFFFFF40];
	v16 =	vperm.xlane v14, v2;
	v17 =	vperm.xlane v15, v2  }
0x1ad: {  	v48 =	vld [tilespmem:s10+$0xFFFFFE50]  }
0x1ae: {  	v49 =	vld [tilespmem:s10+$0xFFFFFE60];
	v16 =	vadd.f32 v16, v14;
	v15 =	vadd.f32 v17, v15  }
0x1af: {  	v50 =	vld [tilespmem:s10+$0xFFFFFE80]  }
0x1b0: {  	v51 =	vld [tilespmem:s10+$0xFFFFFED0];
	v17 =	vperm.xlane v16, v3;
	v18 =	vperm.xlane v15, v3  }
0x1b1: {  	v52 =	vld [tilespmem:s10+$0xFFFFFEE0]  }
0x1b2: {  	v53 =	vld [tilespmem:s10+$0xFFFFFEF0];
	v16 =	vadd.f32 v17, v16;
	v22 =	vadd.f32 v18, v15  }
0x1b3: {  	v54 =	vld [tilespmem:s10+$0xFFFFFF00]  }
0x1b4: {  	v55 =	vld [tilespmem:s10+$0xFFFFFF60];
	v30 =	vperm.xlane v16, v4;
	v31 =	vperm.xlane v22, v4  }
0x1b5: {  	v63 =	vld [tilespmem:s10+$0xFFFFFF70]  }
0x1b6: {  	v8 =	vld [tilespmem:s0+$0xFFFFFE80];
	v30 =	vadd.f32 v30, v16;
	v22 =	vadd.f32 v31, v22  }
0x1b7: {  	v12 =	vld [tilespmem:s0+$0xFFFFFED0]  }
0x1b8: {  	v13 =	vld [tilespmem:s0+$0xFFFFFEE0];
	v43 =	vperm.xlane v30, v5;
	v45 =	vperm.xlane v22, v5  }
0x1b9: {  	v11 =	vld [tilespmem:s0+$0xFFFFFEF0]  }
0x1ba: {  	v30 =	vadd.f32 v43, v30;
	v34 =	vadd.f32 v45, v22;
	v22 =	vld [tilespmem:s0+$0xFFFFFE50]  }
0x1bb: {  	v20 =	vadd.f32 v20, v9;
	v14 =	vld [tilespmem:s0+$0xFFFFFF00]  }
0x1bc: {  	v15 =	vld [tilespmem:s0+$0xFFFFFF60];
	v30 =	vmul.f32 $1.442695020e+00, v30  }
0x1bd: {  	v20 =	vmul.f32 v20, v49;
	v25 =	vadd.f32 v25, v8;
	v17 =	vld [tilespmem:s0+$0xFFFFFF70]  }
0x1be: {  	v26 =	vadd.f32 v26, v12;
	v27 =	vadd.f32 v27, v13;
	(erf) = vpow2.f32 v30;
	v30 =	vld [tilespmem:s10+$0xFFFFFE70]  }
0x1bf: {  	v25 =	vmul.f32 v25, v50;
	v28 =	vadd.f32 v28, v11;
	v18 =	vld [tilespmem:s0+$0xFFFFFF50];
	v19 =	vadd.f32 v19, v22  }
0x1c0: {  	v26 =	vmul.f32 v26, v51;
	v27 =	vmul.f32 v27, v52;
	v29 =	vadd.f32 v29, v14;
	v16 =	vld [tilespmem:s0+$0xFFFFFF80]  }
0x1c1: {  	v21 =	vadd.f32 v21, v10;
	v28 =	vmul.f32 v28, v53;
	v31 =	vld [tilespmem:s31+$0xFFFFFF10];
	v19 =	vmul.f32 v19, v48  }
0x1c2: {  	v50 =	vld [tilespmem:s10+$0xFFFFFF80];
	v27 =	vadd.f32 v27, v26;
	v29 =	vmul.f32 v29, v54;
	v33 =	vadd.f32 v44, v15  }
0x1c3: {  	v35 =	vadd.f32 v46, v17;
	v21 =	vmul.f32 v21, v30;
	v20 =	vadd.f32 v20, v19;
	v30 =	vld [tilespmem:s10+$0xFFFFFF50]  }
0x1c4: {  	v58 =	vld [tilespmem:s31+$0xFFFFFFD0];
	v28 =	vadd.f32 v29, v28;
	v29 =	vmul.f32 v33, v55;
	v34 =	vmul.f32 $1.442695020e+00, v34  }
0x1c5: {  	v56 =	vadd.f32 v47, v16;
	v57 =	vperm.xlane v20, v2;
	v59 =	vadd.f32 v25, v21  }
0x1c6: {  	v35 =	vmul.f32 v35, v63;
	v31 =	vadd.f32 v31, v18;
	(erf) = vpow2.f32 v34  }
0x1c7: {  	v60 =	vld [tilespmem:s31+$0xFFFFFFE0];
	v38 =	vmul.f32 v56, v50;
	v62 =	vadd.f32 v57, v20;
	v26 =	vperm.xlane v59, v2  }
0x1c8: {  	v32 =	vld [tilespmem:s31+$0xFFFFFE50];
	v30 =	vmul.f32 v31, v30;
	v31 =	vperm.xlane v27, v2  }
0x1c9: {  	v36 =	vld [tilespmem:s31+$0xFFFFFF60];
	v48 =	vperm.xlane v62, v3;
	v49 =	vadd.f32 v26, v59;
	v26 =	vadd.f32 v58, v23  }
0x1ca: {  	v33 =	vld [tilespmem:s31+$0xFFFFFE70];
	v19 =	vpop (erf);
	v23 =	vadd.f32 v31, v27;
	v31 =	vperm.xlane v28, v2;
	v51 =	vadd.f32 v29, v30  }
0x1cb: {  	v34 =	vld [tilespmem:s31+$0xFFFFFEE0];
	v61 =	vsel vm0, $0x0, v19;
	v37 =	vadd.f32 v48, v62;
	v30 =	vperm.xlane v49, v3  }
0x1cc: {  	v21 =	vld [tilespmem:s31+$0xFFFFFFF0];
	v27 =	vadd.f32 v60, v24;
	v52 =	vadd.f32 v31, v28;
	v31 =	vperm.xlane v51, v2  }
0x1cd: {  	v20 =	vld [tilespmem:s31+$0x0];
	v24 =	vperm.xlane v23, v3;
	v53 =	vperm.xlane v37, v4;
	v54 =	vadd.f32 v30, v49  }
0x1ce: {  	v58 =	vadd.f32 v38, v35;
	v35 =	vld [tilespmem:s31+$0xFFFFFF50];
	v55 =	vperm.xlane v52, v3;
	v39 =	vadd.f32 v31, v51  }
0x1cf: {  	v25 =	vpop (erf);
	v38 =	vld [tilespmem:s31+$0xFFFFFF70];
	v24 =	vadd.f32 v24, v23;
	v56 =	vadd.f32 v53, v37;
	v57 =	vperm.xlane v54, v4  }
0x1d0: {  	v43 =	vsel vm1, v25, v61;
	v29 =	vld [tilespmem:s31+$0xFFFFFE60];
	v41 =	vadd.f32 v55, v52;
	v23 =	vperm.xlane v39, v3  }
0x1d1: {  	v28 =	vld [tilespmem:s31+$0xFFFFFE80];
	v60 =	vperm.xlane v24, v4;
	v59 =	vperm.xlane v56, v5;
	v44 =	vadd.f32 v57, v54  }
0x1d2: {  	v62 =	vperm.xlane v58, v2;
	v30 =	vld [tilespmem:s31+$0xFFFFFED0];
	v61 =	vperm.xlane v41, v4;
	v23 =	vadd.f32 v23, v39  }
0x1d3: {  	v31 =	vld [tilespmem:s31+$0xFFFFFEF0];
	v24 =	vadd.f32 v60, v24;
	v63 =	vadd.f32 v59, v56;
	v47 =	vperm.xlane v44, v5  }
0x1d4: {  	s7 =	simm.s32 $0x1EC40;
	v37 =	vld [tilespmem:s31+$0xFFFFFF00];
	v40 =	vadd.f32 v61, v41;
	v42 =	vperm.xlane v23, v4;
	v41 =	vadd.f32 v62, v58  }
0x1d5: {  	s19 =	simm.s32 $0x20;
	s8 =	sadd.s32 $0x200, s10;
	[tilespmem:s7+$0x0] =	vst v43;
	v39 =	vld [tilespmem:s31+$0xFFFFFF80];
	v43 =	vmul.f32 $1.442695020e+00, v63;
	v45 =	vadd.f32 v47, v44;
	v44 =	vperm.xlane v24, v5  }
.LBB2_7:
0x1d6: {  	v46 =	vld [tilespmem:s8+$0xFFFFFFD0];
	v47 =	vperm.xlane v40, v5;
	v42 =	vadd.f32 v42, v23;
	v23 =	vperm.xlane v41, v3  }
0x1d7: {  	s0 =	sadd.s32 $0x200, s0;
	v48 =	vld [tilespmem:s8+$0xFFFFFFF0];
	v45 =	vmul.f32 $1.442695020e+00, v45;
	v44 =	vadd.f32 v44, v24;
	(erf) = vpow2.f32 v43  }
0x1d8: {  	v24 =	vld [tilespmem:s0+$0xFFFFFFD0];
	v40 =	vadd.f32 v47, v40;
	v43 =	vperm.xlane v42, v5;
	v41 =	vadd.f32 v23, v41  }
0x1d9: {  	v22 =	vadd.f32 v32, v22;
	v23 =	vld [tilespmem:s0+$0xFFFFFFE0];
	v32 =	vmul.f32 $1.442695020e+00, v44;
	(erf) = vpow2.f32 v45  }
0x1da: {  	v44 =	vld [tilespmem:s0+$0xFFFFFFF0];
	v40 =	vmul.f32 $1.442695020e+00, v40;
	v42 =	vadd.f32 v43, v42;
	v43 =	vperm.xlane v41, v4  }
0x1db: {  	v29 =	vadd.f32 v29, v9;
	v33 =	vadd.f32 v33, v10;
	s31 =	sadd.s32 $0x200, s31;
	v45 =	vld [tilespmem:s0+$0x0];
	(erf) = vpow2.f32 v32  }
0x1dc: {  	v32 =	vld [tilespmem:s31+$0xFFFFFF90];
	v9 =	vmul.f32 $1.442695020e+00, v42;
	v10 =	vadd.f32 v43, v41;
	(erf) = vpow2.f32 v40  }
0x1dd: {  	v28 =	vadd.f32 v28, v8;
	v12 =	vadd.f32 v30, v12;
	v8 =	vmul.f32 v25, v26;
	v40 =	vld [tilespmem:s31+$0xFFFFFFB0]  }
0x1de: {  	s19 =	sadd.s32 $0x4, s19;
	v13 =	vadd.f32 v34, v13;
	v26 =	vld [tilespmem:s31+$0xFFFFFFC0];
	v30 =	vperm.xlane v10, v5;
	(erf) = vpow2.f32 v9  }
0x1df: {  	v11 =	vadd.f32 v31, v11;
	v14 =	vadd.f32 v37, v14;
	p5 =	slt.u32 s19, $0x3C;
	v34 =	vld [tilespmem:s31+$0xFFFFFFA0];
	[tilespmem:s7+$0xFFFFFFC0] =	vst v8;
	v8 =	vmul.f32 v25, v27  }
0x1e0: {  	v18 =	vadd.f32 v35, v18;
	v25 =	vld [tilespmem:s8+$0x0];
	v10 =	vadd.f32 v30, v10;
	v27 =	vpop (erf)  }
0x1e1: {  	v15 =	vadd.f32 v36, v15;
	v17 =	vadd.f32 v38, v17;
	v30 =	vld [tilespmem:s8+$0xFFFFFFE0];
	v22 =	vmul.f32 v27, v22;
	[tilespmem:s7+$0xFFFFFFD0] =	vst v8  }
0x1e2: {  	v21 =	vadd.f32 v21, v7;
	v16 =	vadd.f32 v39, v16;
	v9 =	vld [tilespmem:s0+$0xFFFFFE60];
	v31 =	vmul.f32 $1.442695020e+00, v10;
	v35 =	vpop (erf)  }
0x1e3: {  	v37 =	vmul.f32 v27, v29;
	v38 =	vadd.f32 v40, v44;
	v10 =	vld [tilespmem:s0+$0xFFFFFE70];
	v26 =	vadd.f32 v26, v45;
	[tilespmem:s7+$0xFFFFFE40] =	vst v22  }
0x1e4: {  	v29 =	vadd.f32 v32, v24;
	v8 =	vld [tilespmem:s0+$0xFFFFFE80];
	v32 =	vadd.f32 v34, v23;
	v34 =	vpop (erf);
	(erf) = vpow2.f32 v31  }
0x1e5: {  	v20 =	vadd.f32 v20, v6;
	v36 =	vmul.f32 v38, v48;
	v31 =	vld [tilespmem:s31+$0xFFFFFE10];
	v25 =	vmul.f32 v26, v25;
	[tilespmem:s7+$0xFFFFFE50] =	vst v37;
	v22 =	vpop (erf)  }
0x1e6: {  	v7 =	vmovc v44;
	v6 =	vmovc v45;
	v29 =	vmul.f32 v29, v46;
	v26 =	vld [tilespmem:s31+$0xFFFFFE20];
	v30 =	vmul.f32 v32, v30;
	v32 =	vsel vm0, $0x0, v35  }
0x1e7: {  	v33 =	vmul.f32 v35, v33;
	v28 =	vmul.f32 v35, v28;
	v37 =	vld [tilespmem:s31+$0xFFFFFE30];
	v25 =	vadd.f32 v25, v36;
	v35 =	vpop (erf)  }
0x1e8: {  	v38 =	vmul.f32 v34, v13;
	v36 =	vld [tilespmem:s31+$0xFFFFFE40];
	v29 =	vadd.f32 v30, v29;
	v30 =	vmul.f32 v34, v12  }
0x1e9: {  	v40 =	vsel vm0, $0x0, v22;
	v12 =	vld [tilespmem:s0+$0xFFFFFED0];
	v39 =	vperm.xlane v25, v2;
	[tilespmem:s7+$0xFFFFFE60] =	vst v33;
	v33 =	vmul.f32 v22, v11  }
0x1ea: {  	v27 =	vsel vm1, v27, v32;
	v22 =	vmul.f32 v22, v14;
	v13 =	vld [tilespmem:s0+$0xFFFFFEE0];
	v41 =	vperm.xlane v29, v2;
	[tilespmem:s7+$0xFFFFFE70] =	vst v28  }
0x1eb: {  	v18 =	vmul.f32 v35, v18;
	v26 =	vadd.f32 v26, v9;
	v11 =	vld [tilespmem:s0+$0xFFFFFEF0];
	v25 =	vadd.f32 v39, v25;
	[tilespmem:s7+$0xFFFFFE80] =	vst v27  }
0x1ec: {  	v27 =	vadd.f32 v37, v10;
	v14 =	vld [tilespmem:s0+$0xFFFFFF00];
	v28 =	vadd.f32 v41, v29;
	[tilespmem:s7+$0xFFFFFEC0] =	vst v30;
	v29 =	vmul.f32 v35, v15  }
0x1ed: {  	v21 =	vmul.f32 v19, v21;
	v30 =	vadd.f32 v36, v8;
	v15 =	vld [tilespmem:s31+$0xFFFFFE90];
	v32 =	vperm.xlane v25, v3;
	[tilespmem:s7+$0xFFFFFED0] =	vst v38;
	v36 =	vpop (erf)  }
0x1ee: {  	v37 =	vld [tilespmem:s31+$0xFFFFFEA0];
	v38 =	vperm.xlane v28, v3;
	[tilespmem:s7+$0xFFFFFEE0] =	vst v33;
	v33 =	vmul.f32 v36, v17;
	v17 =	vsel vm0, $0x0, v36  }
0x1ef: {  	v19 =	vmul.f32 v19, v20;
	v39 =	vld [tilespmem:s31+$0xFFFFFEB0];
	v25 =	vadd.f32 v32, v25;
	[tilespmem:s7+$0xFFFFFEF0] =	vst v22;
	v22 =	vmul.f32 v36, v16  }
0x1f0: {  	v16 =	vsel vm1, v34, v40;
	v32 =	vsel vm1, v35, v17;
	v20 =	vld [tilespmem:s31+$0xFFFFFEC0];
	v28 =	vadd.f32 v38, v28;
	[tilespmem:s7+$0xFFFFFF40] =	vst v18  }
0x1f1: {  	v18 =	vld [tilespmem:s0+$0xFFFFFF50];
	v34 =	vperm.xlane v25, v4;
	[tilespmem:s7+$0xFFFFFF00] =	vst v16  }
0x1f2: {  	v35 =	vadd.f32 v15, v12;
	v15 =	vld [tilespmem:s0+$0xFFFFFF60];
	v36 =	vperm.xlane v28, v4;
	[tilespmem:s7+$0xFFFFFF50] =	vst v29  }
0x1f3: {  	v29 =	vadd.f32 v37, v13;
	v17 =	vld [tilespmem:s0+$0xFFFFFF70];
	v25 =	vadd.f32 v34, v25;
	[tilespmem:s7+$0xFFFFFF60] =	vst v33  }
0x1f4: {  	v33 =	vadd.f32 v39, v11;
	v16 =	vld [tilespmem:s0+$0xFFFFFF80];
	v28 =	vadd.f32 v36, v28;
	[tilespmem:s7+$0xFFFFFF70] =	vst v22  }
0x1f5: {  	v20 =	vadd.f32 v20, v14;
	v34 =	vld [tilespmem:s31+$0xFFFFFF10];
	v22 =	vperm.xlane v25, v5;
	[tilespmem:s7+$0xFFFFFF80] =	vst v32  }
0x1f6: {  	v32 =	vld [tilespmem:s31+$0xFFFFFF20];
	v36 =	vperm.xlane v28, v5;
	[tilespmem:s7+$0xFFFFFFE0] =	vst v21  }
0x1f7: {  	v21 =	vld [tilespmem:s31+$0xFFFFFF30];
	v25 =	vadd.f32 v22, v25;
	[tilespmem:s7+$0xFFFFFFF0] =	vst v19  }
0x1f8: {  	v19 =	vld [tilespmem:s31+$0xFFFFFF40];
	v28 =	vadd.f32 v36, v28  }
0x1f9: {  	v22 =	vld [tilespmem:s0+$0xFFFFFE50];
	v25 =	vmul.f32 $1.442695020e+00, v25  }
0x1fa: {  	v36 =	vld [tilespmem:s8+$0xFFFFFE50];
	v34 =	vadd.f32 v34, v18;
	v28 =	vmul.f32 $1.442695020e+00, v28  }
0x1fb: {  	v37 =	vld [tilespmem:s8+$0xFFFFFE60];
	v32 =	vadd.f32 v32, v15;
	(erf) = vpow2.f32 v25  }
0x1fc: {  	v25 =	vld [tilespmem:s8+$0xFFFFFE70];
	v38 =	vadd.f32 v21, v17;
	(erf) = vpow2.f32 v28  }
0x1fd: {  	v21 =	vld [tilespmem:s8+$0xFFFFFE80];
	v39 =	vadd.f32 v19, v16  }
0x1fe: {  	v19 =	vadd.f32 v31, v22;
	v28 =	vld [tilespmem:s8+$0xFFFFFED0]  }
0x1ff: {  	v31 =	vld [tilespmem:s8+$0xFFFFFEE0]  }
0x200: {  	v19 =	vmul.f32 v19, v36;
	v26 =	vmul.f32 v26, v37;
	v36 =	vld [tilespmem:s8+$0xFFFFFEF0]  }
0x201: {  	v25 =	vmul.f32 v27, v25;
	v27 =	vld [tilespmem:s8+$0xFFFFFF00]  }
0x202: {  	v21 =	vmul.f32 v30, v21;
	v26 =	vadd.f32 v26, v19;
	v30 =	vld [tilespmem:s8+$0xFFFFFF50]  }
0x203: {  	v28 =	vmul.f32 v35, v28;
	v35 =	vld [tilespmem:s8+$0xFFFFFF60]  }
0x204: {  	v37 =	vperm.xlane v26, v2;
	v40 =	vadd.f32 v21, v25;
	v21 =	vmul.f32 v29, v31;
	v29 =	vld [tilespmem:s31+$0xFFFFFFD0];
	v19 =	vpop (erf)  }
0x205: {  	v31 =	vmul.f32 v33, v36;
	v33 =	vld [tilespmem:s31+$0xFFFFFFE0];
	v36 =	vsel vm0, $0x0, v19;
	v25 =	vpop (erf)  }
0x206: {  	s7 =	sadd.s32 $0x200, s7;
	v27 =	vmul.f32 v20, v27;
	v28 =	vadd.f32 v21, v28;
	v21 =	vld [tilespmem:s31+$0xFFFFFFF0];
	v36 =	vsel vm1, v25, v36  }
0x207: {  	v37 =	vadd.f32 v37, v26;
	v26 =	vperm.xlane v40, v2;
	v30 =	vmul.f32 v34, v30;
	v20 =	vld [tilespmem:s31+$0x0];
	[tilespmem:s7+$0x0] =	vst v36  }
0x208: {  	v34 =	vperm.xlane v28, v2;
	v31 =	vadd.f32 v27, v31;
	v36 =	vld [tilespmem:s8+$0xFFFFFF70];
	v27 =	vmul.f32 v32, v35  }
0x209: {  	v35 =	vperm.xlane v37, v3;
	v40 =	vadd.f32 v26, v40;
	v41 =	vld [tilespmem:s8+$0xFFFFFF80];
	v26 =	vadd.f32 v29, v24  }
0x20a: {  	v32 =	vld [tilespmem:s31+$0xFFFFFE50];
	v24 =	vadd.f32 v34, v28;
	v28 =	vperm.xlane v31, v2;
	v34 =	vadd.f32 v27, v30  }
0x20b: {  	v35 =	vadd.f32 v35, v37;
	v30 =	vperm.xlane v40, v3;
	v27 =	vadd.f32 v33, v23;
	v29 =	vld [tilespmem:s31+$0xFFFFFE60]  }
0x20c: {  	v33 =	vld [tilespmem:s31+$0xFFFFFE70];
	v23 =	vperm.xlane v24, v3;
	v37 =	vadd.f32 v28, v31;
	v31 =	vperm.xlane v34, v2  }
0x20d: {  	v42 =	vperm.xlane v35, v4;
	v40 =	vadd.f32 v30, v40;
	v28 =	vld [tilespmem:s31+$0xFFFFFE80];
	v36 =	vmul.f32 v38, v36  }
0x20e: {  	v30 =	vld [tilespmem:s31+$0xFFFFFED0];
	v38 =	vperm.xlane v37, v3;
	v39 =	vmul.f32 v39, v41;
	v41 =	vadd.f32 v31, v34  }
0x20f: {  	v42 =	vadd.f32 v42, v35;
	v35 =	vperm.xlane v40, v4;
	v24 =	vadd.f32 v23, v24;
	v34 =	vld [tilespmem:s31+$0xFFFFFEE0]  }
0x210: {  	v31 =	vld [tilespmem:s31+$0xFFFFFEF0];
	v38 =	vadd.f32 v38, v37;
	v23 =	vperm.xlane v41, v3;
	v39 =	vadd.f32 v39, v36  }
.Ltmp4:
0x211: {  	v36 =	vperm.xlane v42, v5;
	v44 =	vadd.f32 v35, v40;
	v40 =	vperm.xlane v24, v4;
	v37 =	vld [tilespmem:s31+$0xFFFFFF00];
	(pc) =	sbr.rel @p5 .LBB2_7-.Ltmp4, $4  }
0x212: {  	v43 =	vperm.xlane v38, v4;
	v35 =	vld [tilespmem:s31+$0xFFFFFF50];
	v23 =	vadd.f32 v23, v41;
	v41 =	vperm.xlane v39, v2  }
0x213: {  	v45 =	vadd.f32 v36, v42;
	v46 =	vperm.xlane v44, v5;
	v24 =	vadd.f32 v40, v24;
	v36 =	vld [tilespmem:s31+$0xFFFFFF60]  }
0x214: {  	v40 =	vadd.f32 v43, v38;
	v38 =	vld [tilespmem:s31+$0xFFFFFF70];
	v42 =	vperm.xlane v23, v4;
	v41 =	vadd.f32 v41, v39  }
0x215: {  	s8 =	sadd.s32 $0x200, s8;
	v43 =	vmul.f32 $1.442695020e+00, v45;
	v45 =	vadd.f32 v46, v44;
	v44 =	vperm.xlane v24, v5;
	v39 =	vld [tilespmem:s31+$0xFFFFFF80]  }
0x216: {  	v46 =	vperm.xlane v41, v3  }
0x217: {  	v61 =	vperm.xlane v40, v5;
	v23 =	vadd.f32 v42, v23  }
0x218: {  	v45 =	vmul.f32 $1.442695020e+00, v45;
	(erf) = vpow2.f32 v43;
	v41 =	vadd.f32 v46, v41  }
0x219: {  	v7 =	vadd.f32 v21, v7;
	v24 =	vadd.f32 v44, v24;
	v63 =	vperm.xlane v23, v5  }
0x21a: {  	v40 =	vadd.f32 v61, v40;
	(erf) = vpow2.f32 v45;
	v62 =	vperm.xlane v41, v4  }
0x21b: {  	v26 =	vmul.f32 v25, v26;
	v24 =	vmul.f32 $1.442695020e+00, v24;
	v23 =	vadd.f32 v63, v23  }
0x21c: {  	v7 =	vmul.f32 v19, v7;
	v40 =	vmul.f32 $1.442695020e+00, v40;
	v41 =	vadd.f32 v62, v41  }
0x21d: {  	(erf) = vpow2.f32 v24;
	v23 =	vmul.f32 $1.442695020e+00, v23  }
0x21e: {  	v6 =	vadd.f32 v20, v6;
	(erf) = vpow2.f32 v40;
	v24 =	vperm.xlane v41, v5  }
0x21f: {  	(erf) = vpow2.f32 v23;
	v23 =	vmul.f32 v25, v27  }
0x220: {  	v22 =	vadd.f32 v32, v22;
	[tilespmem:s7+$0xFFFFFFC0] =	vst v26;
	v6 =	vmul.f32 v19, v6;
	v24 =	vadd.f32 v24, v41  }
0x221: {  	v9 =	vadd.f32 v29, v9;
	[tilespmem:s7+$0xFFFFFFE0] =	vst v7;
	v25 =	vpop (erf)  }
0x222: {  	v10 =	vadd.f32 v33, v10;
	[tilespmem:s7+$0xFFFFFFF0] =	vst v6;
	v22 =	vmul.f32 v25, v22;
	v24 =	vmul.f32 $1.442695020e+00, v24  }
0x223: {  	v8 =	vadd.f32 v28, v8;
	[tilespmem:s7+$0xFFFFFFD0] =	vst v23;
	v9 =	vmul.f32 v25, v9;
	v23 =	vpop (erf)  }
0x224: {  	[tilespmem:s7+$0xFFFFFE40] =	vst v22;
	v10 =	vmul.f32 v23, v10;
	(erf) = vpow2.f32 v24  }
0x225: {  	v12 =	vadd.f32 v30, v12;
	[tilespmem:s7+$0xFFFFFE50] =	vst v9;
	v8 =	vmul.f32 v23, v8  }
0x226: {  	v9 =	vadd.f32 v34, v13;
	v22 =	vsel vm0, $0x0, v23;
	v13 =	vpop (erf);
	[tilespmem:s7+$0xFFFFFE60] =	vst v10  }
0x227: {  	v10 =	vadd.f32 v31, v11;
	v11 =	vmul.f32 v13, v12;
	[tilespmem:s7+$0xFFFFFE70] =	vst v8;
	v8 =	vsel vm1, v25, v22  }
0x228: {  	v12 =	vadd.f32 v37, v14;
	v14 =	vpop (erf);
	v9 =	vmul.f32 v13, v9;
	[tilespmem:s7+$0xFFFFFE80] =	vst v8  }
0x229: {  	v10 =	vmul.f32 v14, v10;
	[tilespmem:s7+$0xFFFFFEC0] =	vst v11  }
0x22a: {  	v8 =	vadd.f32 v35, v18;
	v12 =	vmul.f32 v14, v12;
	[tilespmem:s7+$0xFFFFFED0] =	vst v9  }
0x22b: {  	v9 =	vadd.f32 v36, v15;
	v14 =	vsel vm0, $0x0, v14;
	v11 =	vpop (erf);
	[tilespmem:s7+$0xFFFFFEE0] =	vst v10  }
0x22c: {  	v13 =	vsel vm1, v13, v14;
	v10 =	vadd.f32 v38, v17;
	[tilespmem:s7+$0xFFFFFEF0] =	vst v12;
	v8 =	vmul.f32 v11, v8  }
0x22d: {  	v12 =	vadd.f32 v39, v16;
	[tilespmem:s7+$0xFFFFFF00] =	vst v13;
	v9 =	vmul.f32 v11, v9;
	v15 =	vpop (erf)  }
0x22e: {  	[tilespmem:s7+$0xFFFFFF40] =	vst v8;
	v8 =	vmul.f32 v15, v10  }
0x22f: {  	[tilespmem:s7+$0xFFFFFF50] =	vst v9;
	v10 =	vmul.f32 v15, v12  }
0x230: {  	v9 =	vsel vm0, $0x0, v15;
	[tilespmem:s7+$0xFFFFFF60] =	vst v8  }
0x231: {  	v8 =	vsel vm1, v11, v9;
	[tilespmem:s7+$0xFFFFFF70] =	vst v10  }
0x232: {  	[tilespmem:s7+$0xFFFFFF80] =	vst v8  }
0x233: {  	[spmem:s13] =	stream.indirect.scatter.add.f32 [tilespmem:s30], [sflag:$0x9], $0x80, s29, s26, $0xb8;
	[tilespmem:$0x1FB80] =	vst v63  }
0x234: {  	s0 =	sshll.u32 s5, $0xD;
	s7 =	rddreg [dreg:$0x1e]  }
0x235: {  	s7 =	sadd.s32 s0, s7  }
0x236: {  	s7 =	sshrl.u32 s7, $0x3  }
0x237: {  	s8 =	simm.s32 $0x1BA80;
	p5 =	seq.s32 s6, $0x9B;
	s7 =	sadd.s32 s16, s7  }
0x238: {  	[tilespmem:s8], [sflag:$0x7] =	stream.linear.gather [hbm4b:s7+s2], $0x2000, $0x38;
	[tilespmem:$0x1FB80] =	vst v63  }
0x239: {  	s7 =	sshll.u32 @!p5 s5, $0x3  }
0x23a: {  	s7 =	sadd.s32 @!p5 $0x10, s7  }
0x23b: {  	s19 =	simm.s32 @!p5 $0x0;
	s28 =	simm.s32 @!p5 $0x13880;
	s8 =	sadd.s32 @!p5 s18, s7  }
0x23c: {  	[tilespmem:s28], [sflag:$0x1] =	stream.linear.gather @!p5 [hbm4b:s8+s19], $0x40, $0x38;
	[tilespmem:$0x1FB80] =	vst v63  }
0x23d: {  	s7 =	sadd.s32 @!p5 s17, s7;
	s8 =	simm.s32 @!p5 $0x13980  }
0x23e: {  	[tilespmem:s8], [sflag:$0x1] =	stream.linear.gather @!p5 [hbm4b:s7+s19], $0x40, $0x38;
	[tilespmem:$0x1FB80] =	vst v63  }
0x23f: {  	s7 =	simm.s32 @!p5 $0x1  }
0x240: {  	_ =	swait.ge @!p5 [sflag:s7], $0x40  }
0x241: {  	[sflag:s7] =	ssyncset.done @!p5 $0x0  }
0x242: {  	[sflag:s7] =	ssyncadd.s32 @!p5 $0xFFFFFFC0  }
0x243: {  	_ =	swait.ge @!p5 [sflag:s7], $0x40  }
0x244: {  	[sflag:s7] =	ssyncset.done @!p5 $0x0  }
0x245: {  	[sflag:s7] =	ssyncadd.s32 @!p5 $0xFFFFFFC0  }
0x246: {  	v6 =	vld @!p5 [tilespmem:$0x13980]  }
0x247: {  	v7 =	vld @!p5 [tilespmem:$0x13990]  }
0x248: {  	v8 =	vld @!p5 [tilespmem:$0x139A0]  }
0x249: {  	v9 =	vld @!p5 [tilespmem:$0x139B0];
	_ =	sdelay $0x1  }
0x24a: {  	v6 =	vadd.s32 @!p5 v0, v6  }
0x24b: {  	[tilespmem:$0x13980] =	vst @!p5 v6;
	v6 =	vadd.s32 @!p5 v0, v7  }
0x24c: {  	[tilespmem:$0x13990] =	vst @!p5 v6;
	v6 =	vadd.s32 @!p5 v0, v8  }
0x24d: {  	[tilespmem:$0x139A0] =	vst @!p5 v6;
	v6 =	vadd.s32 @!p5 v0, v9  }
0x24e: {  	s19 =	simm.s32 @!p5 $0x13A80;
	s7 =	simm.s32 @!p5 $0x40;
	s31 =	rddreg [dreg:$0x0];
	[tilespmem:$0x139B0] =	vst @!p5 v6  }
0x24f: {  	[tilespmem:s19], [sflag:$0x3] =	stream.indirect.gather @!p5 [hbm4b:s31+s7], $0x80, s28, s7, $0xb8;
	[tilespmem:$0x1FB80] =	vst v63  }
0x250: {  	s19 =	simm.s32 @!p5 $0x17A80  }
0x251: {  	[tilespmem:s19], [sflag:$0x5] =	stream.indirect.gather @!p5 [hbm4b:s15+s7], $0x80, s8, s7, $0xb8;
	[tilespmem:$0x1FB80] =	vst v63  }
0x252: {  	_ =	swait.ge [sflag:s3], $0x2000  }
0x253: {  	[sflag:s3] =	ssyncset.done $0x0  }
0x254: {  	[sflag:s3] =	ssyncadd.s32 $0xFFFFE000  }
0x255: {  	_ =	swait.ge [sflag:s21], $0x2000  }
0x256: {  	[sflag:s21] =	ssyncset.done $0x0  }
0x257: {  	[sflag:s21] =	ssyncadd.s32 $0xFFFFE000  }
0x258: {  	_ =	swait.ge [sflag:s25], $0x2000  }
0x259: {  	[sflag:s25] =	ssyncset.done $0x0  }
0x25a: {  	[sflag:s25] =	ssyncadd.s32 $0xFFFFE000  }
0x25b: {  	_ =	swait.ge [sflag:s22], $0x1000  }
0x25c: {  	[sflag:s22] =	ssyncset.done $0x0  }
0x25d: {  	[sflag:s22] =	ssyncadd.s32 $0xFFFFF000  }
0x25e: {  	_ =	swait.ge [sflag:s1], $0x1000  }
0x25f: {  	[sflag:s1] =	ssyncset.done $0x0  }
0x260: {  	[sflag:s1] =	ssyncadd.s32 $0xFFFFF000  }
0x261: {  	v6 =	vld [tilespmem:$0x13900]  }
0x262: {  	v7 =	vld [tilespmem:$0x13920]  }
0x263: {  	v8 =	vld [tilespmem:$0x13910]  }
0x264: {  	v9 =	vld [tilespmem:$0x13930];
	_ =	sdelay $0x1  }
0x265: {  	[tilespmem:$0x1FA80] =	vst v6  }
0x266: {  	[tilespmem:$0x1FB00] =	vst v7  }
0x267: {  	[tilespmem:$0x1FA90] =	vst v8  }
0x268: {  	[tilespmem:$0x1FB10] =	vst v9  }
0x269: {  	v11 =	vld [tilespmem:s12+$0x80]  }
0x26a: {  	s31 =	simm.s32 $0x1BB80;
	v12 =	vld [tilespmem:s12+$0xA0]  }
0x26b: {  	v23 =	vld [tilespmem:s31+$0x80]  }
0x26c: {  	v24 =	vld [tilespmem:s31+$0x90]  }
0x26d: {  	v7 =	vld [tilespmem:s31+$0xA0]  }
0x26e: {  	s7 =	simm.s32 $0x19B80;
	v6 =	vld [tilespmem:s31+$0xB0]  }
0x26f: {  	v13 =	vld [tilespmem:s7+$0x80]  }
0x270: {  	v8 =	vld [tilespmem:s7+$0xA0]  }
0x271: {  	v14 =	vld [tilespmem:s7+$0xB0]  }
0x272: {  	v15 =	vld [tilespmem:s7+$0x90]  }
0x273: {  	v16 =	vld [tilespmem:s12+$0xB0]  }
0x274: {  	v17 =	vld [tilespmem:s12+$0x90]  }
0x275: {  	v9 =	vld [tilespmem:s31+$0xFFFFFF10]  }
0x276: {  	v10 =	vld [tilespmem:s31+$0xFFFFFF20]  }
0x277: {  	v19 =	vld [tilespmem:s7+$0xFFFFFF00]  }
0x278: {  	v20 =	vld [tilespmem:s7+$0xFFFFFF10]  }
0x279: {  	v21 =	vld [tilespmem:s7+$0xFFFFFF20]  }
0x27a: {  	v25 =	vld [tilespmem:s7+$0xFFFFFF30];
	v18 =	vadd.f32 v8, v7;
	v14 =	vadd.f32 v14, v6  }
0x27b: {  	v26 =	vld [tilespmem:s7+$0xFFFFFF80];
	v13 =	vadd.f32 v13, v23;
	v15 =	vadd.f32 v15, v24  }
0x27c: {  	v27 =	vld [tilespmem:s7+$0xFFFFFF90];
	v12 =	vmul.f32 v18, v12;
	v14 =	vmul.f32 v14, v16  }
0x27d: {  	v28 =	vld [tilespmem:s7+$0xFFFFFFA0];
	v11 =	vmul.f32 v13, v11;
	v13 =	vmul.f32 v15, v17  }
0x27e: {  	v29 =	vld [tilespmem:s7+$0xFFFFFFB0]  }
0x27f: {  	v44 =	vld [tilespmem:s7+$0x10];
	v14 =	vadd.f32 v14, v12;
	v15 =	vadd.f32 v13, v11  }
0x280: {  	v46 =	vld [tilespmem:s7+$0x20]  }
0x281: {  	v47 =	vld [tilespmem:s7+$0x30];
	v16 =	vperm.xlane v14, v2;
	v17 =	vperm.xlane v15, v2  }
0x282: {  	v48 =	vld [tilespmem:s12+$0xFFFFFF00]  }
0x283: {  	v49 =	vld [tilespmem:s12+$0xFFFFFF10];
	v16 =	vadd.f32 v16, v14;
	v15 =	vadd.f32 v17, v15  }
0x284: {  	v50 =	vld [tilespmem:s12+$0xFFFFFF30]  }
0x285: {  	v51 =	vld [tilespmem:s12+$0xFFFFFF80];
	v17 =	vperm.xlane v16, v3;
	v18 =	vperm.xlane v15, v3  }
0x286: {  	v52 =	vld [tilespmem:s12+$0xFFFFFF90]  }
0x287: {  	v53 =	vld [tilespmem:s12+$0xFFFFFFA0];
	v16 =	vadd.f32 v17, v16;
	v22 =	vadd.f32 v18, v15  }
0x288: {  	v54 =	vld [tilespmem:s12+$0xFFFFFFB0]  }
0x289: {  	v55 =	vld [tilespmem:s12+$0x10];
	v30 =	vperm.xlane v16, v4;
	v31 =	vperm.xlane v22, v4  }
0x28a: {  	v63 =	vld [tilespmem:s12+$0x20]  }
0x28b: {  	v8 =	vld [tilespmem:s31+$0xFFFFFF30];
	v30 =	vadd.f32 v30, v16;
	v22 =	vadd.f32 v31, v22  }
0x28c: {  	v12 =	vld [tilespmem:s31+$0xFFFFFF80]  }
0x28d: {  	v13 =	vld [tilespmem:s31+$0xFFFFFF90];
	v43 =	vperm.xlane v30, v5;
	v45 =	vperm.xlane v22, v5  }
0x28e: {  	v11 =	vld [tilespmem:s31+$0xFFFFFFA0]  }
0x28f: {  	v30 =	vadd.f32 v43, v30;
	v34 =	vadd.f32 v45, v22;
	v22 =	vld [tilespmem:s31+$0xFFFFFF00]  }
0x290: {  	v20 =	vadd.f32 v20, v9;
	v14 =	vld [tilespmem:s31+$0xFFFFFFB0]  }
0x291: {  	v15 =	vld [tilespmem:s31+$0x10];
	v30 =	vmul.f32 $1.442695020e+00, v30  }
0x292: {  	v20 =	vmul.f32 v20, v49;
	v25 =	vadd.f32 v25, v8;
	v17 =	vld [tilespmem:s31+$0x20]  }
0x293: {  	v26 =	vadd.f32 v26, v12;
	v27 =	vadd.f32 v27, v13;
	(erf) = vpow2.f32 v30;
	v30 =	vld [tilespmem:s12+$0xFFFFFF20]  }
0x294: {  	v25 =	vmul.f32 v25, v50;
	v28 =	vadd.f32 v28, v11;
	v18 =	vld [tilespmem:s31+$0x0];
	v19 =	vadd.f32 v19, v22  }
0x295: {  	v26 =	vmul.f32 v26, v51;
	v27 =	vmul.f32 v27, v52;
	v29 =	vadd.f32 v29, v14;
	v16 =	vld [tilespmem:s31+$0x30]  }
0x296: {  	v21 =	vadd.f32 v21, v10;
	v28 =	vmul.f32 v28, v53;
	v31 =	vld [tilespmem:s7+$0x0];
	v19 =	vmul.f32 v19, v48  }
0x297: {  	v50 =	vld [tilespmem:s12+$0x30];
	v27 =	vadd.f32 v27, v26;
	v29 =	vmul.f32 v29, v54;
	v33 =	vadd.f32 v44, v15  }
0x298: {  	v35 =	vadd.f32 v46, v17;
	v21 =	vmul.f32 v21, v30;
	v20 =	vadd.f32 v20, v19;
	v30 =	vld [tilespmem:s12+$0x0]  }
0x299: {  	v58 =	vld [tilespmem:s7+$0xC0];
	v28 =	vadd.f32 v29, v28;
	v29 =	vmul.f32 v33, v55;
	v34 =	vmul.f32 $1.442695020e+00, v34  }
0x29a: {  	v56 =	vadd.f32 v47, v16;
	v57 =	vperm.xlane v20, v2;
	v59 =	vadd.f32 v25, v21  }
0x29b: {  	v35 =	vmul.f32 v35, v63;
	v31 =	vadd.f32 v31, v18;
	(erf) = vpow2.f32 v34  }
0x29c: {  	v60 =	vld [tilespmem:s7+$0xD0];
	v38 =	vmul.f32 v56, v50;
	v62 =	vadd.f32 v57, v20;
	v26 =	vperm.xlane v59, v2  }
0x29d: {  	v32 =	vld [tilespmem:s7+$0xFFFFFF40];
	v30 =	vmul.f32 v31, v30;
	v31 =	vperm.xlane v27, v2  }
0x29e: {  	v36 =	vld [tilespmem:s7+$0x50];
	v48 =	vperm.xlane v62, v3;
	v49 =	vadd.f32 v26, v59;
	v26 =	vadd.f32 v58, v23  }
0x29f: {  	v33 =	vld [tilespmem:s7+$0xFFFFFF60];
	v19 =	vpop (erf);
	v23 =	vadd.f32 v31, v27;
	v31 =	vperm.xlane v28, v2;
	v51 =	vadd.f32 v29, v30  }
0x2a0: {  	v34 =	vld [tilespmem:s7+$0xFFFFFFD0];
	v61 =	vsel vm0, $0x0, v19;
	v37 =	vadd.f32 v48, v62;
	v30 =	vperm.xlane v49, v3  }
0x2a1: {  	v21 =	vld [tilespmem:s7+$0xE0];
	v27 =	vadd.f32 v60, v24;
	v52 =	vadd.f32 v31, v28;
	v31 =	vperm.xlane v51, v2  }
0x2a2: {  	v20 =	vld [tilespmem:s7+$0xF0];
	v24 =	vperm.xlane v23, v3;
	v53 =	vperm.xlane v37, v4;
	v54 =	vadd.f32 v30, v49  }
0x2a3: {  	v58 =	vadd.f32 v38, v35;
	v35 =	vld [tilespmem:s7+$0x40];
	v55 =	vperm.xlane v52, v3;
	v39 =	vadd.f32 v31, v51  }
0x2a4: {  	v25 =	vpop (erf);
	v38 =	vld [tilespmem:s7+$0x60];
	v24 =	vadd.f32 v24, v23;
	v56 =	vadd.f32 v53, v37;
	v57 =	vperm.xlane v54, v4  }
0x2a5: {  	v43 =	vsel vm1, v25, v61;
	v29 =	vld [tilespmem:s7+$0xFFFFFF50];
	v41 =	vadd.f32 v55, v52;
	v23 =	vperm.xlane v39, v3  }
0x2a6: {  	v28 =	vld [tilespmem:s7+$0xFFFFFF70];
	v60 =	vperm.xlane v24, v4;
	v59 =	vperm.xlane v56, v5;
	v44 =	vadd.f32 v57, v54  }
0x2a7: {  	v62 =	vperm.xlane v58, v2;
	v30 =	vld [tilespmem:s7+$0xFFFFFFC0];
	v61 =	vperm.xlane v41, v4;
	v23 =	vadd.f32 v23, v39  }
0x2a8: {  	v31 =	vld [tilespmem:s7+$0xFFFFFFE0];
	v24 =	vadd.f32 v60, v24;
	v63 =	vadd.f32 v59, v56;
	v47 =	vperm.xlane v44, v5  }
0x2a9: {  	s19 =	simm.s32 $0x1DB80;
	v37 =	vld [tilespmem:s7+$0xFFFFFFF0];
	v40 =	vadd.f32 v61, v41;
	v42 =	vperm.xlane v23, v4;
	v41 =	vadd.f32 v62, v58  }
0x2aa: {  	s28 =	sadd.s32 $0x200, s12;
	s8 =	simm.s32 $0x0;
	[tilespmem:s19+$0xC0] =	vst v43;
	v39 =	vld [tilespmem:s7+$0x70];
	v43 =	vmul.f32 $1.442695020e+00, v63;
	v45 =	vadd.f32 v47, v44;
	v44 =	vperm.xlane v24, v5  }
.LBB2_9:
0x2ab: {  	v46 =	vld [tilespmem:s28+$0x80];
	v47 =	vperm.xlane v40, v5;
	v42 =	vadd.f32 v42, v23;
	v23 =	vperm.xlane v41, v3  }
0x2ac: {  	s31 =	sadd.s32 $0x200, s31;
	v48 =	vld [tilespmem:s28+$0xA0];
	v45 =	vmul.f32 $1.442695020e+00, v45;
	v44 =	vadd.f32 v44, v24;
	(erf) = vpow2.f32 v43  }
0x2ad: {  	v24 =	vld [tilespmem:s31+$0x80];
	v40 =	vadd.f32 v47, v40;
	v43 =	vperm.xlane v42, v5;
	v41 =	vadd.f32 v23, v41  }
0x2ae: {  	v22 =	vadd.f32 v32, v22;
	v23 =	vld [tilespmem:s31+$0x90];
	v32 =	vmul.f32 $1.442695020e+00, v44;
	(erf) = vpow2.f32 v45  }
0x2af: {  	v44 =	vld [tilespmem:s31+$0xA0];
	v40 =	vmul.f32 $1.442695020e+00, v40;
	v42 =	vadd.f32 v43, v42;
	v43 =	vperm.xlane v41, v4  }
0x2b0: {  	v29 =	vadd.f32 v29, v9;
	v33 =	vadd.f32 v33, v10;
	s7 =	sadd.s32 $0x200, s7;
	v45 =	vld [tilespmem:s31+$0xB0];
	(erf) = vpow2.f32 v32  }
0x2b1: {  	v32 =	vld [tilespmem:s7+$0x80];
	v9 =	vmul.f32 $1.442695020e+00, v42;
	v10 =	vadd.f32 v43, v41;
	(erf) = vpow2.f32 v40  }
0x2b2: {  	v28 =	vadd.f32 v28, v8;
	v12 =	vadd.f32 v30, v12;
	v8 =	vmul.f32 v25, v26;
	v40 =	vld [tilespmem:s7+$0xA0]  }
0x2b3: {  	s8 =	sadd.s32 $0x4, s8;
	v13 =	vadd.f32 v34, v13;
	v26 =	vld [tilespmem:s7+$0xB0];
	v30 =	vperm.xlane v10, v5;
	(erf) = vpow2.f32 v9  }
0x2b4: {  	v11 =	vadd.f32 v31, v11;
	v14 =	vadd.f32 v37, v14;
	p6 =	slt.u32 s8, $0x1C;
	v34 =	vld [tilespmem:s7+$0x90];
	[tilespmem:s19+$0x80] =	vst v8;
	v8 =	vmul.f32 v25, v27  }
0x2b5: {  	v18 =	vadd.f32 v35, v18;
	v25 =	vld [tilespmem:s28+$0xB0];
	v10 =	vadd.f32 v30, v10;
	v27 =	vpop (erf)  }
0x2b6: {  	v15 =	vadd.f32 v36, v15;
	v17 =	vadd.f32 v38, v17;
	v30 =	vld [tilespmem:s28+$0x90];
	v22 =	vmul.f32 v27, v22;
	[tilespmem:s19+$0x90] =	vst v8  }
0x2b7: {  	v21 =	vadd.f32 v21, v7;
	v16 =	vadd.f32 v39, v16;
	v9 =	vld [tilespmem:s31+$0xFFFFFF10];
	v31 =	vmul.f32 $1.442695020e+00, v10;
	v35 =	vpop (erf)  }
0x2b8: {  	v37 =	vmul.f32 v27, v29;
	v38 =	vadd.f32 v40, v44;
	v10 =	vld [tilespmem:s31+$0xFFFFFF20];
	v26 =	vadd.f32 v26, v45;
	[tilespmem:s19+$0xFFFFFF00] =	vst v22  }
0x2b9: {  	v29 =	vadd.f32 v32, v24;
	v8 =	vld [tilespmem:s31+$0xFFFFFF30];
	v32 =	vadd.f32 v34, v23;
	v34 =	vpop (erf);
	(erf) = vpow2.f32 v31  }
0x2ba: {  	v20 =	vadd.f32 v20, v6;
	v36 =	vmul.f32 v38, v48;
	v31 =	vld [tilespmem:s7+$0xFFFFFF00];
	v25 =	vmul.f32 v26, v25;
	[tilespmem:s19+$0xFFFFFF10] =	vst v37;
	v22 =	vpop (erf)  }
0x2bb: {  	v7 =	vmovc v44;
	v6 =	vmovc v45;
	v29 =	vmul.f32 v29, v46;
	v26 =	vld [tilespmem:s7+$0xFFFFFF10];
	v30 =	vmul.f32 v32, v30;
	v32 =	vsel vm0, $0x0, v35  }
0x2bc: {  	v33 =	vmul.f32 v35, v33;
	v28 =	vmul.f32 v35, v28;
	v37 =	vld [tilespmem:s7+$0xFFFFFF20];
	v25 =	vadd.f32 v25, v36;
	v35 =	vpop (erf)  }
0x2bd: {  	v38 =	vmul.f32 v34, v13;
	v36 =	vld [tilespmem:s7+$0xFFFFFF30];
	v29 =	vadd.f32 v30, v29;
	v30 =	vmul.f32 v34, v12  }
0x2be: {  	v40 =	vsel vm0, $0x0, v22;
	v12 =	vld [tilespmem:s31+$0xFFFFFF80];
	v39 =	vperm.xlane v25, v2;
	[tilespmem:s19+$0xFFFFFF20] =	vst v33;
	v33 =	vmul.f32 v22, v11  }
0x2bf: {  	v27 =	vsel vm1, v27, v32;
	v22 =	vmul.f32 v22, v14;
	v13 =	vld [tilespmem:s31+$0xFFFFFF90];
	v41 =	vperm.xlane v29, v2;
	[tilespmem:s19+$0xFFFFFF30] =	vst v28  }
0x2c0: {  	v18 =	vmul.f32 v35, v18;
	v26 =	vadd.f32 v26, v9;
	v11 =	vld [tilespmem:s31+$0xFFFFFFA0];
	v25 =	vadd.f32 v39, v25;
	[tilespmem:s19+$0xFFFFFF40] =	vst v27  }
0x2c1: {  	v27 =	vadd.f32 v37, v10;
	v14 =	vld [tilespmem:s31+$0xFFFFFFB0];
	v28 =	vadd.f32 v41, v29;
	[tilespmem:s19+$0xFFFFFF80] =	vst v30;
	v29 =	vmul.f32 v35, v15  }
0x2c2: {  	v21 =	vmul.f32 v19, v21;
	v30 =	vadd.f32 v36, v8;
	v15 =	vld [tilespmem:s7+$0xFFFFFF80];
	v32 =	vperm.xlane v25, v3;
	[tilespmem:s19+$0xFFFFFF90] =	vst v38;
	v36 =	vpop (erf)  }
0x2c3: {  	v37 =	vld [tilespmem:s7+$0xFFFFFF90];
	v38 =	vperm.xlane v28, v3;
	[tilespmem:s19+$0xFFFFFFA0] =	vst v33;
	v33 =	vmul.f32 v36, v17;
	v17 =	vsel vm0, $0x0, v36  }
0x2c4: {  	v19 =	vmul.f32 v19, v20;
	v39 =	vld [tilespmem:s7+$0xFFFFFFA0];
	v25 =	vadd.f32 v32, v25;
	[tilespmem:s19+$0xFFFFFFB0] =	vst v22;
	v22 =	vmul.f32 v36, v16  }
0x2c5: {  	v16 =	vsel vm1, v34, v40;
	v32 =	vsel vm1, v35, v17;
	v20 =	vld [tilespmem:s7+$0xFFFFFFB0];
	v28 =	vadd.f32 v38, v28;
	[tilespmem:s19+$0x0] =	vst v18  }
0x2c6: {  	v18 =	vld [tilespmem:s31+$0x0];
	v34 =	vperm.xlane v25, v4;
	[tilespmem:s19+$0xFFFFFFC0] =	vst v16  }
0x2c7: {  	v35 =	vadd.f32 v15, v12;
	v15 =	vld [tilespmem:s31+$0x10];
	v36 =	vperm.xlane v28, v4;
	[tilespmem:s19+$0x10] =	vst v29  }
0x2c8: {  	v29 =	vadd.f32 v37, v13;
	v17 =	vld [tilespmem:s31+$0x20];
	v25 =	vadd.f32 v34, v25;
	[tilespmem:s19+$0x20] =	vst v33  }
0x2c9: {  	v33 =	vadd.f32 v39, v11;
	v16 =	vld [tilespmem:s31+$0x30];
	v28 =	vadd.f32 v36, v28;
	[tilespmem:s19+$0x30] =	vst v22  }
0x2ca: {  	v20 =	vadd.f32 v20, v14;
	v34 =	vld [tilespmem:s7+$0x0];
	v22 =	vperm.xlane v25, v5;
	[tilespmem:s19+$0x40] =	vst v32  }
0x2cb: {  	v32 =	vld [tilespmem:s7+$0x10];
	v36 =	vperm.xlane v28, v5;
	[tilespmem:s19+$0xA0] =	vst v21  }
0x2cc: {  	v21 =	vld [tilespmem:s7+$0x20];
	v25 =	vadd.f32 v22, v25;
	[tilespmem:s19+$0xB0] =	vst v19  }
0x2cd: {  	v19 =	vld [tilespmem:s7+$0x30];
	v28 =	vadd.f32 v36, v28  }
0x2ce: {  	v22 =	vld [tilespmem:s31+$0xFFFFFF00];
	v25 =	vmul.f32 $1.442695020e+00, v25  }
0x2cf: {  	v36 =	vld [tilespmem:s28+$0xFFFFFF00];
	v34 =	vadd.f32 v34, v18;
	v28 =	vmul.f32 $1.442695020e+00, v28  }
0x2d0: {  	v37 =	vld [tilespmem:s28+$0xFFFFFF10];
	v32 =	vadd.f32 v32, v15;
	(erf) = vpow2.f32 v25  }
0x2d1: {  	v25 =	vld [tilespmem:s28+$0xFFFFFF20];
	v38 =	vadd.f32 v21, v17;
	(erf) = vpow2.f32 v28  }
0x2d2: {  	v21 =	vld [tilespmem:s28+$0xFFFFFF30];
	v39 =	vadd.f32 v19, v16  }
0x2d3: {  	v19 =	vadd.f32 v31, v22;
	v28 =	vld [tilespmem:s28+$0xFFFFFF80]  }
0x2d4: {  	v31 =	vld [tilespmem:s28+$0xFFFFFF90]  }
0x2d5: {  	v19 =	vmul.f32 v19, v36;
	v26 =	vmul.f32 v26, v37;
	v36 =	vld [tilespmem:s28+$0xFFFFFFA0]  }
0x2d6: {  	v25 =	vmul.f32 v27, v25;
	v27 =	vld [tilespmem:s28+$0xFFFFFFB0]  }
0x2d7: {  	v21 =	vmul.f32 v30, v21;
	v26 =	vadd.f32 v26, v19;
	v30 =	vld [tilespmem:s28+$0x0]  }
0x2d8: {  	v28 =	vmul.f32 v35, v28;
	v35 =	vld [tilespmem:s28+$0x10]  }
0x2d9: {  	v37 =	vperm.xlane v26, v2;
	v40 =	vadd.f32 v21, v25;
	v21 =	vmul.f32 v29, v31;
	v29 =	vld [tilespmem:s7+$0xC0];
	v19 =	vpop (erf)  }
0x2da: {  	v31 =	vmul.f32 v33, v36;
	v33 =	vld [tilespmem:s7+$0xD0];
	v36 =	vsel vm0, $0x0, v19;
	v25 =	vpop (erf)  }
0x2db: {  	s19 =	sadd.s32 $0x200, s19;
	v27 =	vmul.f32 v20, v27;
	v28 =	vadd.f32 v21, v28;
	v21 =	vld [tilespmem:s7+$0xE0];
	v36 =	vsel vm1, v25, v36  }
0x2dc: {  	v37 =	vadd.f32 v37, v26;
	v26 =	vperm.xlane v40, v2;
	v30 =	vmul.f32 v34, v30;
	v20 =	vld [tilespmem:s7+$0xF0];
	[tilespmem:s19+$0xC0] =	vst v36  }
0x2dd: {  	v34 =	vperm.xlane v28, v2;
	v31 =	vadd.f32 v27, v31;
	v36 =	vld [tilespmem:s28+$0x20];
	v27 =	vmul.f32 v32, v35  }
0x2de: {  	v35 =	vperm.xlane v37, v3;
	v40 =	vadd.f32 v26, v40;
	v41 =	vld [tilespmem:s28+$0x30];
	v26 =	vadd.f32 v29, v24  }
0x2df: {  	v32 =	vld [tilespmem:s7+$0xFFFFFF40];
	v24 =	vadd.f32 v34, v28;
	v28 =	vperm.xlane v31, v2;
	v34 =	vadd.f32 v27, v30  }
0x2e0: {  	v35 =	vadd.f32 v35, v37;
	v30 =	vperm.xlane v40, v3;
	v27 =	vadd.f32 v33, v23;
	v29 =	vld [tilespmem:s7+$0xFFFFFF50]  }
0x2e1: {  	v33 =	vld [tilespmem:s7+$0xFFFFFF60];
	v23 =	vperm.xlane v24, v3;
	v37 =	vadd.f32 v28, v31;
	v31 =	vperm.xlane v34, v2  }
0x2e2: {  	v42 =	vperm.xlane v35, v4;
	v40 =	vadd.f32 v30, v40;
	v28 =	vld [tilespmem:s7+$0xFFFFFF70];
	v36 =	vmul.f32 v38, v36  }
0x2e3: {  	v30 =	vld [tilespmem:s7+$0xFFFFFFC0];
	v38 =	vperm.xlane v37, v3;
	v39 =	vmul.f32 v39, v41;
	v41 =	vadd.f32 v31, v34  }
0x2e4: {  	v42 =	vadd.f32 v42, v35;
	v35 =	vperm.xlane v40, v4;
	v24 =	vadd.f32 v23, v24;
	v34 =	vld [tilespmem:s7+$0xFFFFFFD0]  }
0x2e5: {  	v31 =	vld [tilespmem:s7+$0xFFFFFFE0];
	v38 =	vadd.f32 v38, v37;
	v23 =	vperm.xlane v41, v3;
	v39 =	vadd.f32 v39, v36  }
.Ltmp5:
0x2e6: {  	v36 =	vperm.xlane v42, v5;
	v44 =	vadd.f32 v35, v40;
	v40 =	vperm.xlane v24, v4;
	v37 =	vld [tilespmem:s7+$0xFFFFFFF0];
	(pc) =	sbr.rel @p6 .LBB2_9-.Ltmp5, $4  }
0x2e7: {  	v43 =	vperm.xlane v38, v4;
	v35 =	vld [tilespmem:s7+$0x40];
	v23 =	vadd.f32 v23, v41;
	v41 =	vperm.xlane v39, v2  }
0x2e8: {  	v45 =	vadd.f32 v36, v42;
	v46 =	vperm.xlane v44, v5;
	v24 =	vadd.f32 v40, v24;
	v36 =	vld [tilespmem:s7+$0x50]  }
0x2e9: {  	v40 =	vadd.f32 v43, v38;
	v38 =	vld [tilespmem:s7+$0x60];
	v42 =	vperm.xlane v23, v4;
	v41 =	vadd.f32 v41, v39  }
0x2ea: {  	s28 =	sadd.s32 $0x200, s28;
	v43 =	vmul.f32 $1.442695020e+00, v45;
	v45 =	vadd.f32 v46, v44;
	v44 =	vperm.xlane v24, v5;
	v39 =	vld [tilespmem:s7+$0x70]  }
0x2eb: {  	v46 =	vperm.xlane v41, v3  }
0x2ec: {  	v61 =	vperm.xlane v40, v5;
	v23 =	vadd.f32 v42, v23  }
0x2ed: {  	v45 =	vmul.f32 $1.442695020e+00, v45;
	(erf) = vpow2.f32 v43;
	v41 =	vadd.f32 v46, v41  }
0x2ee: {  	v7 =	vadd.f32 v21, v7;
	v24 =	vadd.f32 v44, v24;
	v63 =	vperm.xlane v23, v5  }
0x2ef: {  	v40 =	vadd.f32 v61, v40;
	(erf) = vpow2.f32 v45;
	v62 =	vperm.xlane v41, v4  }
0x2f0: {  	v26 =	vmul.f32 v25, v26;
	v24 =	vmul.f32 $1.442695020e+00, v24;
	v23 =	vadd.f32 v63, v23  }
0x2f1: {  	v7 =	vmul.f32 v19, v7;
	v40 =	vmul.f32 $1.442695020e+00, v40;
	v41 =	vadd.f32 v62, v41  }
0x2f2: {  	(erf) = vpow2.f32 v24;
	v23 =	vmul.f32 $1.442695020e+00, v23  }
0x2f3: {  	v6 =	vadd.f32 v20, v6;
	(erf) = vpow2.f32 v40;
	v24 =	vperm.xlane v41, v5  }
0x2f4: {  	(erf) = vpow2.f32 v23;
	v23 =	vmul.f32 v25, v27  }
0x2f5: {  	v22 =	vadd.f32 v32, v22;
	[tilespmem:s19+$0x80] =	vst v26;
	v6 =	vmul.f32 v19, v6;
	v24 =	vadd.f32 v24, v41  }
0x2f6: {  	v9 =	vadd.f32 v29, v9;
	[tilespmem:s19+$0xA0] =	vst v7;
	v25 =	vpop (erf)  }
0x2f7: {  	v10 =	vadd.f32 v33, v10;
	[tilespmem:s19+$0xB0] =	vst v6;
	v22 =	vmul.f32 v25, v22;
	v24 =	vmul.f32 $1.442695020e+00, v24  }
0x2f8: {  	v8 =	vadd.f32 v28, v8;
	[tilespmem:s19+$0x90] =	vst v23;
	v9 =	vmul.f32 v25, v9;
	v23 =	vpop (erf)  }
0x2f9: {  	[tilespmem:s19+$0xFFFFFF00] =	vst v22;
	v10 =	vmul.f32 v23, v10;
	(erf) = vpow2.f32 v24  }
0x2fa: {  	v12 =	vadd.f32 v30, v12;
	[tilespmem:s19+$0xFFFFFF10] =	vst v9;
	v8 =	vmul.f32 v23, v8  }
0x2fb: {  	v9 =	vadd.f32 v34, v13;
	v22 =	vsel vm0, $0x0, v23;
	v13 =	vpop (erf);
	[tilespmem:s19+$0xFFFFFF20] =	vst v10  }
0x2fc: {  	v10 =	vadd.f32 v31, v11;
	v11 =	vmul.f32 v13, v12;
	[tilespmem:s19+$0xFFFFFF30] =	vst v8;
	v8 =	vsel vm1, v25, v22  }
0x2fd: {  	v12 =	vadd.f32 v37, v14;
	v14 =	vpop (erf);
	v9 =	vmul.f32 v13, v9;
	[tilespmem:s19+$0xFFFFFF40] =	vst v8  }
0x2fe: {  	v10 =	vmul.f32 v14, v10;
	[tilespmem:s19+$0xFFFFFF80] =	vst v11  }
0x2ff: {  	v8 =	vadd.f32 v35, v18;
	v12 =	vmul.f32 v14, v12;
	[tilespmem:s19+$0xFFFFFF90] =	vst v9  }
0x300: {  	v9 =	vadd.f32 v36, v15;
	v14 =	vsel vm0, $0x0, v14;
	v11 =	vpop (erf);
	[tilespmem:s19+$0xFFFFFFA0] =	vst v10  }
0x301: {  	v13 =	vsel vm1, v13, v14;
	v10 =	vadd.f32 v38, v17;
	[tilespmem:s19+$0xFFFFFFB0] =	vst v12;
	v8 =	vmul.f32 v11, v8  }
0x302: {  	v12 =	vadd.f32 v39, v16;
	[tilespmem:s19+$0xFFFFFFC0] =	vst v13;
	v9 =	vmul.f32 v11, v9;
	v15 =	vpop (erf)  }
0x303: {  	[tilespmem:s19+$0x0] =	vst v8;
	v8 =	vmul.f32 v15, v10  }
0x304: {  	[tilespmem:s19+$0x10] =	vst v9;
	v10 =	vmul.f32 v15, v12  }
0x305: {  	v9 =	vsel vm0, $0x0, v15;
	[tilespmem:s19+$0x20] =	vst v8  }
0x306: {  	v8 =	vsel vm1, v11, v9;
	[tilespmem:s19+$0x30] =	vst v10  }
0x307: {  	s7 =	simm.s32 $0x1FA80;
	[tilespmem:s19+$0x40] =	vst v8  }
0x308: {  	[spmem:s13] =	stream.indirect.scatter.add.f32 [tilespmem:s11], [sflag:$0x8], $0x80, s7, s26, $0xb8;
	[tilespmem:$0x1FB80] =	vst v63  }
0x309: {  	v11 =	vld [tilespmem:s14+$0xFFFFFFD0]  }
0x30a: {  	s31 =	simm.s32 $0x1CC30;
	v12 =	vld [tilespmem:s14+$0xFFFFFFF0]  }
0x30b: {  	v23 =	vld [tilespmem:s31+$0xFFFFFFD0]  }
0x30c: {  	v24 =	vld [tilespmem:s31+$0xFFFFFFE0]  }
0x30d: {  	v7 =	vld [tilespmem:s31+$0xFFFFFFF0]  }
0x30e: {  	s7 =	simm.s32 $0x1AC70;
	v6 =	vld [tilespmem:s31+$0x0]  }
0x30f: {  	v13 =	vld [tilespmem:s7+$0xFFFFFF90]  }
0x310: {  	v8 =	vld [tilespmem:s7+$0xFFFFFFB0]  }
0x311: {  	v14 =	vld [tilespmem:s7+$0xFFFFFFC0]  }
0x312: {  	v15 =	vld [tilespmem:s7+$0xFFFFFFA0]  }
0x313: {  	v16 =	vld [tilespmem:s14+$0x0]  }
0x314: {  	v17 =	vld [tilespmem:s14+$0xFFFFFFE0]  }
0x315: {  	v9 =	vld [tilespmem:s31+$0xFFFFFE60]  }
0x316: {  	v10 =	vld [tilespmem:s31+$0xFFFFFE70]  }
0x317: {  	v19 =	vld [tilespmem:s7+$0xFFFFFE10]  }
0x318: {  	v20 =	vld [tilespmem:s7+$0xFFFFFE20]  }
0x319: {  	v21 =	vld [tilespmem:s7+$0xFFFFFE30]  }
0x31a: {  	v25 =	vld [tilespmem:s7+$0xFFFFFE40];
	v18 =	vadd.f32 v8, v7;
	v14 =	vadd.f32 v14, v6  }
0x31b: {  	v26 =	vld [tilespmem:s7+$0xFFFFFE90];
	v13 =	vadd.f32 v13, v23;
	v15 =	vadd.f32 v15, v24  }
0x31c: {  	v27 =	vld [tilespmem:s7+$0xFFFFFEA0];
	v12 =	vmul.f32 v18, v12;
	v14 =	vmul.f32 v14, v16  }
0x31d: {  	v28 =	vld [tilespmem:s7+$0xFFFFFEB0];
	v11 =	vmul.f32 v13, v11;
	v13 =	vmul.f32 v15, v17  }
0x31e: {  	v29 =	vld [tilespmem:s7+$0xFFFFFEC0]  }
0x31f: {  	v44 =	vld [tilespmem:s7+$0xFFFFFF20];
	v14 =	vadd.f32 v14, v12;
	v15 =	vadd.f32 v13, v11  }
0x320: {  	v46 =	vld [tilespmem:s7+$0xFFFFFF30]  }
0x321: {  	v47 =	vld [tilespmem:s7+$0xFFFFFF40];
	v16 =	vperm.xlane v14, v2;
	v17 =	vperm.xlane v15, v2  }
0x322: {  	v48 =	vld [tilespmem:s14+$0xFFFFFE50]  }
0x323: {  	v49 =	vld [tilespmem:s14+$0xFFFFFE60];
	v16 =	vadd.f32 v16, v14;
	v15 =	vadd.f32 v17, v15  }
0x324: {  	v50 =	vld [tilespmem:s14+$0xFFFFFE80]  }
0x325: {  	v51 =	vld [tilespmem:s14+$0xFFFFFED0];
	v17 =	vperm.xlane v16, v3;
	v18 =	vperm.xlane v15, v3  }
0x326: {  	v52 =	vld [tilespmem:s14+$0xFFFFFEE0]  }
0x327: {  	v53 =	vld [tilespmem:s14+$0xFFFFFEF0];
	v16 =	vadd.f32 v17, v16;
	v22 =	vadd.f32 v18, v15  }
0x328: {  	v54 =	vld [tilespmem:s14+$0xFFFFFF00]  }
0x329: {  	v55 =	vld [tilespmem:s14+$0xFFFFFF60];
	v30 =	vperm.xlane v16, v4;
	v31 =	vperm.xlane v22, v4  }
0x32a: {  	v63 =	vld [tilespmem:s14+$0xFFFFFF70]  }
0x32b: {  	v8 =	vld [tilespmem:s31+$0xFFFFFE80];
	v30 =	vadd.f32 v30, v16;
	v22 =	vadd.f32 v31, v22  }
0x32c: {  	v12 =	vld [tilespmem:s31+$0xFFFFFED0]  }
0x32d: {  	v13 =	vld [tilespmem:s31+$0xFFFFFEE0];
	v43 =	vperm.xlane v30, v5;
	v45 =	vperm.xlane v22, v5  }
0x32e: {  	v11 =	vld [tilespmem:s31+$0xFFFFFEF0]  }
0x32f: {  	v30 =	vadd.f32 v43, v30;
	v34 =	vadd.f32 v45, v22;
	v22 =	vld [tilespmem:s31+$0xFFFFFE50]  }
0x330: {  	v20 =	vadd.f32 v20, v9;
	v14 =	vld [tilespmem:s31+$0xFFFFFF00]  }
0x331: {  	v15 =	vld [tilespmem:s31+$0xFFFFFF60];
	v30 =	vmul.f32 $1.442695020e+00, v30  }
0x332: {  	v20 =	vmul.f32 v20, v49;
	v25 =	vadd.f32 v25, v8;
	v17 =	vld [tilespmem:s31+$0xFFFFFF70]  }
0x333: {  	v26 =	vadd.f32 v26, v12;
	v27 =	vadd.f32 v27, v13;
	(erf) = vpow2.f32 v30;
	v30 =	vld [tilespmem:s14+$0xFFFFFE70]  }
0x334: {  	v25 =	vmul.f32 v25, v50;
	v28 =	vadd.f32 v28, v11;
	v18 =	vld [tilespmem:s31+$0xFFFFFF50];
	v19 =	vadd.f32 v19, v22  }
0x335: {  	v26 =	vmul.f32 v26, v51;
	v27 =	vmul.f32 v27, v52;
	v29 =	vadd.f32 v29, v14;
	v16 =	vld [tilespmem:s31+$0xFFFFFF80]  }
0x336: {  	v21 =	vadd.f32 v21, v10;
	v28 =	vmul.f32 v28, v53;
	v31 =	vld [tilespmem:s7+$0xFFFFFF10];
	v19 =	vmul.f32 v19, v48  }
0x337: {  	v50 =	vld [tilespmem:s14+$0xFFFFFF80];
	v27 =	vadd.f32 v27, v26;
	v29 =	vmul.f32 v29, v54;
	v33 =	vadd.f32 v44, v15  }
0x338: {  	v35 =	vadd.f32 v46, v17;
	v21 =	vmul.f32 v21, v30;
	v20 =	vadd.f32 v20, v19;
	v30 =	vld [tilespmem:s14+$0xFFFFFF50]  }
0x339: {  	v58 =	vld [tilespmem:s7+$0xFFFFFFD0];
	v28 =	vadd.f32 v29, v28;
	v29 =	vmul.f32 v33, v55;
	v34 =	vmul.f32 $1.442695020e+00, v34  }
0x33a: {  	v56 =	vadd.f32 v47, v16;
	v57 =	vperm.xlane v20, v2;
	v59 =	vadd.f32 v25, v21  }
0x33b: {  	v35 =	vmul.f32 v35, v63;
	v31 =	vadd.f32 v31, v18;
	(erf) = vpow2.f32 v34  }
0x33c: {  	v60 =	vld [tilespmem:s7+$0xFFFFFFE0];
	v38 =	vmul.f32 v56, v50;
	v62 =	vadd.f32 v57, v20;
	v26 =	vperm.xlane v59, v2  }
0x33d: {  	v32 =	vld [tilespmem:s7+$0xFFFFFE50];
	v30 =	vmul.f32 v31, v30;
	v31 =	vperm.xlane v27, v2  }
0x33e: {  	v36 =	vld [tilespmem:s7+$0xFFFFFF60];
	v48 =	vperm.xlane v62, v3;
	v49 =	vadd.f32 v26, v59;
	v26 =	vadd.f32 v58, v23  }
0x33f: {  	v33 =	vld [tilespmem:s7+$0xFFFFFE70];
	v19 =	vpop (erf);
	v23 =	vadd.f32 v31, v27;
	v31 =	vperm.xlane v28, v2;
	v51 =	vadd.f32 v29, v30  }
0x340: {  	v34 =	vld [tilespmem:s7+$0xFFFFFEE0];
	v61 =	vsel vm0, $0x0, v19;
	v37 =	vadd.f32 v48, v62;
	v30 =	vperm.xlane v49, v3  }
0x341: {  	v21 =	vld [tilespmem:s7+$0xFFFFFFF0];
	v27 =	vadd.f32 v60, v24;
	v52 =	vadd.f32 v31, v28;
	v31 =	vperm.xlane v51, v2  }
0x342: {  	v20 =	vld [tilespmem:s7+$0x0];
	v24 =	vperm.xlane v23, v3;
	v53 =	vperm.xlane v37, v4;
	v54 =	vadd.f32 v30, v49  }
0x343: {  	v58 =	vadd.f32 v38, v35;
	v35 =	vld [tilespmem:s7+$0xFFFFFF50];
	v55 =	vperm.xlane v52, v3;
	v39 =	vadd.f32 v31, v51  }
0x344: {  	v25 =	vpop (erf);
	v38 =	vld [tilespmem:s7+$0xFFFFFF70];
	v24 =	vadd.f32 v24, v23;
	v56 =	vadd.f32 v53, v37;
	v57 =	vperm.xlane v54, v4  }
0x345: {  	v43 =	vsel vm1, v25, v61;
	v29 =	vld [tilespmem:s7+$0xFFFFFE60];
	v41 =	vadd.f32 v55, v52;
	v23 =	vperm.xlane v39, v3  }
0x346: {  	v28 =	vld [tilespmem:s7+$0xFFFFFE80];
	v60 =	vperm.xlane v24, v4;
	v59 =	vperm.xlane v56, v5;
	v44 =	vadd.f32 v57, v54  }
0x347: {  	v62 =	vperm.xlane v58, v2;
	v30 =	vld [tilespmem:s7+$0xFFFFFED0];
	v61 =	vperm.xlane v41, v4;
	v23 =	vadd.f32 v23, v39  }
0x348: {  	v31 =	vld [tilespmem:s7+$0xFFFFFEF0];
	v24 =	vadd.f32 v60, v24;
	v63 =	vadd.f32 v59, v56;
	v47 =	vperm.xlane v44, v5  }
0x349: {  	s19 =	simm.s32 $0x1EC40;
	v37 =	vld [tilespmem:s7+$0xFFFFFF00];
	v40 =	vadd.f32 v61, v41;
	v42 =	vperm.xlane v23, v4;
	v41 =	vadd.f32 v62, v58  }
0x34a: {  	s8 =	simm.s32 $0x20;
	s28 =	sadd.s32 $0x200, s14;
	[tilespmem:s19+$0x0] =	vst v43;
	v39 =	vld [tilespmem:s7+$0xFFFFFF80];
	v43 =	vmul.f32 $1.442695020e+00, v63;
	v45 =	vadd.f32 v47, v44;
	v44 =	vperm.xlane v24, v5  }
.LBB2_11:
0x34b: {  	v46 =	vld [tilespmem:s28+$0xFFFFFFD0];
	v47 =	vperm.xlane v40, v5;
	v42 =	vadd.f32 v42, v23;
	v23 =	vperm.xlane v41, v3  }
0x34c: {  	s31 =	sadd.s32 $0x200, s31;
	v48 =	vld [tilespmem:s28+$0xFFFFFFF0];
	v45 =	vmul.f32 $1.442695020e+00, v45;
	v44 =	vadd.f32 v44, v24;
	(erf) = vpow2.f32 v43  }
0x34d: {  	v24 =	vld [tilespmem:s31+$0xFFFFFFD0];
	v40 =	vadd.f32 v47, v40;
	v43 =	vperm.xlane v42, v5;
	v41 =	vadd.f32 v23, v41  }
0x34e: {  	v22 =	vadd.f32 v32, v22;
	v23 =	vld [tilespmem:s31+$0xFFFFFFE0];
	v32 =	vmul.f32 $1.442695020e+00, v44;
	(erf) = vpow2.f32 v45  }
0x34f: {  	v44 =	vld [tilespmem:s31+$0xFFFFFFF0];
	v40 =	vmul.f32 $1.442695020e+00, v40;
	v42 =	vadd.f32 v43, v42;
	v43 =	vperm.xlane v41, v4  }
0x350: {  	v29 =	vadd.f32 v29, v9;
	v33 =	vadd.f32 v33, v10;
	s7 =	sadd.s32 $0x200, s7;
	v45 =	vld [tilespmem:s31+$0x0];
	(erf) = vpow2.f32 v32  }
0x351: {  	v32 =	vld [tilespmem:s7+$0xFFFFFF90];
	v9 =	vmul.f32 $1.442695020e+00, v42;
	v10 =	vadd.f32 v43, v41;
	(erf) = vpow2.f32 v40  }
0x352: {  	v28 =	vadd.f32 v28, v8;
	v12 =	vadd.f32 v30, v12;
	v8 =	vmul.f32 v25, v26;
	v40 =	vld [tilespmem:s7+$0xFFFFFFB0]  }
0x353: {  	s8 =	sadd.s32 $0x4, s8;
	v13 =	vadd.f32 v34, v13;
	v26 =	vld [tilespmem:s7+$0xFFFFFFC0];
	v30 =	vperm.xlane v10, v5;
	(erf) = vpow2.f32 v9  }
0x354: {  	v11 =	vadd.f32 v31, v11;
	v14 =	vadd.f32 v37, v14;
	p6 =	slt.u32 s8, $0x3C;
	v34 =	vld [tilespmem:s7+$0xFFFFFFA0];
	[tilespmem:s19+$0xFFFFFFC0] =	vst v8;
	v8 =	vmul.f32 v25, v27  }
0x355: {  	v18 =	vadd.f32 v35, v18;
	v25 =	vld [tilespmem:s28+$0x0];
	v10 =	vadd.f32 v30, v10;
	v27 =	vpop (erf)  }
0x356: {  	v15 =	vadd.f32 v36, v15;
	v17 =	vadd.f32 v38, v17;
	v30 =	vld [tilespmem:s28+$0xFFFFFFE0];
	v22 =	vmul.f32 v27, v22;
	[tilespmem:s19+$0xFFFFFFD0] =	vst v8  }
0x357: {  	v21 =	vadd.f32 v21, v7;
	v16 =	vadd.f32 v39, v16;
	v9 =	vld [tilespmem:s31+$0xFFFFFE60];
	v31 =	vmul.f32 $1.442695020e+00, v10;
	v35 =	vpop (erf)  }
0x358: {  	v37 =	vmul.f32 v27, v29;
	v38 =	vadd.f32 v40, v44;
	v10 =	vld [tilespmem:s31+$0xFFFFFE70];
	v26 =	vadd.f32 v26, v45;
	[tilespmem:s19+$0xFFFFFE40] =	vst v22  }
0x359: {  	v29 =	vadd.f32 v32, v24;
	v8 =	vld [tilespmem:s31+$0xFFFFFE80];
	v32 =	vadd.f32 v34, v23;
	v34 =	vpop (erf);
	(erf) = vpow2.f32 v31  }
0x35a: {  	v20 =	vadd.f32 v20, v6;
	v36 =	vmul.f32 v38, v48;
	v31 =	vld [tilespmem:s7+$0xFFFFFE10];
	v25 =	vmul.f32 v26, v25;
	[tilespmem:s19+$0xFFFFFE50] =	vst v37;
	v22 =	vpop (erf)  }
0x35b: {  	v7 =	vmovc v44;
	v6 =	vmovc v45;
	v29 =	vmul.f32 v29, v46;
	v26 =	vld [tilespmem:s7+$0xFFFFFE20];
	v30 =	vmul.f32 v32, v30;
	v32 =	vsel vm0, $0x0, v35  }
0x35c: {  	v33 =	vmul.f32 v35, v33;
	v28 =	vmul.f32 v35, v28;
	v37 =	vld [tilespmem:s7+$0xFFFFFE30];
	v25 =	vadd.f32 v25, v36;
	v35 =	vpop (erf)  }
0x35d: {  	v38 =	vmul.f32 v34, v13;
	v36 =	vld [tilespmem:s7+$0xFFFFFE40];
	v29 =	vadd.f32 v30, v29;
	v30 =	vmul.f32 v34, v12  }
0x35e: {  	v40 =	vsel vm0, $0x0, v22;
	v12 =	vld [tilespmem:s31+$0xFFFFFED0];
	v39 =	vperm.xlane v25, v2;
	[tilespmem:s19+$0xFFFFFE60] =	vst v33;
	v33 =	vmul.f32 v22, v11  }
0x35f: {  	v27 =	vsel vm1, v27, v32;
	v22 =	vmul.f32 v22, v14;
	v13 =	vld [tilespmem:s31+$0xFFFFFEE0];
	v41 =	vperm.xlane v29, v2;
	[tilespmem:s19+$0xFFFFFE70] =	vst v28  }
0x360: {  	v18 =	vmul.f32 v35, v18;
	v26 =	vadd.f32 v26, v9;
	v11 =	vld [tilespmem:s31+$0xFFFFFEF0];
	v25 =	vadd.f32 v39, v25;
	[tilespmem:s19+$0xFFFFFE80] =	vst v27  }
0x361: {  	v27 =	vadd.f32 v37, v10;
	v14 =	vld [tilespmem:s31+$0xFFFFFF00];
	v28 =	vadd.f32 v41, v29;
	[tilespmem:s19+$0xFFFFFEC0] =	vst v30;
	v29 =	vmul.f32 v35, v15  }
0x362: {  	v21 =	vmul.f32 v19, v21;
	v30 =	vadd.f32 v36, v8;
	v15 =	vld [tilespmem:s7+$0xFFFFFE90];
	v32 =	vperm.xlane v25, v3;
	[tilespmem:s19+$0xFFFFFED0] =	vst v38;
	v36 =	vpop (erf)  }
0x363: {  	v37 =	vld [tilespmem:s7+$0xFFFFFEA0];
	v38 =	vperm.xlane v28, v3;
	[tilespmem:s19+$0xFFFFFEE0] =	vst v33;
	v33 =	vmul.f32 v36, v17;
	v17 =	vsel vm0, $0x0, v36  }
0x364: {  	v19 =	vmul.f32 v19, v20;
	v39 =	vld [tilespmem:s7+$0xFFFFFEB0];
	v25 =	vadd.f32 v32, v25;
	[tilespmem:s19+$0xFFFFFEF0] =	vst v22;
	v22 =	vmul.f32 v36, v16  }
0x365: {  	v16 =	vsel vm1, v34, v40;
	v32 =	vsel vm1, v35, v17;
	v20 =	vld [tilespmem:s7+$0xFFFFFEC0];
	v28 =	vadd.f32 v38, v28;
	[tilespmem:s19+$0xFFFFFF40] =	vst v18  }
0x366: {  	v18 =	vld [tilespmem:s31+$0xFFFFFF50];
	v34 =	vperm.xlane v25, v4;
	[tilespmem:s19+$0xFFFFFF00] =	vst v16  }
0x367: {  	v35 =	vadd.f32 v15, v12;
	v15 =	vld [tilespmem:s31+$0xFFFFFF60];
	v36 =	vperm.xlane v28, v4;
	[tilespmem:s19+$0xFFFFFF50] =	vst v29  }
0x368: {  	v29 =	vadd.f32 v37, v13;
	v17 =	vld [tilespmem:s31+$0xFFFFFF70];
	v25 =	vadd.f32 v34, v25;
	[tilespmem:s19+$0xFFFFFF60] =	vst v33  }
0x369: {  	v33 =	vadd.f32 v39, v11;
	v16 =	vld [tilespmem:s31+$0xFFFFFF80];
	v28 =	vadd.f32 v36, v28;
	[tilespmem:s19+$0xFFFFFF70] =	vst v22  }
0x36a: {  	v20 =	vadd.f32 v20, v14;
	v34 =	vld [tilespmem:s7+$0xFFFFFF10];
	v22 =	vperm.xlane v25, v5;
	[tilespmem:s19+$0xFFFFFF80] =	vst v32  }
0x36b: {  	v32 =	vld [tilespmem:s7+$0xFFFFFF20];
	v36 =	vperm.xlane v28, v5;
	[tilespmem:s19+$0xFFFFFFE0] =	vst v21  }
0x36c: {  	v21 =	vld [tilespmem:s7+$0xFFFFFF30];
	v25 =	vadd.f32 v22, v25;
	[tilespmem:s19+$0xFFFFFFF0] =	vst v19  }
0x36d: {  	v19 =	vld [tilespmem:s7+$0xFFFFFF40];
	v28 =	vadd.f32 v36, v28  }
0x36e: {  	v22 =	vld [tilespmem:s31+$0xFFFFFE50];
	v25 =	vmul.f32 $1.442695020e+00, v25  }
0x36f: {  	v36 =	vld [tilespmem:s28+$0xFFFFFE50];
	v34 =	vadd.f32 v34, v18;
	v28 =	vmul.f32 $1.442695020e+00, v28  }
0x370: {  	v37 =	vld [tilespmem:s28+$0xFFFFFE60];
	v32 =	vadd.f32 v32, v15;
	(erf) = vpow2.f32 v25  }
0x371: {  	v25 =	vld [tilespmem:s28+$0xFFFFFE70];
	v38 =	vadd.f32 v21, v17;
	(erf) = vpow2.f32 v28  }
0x372: {  	v21 =	vld [tilespmem:s28+$0xFFFFFE80];
	v39 =	vadd.f32 v19, v16  }
0x373: {  	v19 =	vadd.f32 v31, v22;
	v28 =	vld [tilespmem:s28+$0xFFFFFED0]  }
0x374: {  	v31 =	vld [tilespmem:s28+$0xFFFFFEE0]  }
0x375: {  	v19 =	vmul.f32 v19, v36;
	v26 =	vmul.f32 v26, v37;
	v36 =	vld [tilespmem:s28+$0xFFFFFEF0]  }
0x376: {  	v25 =	vmul.f32 v27, v25;
	v27 =	vld [tilespmem:s28+$0xFFFFFF00]  }
0x377: {  	v21 =	vmul.f32 v30, v21;
	v26 =	vadd.f32 v26, v19;
	v30 =	vld [tilespmem:s28+$0xFFFFFF50]  }
0x378: {  	v28 =	vmul.f32 v35, v28;
	v35 =	vld [tilespmem:s28+$0xFFFFFF60]  }
0x379: {  	v37 =	vperm.xlane v26, v2;
	v40 =	vadd.f32 v21, v25;
	v21 =	vmul.f32 v29, v31;
	v29 =	vld [tilespmem:s7+$0xFFFFFFD0];
	v19 =	vpop (erf)  }
0x37a: {  	v31 =	vmul.f32 v33, v36;
	v33 =	vld [tilespmem:s7+$0xFFFFFFE0];
	v36 =	vsel vm0, $0x0, v19;
	v25 =	vpop (erf)  }
0x37b: {  	s19 =	sadd.s32 $0x200, s19;
	v27 =	vmul.f32 v20, v27;
	v28 =	vadd.f32 v21, v28;
	v21 =	vld [tilespmem:s7+$0xFFFFFFF0];
	v36 =	vsel vm1, v25, v36  }
0x37c: {  	v37 =	vadd.f32 v37, v26;
	v26 =	vperm.xlane v40, v2;
	v30 =	vmul.f32 v34, v30;
	v20 =	vld [tilespmem:s7+$0x0];
	[tilespmem:s19+$0x0] =	vst v36  }
0x37d: {  	v34 =	vperm.xlane v28, v2;
	v31 =	vadd.f32 v27, v31;
	v36 =	vld [tilespmem:s28+$0xFFFFFF70];
	v27 =	vmul.f32 v32, v35  }
0x37e: {  	v35 =	vperm.xlane v37, v3;
	v40 =	vadd.f32 v26, v40;
	v41 =	vld [tilespmem:s28+$0xFFFFFF80];
	v26 =	vadd.f32 v29, v24  }
0x37f: {  	v32 =	vld [tilespmem:s7+$0xFFFFFE50];
	v24 =	vadd.f32 v34, v28;
	v28 =	vperm.xlane v31, v2;
	v34 =	vadd.f32 v27, v30  }
0x380: {  	v35 =	vadd.f32 v35, v37;
	v30 =	vperm.xlane v40, v3;
	v27 =	vadd.f32 v33, v23;
	v29 =	vld [tilespmem:s7+$0xFFFFFE60]  }
0x381: {  	v33 =	vld [tilespmem:s7+$0xFFFFFE70];
	v23 =	vperm.xlane v24, v3;
	v37 =	vadd.f32 v28, v31;
	v31 =	vperm.xlane v34, v2  }
0x382: {  	v42 =	vperm.xlane v35, v4;
	v40 =	vadd.f32 v30, v40;
	v28 =	vld [tilespmem:s7+$0xFFFFFE80];
	v36 =	vmul.f32 v38, v36  }
0x383: {  	v30 =	vld [tilespmem:s7+$0xFFFFFED0];
	v38 =	vperm.xlane v37, v3;
	v39 =	vmul.f32 v39, v41;
	v41 =	vadd.f32 v31, v34  }
0x384: {  	v42 =	vadd.f32 v42, v35;
	v35 =	vperm.xlane v40, v4;
	v24 =	vadd.f32 v23, v24;
	v34 =	vld [tilespmem:s7+$0xFFFFFEE0]  }
0x385: {  	v31 =	vld [tilespmem:s7+$0xFFFFFEF0];
	v38 =	vadd.f32 v38, v37;
	v23 =	vperm.xlane v41, v3;
	v39 =	vadd.f32 v39, v36  }
.Ltmp6:
0x386: {  	v36 =	vperm.xlane v42, v5;
	v44 =	vadd.f32 v35, v40;
	v40 =	vperm.xlane v24, v4;
	v37 =	vld [tilespmem:s7+$0xFFFFFF00];
	(pc) =	sbr.rel @p6 .LBB2_11-.Ltmp6, $4  }
0x387: {  	v43 =	vperm.xlane v38, v4;
	v35 =	vld [tilespmem:s7+$0xFFFFFF50];
	v23 =	vadd.f32 v23, v41;
	v41 =	vperm.xlane v39, v2  }
0x388: {  	v45 =	vadd.f32 v36, v42;
	v46 =	vperm.xlane v44, v5;
	v24 =	vadd.f32 v40, v24;
	v36 =	vld [tilespmem:s7+$0xFFFFFF60]  }
0x389: {  	v40 =	vadd.f32 v43, v38;
	v38 =	vld [tilespmem:s7+$0xFFFFFF70];
	v42 =	vperm.xlane v23, v4;
	v41 =	vadd.f32 v41, v39  }
0x38a: {  	s28 =	sadd.s32 $0x200, s28;
	v43 =	vmul.f32 $1.442695020e+00, v45;
	v45 =	vadd.f32 v46, v44;
	v44 =	vperm.xlane v24, v5;
	v39 =	vld [tilespmem:s7+$0xFFFFFF80]  }
0x38b: {  	v46 =	vperm.xlane v41, v3;
	_ =	sdelay $0x1  }
0x38c: {  	v45 =	vmul.f32 $1.442695020e+00, v45;
	(erf) = vpow2.f32 v43;
	v41 =	vadd.f32 v46, v41  }
0x38d: {  	v61 =	vperm.xlane v40, v5;
	v23 =	vadd.f32 v42, v23;
	v24 =	vadd.f32 v44, v24  }
0x38e: {  	(erf) = vpow2.f32 v45;
	v62 =	vperm.xlane v41, v4  }
0x38f: {  	v40 =	vadd.f32 v61, v40;
	v63 =	vperm.xlane v23, v5;
	v24 =	vmul.f32 $1.442695020e+00, v24  }
0x390: {  	v26 =	vmul.f32 v25, v26;
	v41 =	vadd.f32 v62, v41  }
0x391: {  	v40 =	vmul.f32 $1.442695020e+00, v40;
	v23 =	vadd.f32 v63, v23;
	(erf) = vpow2.f32 v24  }
0x392: {  	v7 =	vadd.f32 v21, v7;
	v43 =	vmul.f32 v25, v27;
	v42 =	vperm.xlane v41, v5  }
0x393: {  	v6 =	vadd.f32 v20, v6;
	v23 =	vmul.f32 $1.442695020e+00, v23;
	(erf) = vpow2.f32 v40  }
0x394: {  	v22 =	vadd.f32 v32, v22;
	[tilespmem:s19+$0xFFFFFFC0] =	vst v26;
	v7 =	vmul.f32 v19, v7;
	v24 =	vadd.f32 v42, v41  }
0x395: {  	v9 =	vadd.f32 v29, v9;
	v6 =	vmul.f32 v19, v6;
	[tilespmem:s19+$0xFFFFFFD0] =	vst v43;
	(erf) = vpow2.f32 v23;
	v44 =	vpop (erf)  }
0x396: {  	v10 =	vadd.f32 v33, v10;
	[tilespmem:s19+$0xFFFFFFE0] =	vst v7;
	v22 =	vmul.f32 v44, v22;
	v24 =	vmul.f32 $1.442695020e+00, v24  }
0x397: {  	v8 =	vadd.f32 v28, v8;
	[tilespmem:s19+$0xFFFFFFF0] =	vst v6;
	v9 =	vmul.f32 v44, v9;
	v45 =	vpop (erf)  }
0x398: {  	[tilespmem:s19+$0xFFFFFE40] =	vst v22;
	v10 =	vmul.f32 v45, v10;
	(erf) = vpow2.f32 v24  }
0x399: {  	v12 =	vadd.f32 v30, v12;
	[tilespmem:s19+$0xFFFFFE50] =	vst v9;
	v8 =	vmul.f32 v45, v8  }
0x39a: {  	v46 =	vadd.f32 v34, v13;
	v48 =	vsel vm0, $0x0, v45;
	v47 =	vpop (erf);
	[tilespmem:s19+$0xFFFFFE60] =	vst v10  }
0x39b: {  	v49 =	vadd.f32 v31, v11;
	v51 =	vsel vm1, v44, v48;
	v50 =	vmul.f32 v47, v12;
	[tilespmem:s19+$0xFFFFFE70] =	vst v8  }
0x39c: {  	v52 =	vadd.f32 v37, v14;
	v53 =	vpop (erf);
	v9 =	vmul.f32 v47, v46;
	[tilespmem:s19+$0xFFFFFE80] =	vst v51  }
0x39d: {  	v10 =	vmul.f32 v53, v49;
	[tilespmem:s19+$0xFFFFFEC0] =	vst v50  }
0x39e: {  	v54 =	vadd.f32 v35, v18;
	v12 =	vmul.f32 v53, v52;
	[tilespmem:s19+$0xFFFFFED0] =	vst v9  }
0x39f: {  	v56 =	vadd.f32 v36, v15;
	v14 =	vsel vm0, $0x0, v53;
	v55 =	vpop (erf);
	[tilespmem:s19+$0xFFFFFEE0] =	vst v10  }
0x3a0: {  	v57 =	vadd.f32 v38, v17;
	v13 =	vsel vm1, v47, v14;
	v8 =	vmul.f32 v55, v54;
	[tilespmem:s19+$0xFFFFFEF0] =	vst v12  }
0x3a1: {  	v58 =	vadd.f32 v39, v16;
	v9 =	vmul.f32 v55, v56;
	[tilespmem:s19+$0xFFFFFF00] =	vst v13;
	v59 =	vpop (erf)  }
0x3a2: {  	[tilespmem:s19+$0xFFFFFF40] =	vst v8;
	v60 =	vmul.f32 v59, v57  }
.Ltmp7:
0x3a3: {  	[tilespmem:s19+$0xFFFFFF50] =	vst v9;
	v61 =	vmul.f32 v59, v58;
	(pc) =	sbr.rel @p5 .LBB2_14-.Ltmp7, $4  }
0x3a4: {  	v62 =	vsel vm0, $0x0, v59;
	[tilespmem:s19+$0xFFFFFF60] =	vst v60  }
0x3a5: {  	v63 =	vsel vm1, v55, v62;
	[tilespmem:s19+$0xFFFFFF70] =	vst v61  }
0x3a6: {  	[tilespmem:s19+$0xFFFFFF80] =	vst v63  }
0x3a7: {  	[spmem:s13] =	stream.indirect.scatter.add.f32 [tilespmem:s30], [sflag:$0x9], $0x80, s29, s26, $0xb8;
	[tilespmem:$0x1FB80] =	vst v63  }
0x3a8: {  	s7 =	rddreg [dreg:$0x1f]  }
0x3a9: {  	s0 =	sadd.s32 s0, s7  }
0x3aa: {  	s0 =	sshrl.u32 s0, $0x3  }
0x3ab: {  	s8 =	simm.s32 $0x1BA80;
	s19 =	sshll.u32 s5, $0x3;
	s0 =	sadd.s32 s16, s0  }
0x3ac: {  	[tilespmem:s8], [sflag:$0x7] =	stream.linear.gather [hbm4b:s0+s2], $0x2000, $0x38;
	[tilespmem:$0x1FB80] =	vst v63  }
.Ltmp8:
0x3ad: {  	s0 =	sadd.s32 $0x18, s19;
	(pc) =	sbr.rel .LBB2_4-.Ltmp8, $4  }
0x3ae: {  	s31 =	simm.s32 $0x13900;
	s5 =	simm.s32 $0x13900;
	s28 =	sadd.s32 s18, s0  }
0x3af: {  	[tilespmem:s31], [sflag:$0x2] =	stream.linear.gather [hbm4b:s28+s2], $0x40, $0x38;
	[tilespmem:$0x1FB80] =	vst v63  }
0x3b0: {  	s6 =	sadd.s32 $0x1, s6;
	s7 =	simm.s32 $0x13A00;
	s0 =	sadd.s32 s17, s0  }
0x3b1: {  	[tilespmem:s7], [sflag:$0x2] =	stream.linear.gather [hbm4b:s0+s2], $0x40, $0x38;
	[tilespmem:$0x1FB80] =	vst v63  }
.LBB2_14:
0x3b2: {  	_ =	swait.ge [sflag:s22], $0x1000  }
0x3b3: {  	[sflag:s22] =	ssyncset.done $0x0  }
.Ltmp9:
0x3b4: {  	[sflag:s22] =	ssyncadd.s32 $0xFFFFF000;
	(pc) =	sbr.rel @p3 .LBB2_20-.Ltmp9, $4  }
0x3b5: {  	_ =	swait.ge [sflag:s1], $0x1000  }
0x3b6: {  	s28 =	rddreg [dreg:$0xf]  }
0x3b7: {  	[sflag:s1] =	ssyncset.done $0x0;
	s31 =	rddreg [dreg:$0x10]  }
0x3b8: {  	s19 =	sld [smem:$0x7F6];
	[sflag:s1] =	ssyncadd.s32 $0xFFFFF000  }
0x3b9: {  	s0 =	sld [smem:$0x7F7];
	_ =	sdelay $0x1  }
0x3ba: {  	s5 =	simm.s32 $0x13880;
	s8 =	sld [smem:$0x7F8]  }
0x3bb: {  	[tilespmem:s5], [sflag:$0x1] =	stream.linear.gather [hbm4b:s0+s2], $0x40, $0x38;
	[tilespmem:$0x1FB80] =	vst v63  }
0x3bc: {  	s6 =	simm.s32 $0x13980;
	s19 =	sld [smem:$0x7F9]  }
0x3bd: {  	[tilespmem:s6], [sflag:$0x1] =	stream.linear.gather [hbm4b:s8+s2], $0x40, $0x38;
	[tilespmem:$0x1FB80] =	vst v63  }
0x3be: {  	s7 =	simm.s32 $0x1BA80  }
0x3bf: {  	[tilespmem:s7], [sflag:$0x7] =	stream.linear.gather [hbm4b:s19+s2], $0x2000, $0x38;
	[tilespmem:$0x1FB80] =	vst v63  }
0x3c0: {  	s7 =	simm.s32 $0x1  }
0x3c1: {  	_ =	swait.ge [sflag:s7], $0x40  }
0x3c2: {  	[sflag:s7] =	ssyncset.done $0x0  }
0x3c3: {  	[sflag:s7] =	ssyncadd.s32 $0xFFFFFFC0  }
0x3c4: {  	_ =	swait.ge [sflag:s7], $0x40  }
0x3c5: {  	[sflag:s7] =	ssyncset.done $0x0  }
0x3c6: {  	[sflag:s7] =	ssyncadd.s32 $0xFFFFFFC0  }
0x3c7: {  	v6 =	vld [tilespmem:$0x13980]  }
0x3c8: {  	v7 =	vld [tilespmem:$0x13990]  }
0x3c9: {  	v8 =	vld [tilespmem:$0x139A0]  }
0x3ca: {  	v9 =	vld [tilespmem:$0x139B0];
	_ =	sdelay $0x1  }
0x3cb: {  	v6 =	vadd.s32 v0, v6  }
0x3cc: {  	[tilespmem:$0x13980] =	vst v6;
	v6 =	vadd.s32 v0, v7  }
0x3cd: {  	[tilespmem:$0x13990] =	vst v6;
	v6 =	vadd.s32 v0, v8  }
0x3ce: {  	[tilespmem:$0x139A0] =	vst v6;
	v6 =	vadd.s32 v0, v9  }
0x3cf: {  	s8 =	simm.s32 $0x13A80;
	s0 =	rddreg [dreg:$0x0];
	[tilespmem:$0x139B0] =	vst v6  }
0x3d0: {  	[tilespmem:s8], [sflag:$0x3] =	stream.indirect.gather [hbm4b:s0+s4], $0x80, s5, s4, $0xb8;
	[tilespmem:$0x1FB80] =	vst v63  }
0x3d1: {  	s19 =	simm.s32 $0x17A80  }
0x3d2: {  	[tilespmem:s19], [sflag:$0x5] =	stream.indirect.gather [hbm4b:s15+s4], $0x80, s6, s4, $0xb8;
	[tilespmem:$0x1FB80] =	vst v63  }
0x3d3: {  	_ =	swait.ge [sflag:s23], $0x2000  }
0x3d4: {  	[sflag:s23] =	ssyncset.done $0x0  }
0x3d5: {  	[sflag:s23] =	ssyncadd.s32 $0xFFFFE000  }
0x3d6: {  	_ =	swait.ge [sflag:s24], $0x2000  }
0x3d7: {  	[sflag:s24] =	ssyncset.done $0x0  }
0x3d8: {  	[sflag:s24] =	ssyncadd.s32 $0xFFFFE000  }
0x3d9: {  	_ =	swait.ge [sflag:s25], $0x2000  }
0x3da: {  	[sflag:s25] =	ssyncset.done $0x0  }
0x3db: {  	[sflag:s25] =	ssyncadd.s32 $0xFFFFE000  }
0x3dc: {  	v6 =	vld [tilespmem:$0x13880]  }
0x3dd: {  	v7 =	vld [tilespmem:$0x138A0]  }
0x3de: {  	v8 =	vld [tilespmem:$0x13890]  }
0x3df: {  	v9 =	vld [tilespmem:$0x138B0];
	_ =	sdelay $0x1  }
0x3e0: {  	[tilespmem:$0x1FA80] =	vst v6  }
0x3e1: {  	[tilespmem:$0x1FB00] =	vst v7  }
0x3e2: {  	[tilespmem:$0x1FA90] =	vst v8  }
0x3e3: {  	[tilespmem:$0x1FB10] =	vst v9  }
0x3e4: {  	v11 =	vld [tilespmem:s9+$0x80]  }
0x3e5: {  	s0 =	simm.s32 $0x1BB80;
	v12 =	vld [tilespmem:s9+$0xA0]  }
0x3e6: {  	v23 =	vld [tilespmem:s0+$0x80]  }
0x3e7: {  	v24 =	vld [tilespmem:s0+$0x90]  }
0x3e8: {  	v7 =	vld [tilespmem:s0+$0xA0]  }
0x3e9: {  	s5 =	simm.s32 $0x17B80;
	v6 =	vld [tilespmem:s0+$0xB0]  }
0x3ea: {  	v13 =	vld [tilespmem:s5+$0x80]  }
0x3eb: {  	v8 =	vld [tilespmem:s5+$0xA0]  }
0x3ec: {  	v14 =	vld [tilespmem:s5+$0xB0]  }
0x3ed: {  	v15 =	vld [tilespmem:s5+$0x90]  }
0x3ee: {  	v16 =	vld [tilespmem:s9+$0xB0]  }
0x3ef: {  	v17 =	vld [tilespmem:s9+$0x90]  }
0x3f0: {  	v9 =	vld [tilespmem:s0+$0xFFFFFF10]  }
0x3f1: {  	v10 =	vld [tilespmem:s0+$0xFFFFFF20]  }
0x3f2: {  	v19 =	vld [tilespmem:s5+$0xFFFFFF00]  }
0x3f3: {  	v20 =	vld [tilespmem:s5+$0xFFFFFF10]  }
0x3f4: {  	v21 =	vld [tilespmem:s5+$0xFFFFFF20]  }
0x3f5: {  	v25 =	vld [tilespmem:s5+$0xFFFFFF30];
	v18 =	vadd.f32 v8, v7;
	v14 =	vadd.f32 v14, v6  }
0x3f6: {  	v26 =	vld [tilespmem:s5+$0xFFFFFF80];
	v13 =	vadd.f32 v13, v23;
	v15 =	vadd.f32 v15, v24  }
0x3f7: {  	v27 =	vld [tilespmem:s5+$0xFFFFFF90];
	v12 =	vmul.f32 v18, v12;
	v14 =	vmul.f32 v14, v16  }
0x3f8: {  	v28 =	vld [tilespmem:s5+$0xFFFFFFA0];
	v11 =	vmul.f32 v13, v11;
	v13 =	vmul.f32 v15, v17  }
0x3f9: {  	v29 =	vld [tilespmem:s5+$0xFFFFFFB0]  }
0x3fa: {  	v33 =	vld [tilespmem:s5+$0x10];
	v14 =	vadd.f32 v14, v12;
	v15 =	vadd.f32 v13, v11  }
0x3fb: {  	v35 =	vld [tilespmem:s5+$0x20]  }
0x3fc: {  	v58 =	vld [tilespmem:s5+$0x30];
	v16 =	vperm.xlane v14, v2;
	v17 =	vperm.xlane v15, v2  }
0x3fd: {  	v36 =	vld [tilespmem:s9+$0xFFFFFF00]  }
0x3fe: {  	v37 =	vld [tilespmem:s9+$0xFFFFFF10];
	v16 =	vadd.f32 v16, v14;
	v15 =	vadd.f32 v17, v15  }
0x3ff: {  	v59 =	vld [tilespmem:s9+$0xFFFFFF30]  }
0x400: {  	v38 =	vld [tilespmem:s9+$0xFFFFFF80];
	v17 =	vperm.xlane v16, v3;
	v18 =	vperm.xlane v15, v3  }
0x401: {  	v39 =	vld [tilespmem:s9+$0xFFFFFF90]  }
0x402: {  	v60 =	vld [tilespmem:s9+$0xFFFFFFA0];
	v16 =	vadd.f32 v17, v16;
	v22 =	vadd.f32 v18, v15  }
0x403: {  	v61 =	vld [tilespmem:s9+$0xFFFFFFB0]  }
0x404: {  	v62 =	vld [tilespmem:s9+$0x10];
	v30 =	vperm.xlane v16, v4;
	v31 =	vperm.xlane v22, v4  }
0x405: {  	v51 =	vld [tilespmem:s9+$0x20]  }
0x406: {  	v8 =	vld [tilespmem:s0+$0xFFFFFF30];
	v30 =	vadd.f32 v30, v16;
	v22 =	vadd.f32 v31, v22  }
0x407: {  	v12 =	vld [tilespmem:s0+$0xFFFFFF80]  }
0x408: {  	v13 =	vld [tilespmem:s0+$0xFFFFFF90];
	v32 =	vperm.xlane v30, v5;
	v34 =	vperm.xlane v22, v5  }
0x409: {  	v11 =	vld [tilespmem:s0+$0xFFFFFFA0]  }
0x40a: {  	v30 =	vadd.f32 v32, v30;
	v34 =	vadd.f32 v34, v22;
	v22 =	vld [tilespmem:s0+$0xFFFFFF00]  }
0x40b: {  	v20 =	vadd.f32 v20, v9;
	v14 =	vld [tilespmem:s0+$0xFFFFFFB0]  }
0x40c: {  	v15 =	vld [tilespmem:s0+$0x10];
	v30 =	vmul.f32 $1.442695020e+00, v30  }
0x40d: {  	v20 =	vmul.f32 v20, v37;
	v25 =	vadd.f32 v25, v8;
	v17 =	vld [tilespmem:s0+$0x20]  }
0x40e: {  	v26 =	vadd.f32 v26, v12;
	v27 =	vadd.f32 v27, v13;
	(erf) = vpow2.f32 v30;
	v30 =	vld [tilespmem:s9+$0xFFFFFF20]  }
0x40f: {  	v25 =	vmul.f32 v25, v59;
	v28 =	vadd.f32 v28, v11;
	v18 =	vld [tilespmem:s0+$0x0];
	v19 =	vadd.f32 v19, v22  }
0x410: {  	v26 =	vmul.f32 v26, v38;
	v27 =	vmul.f32 v27, v39;
	v29 =	vadd.f32 v29, v14;
	v16 =	vld [tilespmem:s0+$0x30]  }
0x411: {  	v21 =	vadd.f32 v21, v10;
	v28 =	vmul.f32 v28, v60;
	v31 =	vld [tilespmem:s5+$0x0];
	v19 =	vmul.f32 v19, v36  }
0x412: {  	v54 =	vld [tilespmem:s9+$0x30];
	v27 =	vadd.f32 v27, v26;
	v29 =	vmul.f32 v29, v61;
	v33 =	vadd.f32 v33, v15  }
0x413: {  	v35 =	vadd.f32 v35, v17;
	v21 =	vmul.f32 v21, v30;
	v20 =	vadd.f32 v20, v19;
	v30 =	vld [tilespmem:s9+$0x0]  }
0x414: {  	v48 =	vld [tilespmem:s5+$0xC0];
	v28 =	vadd.f32 v29, v28;
	v29 =	vmul.f32 v33, v62;
	v34 =	vmul.f32 $1.442695020e+00, v34  }
0x415: {  	v63 =	vadd.f32 v58, v16;
	v47 =	vperm.xlane v20, v2;
	v40 =	vadd.f32 v25, v21  }
0x416: {  	v35 =	vmul.f32 v35, v51;
	v31 =	vadd.f32 v31, v18;
	(erf) = vpow2.f32 v34  }
0x417: {  	v49 =	vld [tilespmem:s5+$0xD0];
	v38 =	vmul.f32 v63, v54;
	v50 =	vadd.f32 v47, v20;
	v26 =	vperm.xlane v40, v2  }
0x418: {  	v33 =	vld [tilespmem:s5+$0xFFFFFF60];
	v30 =	vmul.f32 v31, v30;
	v31 =	vperm.xlane v27, v2  }
0x419: {  	v32 =	vld [tilespmem:s5+$0xFFFFFF40];
	v52 =	vperm.xlane v50, v3;
	v53 =	vadd.f32 v26, v40;
	v26 =	vadd.f32 v48, v23  }
0x41a: {  	v34 =	vld [tilespmem:s5+$0xFFFFFFD0];
	v23 =	vadd.f32 v31, v27;
	v31 =	vperm.xlane v28, v2;
	v55 =	vadd.f32 v29, v30  }
0x41b: {  	v60 =	vadd.f32 v38, v35;
	v35 =	vld [tilespmem:s5+$0x40];
	v37 =	vadd.f32 v52, v50;
	v30 =	vperm.xlane v53, v3  }
0x41c: {  	v38 =	vld [tilespmem:s5+$0x60];
	v27 =	vadd.f32 v49, v24;
	v56 =	vadd.f32 v31, v28;
	v31 =	vperm.xlane v55, v2  }
0x41d: {  	v36 =	vld [tilespmem:s5+$0x50];
	v19 =	vpop (erf);
	v24 =	vperm.xlane v23, v3;
	v42 =	vperm.xlane v37, v4;
	v44 =	vadd.f32 v30, v53  }
0x41e: {  	v21 =	vld [tilespmem:s5+$0xE0];
	v41 =	vsel vm0, $0x0, v19;
	v57 =	vperm.xlane v56, v3;
	v39 =	vadd.f32 v31, v55  }
0x41f: {  	v20 =	vld [tilespmem:s5+$0xF0];
	v25 =	vpop (erf);
	v24 =	vadd.f32 v24, v23;
	v58 =	vadd.f32 v42, v37;
	v59 =	vperm.xlane v44, v4  }
0x420: {  	v43 =	vsel vm1, v25, v41;
	v29 =	vld [tilespmem:s5+$0xFFFFFF50];
	v41 =	vadd.f32 v57, v56;
	v23 =	vperm.xlane v39, v3  }
0x421: {  	v28 =	vld [tilespmem:s5+$0xFFFFFF70];
	v62 =	vperm.xlane v24, v4;
	v61 =	vperm.xlane v58, v5;
	v44 =	vadd.f32 v59, v44  }
0x422: {  	v63 =	vperm.xlane v60, v2;
	v30 =	vld [tilespmem:s5+$0xFFFFFFC0];
	v45 =	vperm.xlane v41, v4;
	v23 =	vadd.f32 v23, v39  }
0x423: {  	v31 =	vld [tilespmem:s5+$0xFFFFFFE0];
	v24 =	vadd.f32 v62, v24;
	v46 =	vadd.f32 v61, v58;
	v47 =	vperm.xlane v44, v5  }
0x424: {  	s6 =	simm.s32 $0x1DB80;
	v37 =	vld [tilespmem:s5+$0xFFFFFFF0];
	v40 =	vadd.f32 v45, v41;
	v41 =	vadd.f32 v63, v60;
	v42 =	vperm.xlane v23, v4  }
0x425: {  	s7 =	simm.s32 $0x0;
	s8 =	sadd.s32 $0x200, s9;
	[tilespmem:s6+$0xC0] =	vst v43;
	v39 =	vld [tilespmem:s5+$0x70];
	v43 =	vmul.f32 $1.442695020e+00, v46;
	v45 =	vadd.f32 v47, v44;
	v44 =	vperm.xlane v24, v5  }
.LBB2_16:
0x426: {  	v46 =	vld [tilespmem:s8+$0x80];
	v47 =	vperm.xlane v40, v5;
	v42 =	vadd.f32 v42, v23;
	v23 =	vperm.xlane v41, v3  }
0x427: {  	s0 =	sadd.s32 $0x200, s0;
	v48 =	vld [tilespmem:s8+$0xA0];
	v45 =	vmul.f32 $1.442695020e+00, v45;
	v44 =	vadd.f32 v44, v24;
	(erf) = vpow2.f32 v43  }
0x428: {  	v24 =	vld [tilespmem:s0+$0x80];
	v40 =	vadd.f32 v47, v40;
	v43 =	vperm.xlane v42, v5;
	v41 =	vadd.f32 v23, v41  }
0x429: {  	v22 =	vadd.f32 v32, v22;
	v23 =	vld [tilespmem:s0+$0x90];
	v32 =	vmul.f32 $1.442695020e+00, v44;
	(erf) = vpow2.f32 v45  }
0x42a: {  	v44 =	vld [tilespmem:s0+$0xA0];
	v40 =	vmul.f32 $1.442695020e+00, v40;
	v42 =	vadd.f32 v43, v42;
	v43 =	vperm.xlane v41, v4  }
0x42b: {  	v29 =	vadd.f32 v29, v9;
	v33 =	vadd.f32 v33, v10;
	s5 =	sadd.s32 $0x200, s5;
	v45 =	vld [tilespmem:s0+$0xB0];
	(erf) = vpow2.f32 v32  }
0x42c: {  	v32 =	vld [tilespmem:s5+$0x80];
	v9 =	vmul.f32 $1.442695020e+00, v42;
	v10 =	vadd.f32 v43, v41;
	(erf) = vpow2.f32 v40  }
0x42d: {  	v28 =	vadd.f32 v28, v8;
	v12 =	vadd.f32 v30, v12;
	v8 =	vmul.f32 v25, v26;
	v40 =	vld [tilespmem:s5+$0xA0]  }
0x42e: {  	s7 =	sadd.s32 $0x4, s7;
	v13 =	vadd.f32 v34, v13;
	v26 =	vld [tilespmem:s5+$0xB0];
	v30 =	vperm.xlane v10, v5;
	(erf) = vpow2.f32 v9  }
0x42f: {  	v11 =	vadd.f32 v31, v11;
	v14 =	vadd.f32 v37, v14;
	p5 =	slt.u32 s7, $0x1C;
	v34 =	vld [tilespmem:s5+$0x90];
	[tilespmem:s6+$0x80] =	vst v8;
	v8 =	vmul.f32 v25, v27  }
0x430: {  	v18 =	vadd.f32 v35, v18;
	v25 =	vld [tilespmem:s8+$0xB0];
	v10 =	vadd.f32 v30, v10;
	v27 =	vpop (erf)  }
0x431: {  	v15 =	vadd.f32 v36, v15;
	v17 =	vadd.f32 v38, v17;
	v30 =	vld [tilespmem:s8+$0x90];
	v22 =	vmul.f32 v27, v22;
	[tilespmem:s6+$0x90] =	vst v8  }
0x432: {  	v21 =	vadd.f32 v21, v7;
	v16 =	vadd.f32 v39, v16;
	v9 =	vld [tilespmem:s0+$0xFFFFFF10];
	v31 =	vmul.f32 $1.442695020e+00, v10;
	v35 =	vpop (erf)  }
0x433: {  	v37 =	vmul.f32 v27, v29;
	v38 =	vadd.f32 v40, v44;
	v10 =	vld [tilespmem:s0+$0xFFFFFF20];
	v26 =	vadd.f32 v26, v45;
	[tilespmem:s6+$0xFFFFFF00] =	vst v22  }
0x434: {  	v29 =	vadd.f32 v32, v24;
	v8 =	vld [tilespmem:s0+$0xFFFFFF30];
	v32 =	vadd.f32 v34, v23;
	v34 =	vpop (erf);
	(erf) = vpow2.f32 v31  }
0x435: {  	v20 =	vadd.f32 v20, v6;
	v36 =	vmul.f32 v38, v48;
	v31 =	vld [tilespmem:s5+$0xFFFFFF00];
	v25 =	vmul.f32 v26, v25;
	[tilespmem:s6+$0xFFFFFF10] =	vst v37;
	v22 =	vpop (erf)  }
0x436: {  	v7 =	vmovc v44;
	v6 =	vmovc v45;
	v29 =	vmul.f32 v29, v46;
	v26 =	vld [tilespmem:s5+$0xFFFFFF10];
	v30 =	vmul.f32 v32, v30;
	v32 =	vsel vm0, $0x0, v35  }
0x437: {  	v33 =	vmul.f32 v35, v33;
	v28 =	vmul.f32 v35, v28;
	v37 =	vld [tilespmem:s5+$0xFFFFFF20];
	v25 =	vadd.f32 v25, v36;
	v35 =	vpop (erf)  }
0x438: {  	v38 =	vmul.f32 v34, v13;
	v36 =	vld [tilespmem:s5+$0xFFFFFF30];
	v29 =	vadd.f32 v30, v29;
	v30 =	vmul.f32 v34, v12  }
0x439: {  	v40 =	vsel vm0, $0x0, v22;
	v12 =	vld [tilespmem:s0+$0xFFFFFF80];
	v39 =	vperm.xlane v25, v2;
	[tilespmem:s6+$0xFFFFFF20] =	vst v33;
	v33 =	vmul.f32 v22, v11  }
0x43a: {  	v27 =	vsel vm1, v27, v32;
	v22 =	vmul.f32 v22, v14;
	v13 =	vld [tilespmem:s0+$0xFFFFFF90];
	v41 =	vperm.xlane v29, v2;
	[tilespmem:s6+$0xFFFFFF30] =	vst v28  }
0x43b: {  	v18 =	vmul.f32 v35, v18;
	v26 =	vadd.f32 v26, v9;
	v11 =	vld [tilespmem:s0+$0xFFFFFFA0];
	v25 =	vadd.f32 v39, v25;
	[tilespmem:s6+$0xFFFFFF40] =	vst v27  }
0x43c: {  	v27 =	vadd.f32 v37, v10;
	v14 =	vld [tilespmem:s0+$0xFFFFFFB0];
	v28 =	vadd.f32 v41, v29;
	[tilespmem:s6+$0xFFFFFF80] =	vst v30;
	v29 =	vmul.f32 v35, v15  }
0x43d: {  	v21 =	vmul.f32 v19, v21;
	v30 =	vadd.f32 v36, v8;
	v15 =	vld [tilespmem:s5+$0xFFFFFF80];
	v32 =	vperm.xlane v25, v3;
	[tilespmem:s6+$0xFFFFFF90] =	vst v38;
	v36 =	vpop (erf)  }
0x43e: {  	v37 =	vld [tilespmem:s5+$0xFFFFFF90];
	v38 =	vperm.xlane v28, v3;
	[tilespmem:s6+$0xFFFFFFA0] =	vst v33;
	v33 =	vmul.f32 v36, v17;
	v17 =	vsel vm0, $0x0, v36  }
0x43f: {  	v19 =	vmul.f32 v19, v20;
	v39 =	vld [tilespmem:s5+$0xFFFFFFA0];
	v25 =	vadd.f32 v32, v25;
	[tilespmem:s6+$0xFFFFFFB0] =	vst v22;
	v22 =	vmul.f32 v36, v16  }
0x440: {  	v16 =	vsel vm1, v34, v40;
	v32 =	vsel vm1, v35, v17;
	v20 =	vld [tilespmem:s5+$0xFFFFFFB0];
	v28 =	vadd.f32 v38, v28;
	[tilespmem:s6+$0x0] =	vst v18  }
0x441: {  	v18 =	vld [tilespmem:s0+$0x0];
	v34 =	vperm.xlane v25, v4;
	[tilespmem:s6+$0xFFFFFFC0] =	vst v16  }
0x442: {  	v35 =	vadd.f32 v15, v12;
	v15 =	vld [tilespmem:s0+$0x10];
	v36 =	vperm.xlane v28, v4;
	[tilespmem:s6+$0x10] =	vst v29  }
0x443: {  	v29 =	vadd.f32 v37, v13;
	v17 =	vld [tilespmem:s0+$0x20];
	v25 =	vadd.f32 v34, v25;
	[tilespmem:s6+$0x20] =	vst v33  }
0x444: {  	v33 =	vadd.f32 v39, v11;
	v16 =	vld [tilespmem:s0+$0x30];
	v28 =	vadd.f32 v36, v28;
	[tilespmem:s6+$0x30] =	vst v22  }
0x445: {  	v20 =	vadd.f32 v20, v14;
	v34 =	vld [tilespmem:s5+$0x0];
	v22 =	vperm.xlane v25, v5;
	[tilespmem:s6+$0x40] =	vst v32  }
0x446: {  	v32 =	vld [tilespmem:s5+$0x10];
	v36 =	vperm.xlane v28, v5;
	[tilespmem:s6+$0xA0] =	vst v21  }
0x447: {  	v21 =	vld [tilespmem:s5+$0x20];
	v25 =	vadd.f32 v22, v25;
	[tilespmem:s6+$0xB0] =	vst v19  }
0x448: {  	v19 =	vld [tilespmem:s5+$0x30];
	v28 =	vadd.f32 v36, v28  }
0x449: {  	v22 =	vld [tilespmem:s0+$0xFFFFFF00];
	v25 =	vmul.f32 $1.442695020e+00, v25  }
0x44a: {  	v36 =	vld [tilespmem:s8+$0xFFFFFF00];
	v34 =	vadd.f32 v34, v18;
	v28 =	vmul.f32 $1.442695020e+00, v28  }
0x44b: {  	v37 =	vld [tilespmem:s8+$0xFFFFFF10];
	v32 =	vadd.f32 v32, v15;
	(erf) = vpow2.f32 v25  }
0x44c: {  	v25 =	vld [tilespmem:s8+$0xFFFFFF20];
	v38 =	vadd.f32 v21, v17;
	(erf) = vpow2.f32 v28  }
0x44d: {  	v21 =	vld [tilespmem:s8+$0xFFFFFF30];
	v39 =	vadd.f32 v19, v16  }
0x44e: {  	v19 =	vadd.f32 v31, v22;
	v28 =	vld [tilespmem:s8+$0xFFFFFF80]  }
0x44f: {  	v31 =	vld [tilespmem:s8+$0xFFFFFF90]  }
0x450: {  	v19 =	vmul.f32 v19, v36;
	v26 =	vmul.f32 v26, v37;
	v36 =	vld [tilespmem:s8+$0xFFFFFFA0]  }
0x451: {  	v25 =	vmul.f32 v27, v25;
	v27 =	vld [tilespmem:s8+$0xFFFFFFB0]  }
0x452: {  	v21 =	vmul.f32 v30, v21;
	v26 =	vadd.f32 v26, v19;
	v30 =	vld [tilespmem:s8+$0x0]  }
0x453: {  	v28 =	vmul.f32 v35, v28;
	v35 =	vld [tilespmem:s8+$0x10]  }
0x454: {  	v37 =	vperm.xlane v26, v2;
	v40 =	vadd.f32 v21, v25;
	v21 =	vmul.f32 v29, v31;
	v29 =	vld [tilespmem:s5+$0xC0];
	v19 =	vpop (erf)  }
0x455: {  	v31 =	vmul.f32 v33, v36;
	v33 =	vld [tilespmem:s5+$0xD0];
	v36 =	vsel vm0, $0x0, v19;
	v25 =	vpop (erf)  }
0x456: {  	s6 =	sadd.s32 $0x200, s6;
	v27 =	vmul.f32 v20, v27;
	v28 =	vadd.f32 v21, v28;
	v21 =	vld [tilespmem:s5+$0xE0];
	v36 =	vsel vm1, v25, v36  }
0x457: {  	v37 =	vadd.f32 v37, v26;
	v26 =	vperm.xlane v40, v2;
	v30 =	vmul.f32 v34, v30;
	v20 =	vld [tilespmem:s5+$0xF0];
	[tilespmem:s6+$0xC0] =	vst v36  }
0x458: {  	v34 =	vperm.xlane v28, v2;
	v31 =	vadd.f32 v27, v31;
	v36 =	vld [tilespmem:s8+$0x20];
	v27 =	vmul.f32 v32, v35  }
0x459: {  	v35 =	vperm.xlane v37, v3;
	v40 =	vadd.f32 v26, v40;
	v41 =	vld [tilespmem:s8+$0x30];
	v26 =	vadd.f32 v29, v24  }
0x45a: {  	v32 =	vld [tilespmem:s5+$0xFFFFFF40];
	v24 =	vadd.f32 v34, v28;
	v28 =	vperm.xlane v31, v2;
	v34 =	vadd.f32 v27, v30  }
0x45b: {  	v35 =	vadd.f32 v35, v37;
	v30 =	vperm.xlane v40, v3;
	v27 =	vadd.f32 v33, v23;
	v29 =	vld [tilespmem:s5+$0xFFFFFF50]  }
0x45c: {  	v33 =	vld [tilespmem:s5+$0xFFFFFF60];
	v23 =	vperm.xlane v24, v3;
	v37 =	vadd.f32 v28, v31;
	v31 =	vperm.xlane v34, v2  }
0x45d: {  	v42 =	vperm.xlane v35, v4;
	v40 =	vadd.f32 v30, v40;
	v28 =	vld [tilespmem:s5+$0xFFFFFF70];
	v36 =	vmul.f32 v38, v36  }
0x45e: {  	v30 =	vld [tilespmem:s5+$0xFFFFFFC0];
	v38 =	vperm.xlane v37, v3;
	v39 =	vmul.f32 v39, v41;
	v41 =	vadd.f32 v31, v34  }
0x45f: {  	v42 =	vadd.f32 v42, v35;
	v35 =	vperm.xlane v40, v4;
	v24 =	vadd.f32 v23, v24;
	v34 =	vld [tilespmem:s5+$0xFFFFFFD0]  }
0x460: {  	v31 =	vld [tilespmem:s5+$0xFFFFFFE0];
	v38 =	vadd.f32 v38, v37;
	v23 =	vperm.xlane v41, v3;
	v39 =	vadd.f32 v39, v36  }
.Ltmp10:
0x461: {  	v36 =	vperm.xlane v42, v5;
	v44 =	vadd.f32 v35, v40;
	v40 =	vperm.xlane v24, v4;
	v37 =	vld [tilespmem:s5+$0xFFFFFFF0];
	(pc) =	sbr.rel @p5 .LBB2_16-.Ltmp10, $4  }
0x462: {  	v43 =	vperm.xlane v38, v4;
	v35 =	vld [tilespmem:s5+$0x40];
	v23 =	vadd.f32 v23, v41;
	v41 =	vperm.xlane v39, v2  }
0x463: {  	v45 =	vadd.f32 v36, v42;
	v46 =	vperm.xlane v44, v5;
	v24 =	vadd.f32 v40, v24;
	v36 =	vld [tilespmem:s5+$0x50]  }
0x464: {  	v40 =	vadd.f32 v43, v38;
	v38 =	vld [tilespmem:s5+$0x60];
	v42 =	vperm.xlane v23, v4;
	v41 =	vadd.f32 v41, v39  }
0x465: {  	s8 =	sadd.s32 $0x200, s8;
	v43 =	vmul.f32 $1.442695020e+00, v45;
	v45 =	vadd.f32 v46, v44;
	v44 =	vperm.xlane v24, v5;
	v39 =	vld [tilespmem:s5+$0x70]  }
0x466: {  	v46 =	vperm.xlane v41, v3  }
0x467: {  	v61 =	vperm.xlane v40, v5;
	v23 =	vadd.f32 v42, v23  }
0x468: {  	v45 =	vmul.f32 $1.442695020e+00, v45;
	(erf) = vpow2.f32 v43;
	v41 =	vadd.f32 v46, v41  }
0x469: {  	v7 =	vadd.f32 v21, v7;
	v24 =	vadd.f32 v44, v24;
	v63 =	vperm.xlane v23, v5  }
0x46a: {  	v40 =	vadd.f32 v61, v40;
	(erf) = vpow2.f32 v45;
	v62 =	vperm.xlane v41, v4  }
0x46b: {  	v26 =	vmul.f32 v25, v26;
	v24 =	vmul.f32 $1.442695020e+00, v24;
	v23 =	vadd.f32 v63, v23  }
0x46c: {  	v7 =	vmul.f32 v19, v7;
	v40 =	vmul.f32 $1.442695020e+00, v40;
	v41 =	vadd.f32 v62, v41  }
0x46d: {  	(erf) = vpow2.f32 v24;
	v23 =	vmul.f32 $1.442695020e+00, v23  }
0x46e: {  	v6 =	vadd.f32 v20, v6;
	(erf) = vpow2.f32 v40;
	v24 =	vperm.xlane v41, v5  }
0x46f: {  	(erf) = vpow2.f32 v23;
	v23 =	vmul.f32 v25, v27  }
0x470: {  	v22 =	vadd.f32 v32, v22;
	[tilespmem:s6+$0x80] =	vst v26;
	v6 =	vmul.f32 v19, v6;
	v24 =	vadd.f32 v24, v41  }
0x471: {  	v9 =	vadd.f32 v29, v9;
	[tilespmem:s6+$0xA0] =	vst v7;
	v25 =	vpop (erf)  }
0x472: {  	v10 =	vadd.f32 v33, v10;
	[tilespmem:s6+$0xB0] =	vst v6;
	v22 =	vmul.f32 v25, v22;
	v24 =	vmul.f32 $1.442695020e+00, v24  }
0x473: {  	v8 =	vadd.f32 v28, v8;
	[tilespmem:s6+$0x90] =	vst v23;
	v9 =	vmul.f32 v25, v9;
	v23 =	vpop (erf)  }
0x474: {  	[tilespmem:s6+$0xFFFFFF00] =	vst v22;
	v10 =	vmul.f32 v23, v10;
	(erf) = vpow2.f32 v24  }
0x475: {  	v12 =	vadd.f32 v30, v12;
	[tilespmem:s6+$0xFFFFFF10] =	vst v9;
	v8 =	vmul.f32 v23, v8  }
0x476: {  	v9 =	vadd.f32 v34, v13;
	v22 =	vsel vm0, $0x0, v23;
	v13 =	vpop (erf);
	[tilespmem:s6+$0xFFFFFF20] =	vst v10  }
0x477: {  	v10 =	vadd.f32 v31, v11;
	v11 =	vmul.f32 v13, v12;
	[tilespmem:s6+$0xFFFFFF30] =	vst v8;
	v8 =	vsel vm1, v25, v22  }
0x478: {  	v12 =	vadd.f32 v37, v14;
	v14 =	vpop (erf);
	v9 =	vmul.f32 v13, v9;
	[tilespmem:s6+$0xFFFFFF40] =	vst v8  }
0x479: {  	v10 =	vmul.f32 v14, v10;
	[tilespmem:s6+$0xFFFFFF80] =	vst v11  }
0x47a: {  	v8 =	vadd.f32 v35, v18;
	v12 =	vmul.f32 v14, v12;
	[tilespmem:s6+$0xFFFFFF90] =	vst v9  }
0x47b: {  	v9 =	vadd.f32 v36, v15;
	v14 =	vsel vm0, $0x0, v14;
	v11 =	vpop (erf);
	[tilespmem:s6+$0xFFFFFFA0] =	vst v10  }
0x47c: {  	v13 =	vsel vm1, v13, v14;
	v10 =	vadd.f32 v38, v17;
	[tilespmem:s6+$0xFFFFFFB0] =	vst v12;
	v8 =	vmul.f32 v11, v8  }
0x47d: {  	v12 =	vadd.f32 v39, v16;
	[tilespmem:s6+$0xFFFFFFC0] =	vst v13;
	v9 =	vmul.f32 v11, v9;
	v15 =	vpop (erf)  }
0x47e: {  	[tilespmem:s6+$0x0] =	vst v8;
	v8 =	vmul.f32 v15, v10  }
0x47f: {  	[tilespmem:s6+$0x10] =	vst v9;
	v10 =	vmul.f32 v15, v12  }
0x480: {  	v9 =	vsel vm0, $0x0, v15;
	[tilespmem:s6+$0x20] =	vst v8  }
0x481: {  	v8 =	vsel vm1, v11, v9;
	[tilespmem:s6+$0x30] =	vst v10  }
0x482: {  	s0 =	simm.s32 $0x1FA80;
	[tilespmem:s6+$0x40] =	vst v8  }
0x483: {  	[spmem:s13] =	stream.indirect.scatter.add.f32 [tilespmem:s11], [sflag:$0x8], $0x80, s0, s26, $0xb8;
	[tilespmem:$0x1FB80] =	vst v63  }
0x484: {  	v11 =	vld [tilespmem:s10+$0xFFFFFFD0]  }
0x485: {  	s0 =	simm.s32 $0x1CC30;
	v12 =	vld [tilespmem:s10+$0xFFFFFFF0]  }
0x486: {  	v23 =	vld [tilespmem:s0+$0xFFFFFFD0]  }
0x487: {  	v24 =	vld [tilespmem:s0+$0xFFFFFFE0]  }
0x488: {  	v7 =	vld [tilespmem:s0+$0xFFFFFFF0]  }
0x489: {  	s5 =	simm.s32 $0x18C70;
	v6 =	vld [tilespmem:s0+$0x0]  }
0x48a: {  	v13 =	vld [tilespmem:s5+$0xFFFFFF90]  }
0x48b: {  	v8 =	vld [tilespmem:s5+$0xFFFFFFB0]  }
0x48c: {  	v14 =	vld [tilespmem:s5+$0xFFFFFFC0]  }
0x48d: {  	v15 =	vld [tilespmem:s5+$0xFFFFFFA0]  }
0x48e: {  	v16 =	vld [tilespmem:s10+$0x0]  }
0x48f: {  	v17 =	vld [tilespmem:s10+$0xFFFFFFE0]  }
0x490: {  	v9 =	vld [tilespmem:s0+$0xFFFFFE60]  }
0x491: {  	v10 =	vld [tilespmem:s0+$0xFFFFFE70]  }
0x492: {  	v19 =	vld [tilespmem:s5+$0xFFFFFE10]  }
0x493: {  	v20 =	vld [tilespmem:s5+$0xFFFFFE20]  }
0x494: {  	v21 =	vld [tilespmem:s5+$0xFFFFFE30]  }
0x495: {  	v25 =	vld [tilespmem:s5+$0xFFFFFE40];
	v18 =	vadd.f32 v8, v7;
	v14 =	vadd.f32 v14, v6  }
0x496: {  	v26 =	vld [tilespmem:s5+$0xFFFFFE90];
	v13 =	vadd.f32 v13, v23;
	v15 =	vadd.f32 v15, v24  }
0x497: {  	v27 =	vld [tilespmem:s5+$0xFFFFFEA0];
	v12 =	vmul.f32 v18, v12;
	v14 =	vmul.f32 v14, v16  }
0x498: {  	v28 =	vld [tilespmem:s5+$0xFFFFFEB0];
	v11 =	vmul.f32 v13, v11;
	v13 =	vmul.f32 v15, v17  }
0x499: {  	v29 =	vld [tilespmem:s5+$0xFFFFFEC0]  }
0x49a: {  	v44 =	vld [tilespmem:s5+$0xFFFFFF20];
	v14 =	vadd.f32 v14, v12;
	v15 =	vadd.f32 v13, v11  }
0x49b: {  	v46 =	vld [tilespmem:s5+$0xFFFFFF30]  }
0x49c: {  	v47 =	vld [tilespmem:s5+$0xFFFFFF40];
	v16 =	vperm.xlane v14, v2;
	v17 =	vperm.xlane v15, v2  }
0x49d: {  	v48 =	vld [tilespmem:s10+$0xFFFFFE50]  }
0x49e: {  	v49 =	vld [tilespmem:s10+$0xFFFFFE60];
	v16 =	vadd.f32 v16, v14;
	v15 =	vadd.f32 v17, v15  }
0x49f: {  	v50 =	vld [tilespmem:s10+$0xFFFFFE80]  }
0x4a0: {  	v51 =	vld [tilespmem:s10+$0xFFFFFED0];
	v17 =	vperm.xlane v16, v3;
	v18 =	vperm.xlane v15, v3  }
0x4a1: {  	v52 =	vld [tilespmem:s10+$0xFFFFFEE0]  }
0x4a2: {  	v53 =	vld [tilespmem:s10+$0xFFFFFEF0];
	v16 =	vadd.f32 v17, v16;
	v22 =	vadd.f32 v18, v15  }
0x4a3: {  	v54 =	vld [tilespmem:s10+$0xFFFFFF00]  }
0x4a4: {  	v55 =	vld [tilespmem:s10+$0xFFFFFF60];
	v30 =	vperm.xlane v16, v4;
	v31 =	vperm.xlane v22, v4  }
0x4a5: {  	v63 =	vld [tilespmem:s10+$0xFFFFFF70]  }
0x4a6: {  	v8 =	vld [tilespmem:s0+$0xFFFFFE80];
	v30 =	vadd.f32 v30, v16;
	v22 =	vadd.f32 v31, v22  }
0x4a7: {  	v12 =	vld [tilespmem:s0+$0xFFFFFED0]  }
0x4a8: {  	v13 =	vld [tilespmem:s0+$0xFFFFFEE0];
	v43 =	vperm.xlane v30, v5;
	v45 =	vperm.xlane v22, v5  }
0x4a9: {  	v11 =	vld [tilespmem:s0+$0xFFFFFEF0]  }
0x4aa: {  	v30 =	vadd.f32 v43, v30;
	v34 =	vadd.f32 v45, v22;
	v22 =	vld [tilespmem:s0+$0xFFFFFE50]  }
0x4ab: {  	v20 =	vadd.f32 v20, v9;
	v14 =	vld [tilespmem:s0+$0xFFFFFF00]  }
0x4ac: {  	v15 =	vld [tilespmem:s0+$0xFFFFFF60];
	v30 =	vmul.f32 $1.442695020e+00, v30  }
0x4ad: {  	v20 =	vmul.f32 v20, v49;
	v25 =	vadd.f32 v25, v8;
	v17 =	vld [tilespmem:s0+$0xFFFFFF70]  }
0x4ae: {  	v26 =	vadd.f32 v26, v12;
	v27 =	vadd.f32 v27, v13;
	(erf) = vpow2.f32 v30;
	v30 =	vld [tilespmem:s10+$0xFFFFFE70]  }
0x4af: {  	v25 =	vmul.f32 v25, v50;
	v28 =	vadd.f32 v28, v11;
	v18 =	vld [tilespmem:s0+$0xFFFFFF50];
	v19 =	vadd.f32 v19, v22  }
0x4b0: {  	v26 =	vmul.f32 v26, v51;
	v27 =	vmul.f32 v27, v52;
	v29 =	vadd.f32 v29, v14;
	v16 =	vld [tilespmem:s0+$0xFFFFFF80]  }
0x4b1: {  	v21 =	vadd.f32 v21, v10;
	v28 =	vmul.f32 v28, v53;
	v31 =	vld [tilespmem:s5+$0xFFFFFF10];
	v19 =	vmul.f32 v19, v48  }
0x4b2: {  	v50 =	vld [tilespmem:s10+$0xFFFFFF80];
	v27 =	vadd.f32 v27, v26;
	v29 =	vmul.f32 v29, v54;
	v33 =	vadd.f32 v44, v15  }
0x4b3: {  	v35 =	vadd.f32 v46, v17;
	v21 =	vmul.f32 v21, v30;
	v20 =	vadd.f32 v20, v19;
	v30 =	vld [tilespmem:s10+$0xFFFFFF50]  }
0x4b4: {  	v58 =	vld [tilespmem:s5+$0xFFFFFFD0];
	v28 =	vadd.f32 v29, v28;
	v29 =	vmul.f32 v33, v55;
	v34 =	vmul.f32 $1.442695020e+00, v34  }
0x4b5: {  	v56 =	vadd.f32 v47, v16;
	v57 =	vperm.xlane v20, v2;
	v59 =	vadd.f32 v25, v21  }
0x4b6: {  	v35 =	vmul.f32 v35, v63;
	v31 =	vadd.f32 v31, v18;
	(erf) = vpow2.f32 v34  }
0x4b7: {  	v60 =	vld [tilespmem:s5+$0xFFFFFFE0];
	v38 =	vmul.f32 v56, v50;
	v62 =	vadd.f32 v57, v20;
	v26 =	vperm.xlane v59, v2  }
0x4b8: {  	v32 =	vld [tilespmem:s5+$0xFFFFFE50];
	v30 =	vmul.f32 v31, v30;
	v31 =	vperm.xlane v27, v2  }
0x4b9: {  	v36 =	vld [tilespmem:s5+$0xFFFFFF60];
	v48 =	vperm.xlane v62, v3;
	v49 =	vadd.f32 v26, v59;
	v26 =	vadd.f32 v58, v23  }
0x4ba: {  	v33 =	vld [tilespmem:s5+$0xFFFFFE70];
	v19 =	vpop (erf);
	v23 =	vadd.f32 v31, v27;
	v31 =	vperm.xlane v28, v2;
	v51 =	vadd.f32 v29, v30  }
0x4bb: {  	v34 =	vld [tilespmem:s5+$0xFFFFFEE0];
	v61 =	vsel vm0, $0x0, v19;
	v37 =	vadd.f32 v48, v62;
	v30 =	vperm.xlane v49, v3  }
0x4bc: {  	v21 =	vld [tilespmem:s5+$0xFFFFFFF0];
	v27 =	vadd.f32 v60, v24;
	v52 =	vadd.f32 v31, v28;
	v31 =	vperm.xlane v51, v2  }
0x4bd: {  	v20 =	vld [tilespmem:s5+$0x0];
	v24 =	vperm.xlane v23, v3;
	v53 =	vperm.xlane v37, v4;
	v54 =	vadd.f32 v30, v49  }
0x4be: {  	v58 =	vadd.f32 v38, v35;
	v35 =	vld [tilespmem:s5+$0xFFFFFF50];
	v55 =	vperm.xlane v52, v3;
	v39 =	vadd.f32 v31, v51  }
0x4bf: {  	v25 =	vpop (erf);
	v38 =	vld [tilespmem:s5+$0xFFFFFF70];
	v24 =	vadd.f32 v24, v23;
	v56 =	vadd.f32 v53, v37;
	v57 =	vperm.xlane v54, v4  }
0x4c0: {  	v43 =	vsel vm1, v25, v61;
	v29 =	vld [tilespmem:s5+$0xFFFFFE60];
	v41 =	vadd.f32 v55, v52;
	v23 =	vperm.xlane v39, v3  }
0x4c1: {  	v28 =	vld [tilespmem:s5+$0xFFFFFE80];
	v60 =	vperm.xlane v24, v4;
	v59 =	vperm.xlane v56, v5;
	v44 =	vadd.f32 v57, v54  }
0x4c2: {  	v62 =	vperm.xlane v58, v2;
	v30 =	vld [tilespmem:s5+$0xFFFFFED0];
	v61 =	vperm.xlane v41, v4;
	v23 =	vadd.f32 v23, v39  }
0x4c3: {  	v31 =	vld [tilespmem:s5+$0xFFFFFEF0];
	v24 =	vadd.f32 v60, v24;
	v63 =	vadd.f32 v59, v56;
	v47 =	vperm.xlane v44, v5  }
0x4c4: {  	s6 =	simm.s32 $0x1EC40;
	v37 =	vld [tilespmem:s5+$0xFFFFFF00];
	v40 =	vadd.f32 v61, v41;
	v42 =	vperm.xlane v23, v4;
	v41 =	vadd.f32 v62, v58  }
0x4c5: {  	s7 =	simm.s32 $0x20;
	s8 =	sadd.s32 $0x200, s10;
	[tilespmem:s6+$0x0] =	vst v43;
	v39 =	vld [tilespmem:s5+$0xFFFFFF80];
	v43 =	vmul.f32 $1.442695020e+00, v63;
	v45 =	vadd.f32 v47, v44;
	v44 =	vperm.xlane v24, v5  }
.LBB2_18:
0x4c6: {  	v46 =	vld [tilespmem:s8+$0xFFFFFFD0];
	v47 =	vperm.xlane v40, v5;
	v42 =	vadd.f32 v42, v23;
	v23 =	vperm.xlane v41, v3  }
0x4c7: {  	s0 =	sadd.s32 $0x200, s0;
	v48 =	vld [tilespmem:s8+$0xFFFFFFF0];
	v45 =	vmul.f32 $1.442695020e+00, v45;
	v44 =	vadd.f32 v44, v24;
	(erf) = vpow2.f32 v43  }
0x4c8: {  	v24 =	vld [tilespmem:s0+$0xFFFFFFD0];
	v40 =	vadd.f32 v47, v40;
	v43 =	vperm.xlane v42, v5;
	v41 =	vadd.f32 v23, v41  }
0x4c9: {  	v22 =	vadd.f32 v32, v22;
	v23 =	vld [tilespmem:s0+$0xFFFFFFE0];
	v32 =	vmul.f32 $1.442695020e+00, v44;
	(erf) = vpow2.f32 v45  }
0x4ca: {  	v44 =	vld [tilespmem:s0+$0xFFFFFFF0];
	v40 =	vmul.f32 $1.442695020e+00, v40;
	v42 =	vadd.f32 v43, v42;
	v43 =	vperm.xlane v41, v4  }
0x4cb: {  	v29 =	vadd.f32 v29, v9;
	v33 =	vadd.f32 v33, v10;
	s5 =	sadd.s32 $0x200, s5;
	v45 =	vld [tilespmem:s0+$0x0];
	(erf) = vpow2.f32 v32  }
0x4cc: {  	v32 =	vld [tilespmem:s5+$0xFFFFFF90];
	v9 =	vmul.f32 $1.442695020e+00, v42;
	v10 =	vadd.f32 v43, v41;
	(erf) = vpow2.f32 v40  }
0x4cd: {  	v28 =	vadd.f32 v28, v8;
	v12 =	vadd.f32 v30, v12;
	v8 =	vmul.f32 v25, v26;
	v40 =	vld [tilespmem:s5+$0xFFFFFFB0]  }
0x4ce: {  	s7 =	sadd.s32 $0x4, s7;
	v13 =	vadd.f32 v34, v13;
	v26 =	vld [tilespmem:s5+$0xFFFFFFC0];
	v30 =	vperm.xlane v10, v5;
	(erf) = vpow2.f32 v9  }
0x4cf: {  	v11 =	vadd.f32 v31, v11;
	v14 =	vadd.f32 v37, v14;
	p5 =	slt.u32 s7, $0x3C;
	v34 =	vld [tilespmem:s5+$0xFFFFFFA0];
	[tilespmem:s6+$0xFFFFFFC0] =	vst v8;
	v8 =	vmul.f32 v25, v27  }
0x4d0: {  	v18 =	vadd.f32 v35, v18;
	v25 =	vld [tilespmem:s8+$0x0];
	v10 =	vadd.f32 v30, v10;
	v27 =	vpop (erf)  }
0x4d1: {  	v15 =	vadd.f32 v36, v15;
	v17 =	vadd.f32 v38, v17;
	v30 =	vld [tilespmem:s8+$0xFFFFFFE0];
	v22 =	vmul.f32 v27, v22;
	[tilespmem:s6+$0xFFFFFFD0] =	vst v8  }
0x4d2: {  	v21 =	vadd.f32 v21, v7;
	v16 =	vadd.f32 v39, v16;
	v9 =	vld [tilespmem:s0+$0xFFFFFE60];
	v31 =	vmul.f32 $1.442695020e+00, v10;
	v35 =	vpop (erf)  }
0x4d3: {  	v37 =	vmul.f32 v27, v29;
	v38 =	vadd.f32 v40, v44;
	v10 =	vld [tilespmem:s0+$0xFFFFFE70];
	v26 =	vadd.f32 v26, v45;
	[tilespmem:s6+$0xFFFFFE40] =	vst v22  }
0x4d4: {  	v29 =	vadd.f32 v32, v24;
	v8 =	vld [tilespmem:s0+$0xFFFFFE80];
	v32 =	vadd.f32 v34, v23;
	v34 =	vpop (erf);
	(erf) = vpow2.f32 v31  }
0x4d5: {  	v20 =	vadd.f32 v20, v6;
	v36 =	vmul.f32 v38, v48;
	v31 =	vld [tilespmem:s5+$0xFFFFFE10];
	v25 =	vmul.f32 v26, v25;
	[tilespmem:s6+$0xFFFFFE50] =	vst v37;
	v22 =	vpop (erf)  }
0x4d6: {  	v7 =	vmovc v44;
	v6 =	vmovc v45;
	v29 =	vmul.f32 v29, v46;
	v26 =	vld [tilespmem:s5+$0xFFFFFE20];
	v30 =	vmul.f32 v32, v30;
	v32 =	vsel vm0, $0x0, v35  }
0x4d7: {  	v33 =	vmul.f32 v35, v33;
	v28 =	vmul.f32 v35, v28;
	v37 =	vld [tilespmem:s5+$0xFFFFFE30];
	v25 =	vadd.f32 v25, v36;
	v35 =	vpop (erf)  }
0x4d8: {  	v38 =	vmul.f32 v34, v13;
	v36 =	vld [tilespmem:s5+$0xFFFFFE40];
	v29 =	vadd.f32 v30, v29;
	v30 =	vmul.f32 v34, v12  }
0x4d9: {  	v40 =	vsel vm0, $0x0, v22;
	v12 =	vld [tilespmem:s0+$0xFFFFFED0];
	v39 =	vperm.xlane v25, v2;
	[tilespmem:s6+$0xFFFFFE60] =	vst v33;
	v33 =	vmul.f32 v22, v11  }
0x4da: {  	v27 =	vsel vm1, v27, v32;
	v22 =	vmul.f32 v22, v14;
	v13 =	vld [tilespmem:s0+$0xFFFFFEE0];
	v41 =	vperm.xlane v29, v2;
	[tilespmem:s6+$0xFFFFFE70] =	vst v28  }
0x4db: {  	v18 =	vmul.f32 v35, v18;
	v26 =	vadd.f32 v26, v9;
	v11 =	vld [tilespmem:s0+$0xFFFFFEF0];
	v25 =	vadd.f32 v39, v25;
	[tilespmem:s6+$0xFFFFFE80] =	vst v27  }
0x4dc: {  	v27 =	vadd.f32 v37, v10;
	v14 =	vld [tilespmem:s0+$0xFFFFFF00];
	v28 =	vadd.f32 v41, v29;
	[tilespmem:s6+$0xFFFFFEC0] =	vst v30;
	v29 =	vmul.f32 v35, v15  }
0x4dd: {  	v21 =	vmul.f32 v19, v21;
	v30 =	vadd.f32 v36, v8;
	v15 =	vld [tilespmem:s5+$0xFFFFFE90];
	v32 =	vperm.xlane v25, v3;
	[tilespmem:s6+$0xFFFFFED0] =	vst v38;
	v36 =	vpop (erf)  }
0x4de: {  	v37 =	vld [tilespmem:s5+$0xFFFFFEA0];
	v38 =	vperm.xlane v28, v3;
	[tilespmem:s6+$0xFFFFFEE0] =	vst v33;
	v33 =	vmul.f32 v36, v17;
	v17 =	vsel vm0, $0x0, v36  }
0x4df: {  	v19 =	vmul.f32 v19, v20;
	v39 =	vld [tilespmem:s5+$0xFFFFFEB0];
	v25 =	vadd.f32 v32, v25;
	[tilespmem:s6+$0xFFFFFEF0] =	vst v22;
	v22 =	vmul.f32 v36, v16  }
0x4e0: {  	v16 =	vsel vm1, v34, v40;
	v32 =	vsel vm1, v35, v17;
	v20 =	vld [tilespmem:s5+$0xFFFFFEC0];
	v28 =	vadd.f32 v38, v28;
	[tilespmem:s6+$0xFFFFFF40] =	vst v18  }
0x4e1: {  	v18 =	vld [tilespmem:s0+$0xFFFFFF50];
	v34 =	vperm.xlane v25, v4;
	[tilespmem:s6+$0xFFFFFF00] =	vst v16  }
0x4e2: {  	v35 =	vadd.f32 v15, v12;
	v15 =	vld [tilespmem:s0+$0xFFFFFF60];
	v36 =	vperm.xlane v28, v4;
	[tilespmem:s6+$0xFFFFFF50] =	vst v29  }
0x4e3: {  	v29 =	vadd.f32 v37, v13;
	v17 =	vld [tilespmem:s0+$0xFFFFFF70];
	v25 =	vadd.f32 v34, v25;
	[tilespmem:s6+$0xFFFFFF60] =	vst v33  }
0x4e4: {  	v33 =	vadd.f32 v39, v11;
	v16 =	vld [tilespmem:s0+$0xFFFFFF80];
	v28 =	vadd.f32 v36, v28;
	[tilespmem:s6+$0xFFFFFF70] =	vst v22  }
0x4e5: {  	v20 =	vadd.f32 v20, v14;
	v34 =	vld [tilespmem:s5+$0xFFFFFF10];
	v22 =	vperm.xlane v25, v5;
	[tilespmem:s6+$0xFFFFFF80] =	vst v32  }
0x4e6: {  	v32 =	vld [tilespmem:s5+$0xFFFFFF20];
	v36 =	vperm.xlane v28, v5;
	[tilespmem:s6+$0xFFFFFFE0] =	vst v21  }
0x4e7: {  	v21 =	vld [tilespmem:s5+$0xFFFFFF30];
	v25 =	vadd.f32 v22, v25;
	[tilespmem:s6+$0xFFFFFFF0] =	vst v19  }
0x4e8: {  	v19 =	vld [tilespmem:s5+$0xFFFFFF40];
	v28 =	vadd.f32 v36, v28  }
0x4e9: {  	v22 =	vld [tilespmem:s0+$0xFFFFFE50];
	v25 =	vmul.f32 $1.442695020e+00, v25  }
0x4ea: {  	v36 =	vld [tilespmem:s8+$0xFFFFFE50];
	v34 =	vadd.f32 v34, v18;
	v28 =	vmul.f32 $1.442695020e+00, v28  }
0x4eb: {  	v37 =	vld [tilespmem:s8+$0xFFFFFE60];
	v32 =	vadd.f32 v32, v15;
	(erf) = vpow2.f32 v25  }
0x4ec: {  	v25 =	vld [tilespmem:s8+$0xFFFFFE70];
	v38 =	vadd.f32 v21, v17;
	(erf) = vpow2.f32 v28  }
0x4ed: {  	v21 =	vld [tilespmem:s8+$0xFFFFFE80];
	v39 =	vadd.f32 v19, v16  }
0x4ee: {  	v19 =	vadd.f32 v31, v22;
	v28 =	vld [tilespmem:s8+$0xFFFFFED0]  }
0x4ef: {  	v31 =	vld [tilespmem:s8+$0xFFFFFEE0]  }
0x4f0: {  	v19 =	vmul.f32 v19, v36;
	v26 =	vmul.f32 v26, v37;
	v36 =	vld [tilespmem:s8+$0xFFFFFEF0]  }
0x4f1: {  	v25 =	vmul.f32 v27, v25;
	v27 =	vld [tilespmem:s8+$0xFFFFFF00]  }
0x4f2: {  	v21 =	vmul.f32 v30, v21;
	v26 =	vadd.f32 v26, v19;
	v30 =	vld [tilespmem:s8+$0xFFFFFF50]  }
0x4f3: {  	v28 =	vmul.f32 v35, v28;
	v35 =	vld [tilespmem:s8+$0xFFFFFF60]  }
0x4f4: {  	v37 =	vperm.xlane v26, v2;
	v40 =	vadd.f32 v21, v25;
	v21 =	vmul.f32 v29, v31;
	v29 =	vld [tilespmem:s5+$0xFFFFFFD0];
	v19 =	vpop (erf)  }
0x4f5: {  	v31 =	vmul.f32 v33, v36;
	v33 =	vld [tilespmem:s5+$0xFFFFFFE0];
	v36 =	vsel vm0, $0x0, v19;
	v25 =	vpop (erf)  }
0x4f6: {  	s6 =	sadd.s32 $0x200, s6;
	v27 =	vmul.f32 v20, v27;
	v28 =	vadd.f32 v21, v28;
	v21 =	vld [tilespmem:s5+$0xFFFFFFF0];
	v36 =	vsel vm1, v25, v36  }
0x4f7: {  	v37 =	vadd.f32 v37, v26;
	v26 =	vperm.xlane v40, v2;
	v30 =	vmul.f32 v34, v30;
	v20 =	vld [tilespmem:s5+$0x0];
	[tilespmem:s6+$0x0] =	vst v36  }
0x4f8: {  	v34 =	vperm.xlane v28, v2;
	v31 =	vadd.f32 v27, v31;
	v36 =	vld [tilespmem:s8+$0xFFFFFF70];
	v27 =	vmul.f32 v32, v35  }
0x4f9: {  	v35 =	vperm.xlane v37, v3;
	v40 =	vadd.f32 v26, v40;
	v41 =	vld [tilespmem:s8+$0xFFFFFF80];
	v26 =	vadd.f32 v29, v24  }
0x4fa: {  	v32 =	vld [tilespmem:s5+$0xFFFFFE50];
	v24 =	vadd.f32 v34, v28;
	v28 =	vperm.xlane v31, v2;
	v34 =	vadd.f32 v27, v30  }
0x4fb: {  	v35 =	vadd.f32 v35, v37;
	v30 =	vperm.xlane v40, v3;
	v27 =	vadd.f32 v33, v23;
	v29 =	vld [tilespmem:s5+$0xFFFFFE60]  }
0x4fc: {  	v33 =	vld [tilespmem:s5+$0xFFFFFE70];
	v23 =	vperm.xlane v24, v3;
	v37 =	vadd.f32 v28, v31;
	v31 =	vperm.xlane v34, v2  }
0x4fd: {  	v42 =	vperm.xlane v35, v4;
	v40 =	vadd.f32 v30, v40;
	v28 =	vld [tilespmem:s5+$0xFFFFFE80];
	v36 =	vmul.f32 v38, v36  }
0x4fe: {  	v30 =	vld [tilespmem:s5+$0xFFFFFED0];
	v38 =	vperm.xlane v37, v3;
	v39 =	vmul.f32 v39, v41;
	v41 =	vadd.f32 v31, v34  }
0x4ff: {  	v42 =	vadd.f32 v42, v35;
	v35 =	vperm.xlane v40, v4;
	v24 =	vadd.f32 v23, v24;
	v34 =	vld [tilespmem:s5+$0xFFFFFEE0]  }
0x500: {  	v31 =	vld [tilespmem:s5+$0xFFFFFEF0];
	v38 =	vadd.f32 v38, v37;
	v23 =	vperm.xlane v41, v3;
	v39 =	vadd.f32 v39, v36  }
.Ltmp11:
0x501: {  	v36 =	vperm.xlane v42, v5;
	v44 =	vadd.f32 v35, v40;
	v40 =	vperm.xlane v24, v4;
	v37 =	vld [tilespmem:s5+$0xFFFFFF00];
	(pc) =	sbr.rel @p5 .LBB2_18-.Ltmp11, $4  }
0x502: {  	v43 =	vperm.xlane v38, v4;
	v35 =	vld [tilespmem:s5+$0xFFFFFF50];
	v23 =	vadd.f32 v23, v41;
	v41 =	vperm.xlane v39, v2  }
0x503: {  	v45 =	vadd.f32 v36, v42;
	v46 =	vperm.xlane v44, v5;
	v24 =	vadd.f32 v40, v24;
	v36 =	vld [tilespmem:s5+$0xFFFFFF60]  }
0x504: {  	v40 =	vadd.f32 v43, v38;
	v38 =	vld [tilespmem:s5+$0xFFFFFF70];
	v42 =	vperm.xlane v23, v4;
	v41 =	vadd.f32 v41, v39  }
0x505: {  	s8 =	sadd.s32 $0x200, s8;
	v43 =	vmul.f32 $1.442695020e+00, v45;
	v45 =	vadd.f32 v46, v44;
	v44 =	vperm.xlane v24, v5;
	v39 =	vld [tilespmem:s5+$0xFFFFFF80]  }
0x506: {  	v46 =	vperm.xlane v41, v3;
	_ =	sdelay $0x1  }
0x507: {  	v45 =	vmul.f32 $1.442695020e+00, v45;
	(erf) = vpow2.f32 v43;
	v41 =	vadd.f32 v46, v41  }
0x508: {  	v61 =	vperm.xlane v40, v5;
	v23 =	vadd.f32 v42, v23;
	v24 =	vadd.f32 v44, v24  }
0x509: {  	(erf) = vpow2.f32 v45;
	v62 =	vperm.xlane v41, v4  }
0x50a: {  	v40 =	vadd.f32 v61, v40;
	v63 =	vperm.xlane v23, v5;
	v24 =	vmul.f32 $1.442695020e+00, v24  }
0x50b: {  	v26 =	vmul.f32 v25, v26;
	v41 =	vadd.f32 v62, v41  }
0x50c: {  	v40 =	vmul.f32 $1.442695020e+00, v40;
	v23 =	vadd.f32 v63, v23;
	(erf) = vpow2.f32 v24  }
0x50d: {  	v7 =	vadd.f32 v21, v7;
	v43 =	vmul.f32 v25, v27;
	v42 =	vperm.xlane v41, v5  }
0x50e: {  	v6 =	vadd.f32 v20, v6;
	v23 =	vmul.f32 $1.442695020e+00, v23;
	(erf) = vpow2.f32 v40  }
0x50f: {  	v22 =	vadd.f32 v32, v22;
	[tilespmem:s6+$0xFFFFFFC0] =	vst v26;
	v7 =	vmul.f32 v19, v7;
	v24 =	vadd.f32 v42, v41  }
0x510: {  	v9 =	vadd.f32 v29, v9;
	v6 =	vmul.f32 v19, v6;
	[tilespmem:s6+$0xFFFFFFD0] =	vst v43;
	(erf) = vpow2.f32 v23;
	v44 =	vpop (erf)  }
0x511: {  	v10 =	vadd.f32 v33, v10;
	[tilespmem:s6+$0xFFFFFFE0] =	vst v7;
	v22 =	vmul.f32 v44, v22;
	v24 =	vmul.f32 $1.442695020e+00, v24  }
0x512: {  	v8 =	vadd.f32 v28, v8;
	[tilespmem:s6+$0xFFFFFFF0] =	vst v6;
	v9 =	vmul.f32 v44, v9;
	v45 =	vpop (erf)  }
0x513: {  	[tilespmem:s6+$0xFFFFFE40] =	vst v22;
	v10 =	vmul.f32 v45, v10;
	(erf) = vpow2.f32 v24  }
0x514: {  	v12 =	vadd.f32 v30, v12;
	[tilespmem:s6+$0xFFFFFE50] =	vst v9;
	v8 =	vmul.f32 v45, v8  }
0x515: {  	v46 =	vadd.f32 v34, v13;
	v48 =	vsel vm0, $0x0, v45;
	v47 =	vpop (erf);
	[tilespmem:s6+$0xFFFFFE60] =	vst v10  }
0x516: {  	v49 =	vadd.f32 v31, v11;
	v51 =	vsel vm1, v44, v48;
	v50 =	vmul.f32 v47, v12;
	[tilespmem:s6+$0xFFFFFE70] =	vst v8  }
0x517: {  	v52 =	vadd.f32 v37, v14;
	v53 =	vpop (erf);
	v9 =	vmul.f32 v47, v46;
	[tilespmem:s6+$0xFFFFFE80] =	vst v51  }
0x518: {  	v10 =	vmul.f32 v53, v49;
	[tilespmem:s6+$0xFFFFFEC0] =	vst v50  }
0x519: {  	v54 =	vadd.f32 v35, v18;
	v12 =	vmul.f32 v53, v52;
	[tilespmem:s6+$0xFFFFFED0] =	vst v9  }
0x51a: {  	v56 =	vadd.f32 v36, v15;
	v14 =	vsel vm0, $0x0, v53;
	v55 =	vpop (erf);
	[tilespmem:s6+$0xFFFFFEE0] =	vst v10  }
0x51b: {  	v57 =	vadd.f32 v38, v17;
	v13 =	vsel vm1, v47, v14;
	v8 =	vmul.f32 v55, v54;
	[tilespmem:s6+$0xFFFFFEF0] =	vst v12  }
0x51c: {  	v58 =	vadd.f32 v39, v16;
	v9 =	vmul.f32 v55, v56;
	[tilespmem:s6+$0xFFFFFF00] =	vst v13;
	v59 =	vpop (erf)  }
0x51d: {  	[tilespmem:s6+$0xFFFFFF40] =	vst v8;
	v60 =	vmul.f32 v59, v57  }
0x51e: {  	[tilespmem:s6+$0xFFFFFF50] =	vst v9;
	v61 =	vmul.f32 v59, v58  }
0x51f: {  	v62 =	vsel vm0, $0x0, v59;
	[tilespmem:s6+$0xFFFFFF60] =	vst v60  }
0x520: {  	v63 =	vsel vm1, v55, v62;
	[tilespmem:s6+$0xFFFFFF70] =	vst v61  }
0x521: {  	[tilespmem:s6+$0xFFFFFF80] =	vst v63  }
0x522: {  	[spmem:s13] =	stream.indirect.scatter.add.f32 [tilespmem:s30], [sflag:$0x9], $0x80, s29, s26, $0xb8;
	[tilespmem:$0x1FB80] =	vst v63  }
0x523: {  	_ =	swait.ge [sflag:s22], $0x1000  }
.Ltmp12:
0x524: {  	[sflag:s22] =	ssyncset.done $0x0;
	(pc) =	sbr.rel .LBB2_20-.Ltmp12, $4  }
0x525: {  	[sflag:s22] =	ssyncadd.s32 $0xFFFFF000  }
0x526: {  	_ =	swait.ge [sflag:s1], $0x1000  }
0x527: {  	[sflag:s1] =	ssyncset.done $0x0  }
0x528: {  	s19 =	sld [smem:$0x7F6];
	[sflag:s1] =	ssyncadd.s32 $0xFFFFF000  }
.LBB2_21:
0x529: {  	_ =	sfence.sel $0x180000  }
0x52a: {  	[bflag:$0x0] =	sbarrier.arrive $0xFFFF  }
0x52b: {  	_ =	strace $0x90000047  }
0x52c: {  	s0 =	stileid.u32;
	[bflag:$0x2] =	sbarrier.arrive $0xFFFF  }
0x52d: {  	p0 =	sne.s32 s0, $0x0;
	s0 =	rddreg [dreg:$0x3]  }
0x52e: {  	s0 =	sadd.s32 @!p0 $0x100000, s0  }
0x52f: {  	[sflag:s0] =	ssyncadd.tile.s32 @!p0 $0x1;
	_ =	shalt  }
.Lfunc_end2:
_tile_overlayer_lowered:
.L_overlay_start_2:
0x530: {  	(tag) =	ssettag $0x2  }
0x531: {  	s0 =	rddreg [dreg:$0x0];
	s2 =	stileid.u32  }
0x532: {  	s1 =	rddreg [dreg:$0x1];
	p0 =	sne.s32 s2, $0x0  }
0x533: {  	s3 =	rddreg [dreg:$0x2];
	[bflag:$0x3] =	sbarrier.arrive $0xFFFF;
	s2 =	simm.s32 @!p0 $0x1C0A  }
0x534: {  	[timem:s3], [sflag:s2] =	dma.local @!p0 [hbm:s0], s1  }
0x535: {  	s0 =	simm.s32 @!p0 $0xA  }
0x536: {  	_ =	swait.ge @!p0 [sflag:s0], s1  }
0x537: {  	s1 =	ssub.s32 @!p0 $0x0, s1;
	[sflag:s0] =	ssyncset.done @!p0 $0x0  }
0x538: {  	[sflag:s0] =	ssyncadd.s32 @!p0 s1  }
0x539: {  	[bflag:$0x3] =	sbarrier.arrive $0xFFFF  }
0x53a: {  	_ =	shalt  }

</sc_bundles>
